<compile_context>
chip_gen: v7x
topology: tpu7x:2x2x1
jax: 0.10.2.dev20260603
libtpu: 0.0.44.dev20260713+nightly
codegen_flags: <defaults>
</compile_context>

<pallas_src>
import jax
import jax.numpy as jnp
from jax import lax
from jax.experimental import pallas as pl
from jax.experimental.pallas import tpu as pltpu
from jax.experimental.pallas import tpu_sc as plsc

D_EMBED = 64
D_PAD = 128
BATCH = 16384
N_NEG = 5

_NC = 2
_NS = 16
_NW = _NC * _NS
_L = 128
_NBUF = 6

_PC_CH = BATCH // _NW // _L
_NX_CH = BATCH * N_NEG // _NW // _L


def _run_ring(items, idx_v, rows_v, gsem, wsem):
  n = len(items)
  g = [None] * n
  w = [None] * n

  def start_gather(j):
    tbl, irow, _, _ = items[j]
    b = j % _NBUF
    g[j] = pltpu.make_async_copy(tbl.at[idx_v.at[irow]], rows_v.at[b],
                                 gsem.at[b])
    g[j].start()

  def start_write(j):
    _, _, out, rbase = items[j]
    b = j % _NBUF
    w[j] = pltpu.make_async_copy(rows_v.at[b], out.at[pl.ds(rbase, _L)],
                                 wsem.at[b])
    w[j].start()

  for j in range(n + _NBUF - 1):
    if j < n:
      if j >= _NBUF:
        w[j - _NBUF].wait()
      start_gather(j)
    k = j - (_NBUF - 1)
    if 0 <= k < n:
      g[k].wait()
      start_write(k)

  for j in range(max(0, n - _NBUF), n):
    w[j].wait()


def _center_body(w_hbm, pc_idx, out_pc, idx_v, rows_v, gsem, wsem):
  wid = lax.axis_index("s") * _NC + lax.axis_index("c")
  pltpu.sync_copy(pc_idx.at[pl.ds(wid * _PC_CH, _PC_CH)],
                  idx_v.at[pl.ds(0, _PC_CH)])
  items = [(w_hbm, j, out_pc, (wid * _PC_CH + j) * _L)
           for j in range(_PC_CH)]
  _run_ring(items, idx_v, rows_v, gsem, wsem)


def _context_body(w_hbm, px_idx, nx_idx, out_px, out_nx,
                  idx_v, rows_v, gsem, wsem):
  wid = lax.axis_index("s") * _NC + lax.axis_index("c")
  pltpu.sync_copy(px_idx.at[pl.ds(wid * _PC_CH, _PC_CH)],
                  idx_v.at[pl.ds(0, _PC_CH)])
  pltpu.sync_copy(nx_idx.at[pl.ds(wid * _NX_CH, _NX_CH)],
                  idx_v.at[pl.ds(_PC_CH, _NX_CH)])
  items = [(w_hbm, j, out_px, (wid * _PC_CH + j) * _L)
           for j in range(_PC_CH)]
  items += [(w_hbm, _PC_CH + j, out_nx, (wid * _NX_CH + j) * _L)
            for j in range(_NX_CH)]
  _run_ring(items, idx_v, rows_v, gsem, wsem)


def _scratch():
  return [
      pltpu.VMEM((_PC_CH + _NX_CH, _L), jnp.int32),
      pltpu.VMEM((_NBUF, _L, D_PAD), jnp.float32),
      pltpu.SemaphoreType.DMA((_NBUF,)),
      pltpu.SemaphoreType.DMA((_NBUF,)),
  ]


_MESH = dict(core_axis_name="c", subcore_axis_name="s")


@jax.jit
def _gather(W_center, W_context, pc_idx, px_idx, nx_idx):
  wc = jnp.pad(W_center, ((0, 0), (0, D_PAD - D_EMBED)))
  wx = jnp.pad(W_context, ((0, 0), (0, D_PAD - D_EMBED)))
  params = pltpu.CompilerParams(use_tc_tiling_on_sc=False)
  px, nx = pl.kernel(
      _context_body,
      out_type=(
          jax.ShapeDtypeStruct((BATCH, D_PAD), jnp.float32),
          jax.ShapeDtypeStruct((BATCH * N_NEG, D_PAD), jnp.float32),
      ),
      mesh=plsc.VectorSubcoreMesh(**_MESH),
      scratch_types=_scratch(),
      compiler_params=params,
  )(wx, px_idx, nx_idx)
  pc = pl.kernel(
      _center_body,
      out_type=jax.ShapeDtypeStruct((BATCH, D_PAD), jnp.float32),
      mesh=plsc.VectorSubcoreMesh(**_MESH),
      scratch_types=_scratch(),
      compiler_params=params,
  )(wc, pc_idx)
  return (pc[:, :D_EMBED], px[:, :D_EMBED],
          nx[:, :D_EMBED].reshape(BATCH, N_NEG, D_EMBED))


def kernel(W_center, W_context, pos_center, pos_context, neg_context):
  pc_idx = pos_center.astype(jnp.int32).reshape(-1, _L)
  px_idx = pos_context.astype(jnp.int32).reshape(-1, _L)
  nx_idx = neg_context.astype(jnp.int32).reshape(-1, _L)
  return _gather(W_center, W_context, pc_idx, px_idx, nx_idx)

# --- scband reference (transcript-rebuilt; emitter-appended) ---
"""Pipeline reference for scband-skip-gram-77953656422713 (READ-ONLY COPY).

The authoritative reference and input builder live on the scoring server;
editing this copy changes nothing except your own understanding.
"""

import jax, jax.numpy as jnp
import numpy as np

VOCAB = 1000000
D_EMBED = 64
BATCH = 16384
N_NEG = 5


def setup_inputs(seed: int = 0) -> dict:
    key = jax.random.key(seed)
    k1, k2, k3, k4, k5 = jax.random.split(key, 5)
    pos_center = jax.random.randint(k1, (BATCH,), 0, VOCAB, dtype=jnp.int64 if jax.config.jax_enable_x64 else jnp.int32)
    pos_context = jax.random.randint(k2, (BATCH,), 0, VOCAB, dtype=pos_center.dtype)
    neg_context = jax.random.randint(k3, (BATCH, N_NEG), 0, VOCAB, dtype=pos_center.dtype)
    bounds = 1.0 / D_EMBED
    W_center = jax.random.uniform(k4, (VOCAB, D_EMBED), minval=-bounds, maxval=bounds, dtype=jnp.float32)
    W_center = W_center.at[0].set(0.0)  # padding_idx = 0
    # torch code inits context table to 0; use small random values instead so the
    # forward output is non-degenerate while keeping identical math.
    W_context = jax.random.normal(k5, (VOCAB, D_EMBED), dtype=jnp.float32) * 0.01
    W_context = W_context.at[0].set(0.0)  # padding_idx = 0
    return {
        "W_center": W_center,
        "W_context": W_context,
        "pos_center": pos_center,
        "pos_context": pos_context,
        "neg_context": neg_context,
    }


def reference(W_center, W_context, pos_center, pos_context, neg_context):
    # SkipGram.forward with n_neg_samples > 0 and 1-D index tensors
    # (no ngram combination branch since inputs are rank-1 / rank-2).
    pc = jnp.take(W_center, pos_center, axis=0)            # [B, D]
    px = jnp.take(W_context, pos_context, axis=0)          # [B, D]
    nx = jnp.take(W_context, neg_context, axis=0)          # [B, N_NEG, D]
    return (pc, px, nx)

if __name__ == "__main__":
    import jax
    _d = setup_inputs()
    print(jax.jit(kernel)(*tuple(_d.values())))

</pallas_src>

<mosaic_0001>
#map = affine_map<(d0, d1) -> (0, 0)>
module attributes {stable_mosaic.version = 14 : i64} {
  func.func @_center_body(%arg0: i32, %arg1: i32, %arg2: memref<1000000x128xf32, #tpu.memory_space<hbm>>, %arg3: memref<128x128xi32, #tpu.memory_space<hbm>>, %arg4: memref<16384x128xf32, #tpu.memory_space<hbm>>, %arg5: memref<24x128xi32, #tpu.memory_space<vmem>>, %arg6: memref<6x128x128xf32, #tpu.memory_space<vmem>>, %arg7: memref<6x!tpu.dma_semaphore, #tpu.memory_space<semaphore_mem>>, %arg8: memref<6x!tpu.dma_semaphore, #tpu.memory_space<semaphore_mem>>) attributes {dimension_semantics = [#tpu.dimension_semantics<core_parallel>, #tpu.dimension_semantics<subcore_parallel>], iteration_bounds = array<i64: 2, 16>, scalar_prefetch = 0 : i64, scratch_operands = 4 : i64, tpu.core_type = #tpu.core_type<sc_vector_subcore>, window_params = [{transform_indices = #map}, {transform_indices = #map}, {transform_indices = #map}]} {
    %mul3A = arith.constant 2 : i32
    %mul3A_0 = arith.muli %arg1, %mul3A : i32
    %add3A = arith.addi %mul3A_0, %arg0 : i32
    %mul3A_1 = arith.constant 4 : i32
    %mul3A_2 = arith.muli %add3A, %mul3A_1 : i32
    "tpu.region"() ({
      %run_scoped3A = tpu.sem_alloc : memref<!tpu.dma_semaphore, #tpu.memory_space<semaphore_mem>>
      %dma_start3A_273 = arith.constant 0 : i32
      %dma_start3A_274 = arith.constant 0 : i32
      %dma_start3A_275 = tpu.memref_slice %arg5[%dma_start3A_273, %dma_start3A_274] : memref<24x128xi32, #tpu.memory_space<vmem>> -> memref<4x128xi32, #tpu.memory_space<vmem>>
      %dma_start3A_276 = arith.constant 0 : i32
      %dma_start3A_277 = tpu.memref_slice %arg3[%mul3A_2, %dma_start3A_276] : memref<128x128xi32, #tpu.memory_space<hbm>> -> memref<4x128xi32, #tpu.memory_space<hbm>>
      %dma_start3A_278 = arith.constant 0 : i32
      %dma_start3A_279 = arith.constant 0 : i32
      %dma_start3A_280 = tpu.memref_slice %arg5[%dma_start3A_278, %dma_start3A_279] : memref<24x128xi32, #tpu.memory_space<vmem>> -> memref<4x128xi32, #tpu.memory_space<vmem>>
      %dma_start3A_281 = arith.constant 0 : i32
      %dma_start3A_282 = tpu.memref_slice %arg3[%mul3A_2, %dma_start3A_281] : memref<128x128xi32, #tpu.memory_space<hbm>> -> memref<4x128xi32, #tpu.memory_space<hbm>>
      tpu.enqueue_dma source(%dma_start3A_282 : memref<4x128xi32, #tpu.memory_space<hbm>>) target(%dma_start3A_280 : memref<4x128xi32, #tpu.memory_space<vmem>>) target_semaphore(%run_scoped3A : memref<!tpu.dma_semaphore, #tpu.memory_space<semaphore_mem>>)
      %dma_wait3A_283 = arith.constant 0 : i32
      %dma_wait3A_284 = arith.constant 0 : i32
      %dma_wait3A_285 = tpu.memref_slice %arg5[%dma_wait3A_283, %dma_wait3A_284] : memref<24x128xi32, #tpu.memory_space<vmem>> -> memref<4x128xi32, #tpu.memory_space<vmem>>
      %dma_wait3A_286 = arith.constant 0 : i32
      %dma_wait3A_287 = tpu.memref_slice %arg3[%mul3A_2, %dma_wait3A_286] : memref<128x128xi32, #tpu.memory_space<hbm>> -> memref<4x128xi32, #tpu.memory_space<hbm>>
      %dma_wait3A_288 = arith.constant 0 : i32
      %dma_wait3A_289 = arith.constant 0 : i32
      %dma_wait3A_290 = tpu.memref_slice %arg5[%dma_wait3A_288, %dma_wait3A_289] : memref<24x128xi32, #tpu.memory_space<vmem>> -> memref<4x128xi32, #tpu.memory_space<vmem>>
      %dma_wait3A_291 = arith.constant 0 : i32
      %dma_wait3A_292 = tpu.memref_slice %arg3[%mul3A_2, %dma_wait3A_291] : memref<128x128xi32, #tpu.memory_space<hbm>> -> memref<4x128xi32, #tpu.memory_space<hbm>>
      tpu.wait_dma2 semaphore(%run_scoped3A : memref<!tpu.dma_semaphore, #tpu.memory_space<semaphore_mem>>) src(%dma_wait3A_292 : memref<4x128xi32, #tpu.memory_space<hbm>>) dst(%dma_wait3A_290 : memref<4x128xi32, #tpu.memory_space<vmem>>)
      tpu.yield
    }) : () -> ()
    %mul3A_3 = arith.constant 4 : i32
    %mul3A_4 = arith.muli %add3A, %mul3A_3 : i32
    %add3A_5 = arith.constant 0 : i32
    %add3A_6 = arith.addi %mul3A_4, %add3A_5 : i32
    %mul3A_7 = arith.constant 128 : i32
    %mul3A_8 = arith.muli %add3A_6, %mul3A_7 : i32
    %mul3A_9 = arith.constant 4 : i32
    %mul3A_10 = arith.muli %add3A, %mul3A_9 : i32
    %add3A_11 = arith.constant 1 : i32
    %add3A_12 = arith.addi %mul3A_10, %add3A_11 : i32
    %mul3A_13 = arith.constant 128 : i32
    %mul3A_14 = arith.muli %add3A_12, %mul3A_13 : i32
    %mul3A_15 = arith.constant 4 : i32
    %mul3A_16 = arith.muli %add3A, %mul3A_15 : i32
    %add3A_17 = arith.constant 2 : i32
    %add3A_18 = arith.addi %mul3A_16, %add3A_17 : i32
    %mul3A_19 = arith.constant 128 : i32
    %mul3A_20 = arith.muli %add3A_18, %mul3A_19 : i32
    %mul3A_21 = arith.constant 4 : i32
    %mul3A_22 = arith.muli %add3A, %mul3A_21 : i32
    %add3A_23 = arith.constant 3 : i32
    %add3A_24 = arith.addi %mul3A_22, %add3A_23 : i32
    %mul3A_25 = arith.constant 128 : i32
    %mul3A_26 = arith.muli %add3A_24, %mul3A_25 : i32
    %dma_start3A = arith.constant 0 : i32
    %dma_start3A_27 = arith.constant 0 : i32
    %dma_start3A_28 = arith.constant 0 : i32
    %dma_start3A_29 = arith.constant 0 : i32
    %dma_start3A_30 = arith.constant 0 : i32
    %dma_start3A_31 = tpu.memref_slice %arg6[%dma_start3A_27, %dma_start3A_29, %dma_start3A_30] : memref<6x128x128xf32, #tpu.memory_space<vmem>> -> memref<1x128x128xf32, #tpu.memory_space<vmem>>
    %dma_start3A_32 = tpu.memref_squeeze %dma_start3A_31 : memref<1x128x128xf32, #tpu.memory_space<vmem>> -> memref<128x128xf32, #tpu.memory_space<vmem>>
    %dma_start3A_33 = arith.constant 0 : i32
    %dma_start3A_34 = tpu.memref_slice %arg5[%dma_start3A, %dma_start3A_33] : memref<24x128xi32, #tpu.memory_space<vmem>> -> memref<1x128xi32, #tpu.memory_space<vmem>>
    %dma_start3A_35 = tpu.memref_squeeze %dma_start3A_34 : memref<1x128xi32, #tpu.memory_space<vmem>> -> memref<128xi32, #tpu.memory_space<vmem>>
    %dma_start3A_36 = arith.constant 0 : i32
    %dma_start3A_37 = arith.constant 0 : i32
    %dma_start3A_38 = tpu.memref_slice %arg2[%dma_start3A_36, %dma_start3A_37] : memref<1000000x128xf32, #tpu.memory_space<hbm>> -> memref<1000000x128xf32, #tpu.memory_space<hbm>>
    %dma_start3A_39 = tpu.memref_slice %arg7[%dma_start3A_28] : memref<6x!tpu.dma_semaphore, #tpu.memory_space<semaphore_mem>> -> memref<1x!tpu.dma_semaphore, #tpu.memory_space<semaphore_mem>>
    %dma_start3A_40 = tpu.memref_squeeze %dma_start3A_39 : memref<1x!tpu.dma_semaphore, #tpu.memory_space<semaphore_mem>> -> memref<!tpu.dma_semaphore, #tpu.memory_space<semaphore_mem>>
    tpu.enqueue_indirect_dma source(%dma_start3A_38 : memref<1000000x128xf32, #tpu.memory_space<hbm>>) target(%dma_start3A_32 : memref<128x128xf32, #tpu.memory_space<vmem>>) offsets(%dma_start3A_35 : memref<128xi32, #tpu.memory_space<vmem>>) semaphore(%dma_start3A_40 : memref<!tpu.dma_semaphore, #tpu.memory_space<semaphore_mem>>)
    %dma_start3A_41 = arith.constant 1 : i32
    %dma_start3A_42 = arith.constant 1 : i32
    %dma_start3A_43 = arith.constant 1 : i32
    %dma_start3A_44 = arith.constant 0 : i32
    %dma_start3A_45 = arith.constant 0 : i32
    %dma_start3A_46 = tpu.memref_slice %arg6[%dma_start3A_42, %dma_start3A_44, %dma_start3A_45] : memref<6x128x128xf32, #tpu.memory_space<vmem>> -> memref<1x128x128xf32, #tpu.memory_space<vmem>>
    %dma_start3A_47 = tpu.memref_squeeze %dma_start3A_46 : memref<1x128x128xf32, #tpu.memory_space<vmem>> -> memref<128x128xf32, #tpu.memory_space<vmem>>
    %dma_start3A_48 = arith.constant 0 : i32
    %dma_start3A_49 = tpu.memref_slice %arg5[%dma_start3A_41, %dma_start3A_48] : memref<24x128xi32, #tpu.memory_space<vmem>> -> memref<1x128xi32, #tpu.memory_space<vmem>>
    %dma_start3A_50 = tpu.memref_squeeze %dma_start3A_49 : memref<1x128xi32, #tpu.memory_space<vmem>> -> memref<128xi32, #tpu.memory_space<vmem>>
    %dma_start3A_51 = arith.constant 0 : i32
    %dma_start3A_52 = arith.constant 0 : i32
    %dma_start3A_53 = tpu.memref_slice %arg2[%dma_start3A_51, %dma_start3A_52] : memref<1000000x128xf32, #tpu.memory_space<hbm>> -> memref<1000000x128xf32, #tpu.memory_space<hbm>>
    %dma_start3A_54 = tpu.memref_slice %arg7[%dma_start3A_43] : memref<6x!tpu.dma_semaphore, #tpu.memory_space<semaphore_mem>> -> memref<1x!tpu.dma_semaphore, #tpu.memory_space<semaphore_mem>>
    %dma_start3A_55 = tpu.memref_squeeze %dma_start3A_54 : memref<1x!tpu.dma_semaphore, #tpu.memory_space<semaphore_mem>> -> memref<!tpu.dma_semaphore, #tpu.memory_space<semaphore_mem>>
    tpu.enqueue_indirect_dma source(%dma_start3A_53 : memref<1000000x128xf32, #tpu.memory_space<hbm>>) target(%dma_start3A_47 : memref<128x128xf32, #tpu.memory_space<vmem>>) offsets(%dma_start3A_50 : memref<128xi32, #tpu.memory_space<vmem>>) semaphore(%dma_start3A_55 : memref<!tpu.dma_semaphore, #tpu.memory_space<semaphore_mem>>)
    %dma_start3A_56 = arith.constant 2 : i32
    %dma_start3A_57 = arith.constant 2 : i32
    %dma_start3A_58 = arith.constant 2 : i32
    %dma_start3A_59 = arith.constant 0 : i32
    %dma_start3A_60 = arith.constant 0 : i32
    %dma_start3A_61 = tpu.memref_slice %arg6[%dma_start3A_57, %dma_start3A_59, %dma_start3A_60] : memref<6x128x128xf32, #tpu.memory_space<vmem>> -> memref<1x128x128xf32, #tpu.memory_space<vmem>>
    %dma_start3A_62 = tpu.memref_squeeze %dma_start3A_61 : memref<1x128x128xf32, #tpu.memory_space<vmem>> -> memref<128x128xf32, #tpu.memory_space<vmem>>
    %dma_start3A_63 = arith.constant 0 : i32
    %dma_start3A_64 = tpu.memref_slice %arg5[%dma_start3A_56, %dma_start3A_63] : memref<24x128xi32, #tpu.memory_space<vmem>> -> memref<1x128xi32, #tpu.memory_space<vmem>>
    %dma_start3A_65 = tpu.memref_squeeze %dma_start3A_64 : memref<1x128xi32, #tpu.memory_space<vmem>> -> memref<128xi32, #tpu.memory_space<vmem>>
    %dma_start3A_66 = arith.constant 0 : i32
    %dma_start3A_67 = arith.constant 0 : i32
    %dma_start3A_68 = tpu.memref_slice %arg2[%dma_start3A_66, %dma_start3A_67] : memref<1000000x128xf32, #tpu.memory_space<hbm>> -> memref<1000000x128xf32, #tpu.memory_space<hbm>>
    %dma_start3A_69 = tpu.memref_slice %arg7[%dma_start3A_58] : memref<6x!tpu.dma_semaphore, #tpu.memory_space<semaphore_mem>> -> memref<1x!tpu.dma_semaphore, #tpu.memory_space<semaphore_mem>>
    %dma_start3A_70 = tpu.memref_squeeze %dma_start3A_69 : memref<1x!tpu.dma_semaphore, #tpu.memory_space<semaphore_mem>> -> memref<!tpu.dma_semaphore, #tpu.memory_space<semaphore_mem>>
    tpu.enqueue_indirect_dma source(%dma_start3A_68 : memref<1000000x128xf32, #tpu.memory_space<hbm>>) target(%dma_start3A_62 : memref<128x128xf32, #tpu.memory_space<vmem>>) offsets(%dma_start3A_65 : memref<128xi32, #tpu.memory_space<vmem>>) semaphore(%dma_start3A_70 : memref<!tpu.dma_semaphore, #tpu.memory_space<semaphore_mem>>)
    %dma_start3A_71 = arith.constant 3 : i32
    %dma_start3A_72 = arith.constant 3 : i32
    %dma_start3A_73 = arith.constant 3 : i32
    %dma_start3A_74 = arith.constant 0 : i32
    %dma_start3A_75 = arith.constant 0 : i32
    %dma_start3A_76 = tpu.memref_slice %arg6[%dma_start3A_72, %dma_start3A_74, %dma_start3A_75] : memref<6x128x128xf32, #tpu.memory_space<vmem>> -> memref<1x128x128xf32, #tpu.memory_space<vmem>>
    %dma_start3A_77 = tpu.memref_squeeze %dma_start3A_76 : memref<1x128x128xf32, #tpu.memory_space<vmem>> -> memref<128x128xf32, #tpu.memory_space<vmem>>
    %dma_start3A_78 = arith.constant 0 : i32
    %dma_start3A_79 = tpu.memref_slice %arg5[%dma_start3A_71, %dma_start3A_78] : memref<24x128xi32, #tpu.memory_space<vmem>> -> memref<1x128xi32, #tpu.memory_space<vmem>>
    %dma_start3A_80 = tpu.memref_squeeze %dma_start3A_79 : memref<1x128xi32, #tpu.memory_space<vmem>> -> memref<128xi32, #tpu.memory_space<vmem>>
    %dma_start3A_81 = arith.constant 0 : i32
    %dma_start3A_82 = arith.constant 0 : i32
    %dma_start3A_83 = tpu.memref_slice %arg2[%dma_start3A_81, %dma_start3A_82] : memref<1000000x128xf32, #tpu.memory_space<hbm>> -> memref<1000000x128xf32, #tpu.memory_space<hbm>>
    %dma_start3A_84 = tpu.memref_slice %arg7[%dma_start3A_73] : memref<6x!tpu.dma_semaphore, #tpu.memory_space<semaphore_mem>> -> memref<1x!tpu.dma_semaphore, #tpu.memory_space<semaphore_mem>>
    %dma_start3A_85 = tpu.memref_squeeze %dma_start3A_84 : memref<1x!tpu.dma_semaphore, #tpu.memory_space<semaphore_mem>> -> memref<!tpu.dma_semaphore, #tpu.memory_space<semaphore_mem>>
    tpu.enqueue_indirect_dma source(%dma_start3A_83 : memref<1000000x128xf32, #tpu.memory_space<hbm>>) target(%dma_start3A_77 : memref<128x128xf32, #tpu.memory_space<vmem>>) offsets(%dma_start3A_80 : memref<128xi32, #tpu.memory_space<vmem>>) semaphore(%dma_start3A_85 : memref<!tpu.dma_semaphore, #tpu.memory_space<semaphore_mem>>)
    %dma_wait3A = arith.constant 0 : i32
    %dma_wait3A_86 = arith.constant 0 : i32
    %dma_wait3A_87 = arith.constant 0 : i32
    %dma_wait3A_88 = arith.constant 0 : i32
    %dma_wait3A_89 = arith.constant 0 : i32
    %dma_wait3A_90 = tpu.memref_slice %arg6[%dma_wait3A_86, %dma_wait3A_88, %dma_wait3A_89] : memref<6x128x128xf32, #tpu.memory_space<vmem>> -> memref<1x128x128xf32, #tpu.memory_space<vmem>>
    %dma_wait3A_91 = tpu.memref_squeeze %dma_wait3A_90 : memref<1x128x128xf32, #tpu.memory_space<vmem>> -> memref<128x128xf32, #tpu.memory_space<vmem>>
    %dma_wait3A_92 = arith.constant 0 : i32
    %dma_wait3A_93 = tpu.memref_slice %arg5[%dma_wait3A, %dma_wait3A_92] : memref<24x128xi32, #tpu.memory_space<vmem>> -> memref<1x128xi32, #tpu.memory_space<vmem>>
    %dma_wait3A_94 = tpu.memref_squeeze %dma_wait3A_93 : memref<1x128xi32, #tpu.memory_space<vmem>> -> memref<128xi32, #tpu.memory_space<vmem>>
    %dma_wait3A_95 = arith.constant 0 : i32
    %dma_wait3A_96 = arith.constant 0 : i32
    %dma_wait3A_97 = tpu.memref_slice %arg2[%dma_wait3A_95, %dma_wait3A_96] : memref<1000000x128xf32, #tpu.memory_space<hbm>> -> memref<1000000x128xf32, #tpu.memory_space<hbm>>
    %dma_wait3A_98 = tpu.memref_slice %arg7[%dma_wait3A_87] : memref<6x!tpu.dma_semaphore, #tpu.memory_space<semaphore_mem>> -> memref<1x!tpu.dma_semaphore, #tpu.memory_space<semaphore_mem>>
    %dma_wait3A_99 = tpu.memref_squeeze %dma_wait3A_98 : memref<1x!tpu.dma_semaphore, #tpu.memory_space<semaphore_mem>> -> memref<!tpu.dma_semaphore, #tpu.memory_space<semaphore_mem>>
    tpu.wait_indirect_dma semaphore(%dma_wait3A_99 : memref<!tpu.dma_semaphore, #tpu.memory_space<semaphore_mem>>) src(%dma_wait3A_97 : memref<1000000x128xf32, #tpu.memory_space<hbm>>) dst(%dma_wait3A_91 : memref<128x128xf32, #tpu.memory_space<vmem>>)
    %dma_start3A_100 = arith.constant 0 : i32
    %dma_start3A_101 = arith.constant 0 : i32
    %dma_start3A_102 = arith.constant 0 : i32
    %dma_start3A_103 = arith.constant 0 : i32
    %dma_start3A_104 = tpu.memref_slice %arg6[%dma_start3A_100, %dma_start3A_102, %dma_start3A_103] : memref<6x128x128xf32, #tpu.memory_space<vmem>> -> memref<1x128x128xf32, #tpu.memory_space<vmem>>
    %dma_start3A_105 = tpu.memref_squeeze %dma_start3A_104 : memref<1x128x128xf32, #tpu.memory_space<vmem>> -> memref<128x128xf32, #tpu.memory_space<vmem>>
    %dma_start3A_106 = arith.constant 0 : i32
    %dma_start3A_107 = tpu.memref_slice %arg4[%mul3A_8, %dma_start3A_106] : memref<16384x128xf32, #tpu.memory_space<hbm>> -> memref<128x128xf32, #tpu.memory_space<hbm>>
    %dma_start3A_108 = tpu.memref_slice %arg8[%dma_start3A_101] : memref<6x!tpu.dma_semaphore, #tpu.memory_space<semaphore_mem>> -> memref<1x!tpu.dma_semaphore, #tpu.memory_space<semaphore_mem>>
    %dma_start3A_109 = tpu.memref_squeeze %dma_start3A_108 : memref<1x!tpu.dma_semaphore, #tpu.memory_space<semaphore_mem>> -> memref<!tpu.dma_semaphore, #tpu.memory_space<semaphore_mem>>
    %dma_start3A_110 = arith.constant 0 : i32
    %dma_start3A_111 = tpu.memref_slice %arg4[%mul3A_8, %dma_start3A_110] : memref<16384x128xf32, #tpu.memory_space<hbm>> -> memref<128x128xf32, #tpu.memory_space<hbm>>
    %dma_start3A_112 = arith.constant 0 : i32
    %dma_start3A_113 = arith.constant 0 : i32
    %dma_start3A_114 = tpu.memref_slice %arg6[%dma_start3A_100, %dma_start3A_112, %dma_start3A_113] : memref<6x128x128xf32, #tpu.memory_space<vmem>> -> memref<1x128x128xf32, #tpu.memory_space<vmem>>
    %dma_start3A_115 = tpu.memref_squeeze %dma_start3A_114 : memref<1x128x128xf32, #tpu.memory_space<vmem>> -> memref<128x128xf32, #tpu.memory_space<vmem>>
    tpu.enqueue_dma source(%dma_start3A_115 : memref<128x128xf32, #tpu.memory_space<vmem>>) target(%dma_start3A_111 : memref<128x128xf32, #tpu.memory_space<hbm>>) target_semaphore(%dma_start3A_109 : memref<!tpu.dma_semaphore, #tpu.memory_space<semaphore_mem>>)
    %dma_wait3A_116 = arith.constant 1 : i32
    %dma_wait3A_117 = arith.constant 1 : i32
    %dma_wait3A_118 = arith.constant 1 : i32
    %dma_wait3A_119 = arith.constant 0 : i32
    %dma_wait3A_120 = arith.constant 0 : i32
    %dma_wait3A_121 = tpu.memref_slice %arg6[%dma_wait3A_117, %dma_wait3A_119, %dma_wait3A_120] : memref<6x128x128xf32, #tpu.memory_space<vmem>> -> memref<1x128x128xf32, #tpu.memory_space<vmem>>
    %dma_wait3A_122 = tpu.memref_squeeze %dma_wait3A_121 : memref<1x128x128xf32, #tpu.memory_space<vmem>> -> memref<128x128xf32, #tpu.memory_space<vmem>>
    %dma_wait3A_123 = arith.constant 0 : i32
    %dma_wait3A_124 = tpu.memref_slice %arg5[%dma_wait3A_116, %dma_wait3A_123] : memref<24x128xi32, #tpu.memory_space<vmem>> -> memref<1x128xi32, #tpu.memory_space<vmem>>
    %dma_wait3A_125 = tpu.memref_squeeze %dma_wait3A_124 : memref<1x128xi32, #tpu.memory_space<vmem>> -> memref<128xi32, #tpu.memory_space<vmem>>
    %dma_wait3A_126 = arith.constant 0 : i32
    %dma_wait3A_127 = arith.constant 0 : i32
    %dma_wait3A_128 = tpu.memref_slice %arg2[%dma_wait3A_126, %dma_wait3A_127] : memref<1000000x128xf32, #tpu.memory_space<hbm>> -> memref<1000000x128xf32, #tpu.memory_space<hbm>>
    %dma_wait3A_129 = tpu.memref_slice %arg7[%dma_wait3A_118] : memref<6x!tpu.dma_semaphore, #tpu.memory_space<semaphore_mem>> -> memref<1x!tpu.dma_semaphore, #tpu.memory_space<semaphore_mem>>
    %dma_wait3A_130 = tpu.memref_squeeze %dma_wait3A_129 : memref<1x!tpu.dma_semaphore, #tpu.memory_space<semaphore_mem>> -> memref<!tpu.dma_semaphore, #tpu.memory_space<semaphore_mem>>
    tpu.wait_indirect_dma semaphore(%dma_wait3A_130 : memref<!tpu.dma_semaphore, #tpu.memory_space<semaphore_mem>>) src(%dma_wait3A_128 : memref<1000000x128xf32, #tpu.memory_space<hbm>>) dst(%dma_wait3A_122 : memref<128x128xf32, #tpu.memory_space<vmem>>)
    %dma_start3A_131 = arith.constant 1 : i32
    %dma_start3A_132 = arith.constant 1 : i32
    %dma_start3A_133 = arith.constant 0 : i32
    %dma_start3A_134 = arith.constant 0 : i32
    %dma_start3A_135 = tpu.memref_slice %arg6[%dma_start3A_131, %dma_start3A_133, %dma_start3A_134] : memref<6x128x128xf32, #tpu.memory_space<vmem>> -> memref<1x128x128xf32, #tpu.memory_space<vmem>>
    %dma_start3A_136 = tpu.memref_squeeze %dma_start3A_135 : memref<1x128x128xf32, #tpu.memory_space<vmem>> -> memref<128x128xf32, #tpu.memory_space<vmem>>
    %dma_start3A_137 = arith.constant 0 : i32
    %dma_start3A_138 = tpu.memref_slice %arg4[%mul3A_14, %dma_start3A_137] : memref<16384x128xf32, #tpu.memory_space<hbm>> -> memref<128x128xf32, #tpu.memory_space<hbm>>
    %dma_start3A_139 = tpu.memref_slice %arg8[%dma_start3A_132] : memref<6x!tpu.dma_semaphore, #tpu.memory_space<semaphore_mem>> -> memref<1x!tpu.dma_semaphore, #tpu.memory_space<semaphore_mem>>
    %dma_start3A_140 = tpu.memref_squeeze %dma_start3A_139 : memref<1x!tpu.dma_semaphore, #tpu.memory_space<semaphore_mem>> -> memref<!tpu.dma_semaphore, #tpu.memory_space<semaphore_mem>>
    %dma_start3A_141 = arith.constant 0 : i32
    %dma_start3A_142 = tpu.memref_slice %arg4[%mul3A_14, %dma_start3A_141] : memref<16384x128xf32, #tpu.memory_space<hbm>> -> memref<128x128xf32, #tpu.memory_space<hbm>>
    %dma_start3A_143 = arith.constant 0 : i32
    %dma_start3A_144 = arith.constant 0 : i32
    %dma_start3A_145 = tpu.memref_slice %arg6[%dma_start3A_131, %dma_start3A_143, %dma_start3A_144] : memref<6x128x128xf32, #tpu.memory_space<vmem>> -> memref<1x128x128xf32, #tpu.memory_space<vmem>>
    %dma_start3A_146 = tpu.memref_squeeze %dma_start3A_145 : memref<1x128x128xf32, #tpu.memory_space<vmem>> -> memref<128x128xf32, #tpu.memory_space<vmem>>
    tpu.enqueue_dma source(%dma_start3A_146 : memref<128x128xf32, #tpu.memory_space<vmem>>) target(%dma_start3A_142 : memref<128x128xf32, #tpu.memory_space<hbm>>) target_semaphore(%dma_start3A_140 : memref<!tpu.dma_semaphore, #tpu.memory_space<semaphore_mem>>)
    %dma_wait3A_147 = arith.constant 2 : i32
    %dma_wait3A_148 = arith.constant 2 : i32
    %dma_wait3A_149 = arith.constant 2 : i32
    %dma_wait3A_150 = arith.constant 0 : i32
    %dma_wait3A_151 = arith.constant 0 : i32
    %dma_wait3A_152 = tpu.memref_slice %arg6[%dma_wait3A_148, %dma_wait3A_150, %dma_wait3A_151] : memref<6x128x128xf32, #tpu.memory_space<vmem>> -> memref<1x128x128xf32, #tpu.memory_space<vmem>>
    %dma_wait3A_153 = tpu.memref_squeeze %dma_wait3A_152 : memref<1x128x128xf32, #tpu.memory_space<vmem>> -> memref<128x128xf32, #tpu.memory_space<vmem>>
    %dma_wait3A_154 = arith.constant 0 : i32
    %dma_wait3A_155 = tpu.memref_slice %arg5[%dma_wait3A_147, %dma_wait3A_154] : memref<24x128xi32, #tpu.memory_space<vmem>> -> memref<1x128xi32, #tpu.memory_space<vmem>>
    %dma_wait3A_156 = tpu.memref_squeeze %dma_wait3A_155 : memref<1x128xi32, #tpu.memory_space<vmem>> -> memref<128xi32, #tpu.memory_space<vmem>>
    %dma_wait3A_157 = arith.constant 0 : i32
    %dma_wait3A_158 = arith.constant 0 : i32
    %dma_wait3A_159 = tpu.memref_slice %arg2[%dma_wait3A_157, %dma_wait3A_158] : memref<1000000x128xf32, #tpu.memory_space<hbm>> -> memref<1000000x128xf32, #tpu.memory_space<hbm>>
    %dma_wait3A_160 = tpu.memref_slice %arg7[%dma_wait3A_149] : memref<6x!tpu.dma_semaphore, #tpu.memory_space<semaphore_mem>> -> memref<1x!tpu.dma_semaphore, #tpu.memory_space<semaphore_mem>>
    %dma_wait3A_161 = tpu.memref_squeeze %dma_wait3A_160 : memref<1x!tpu.dma_semaphore, #tpu.memory_space<semaphore_mem>> -> memref<!tpu.dma_semaphore, #tpu.memory_space<semaphore_mem>>
    tpu.wait_indirect_dma semaphore(%dma_wait3A_161 : memref<!tpu.dma_semaphore, #tpu.memory_space<semaphore_mem>>) src(%dma_wait3A_159 : memref<1000000x128xf32, #tpu.memory_space<hbm>>) dst(%dma_wait3A_153 : memref<128x128xf32, #tpu.memory_space<vmem>>)
    %dma_start3A_162 = arith.constant 2 : i32
    %dma_start3A_163 = arith.constant 2 : i32
    %dma_start3A_164 = arith.constant 0 : i32
    %dma_start3A_165 = arith.constant 0 : i32
    %dma_start3A_166 = tpu.memref_slice %arg6[%dma_start3A_162, %dma_start3A_164, %dma_start3A_165] : memref<6x128x128xf32, #tpu.memory_space<vmem>> -> memref<1x128x128xf32, #tpu.memory_space<vmem>>
    %dma_start3A_167 = tpu.memref_squeeze %dma_start3A_166 : memref<1x128x128xf32, #tpu.memory_space<vmem>> -> memref<128x128xf32, #tpu.memory_space<vmem>>
    %dma_start3A_168 = arith.constant 0 : i32
    %dma_start3A_169 = tpu.memref_slice %arg4[%mul3A_20, %dma_start3A_168] : memref<16384x128xf32, #tpu.memory_space<hbm>> -> memref<128x128xf32, #tpu.memory_space<hbm>>
    %dma_start3A_170 = tpu.memref_slice %arg8[%dma_start3A_163] : memref<6x!tpu.dma_semaphore, #tpu.memory_space<semaphore_mem>> -> memref<1x!tpu.dma_semaphore, #tpu.memory_space<semaphore_mem>>
    %dma_start3A_171 = tpu.memref_squeeze %dma_start3A_170 : memref<1x!tpu.dma_semaphore, #tpu.memory_space<semaphore_mem>> -> memref<!tpu.dma_semaphore, #tpu.memory_space<semaphore_mem>>
    %dma_start3A_172 = arith.constant 0 : i32
    %dma_start3A_173 = tpu.memref_slice %arg4[%mul3A_20, %dma_start3A_172] : memref<16384x128xf32, #tpu.memory_space<hbm>> -> memref<128x128xf32, #tpu.memory_space<hbm>>
    %dma_start3A_174 = arith.constant 0 : i32
    %dma_start3A_175 = arith.constant 0 : i32
    %dma_start3A_176 = tpu.memref_slice %arg6[%dma_start3A_162, %dma_start3A_174, %dma_start3A_175] : memref<6x128x128xf32, #tpu.memory_space<vmem>> -> memref<1x128x128xf32, #tpu.memory_space<vmem>>
    %dma_start3A_177 = tpu.memref_squeeze %dma_start3A_176 : memref<1x128x128xf32, #tpu.memory_space<vmem>> -> memref<128x128xf32, #tpu.memory_space<vmem>>
    tpu.enqueue_dma source(%dma_start3A_177 : memref<128x128xf32, #tpu.memory_space<vmem>>) target(%dma_start3A_173 : memref<128x128xf32, #tpu.memory_space<hbm>>) target_semaphore(%dma_start3A_171 : memref<!tpu.dma_semaphore, #tpu.memory_space<semaphore_mem>>)
    %dma_wait3A_178 = arith.constant 3 : i32
    %dma_wait3A_179 = arith.constant 3 : i32
    %dma_wait3A_180 = arith.constant 3 : i32
    %dma_wait3A_181 = arith.constant 0 : i32
    %dma_wait3A_182 = arith.constant 0 : i32
    %dma_wait3A_183 = tpu.memref_slice %arg6[%dma_wait3A_179, %dma_wait3A_181, %dma_wait3A_182] : memref<6x128x128xf32, #tpu.memory_space<vmem>> -> memref<1x128x128xf32, #tpu.memory_space<vmem>>
    %dma_wait3A_184 = tpu.memref_squeeze %dma_wait3A_183 : memref<1x128x128xf32, #tpu.memory_space<vmem>> -> memref<128x128xf32, #tpu.memory_space<vmem>>
    %dma_wait3A_185 = arith.constant 0 : i32
    %dma_wait3A_186 = tpu.memref_slice %arg5[%dma_wait3A_178, %dma_wait3A_185] : memref<24x128xi32, #tpu.memory_space<vmem>> -> memref<1x128xi32, #tpu.memory_space<vmem>>
    %dma_wait3A_187 = tpu.memref_squeeze %dma_wait3A_186 : memref<1x128xi32, #tpu.memory_space<vmem>> -> memref<128xi32, #tpu.memory_space<vmem>>
    %dma_wait3A_188 = arith.constant 0 : i32
    %dma_wait3A_189 = arith.constant 0 : i32
    %dma_wait3A_190 = tpu.memref_slice %arg2[%dma_wait3A_188, %dma_wait3A_189] : memref<1000000x128xf32, #tpu.memory_space<hbm>> -> memref<1000000x128xf32, #tpu.memory_space<hbm>>
    %dma_wait3A_191 = tpu.memref_slice %arg7[%dma_wait3A_180] : memref<6x!tpu.dma_semaphore, #tpu.memory_space<semaphore_mem>> -> memref<1x!tpu.dma_semaphore, #tpu.memory_space<semaphore_mem>>
    %dma_wait3A_192 = tpu.memref_squeeze %dma_wait3A_191 : memref<1x!tpu.dma_semaphore, #tpu.memory_space<semaphore_mem>> -> memref<!tpu.dma_semaphore, #tpu.memory_space<semaphore_mem>>
    tpu.wait_indirect_dma semaphore(%dma_wait3A_192 : memref<!tpu.dma_semaphore, #tpu.memory_space<semaphore_mem>>) src(%dma_wait3A_190 : memref<1000000x128xf32, #tpu.memory_space<hbm>>) dst(%dma_wait3A_184 : memref<128x128xf32, #tpu.memory_space<vmem>>)
    %dma_start3A_193 = arith.constant 3 : i32
    %dma_start3A_194 = arith.constant 3 : i32
    %dma_start3A_195 = arith.constant 0 : i32
    %dma_start3A_196 = arith.constant 0 : i32
    %dma_start3A_197 = tpu.memref_slice %arg6[%dma_start3A_193, %dma_start3A_195, %dma_start3A_196] : memref<6x128x128xf32, #tpu.memory_space<vmem>> -> memref<1x128x128xf32, #tpu.memory_space<vmem>>
    %dma_start3A_198 = tpu.memref_squeeze %dma_start3A_197 : memref<1x128x128xf32, #tpu.memory_space<vmem>> -> memref<128x128xf32, #tpu.memory_space<vmem>>
    %dma_start3A_199 = arith.constant 0 : i32
    %dma_start3A_200 = tpu.memref_slice %arg4[%mul3A_26, %dma_start3A_199] : memref<16384x128xf32, #tpu.memory_space<hbm>> -> memref<128x128xf32, #tpu.memory_space<hbm>>
    %dma_start3A_201 = tpu.memref_slice %arg8[%dma_start3A_194] : memref<6x!tpu.dma_semaphore, #tpu.memory_space<semaphore_mem>> -> memref<1x!tpu.dma_semaphore, #tpu.memory_space<semaphore_mem>>
    %dma_start3A_202 = tpu.memref_squeeze %dma_start3A_201 : memref<1x!tpu.dma_semaphore, #tpu.memory_space<semaphore_mem>> -> memref<!tpu.dma_semaphore, #tpu.memory_space<semaphore_mem>>
    %dma_start3A_203 = arith.constant 0 : i32
    %dma_start3A_204 = tpu.memref_slice %arg4[%mul3A_26, %dma_start3A_203] : memref<16384x128xf32, #tpu.memory_space<hbm>> -> memref<128x128xf32, #tpu.memory_space<hbm>>
    %dma_start3A_205 = arith.constant 0 : i32
    %dma_start3A_206 = arith.constant 0 : i32
    %dma_start3A_207 = tpu.memref_slice %arg6[%dma_start3A_193, %dma_start3A_205, %dma_start3A_206] : memref<6x128x128xf32, #tpu.memory_space<vmem>> -> memref<1x128x128xf32, #tpu.memory_space<vmem>>
    %dma_start3A_208 = tpu.memref_squeeze %dma_start3A_207 : memref<1x128x128xf32, #tpu.memory_space<vmem>> -> memref<128x128xf32, #tpu.memory_space<vmem>>
    tpu.enqueue_dma source(%dma_start3A_208 : memref<128x128xf32, #tpu.memory_space<vmem>>) target(%dma_start3A_204 : memref<128x128xf32, #tpu.memory_space<hbm>>) target_semaphore(%dma_start3A_202 : memref<!tpu.dma_semaphore, #tpu.memory_space<semaphore_mem>>)
    %dma_wait3A_209 = arith.constant 0 : i32
    %dma_wait3A_210 = arith.constant 0 : i32
    %dma_wait3A_211 = arith.constant 0 : i32
    %dma_wait3A_212 = arith.constant 0 : i32
    %dma_wait3A_213 = tpu.memref_slice %arg6[%dma_wait3A_209, %dma_wait3A_211, %dma_wait3A_212] : memref<6x128x128xf32, #tpu.memory_space<vmem>> -> memref<1x128x128xf32, #tpu.memory_space<vmem>>
    %dma_wait3A_214 = tpu.memref_squeeze %dma_wait3A_213 : memref<1x128x128xf32, #tpu.memory_space<vmem>> -> memref<128x128xf32, #tpu.memory_space<vmem>>
    %dma_wait3A_215 = arith.constant 0 : i32
    %dma_wait3A_216 = tpu.memref_slice %arg4[%mul3A_8, %dma_wait3A_215] : memref<16384x128xf32, #tpu.memory_space<hbm>> -> memref<128x128xf32, #tpu.memory_space<hbm>>
    %dma_wait3A_217 = tpu.memref_slice %arg8[%dma_wait3A_210] : memref<6x!tpu.dma_semaphore, #tpu.memory_space<semaphore_mem>> -> memref<1x!tpu.dma_semaphore, #tpu.memory_space<semaphore_mem>>
    %dma_wait3A_218 = tpu.memref_squeeze %dma_wait3A_217 : memref<1x!tpu.dma_semaphore, #tpu.memory_space<semaphore_mem>> -> memref<!tpu.dma_semaphore, #tpu.memory_space<semaphore_mem>>
    %dma_wait3A_219 = arith.constant 0 : i32
    %dma_wait3A_220 = tpu.memref_slice %arg4[%mul3A_8, %dma_wait3A_219] : memref<16384x128xf32, #tpu.memory_space<hbm>> -> memref<128x128xf32, #tpu.memory_space<hbm>>
    %dma_wait3A_221 = arith.constant 0 : i32
    %dma_wait3A_222 = arith.constant 0 : i32
    %dma_wait3A_223 = tpu.memref_slice %arg6[%dma_wait3A_209, %dma_wait3A_221, %dma_wait3A_222] : memref<6x128x128xf32, #tpu.memory_space<vmem>> -> memref<1x128x128xf32, #tpu.memory_space<vmem>>
    %dma_wait3A_224 = tpu.memref_squeeze %dma_wait3A_223 : memref<1x128x128xf32, #tpu.memory_space<vmem>> -> memref<128x128xf32, #tpu.memory_space<vmem>>
    tpu.wait_dma2 semaphore(%dma_wait3A_218 : memref<!tpu.dma_semaphore, #tpu.memory_space<semaphore_mem>>) src(%dma_wait3A_224 : memref<128x128xf32, #tpu.memory_space<vmem>>) dst(%dma_wait3A_220 : memref<128x128xf32, #tpu.memory_space<hbm>>)
    %dma_wait3A_225 = arith.constant 1 : i32
    %dma_wait3A_226 = arith.constant 1 : i32
    %dma_wait3A_227 = arith.constant 0 : i32
    %dma_wait3A_228 = arith.constant 0 : i32
    %dma_wait3A_229 = tpu.memref_slice %arg6[%dma_wait3A_225, %dma_wait3A_227, %dma_wait3A_228] : memref<6x128x128xf32, #tpu.memory_space<vmem>> -> memref<1x128x128xf32, #tpu.memory_space<vmem>>
    %dma_wait3A_230 = tpu.memref_squeeze %dma_wait3A_229 : memref<1x128x128xf32, #tpu.memory_space<vmem>> -> memref<128x128xf32, #tpu.memory_space<vmem>>
    %dma_wait3A_231 = arith.constant 0 : i32
    %dma_wait3A_232 = tpu.memref_slice %arg4[%mul3A_14, %dma_wait3A_231] : memref<16384x128xf32, #tpu.memory_space<hbm>> -> memref<128x128xf32, #tpu.memory_space<hbm>>
    %dma_wait3A_233 = tpu.memref_slice %arg8[%dma_wait3A_226] : memref<6x!tpu.dma_semaphore, #tpu.memory_space<semaphore_mem>> -> memref<1x!tpu.dma_semaphore, #tpu.memory_space<semaphore_mem>>
    %dma_wait3A_234 = tpu.memref_squeeze %dma_wait3A_233 : memref<1x!tpu.dma_semaphore, #tpu.memory_space<semaphore_mem>> -> memref<!tpu.dma_semaphore, #tpu.memory_space<semaphore_mem>>
    %dma_wait3A_235 = arith.constant 0 : i32
    %dma_wait3A_236 = tpu.memref_slice %arg4[%mul3A_14, %dma_wait3A_235] : memref<16384x128xf32, #tpu.memory_space<hbm>> -> memref<128x128xf32, #tpu.memory_space<hbm>>
    %dma_wait3A_237 = arith.constant 0 : i32
    %dma_wait3A_238 = arith.constant 0 : i32
    %dma_wait3A_239 = tpu.memref_slice %arg6[%dma_wait3A_225, %dma_wait3A_237, %dma_wait3A_238] : memref<6x128x128xf32, #tpu.memory_space<vmem>> -> memref<1x128x128xf32, #tpu.memory_space<vmem>>
    %dma_wait3A_240 = tpu.memref_squeeze %dma_wait3A_239 : memref<1x128x128xf32, #tpu.memory_space<vmem>> -> memref<128x128xf32, #tpu.memory_space<vmem>>
    tpu.wait_dma2 semaphore(%dma_wait3A_234 : memref<!tpu.dma_semaphore, #tpu.memory_space<semaphore_mem>>) src(%dma_wait3A_240 : memref<128x128xf32, #tpu.memory_space<vmem>>) dst(%dma_wait3A_236 : memref<128x128xf32, #tpu.memory_space<hbm>>)
    %dma_wait3A_241 = arith.constant 2 : i32
    %dma_wait3A_242 = arith.constant 2 : i32
    %dma_wait3A_243 = arith.constant 0 : i32
    %dma_wait3A_244 = arith.constant 0 : i32
    %dma_wait3A_245 = tpu.memref_slice %arg6[%dma_wait3A_241, %dma_wait3A_243, %dma_wait3A_244] : memref<6x128x128xf32, #tpu.memory_space<vmem>> -> memref<1x128x128xf32, #tpu.memory_space<vmem>>
    %dma_wait3A_246 = tpu.memref_squeeze %dma_wait3A_245 : memref<1x128x128xf32, #tpu.memory_space<vmem>> -> memref<128x128xf32, #tpu.memory_space<vmem>>
    %dma_wait3A_247 = arith.constant 0 : i32
    %dma_wait3A_248 = tpu.memref_slice %arg4[%mul3A_20, %dma_wait3A_247] : memref<16384x128xf32, #tpu.memory_space<hbm>> -> memref<128x128xf32, #tpu.memory_space<hbm>>
    %dma_wait3A_249 = tpu.memref_slice %arg8[%dma_wait3A_242] : memref<6x!tpu.dma_semaphore, #tpu.memory_space<semaphore_mem>> -> memref<1x!tpu.dma_semaphore, #tpu.memory_space<semaphore_mem>>
    %dma_wait3A_250 = tpu.memref_squeeze %dma_wait3A_249 : memref<1x!tpu.dma_semaphore, #tpu.memory_space<semaphore_mem>> -> memref<!tpu.dma_semaphore, #tpu.memory_space<semaphore_mem>>
    %dma_wait3A_251 = arith.constant 0 : i32
    %dma_wait3A_252 = tpu.memref_slice %arg4[%mul3A_20, %dma_wait3A_251] : memref<16384x128xf32, #tpu.memory_space<hbm>> -> memref<128x128xf32, #tpu.memory_space<hbm>>
    %dma_wait3A_253 = arith.constant 0 : i32
    %dma_wait3A_254 = arith.constant 0 : i32
    %dma_wait3A_255 = tpu.memref_slice %arg6[%dma_wait3A_241, %dma_wait3A_253, %dma_wait3A_254] : memref<6x128x128xf32, #tpu.memory_space<vmem>> -> memref<1x128x128xf32, #tpu.memory_space<vmem>>
    %dma_wait3A_256 = tpu.memref_squeeze %dma_wait3A_255 : memref<1x128x128xf32, #tpu.memory_space<vmem>> -> memref<128x128xf32, #tpu.memory_space<vmem>>
    tpu.wait_dma2 semaphore(%dma_wait3A_250 : memref<!tpu.dma_semaphore, #tpu.memory_space<semaphore_mem>>) src(%dma_wait3A_256 : memref<128x128xf32, #tpu.memory_space<vmem>>) dst(%dma_wait3A_252 : memref<128x128xf32, #tpu.memory_space<hbm>>)
    %dma_wait3A_257 = arith.constant 3 : i32
    %dma_wait3A_258 = arith.constant 3 : i32
    %dma_wait3A_259 = arith.constant 0 : i32
    %dma_wait3A_260 = arith.constant 0 : i32
    %dma_wait3A_261 = tpu.memref_slice %arg6[%dma_wait3A_257, %dma_wait3A_259, %dma_wait3A_260] : memref<6x128x128xf32, #tpu.memory_space<vmem>> -> memref<1x128x128xf32, #tpu.memory_space<vmem>>
    %dma_wait3A_262 = tpu.memref_squeeze %dma_wait3A_261 : memref<1x128x128xf32, #tpu.memory_space<vmem>> -> memref<128x128xf32, #tpu.memory_space<vmem>>
    %dma_wait3A_263 = arith.constant 0 : i32
    %dma_wait3A_264 = tpu.memref_slice %arg4[%mul3A_26, %dma_wait3A_263] : memref<16384x128xf32, #tpu.memory_space<hbm>> -> memref<128x128xf32, #tpu.memory_space<hbm>>
    %dma_wait3A_265 = tpu.memref_slice %arg8[%dma_wait3A_258] : memref<6x!tpu.dma_semaphore, #tpu.memory_space<semaphore_mem>> -> memref<1x!tpu.dma_semaphore, #tpu.memory_space<semaphore_mem>>
    %dma_wait3A_266 = tpu.memref_squeeze %dma_wait3A_265 : memref<1x!tpu.dma_semaphore, #tpu.memory_space<semaphore_mem>> -> memref<!tpu.dma_semaphore, #tpu.memory_space<semaphore_mem>>
    %dma_wait3A_267 = arith.constant 0 : i32
    %dma_wait3A_268 = tpu.memref_slice %arg4[%mul3A_26, %dma_wait3A_267] : memref<16384x128xf32, #tpu.memory_space<hbm>> -> memref<128x128xf32, #tpu.memory_space<hbm>>
    %dma_wait3A_269 = arith.constant 0 : i32
    %dma_wait3A_270 = arith.constant 0 : i32
    %dma_wait3A_271 = tpu.memref_slice %arg6[%dma_wait3A_257, %dma_wait3A_269, %dma_wait3A_270] : memref<6x128x128xf32, #tpu.memory_space<vmem>> -> memref<1x128x128xf32, #tpu.memory_space<vmem>>
    %dma_wait3A_272 = tpu.memref_squeeze %dma_wait3A_271 : memref<1x128x128xf32, #tpu.memory_space<vmem>> -> memref<128x128xf32, #tpu.memory_space<vmem>>
    tpu.wait_dma2 semaphore(%dma_wait3A_266 : memref<!tpu.dma_semaphore, #tpu.memory_space<semaphore_mem>>) src(%dma_wait3A_272 : memref<128x128xf32, #tpu.memory_space<vmem>>) dst(%dma_wait3A_268 : memref<128x128xf32, #tpu.memory_space<hbm>>)
    return
  }
}

#map = affine_map<(d0, d1) -> (0, 0)>
module attributes {stable_mosaic.version = 14 : i64} {
  func.func @_context_body(%arg0: i32, %arg1: i32, %arg2: memref<1000000x128xf32, #tpu.memory_space<hbm>>, %arg3: memref<128x128xi32, #tpu.memory_space<hbm>>, %arg4: memref<640x128xi32, #tpu.memory_space<hbm>>, %arg5: memref<16384x128xf32, #tpu.memory_space<hbm>>, %arg6: memref<81920x128xf32, #tpu.memory_space<hbm>>, %arg7: memref<24x128xi32, #tpu.memory_space<vmem>>, %arg8: memref<6x128x128xf32, #tpu.memory_space<vmem>>, %arg9: memref<6x!tpu.dma_semaphore, #tpu.memory_space<semaphore_mem>>, %arg10: memref<6x!tpu.dma_semaphore, #tpu.memory_space<semaphore_mem>>) attributes {dimension_semantics = [#tpu.dimension_semantics<core_parallel>, #tpu.dimension_semantics<subcore_parallel>], iteration_bounds = array<i64: 2, 16>, scalar_prefetch = 0 : i64, scratch_operands = 4 : i64, tpu.core_type = #tpu.core_type<sc_vector_subcore>, window_params = [{transform_indices = #map}, {transform_indices = #map}, {transform_indices = #map}, {transform_indices = #map}, {transform_indices = #map}]} {
    %mul3A = arith.constant 2 : i32
    %mul3A_0 = arith.muli %arg1, %mul3A : i32
    %add3A = arith.addi %mul3A_0, %arg0 : i32
    %mul3A_1 = arith.constant 4 : i32
    %mul3A_2 = arith.muli %add3A, %mul3A_1 : i32
    "tpu.region"() ({
      %run_scoped3A = tpu.sem_alloc : memref<!tpu.dma_semaphore, #tpu.memory_space<semaphore_mem>>
      %dma_start3A_1635 = arith.constant 0 : i32
      %dma_start3A_1636 = arith.constant 0 : i32
      %dma_start3A_1637 = tpu.memref_slice %arg7[%dma_start3A_1635, %dma_start3A_1636] : memref<24x128xi32, #tpu.memory_space<vmem>> -> memref<4x128xi32, #tpu.memory_space<vmem>>
      %dma_start3A_1638 = arith.constant 0 : i32
      %dma_start3A_1639 = tpu.memref_slice %arg3[%mul3A_2, %dma_start3A_1638] : memref<128x128xi32, #tpu.memory_space<hbm>> -> memref<4x128xi32, #tpu.memory_space<hbm>>
      %dma_start3A_1640 = arith.constant 0 : i32
      %dma_start3A_1641 = arith.constant 0 : i32
      %dma_start3A_1642 = tpu.memref_slice %arg7[%dma_start3A_1640, %dma_start3A_1641] : memref<24x128xi32, #tpu.memory_space<vmem>> -> memref<4x128xi32, #tpu.memory_space<vmem>>
      %dma_start3A_1643 = arith.constant 0 : i32
      %dma_start3A_1644 = tpu.memref_slice %arg3[%mul3A_2, %dma_start3A_1643] : memref<128x128xi32, #tpu.memory_space<hbm>> -> memref<4x128xi32, #tpu.memory_space<hbm>>
      tpu.enqueue_dma source(%dma_start3A_1644 : memref<4x128xi32, #tpu.memory_space<hbm>>) target(%dma_start3A_1642 : memref<4x128xi32, #tpu.memory_space<vmem>>) target_semaphore(%run_scoped3A : memref<!tpu.dma_semaphore, #tpu.memory_space<semaphore_mem>>)
      %dma_wait3A_1645 = arith.constant 0 : i32
      %dma_wait3A_1646 = arith.constant 0 : i32
      %dma_wait3A_1647 = tpu.memref_slice %arg7[%dma_wait3A_1645, %dma_wait3A_1646] : memref<24x128xi32, #tpu.memory_space<vmem>> -> memref<4x128xi32, #tpu.memory_space<vmem>>
      %dma_wait3A_1648 = arith.constant 0 : i32
      %dma_wait3A_1649 = tpu.memref_slice %arg3[%mul3A_2, %dma_wait3A_1648] : memref<128x128xi32, #tpu.memory_space<hbm>> -> memref<4x128xi32, #tpu.memory_space<hbm>>
      %dma_wait3A_1650 = arith.constant 0 : i32
      %dma_wait3A_1651 = arith.constant 0 : i32
      %dma_wait3A_1652 = tpu.memref_slice %arg7[%dma_wait3A_1650, %dma_wait3A_1651] : memref<24x128xi32, #tpu.memory_space<vmem>> -> memref<4x128xi32, #tpu.memory_space<vmem>>
      %dma_wait3A_1653 = arith.constant 0 : i32
      %dma_wait3A_1654 = tpu.memref_slice %arg3[%mul3A_2, %dma_wait3A_1653] : memref<128x128xi32, #tpu.memory_space<hbm>> -> memref<4x128xi32, #tpu.memory_space<hbm>>
      tpu.wait_dma2 semaphore(%run_scoped3A : memref<!tpu.dma_semaphore, #tpu.memory_space<semaphore_mem>>) src(%dma_wait3A_1654 : memref<4x128xi32, #tpu.memory_space<hbm>>) dst(%dma_wait3A_1652 : memref<4x128xi32, #tpu.memory_space<vmem>>)
      tpu.yield
    }) : () -> ()
    %mul3A_3 = arith.constant 20 : i32
    %mul3A_4 = arith.muli %add3A, %mul3A_3 : i32
    "tpu.region"() ({
      %run_scoped3A = tpu.sem_alloc : memref<!tpu.dma_semaphore, #tpu.memory_space<semaphore_mem>>
      %dma_start3A_1635 = arith.constant 4 : i32
      %dma_start3A_1636 = arith.constant 0 : i32
      %dma_start3A_1637 = tpu.memref_slice %arg7[%dma_start3A_1635, %dma_start3A_1636] : memref<24x128xi32, #tpu.memory_space<vmem>> -> memref<20x128xi32, #tpu.memory_space<vmem>>
      %dma_start3A_1638 = arith.constant 0 : i32
      %dma_start3A_1639 = tpu.memref_slice %arg4[%mul3A_4, %dma_start3A_1638] : memref<640x128xi32, #tpu.memory_space<hbm>> -> memref<20x128xi32, #tpu.memory_space<hbm>>
      %dma_start3A_1640 = arith.constant 4 : i32
      %dma_start3A_1641 = arith.constant 0 : i32
      %dma_start3A_1642 = tpu.memref_slice %arg7[%dma_start3A_1640, %dma_start3A_1641] : memref<24x128xi32, #tpu.memory_space<vmem>> -> memref<20x128xi32, #tpu.memory_space<vmem>>
      %dma_start3A_1643 = arith.constant 0 : i32
      %dma_start3A_1644 = tpu.memref_slice %arg4[%mul3A_4, %dma_start3A_1643] : memref<640x128xi32, #tpu.memory_space<hbm>> -> memref<20x128xi32, #tpu.memory_space<hbm>>
      tpu.enqueue_dma source(%dma_start3A_1644 : memref<20x128xi32, #tpu.memory_space<hbm>>) target(%dma_start3A_1642 : memref<20x128xi32, #tpu.memory_space<vmem>>) target_semaphore(%run_scoped3A : memref<!tpu.dma_semaphore, #tpu.memory_space<semaphore_mem>>)
      %dma_wait3A_1645 = arith.constant 4 : i32
      %dma_wait3A_1646 = arith.constant 0 : i32
      %dma_wait3A_1647 = tpu.memref_slice %arg7[%dma_wait3A_1645, %dma_wait3A_1646] : memref<24x128xi32, #tpu.memory_space<vmem>> -> memref<20x128xi32, #tpu.memory_space<vmem>>
      %dma_wait3A_1648 = arith.constant 0 : i32
      %dma_wait3A_1649 = tpu.memref_slice %arg4[%mul3A_4, %dma_wait3A_1648] : memref<640x128xi32, #tpu.memory_space<hbm>> -> memref<20x128xi32, #tpu.memory_space<hbm>>
      %dma_wait3A_1650 = arith.constant 4 : i32
      %dma_wait3A_1651 = arith.constant 0 : i32
      %dma_wait3A_1652 = tpu.memref_slice %arg7[%dma_wait3A_1650, %dma_wait3A_1651] : memref<24x128xi32, #tpu.memory_space<vmem>> -> memref<20x128xi32, #tpu.memory_space<vmem>>
      %dma_wait3A_1653 = arith.constant 0 : i32
      %dma_wait3A_1654 = tpu.memref_slice %arg4[%mul3A_4, %dma_wait3A_1653] : memref<640x128xi32, #tpu.memory_space<hbm>> -> memref<20x128xi32, #tpu.memory_space<hbm>>
      tpu.wait_dma2 semaphore(%run_scoped3A : memref<!tpu.dma_semaphore, #tpu.memory_space<semaphore_mem>>) src(%dma_wait3A_1654 : memref<20x128xi32, #tpu.memory_space<hbm>>) dst(%dma_wait3A_1652 : memref<20x128xi32, #tpu.memory_space<vmem>>)
      tpu.yield
    }) : () -> ()
    %mul3A_5 = arith.constant 4 : i32
    %mul3A_6 = arith.muli %add3A, %mul3A_5 : i32
    %add3A_7 = arith.constant 0 : i32
    %add3A_8 = arith.addi %mul3A_6, %add3A_7 : i32
    %mul3A_9 = arith.constant 128 : i32
    %mul3A_10 = arith.muli %add3A_8, %mul3A_9 : i32
    %mul3A_11 = arith.constant 4 : i32
    %mul3A_12 = arith.muli %add3A, %mul3A_11 : i32
    %add3A_13 = arith.constant 1 : i32
    %add3A_14 = arith.addi %mul3A_12, %add3A_13 : i32
    %mul3A_15 = arith.constant 128 : i32
    %mul3A_16 = arith.muli %add3A_14, %mul3A_15 : i32
    %mul3A_17 = arith.constant 4 : i32
    %mul3A_18 = arith.muli %add3A, %mul3A_17 : i32
    %add3A_19 = arith.constant 2 : i32
    %add3A_20 = arith.addi %mul3A_18, %add3A_19 : i32
    %mul3A_21 = arith.constant 128 : i32
    %mul3A_22 = arith.muli %add3A_20, %mul3A_21 : i32
    %mul3A_23 = arith.constant 4 : i32
    %mul3A_24 = arith.muli %add3A, %mul3A_23 : i32
    %add3A_25 = arith.constant 3 : i32
    %add3A_26 = arith.addi %mul3A_24, %add3A_25 : i32
    %mul3A_27 = arith.constant 128 : i32
    %mul3A_28 = arith.muli %add3A_26, %mul3A_27 : i32
    %mul3A_29 = arith.constant 20 : i32
    %mul3A_30 = arith.muli %add3A, %mul3A_29 : i32
    %add3A_31 = arith.constant 0 : i32
    %add3A_32 = arith.addi %mul3A_30, %add3A_31 : i32
    %mul3A_33 = arith.constant 128 : i32
    %mul3A_34 = arith.muli %add3A_32, %mul3A_33 : i32
    %mul3A_35 = arith.constant 20 : i32
    %mul3A_36 = arith.muli %add3A, %mul3A_35 : i32
    %add3A_37 = arith.constant 1 : i32
    %add3A_38 = arith.addi %mul3A_36, %add3A_37 : i32
    %mul3A_39 = arith.constant 128 : i32
    %mul3A_40 = arith.muli %add3A_38, %mul3A_39 : i32
    %mul3A_41 = arith.constant 20 : i32
    %mul3A_42 = arith.muli %add3A, %mul3A_41 : i32
    %add3A_43 = arith.constant 2 : i32
    %add3A_44 = arith.addi %mul3A_42, %add3A_43 : i32
    %mul3A_45 = arith.constant 128 : i32
    %mul3A_46 = arith.muli %add3A_44, %mul3A_45 : i32
    %mul3A_47 = arith.constant 20 : i32
    %mul3A_48 = arith.muli %add3A, %mul3A_47 : i32
    %add3A_49 = arith.constant 3 : i32
    %add3A_50 = arith.addi %mul3A_48, %add3A_49 : i32
    %mul3A_51 = arith.constant 128 : i32
    %mul3A_52 = arith.muli %add3A_50, %mul3A_51 : i32
    %mul3A_53 = arith.constant 20 : i32
    %mul3A_54 = arith.muli %add3A, %mul3A_53 : i32
    %add3A_55 = arith.constant 4 : i32
    %add3A_56 = arith.addi %mul3A_54, %add3A_55 : i32
    %mul3A_57 = arith.constant 128 : i32
    %mul3A_58 = arith.muli %add3A_56, %mul3A_57 : i32
    %mul3A_59 = arith.constant 20 : i32
    %mul3A_60 = arith.muli %add3A, %mul3A_59 : i32
    %add3A_61 = arith.constant 5 : i32
    %add3A_62 = arith.addi %mul3A_60, %add3A_61 : i32
    %mul3A_63 = arith.constant 128 : i32
    %mul3A_64 = arith.muli %add3A_62, %mul3A_63 : i32
    %mul3A_65 = arith.constant 20 : i32
    %mul3A_66 = arith.muli %add3A, %mul3A_65 : i32
    %add3A_67 = arith.constant 6 : i32
    %add3A_68 = arith.addi %mul3A_66, %add3A_67 : i32
    %mul3A_69 = arith.constant 128 : i32
    %mul3A_70 = arith.muli %add3A_68, %mul3A_69 : i32
    %mul3A_71 = arith.constant 20 : i32
    %mul3A_72 = arith.muli %add3A, %mul3A_71 : i32
    %add3A_73 = arith.constant 7 : i32
    %add3A_74 = arith.addi %mul3A_72, %add3A_73 : i32
    %mul3A_75 = arith.constant 128 : i32
    %mul3A_76 = arith.muli %add3A_74, %mul3A_75 : i32
    %mul3A_77 = arith.constant 20 : i32
    %mul3A_78 = arith.muli %add3A, %mul3A_77 : i32
    %add3A_79 = arith.constant 8 : i32
    %add3A_80 = arith.addi %mul3A_78, %add3A_79 : i32
    %mul3A_81 = arith.constant 128 : i32
    %mul3A_82 = arith.muli %add3A_80, %mul3A_81 : i32
    %mul3A_83 = arith.constant 20 : i32
    %mul3A_84 = arith.muli %add3A, %mul3A_83 : i32
    %add3A_85 = arith.constant 9 : i32
    %add3A_86 = arith.addi %mul3A_84, %add3A_85 : i32
    %mul3A_87 = arith.constant 128 : i32
    %mul3A_88 = arith.muli %add3A_86, %mul3A_87 : i32
    %mul3A_89 = arith.constant 20 : i32
    %mul3A_90 = arith.muli %add3A, %mul3A_89 : i32
    %add3A_91 = arith.constant 10 : i32
    %add3A_92 = arith.addi %mul3A_90, %add3A_91 : i32
    %mul3A_93 = arith.constant 128 : i32
    %mul3A_94 = arith.muli %add3A_92, %mul3A_93 : i32
    %mul3A_95 = arith.constant 20 : i32
    %mul3A_96 = arith.muli %add3A, %mul3A_95 : i32
    %add3A_97 = arith.constant 11 : i32
    %add3A_98 = arith.addi %mul3A_96, %add3A_97 : i32
    %mul3A_99 = arith.constant 128 : i32
    %mul3A_100 = arith.muli %add3A_98, %mul3A_99 : i32
    %mul3A_101 = arith.constant 20 : i32
    %mul3A_102 = arith.muli %add3A, %mul3A_101 : i32
    %add3A_103 = arith.constant 12 : i32
    %add3A_104 = arith.addi %mul3A_102, %add3A_103 : i32
    %mul3A_105 = arith.constant 128 : i32
    %mul3A_106 = arith.muli %add3A_104, %mul3A_105 : i32
    %mul3A_107 = arith.constant 20 : i32
    %mul3A_108 = arith.muli %add3A, %mul3A_107 : i32
    %add3A_109 = arith.constant 13 : i32
    %add3A_110 = arith.addi %mul3A_108, %add3A_109 : i32
    %mul3A_111 = arith.constant 128 : i32
    %mul3A_112 = arith.muli %add3A_110, %mul3A_111 : i32
    %mul3A_113 = arith.constant 20 : i32
    %mul3A_114 = arith.muli %add3A, %mul3A_113 : i32
    %add3A_115 = arith.constant 14 : i32
    %add3A_116 = arith.addi %mul3A_114, %add3A_115 : i32
    %mul3A_117 = arith.constant 128 : i32
    %mul3A_118 = arith.muli %add3A_116, %mul3A_117 : i32
    %mul3A_119 = arith.constant 20 : i32
    %mul3A_120 = arith.muli %add3A, %mul3A_119 : i32
    %add3A_121 = arith.constant 15 : i32
    %add3A_122 = arith.addi %mul3A_120, %add3A_121 : i32
    %mul3A_123 = arith.constant 128 : i32
    %mul3A_124 = arith.muli %add3A_122, %mul3A_123 : i32
    %mul3A_125 = arith.constant 20 : i32
    %mul3A_126 = arith.muli %add3A, %mul3A_125 : i32
    %add3A_127 = arith.constant 16 : i32
    %add3A_128 = arith.addi %mul3A_126, %add3A_127 : i32
    %mul3A_129 = arith.constant 128 : i32
    %mul3A_130 = arith.muli %add3A_128, %mul3A_129 : i32
    %mul3A_131 = arith.constant 20 : i32
    %mul3A_132 = arith.muli %add3A, %mul3A_131 : i32
    %add3A_133 = arith.constant 17 : i32
    %add3A_134 = arith.addi %mul3A_132, %add3A_133 : i32
    %mul3A_135 = arith.constant 128 : i32
    %mul3A_136 = arith.muli %add3A_134, %mul3A_135 : i32
    %mul3A_137 = arith.constant 20 : i32
    %mul3A_138 = arith.muli %add3A, %mul3A_137 : i32
    %add3A_139 = arith.constant 18 : i32
    %add3A_140 = arith.addi %mul3A_138, %add3A_139 : i32
    %mul3A_141 = arith.constant 128 : i32
    %mul3A_142 = arith.muli %add3A_140, %mul3A_141 : i32
    %mul3A_143 = arith.constant 20 : i32
    %mul3A_144 = arith.muli %add3A, %mul3A_143 : i32
    %add3A_145 = arith.constant 19 : i32
    %add3A_146 = arith.addi %mul3A_144, %add3A_145 : i32
    %mul3A_147 = arith.constant 128 : i32
    %mul3A_148 = arith.muli %add3A_146, %mul3A_147 : i32
    %dma_start3A = arith.constant 0 : i32
    %dma_start3A_149 = arith.constant 0 : i32
    %dma_start3A_150 = arith.constant 0 : i32
    %dma_start3A_151 = arith.constant 0 : i32
    %dma_start3A_152 = arith.constant 0 : i32
    %dma_start3A_153 = tpu.memref_slice %arg8[%dma_start3A_149, %dma_start3A_151, %dma_start3A_152] : memref<6x128x128xf32, #tpu.memory_space<vmem>> -> memref<1x128x128xf32, #tpu.memory_space<vmem>>
    %dma_start3A_154 = tpu.memref_squeeze %dma_start3A_153 : memref<1x128x128xf32, #tpu.memory_space<vmem>> -> memref<128x128xf32, #tpu.memory_space<vmem>>
    %dma_start3A_155 = arith.constant 0 : i32
    %dma_start3A_156 = tpu.memref_slice %arg7[%dma_start3A, %dma_start3A_155] : memref<24x128xi32, #tpu.memory_space<vmem>> -> memref<1x128xi32, #tpu.memory_space<vmem>>
    %dma_start3A_157 = tpu.memref_squeeze %dma_start3A_156 : memref<1x128xi32, #tpu.memory_space<vmem>> -> memref<128xi32, #tpu.memory_space<vmem>>
    %dma_start3A_158 = arith.constant 0 : i32
    %dma_start3A_159 = arith.constant 0 : i32
    %dma_start3A_160 = tpu.memref_slice %arg2[%dma_start3A_158, %dma_start3A_159] : memref<1000000x128xf32, #tpu.memory_space<hbm>> -> memref<1000000x128xf32, #tpu.memory_space<hbm>>
    %dma_start3A_161 = tpu.memref_slice %arg9[%dma_start3A_150] : memref<6x!tpu.dma_semaphore, #tpu.memory_space<semaphore_mem>> -> memref<1x!tpu.dma_semaphore, #tpu.memory_space<semaphore_mem>>
    %dma_start3A_162 = tpu.memref_squeeze %dma_start3A_161 : memref<1x!tpu.dma_semaphore, #tpu.memory_space<semaphore_mem>> -> memref<!tpu.dma_semaphore, #tpu.memory_space<semaphore_mem>>
    tpu.enqueue_indirect_dma source(%dma_start3A_160 : memref<1000000x128xf32, #tpu.memory_space<hbm>>) target(%dma_start3A_154 : memref<128x128xf32, #tpu.memory_space<vmem>>) offsets(%dma_start3A_157 : memref<128xi32, #tpu.memory_space<vmem>>) semaphore(%dma_start3A_162 : memref<!tpu.dma_semaphore, #tpu.memory_space<semaphore_mem>>)
    %dma_start3A_163 = arith.constant 1 : i32
    %dma_start3A_164 = arith.constant 1 : i32
    %dma_start3A_165 = arith.constant 1 : i32
    %dma_start3A_166 = arith.constant 0 : i32
    %dma_start3A_167 = arith.constant 0 : i32
    %dma_start3A_168 = tpu.memref_slice %arg8[%dma_start3A_164, %dma_start3A_166, %dma_start3A_167] : memref<6x128x128xf32, #tpu.memory_space<vmem>> -> memref<1x128x128xf32, #tpu.memory_space<vmem>>
    %dma_start3A_169 = tpu.memref_squeeze %dma_start3A_168 : memref<1x128x128xf32, #tpu.memory_space<vmem>> -> memref<128x128xf32, #tpu.memory_space<vmem>>
    %dma_start3A_170 = arith.constant 0 : i32
    %dma_start3A_171 = tpu.memref_slice %arg7[%dma_start3A_163, %dma_start3A_170] : memref<24x128xi32, #tpu.memory_space<vmem>> -> memref<1x128xi32, #tpu.memory_space<vmem>>
    %dma_start3A_172 = tpu.memref_squeeze %dma_start3A_171 : memref<1x128xi32, #tpu.memory_space<vmem>> -> memref<128xi32, #tpu.memory_space<vmem>>
    %dma_start3A_173 = arith.constant 0 : i32
    %dma_start3A_174 = arith.constant 0 : i32
    %dma_start3A_175 = tpu.memref_slice %arg2[%dma_start3A_173, %dma_start3A_174] : memref<1000000x128xf32, #tpu.memory_space<hbm>> -> memref<1000000x128xf32, #tpu.memory_space<hbm>>
    %dma_start3A_176 = tpu.memref_slice %arg9[%dma_start3A_165] : memref<6x!tpu.dma_semaphore, #tpu.memory_space<semaphore_mem>> -> memref<1x!tpu.dma_semaphore, #tpu.memory_space<semaphore_mem>>
    %dma_start3A_177 = tpu.memref_squeeze %dma_start3A_176 : memref<1x!tpu.dma_semaphore, #tpu.memory_space<semaphore_mem>> -> memref<!tpu.dma_semaphore, #tpu.memory_space<semaphore_mem>>
    tpu.enqueue_indirect_dma source(%dma_start3A_175 : memref<1000000x128xf32, #tpu.memory_space<hbm>>) target(%dma_start3A_169 : memref<128x128xf32, #tpu.memory_space<vmem>>) offsets(%dma_start3A_172 : memref<128xi32, #tpu.memory_space<vmem>>) semaphore(%dma_start3A_177 : memref<!tpu.dma_semaphore, #tpu.memory_space<semaphore_mem>>)
    %dma_start3A_178 = arith.constant 2 : i32
    %dma_start3A_179 = arith.constant 2 : i32
    %dma_start3A_180 = arith.constant 2 : i32
    %dma_start3A_181 = arith.constant 0 : i32
    %dma_start3A_182 = arith.constant 0 : i32
    %dma_start3A_183 = tpu.memref_slice %arg8[%dma_start3A_179, %dma_start3A_181, %dma_start3A_182] : memref<6x128x128xf32, #tpu.memory_space<vmem>> -> memref<1x128x128xf32, #tpu.memory_space<vmem>>
    %dma_start3A_184 = tpu.memref_squeeze %dma_start3A_183 : memref<1x128x128xf32, #tpu.memory_space<vmem>> -> memref<128x128xf32, #tpu.memory_space<vmem>>
    %dma_start3A_185 = arith.constant 0 : i32
    %dma_start3A_186 = tpu.memref_slice %arg7[%dma_start3A_178, %dma_start3A_185] : memref<24x128xi32, #tpu.memory_space<vmem>> -> memref<1x128xi32, #tpu.memory_space<vmem>>
    %dma_start3A_187 = tpu.memref_squeeze %dma_start3A_186 : memref<1x128xi32, #tpu.memory_space<vmem>> -> memref<128xi32, #tpu.memory_space<vmem>>
    %dma_start3A_188 = arith.constant 0 : i32
    %dma_start3A_189 = arith.constant 0 : i32
    %dma_start3A_190 = tpu.memref_slice %arg2[%dma_start3A_188, %dma_start3A_189] : memref<1000000x128xf32, #tpu.memory_space<hbm>> -> memref<1000000x128xf32, #tpu.memory_space<hbm>>
    %dma_start3A_191 = tpu.memref_slice %arg9[%dma_start3A_180] : memref<6x!tpu.dma_semaphore, #tpu.memory_space<semaphore_mem>> -> memref<1x!tpu.dma_semaphore, #tpu.memory_space<semaphore_mem>>
    %dma_start3A_192 = tpu.memref_squeeze %dma_start3A_191 : memref<1x!tpu.dma_semaphore, #tpu.memory_space<semaphore_mem>> -> memref<!tpu.dma_semaphore, #tpu.memory_space<semaphore_mem>>
    tpu.enqueue_indirect_dma source(%dma_start3A_190 : memref<1000000x128xf32, #tpu.memory_space<hbm>>) target(%dma_start3A_184 : memref<128x128xf32, #tpu.memory_space<vmem>>) offsets(%dma_start3A_187 : memref<128xi32, #tpu.memory_space<vmem>>) semaphore(%dma_start3A_192 : memref<!tpu.dma_semaphore, #tpu.memory_space<semaphore_mem>>)
    %dma_start3A_193 = arith.constant 3 : i32
    %dma_start3A_194 = arith.constant 3 : i32
    %dma_start3A_195 = arith.constant 3 : i32
    %dma_start3A_196 = arith.constant 0 : i32
    %dma_start3A_197 = arith.constant 0 : i32
    %dma_start3A_198 = tpu.memref_slice %arg8[%dma_start3A_194, %dma_start3A_196, %dma_start3A_197] : memref<6x128x128xf32, #tpu.memory_space<vmem>> -> memref<1x128x128xf32, #tpu.memory_space<vmem>>
    %dma_start3A_199 = tpu.memref_squeeze %dma_start3A_198 : memref<1x128x128xf32, #tpu.memory_space<vmem>> -> memref<128x128xf32, #tpu.memory_space<vmem>>
    %dma_start3A_200 = arith.constant 0 : i32
    %dma_start3A_201 = tpu.memref_slice %arg7[%dma_start3A_193, %dma_start3A_200] : memref<24x128xi32, #tpu.memory_space<vmem>> -> memref<1x128xi32, #tpu.memory_space<vmem>>
    %dma_start3A_202 = tpu.memref_squeeze %dma_start3A_201 : memref<1x128xi32, #tpu.memory_space<vmem>> -> memref<128xi32, #tpu.memory_space<vmem>>
    %dma_start3A_203 = arith.constant 0 : i32
    %dma_start3A_204 = arith.constant 0 : i32
    %dma_start3A_205 = tpu.memref_slice %arg2[%dma_start3A_203, %dma_start3A_204] : memref<1000000x128xf32, #tpu.memory_space<hbm>> -> memref<1000000x128xf32, #tpu.memory_space<hbm>>
    %dma_start3A_206 = tpu.memref_slice %arg9[%dma_start3A_195] : memref<6x!tpu.dma_semaphore, #tpu.memory_space<semaphore_mem>> -> memref<1x!tpu.dma_semaphore, #tpu.memory_space<semaphore_mem>>
    %dma_start3A_207 = tpu.memref_squeeze %dma_start3A_206 : memref<1x!tpu.dma_semaphore, #tpu.memory_space<semaphore_mem>> -> memref<!tpu.dma_semaphore, #tpu.memory_space<semaphore_mem>>
    tpu.enqueue_indirect_dma source(%dma_start3A_205 : memref<1000000x128xf32, #tpu.memory_space<hbm>>) target(%dma_start3A_199 : memref<128x128xf32, #tpu.memory_space<vmem>>) offsets(%dma_start3A_202 : memref<128xi32, #tpu.memory_space<vmem>>) semaphore(%dma_start3A_207 : memref<!tpu.dma_semaphore, #tpu.memory_space<semaphore_mem>>)
    %dma_start3A_208 = arith.constant 4 : i32
    %dma_start3A_209 = arith.constant 4 : i32
    %dma_start3A_210 = arith.constant 4 : i32
    %dma_start3A_211 = arith.constant 0 : i32
    %dma_start3A_212 = arith.constant 0 : i32
    %dma_start3A_213 = tpu.memref_slice %arg8[%dma_start3A_209, %dma_start3A_211, %dma_start3A_212] : memref<6x128x128xf32, #tpu.memory_space<vmem>> -> memref<1x128x128xf32, #tpu.memory_space<vmem>>
    %dma_start3A_214 = tpu.memref_squeeze %dma_start3A_213 : memref<1x128x128xf32, #tpu.memory_space<vmem>> -> memref<128x128xf32, #tpu.memory_space<vmem>>
    %dma_start3A_215 = arith.constant 0 : i32
    %dma_start3A_216 = tpu.memref_slice %arg7[%dma_start3A_208, %dma_start3A_215] : memref<24x128xi32, #tpu.memory_space<vmem>> -> memref<1x128xi32, #tpu.memory_space<vmem>>
    %dma_start3A_217 = tpu.memref_squeeze %dma_start3A_216 : memref<1x128xi32, #tpu.memory_space<vmem>> -> memref<128xi32, #tpu.memory_space<vmem>>
    %dma_start3A_218 = arith.constant 0 : i32
    %dma_start3A_219 = arith.constant 0 : i32
    %dma_start3A_220 = tpu.memref_slice %arg2[%dma_start3A_218, %dma_start3A_219] : memref<1000000x128xf32, #tpu.memory_space<hbm>> -> memref<1000000x128xf32, #tpu.memory_space<hbm>>
    %dma_start3A_221 = tpu.memref_slice %arg9[%dma_start3A_210] : memref<6x!tpu.dma_semaphore, #tpu.memory_space<semaphore_mem>> -> memref<1x!tpu.dma_semaphore, #tpu.memory_space<semaphore_mem>>
    %dma_start3A_222 = tpu.memref_squeeze %dma_start3A_221 : memref<1x!tpu.dma_semaphore, #tpu.memory_space<semaphore_mem>> -> memref<!tpu.dma_semaphore, #tpu.memory_space<semaphore_mem>>
    tpu.enqueue_indirect_dma source(%dma_start3A_220 : memref<1000000x128xf32, #tpu.memory_space<hbm>>) target(%dma_start3A_214 : memref<128x128xf32, #tpu.memory_space<vmem>>) offsets(%dma_start3A_217 : memref<128xi32, #tpu.memory_space<vmem>>) semaphore(%dma_start3A_222 : memref<!tpu.dma_semaphore, #tpu.memory_space<semaphore_mem>>)
    %dma_start3A_223 = arith.constant 5 : i32
    %dma_start3A_224 = arith.constant 5 : i32
    %dma_start3A_225 = arith.constant 5 : i32
    %dma_start3A_226 = arith.constant 0 : i32
    %dma_start3A_227 = arith.constant 0 : i32
    %dma_start3A_228 = tpu.memref_slice %arg8[%dma_start3A_224, %dma_start3A_226, %dma_start3A_227] : memref<6x128x128xf32, #tpu.memory_space<vmem>> -> memref<1x128x128xf32, #tpu.memory_space<vmem>>
    %dma_start3A_229 = tpu.memref_squeeze %dma_start3A_228 : memref<1x128x128xf32, #tpu.memory_space<vmem>> -> memref<128x128xf32, #tpu.memory_space<vmem>>
    %dma_start3A_230 = arith.constant 0 : i32
    %dma_start3A_231 = tpu.memref_slice %arg7[%dma_start3A_223, %dma_start3A_230] : memref<24x128xi32, #tpu.memory_space<vmem>> -> memref<1x128xi32, #tpu.memory_space<vmem>>
    %dma_start3A_232 = tpu.memref_squeeze %dma_start3A_231 : memref<1x128xi32, #tpu.memory_space<vmem>> -> memref<128xi32, #tpu.memory_space<vmem>>
    %dma_start3A_233 = arith.constant 0 : i32
    %dma_start3A_234 = arith.constant 0 : i32
    %dma_start3A_235 = tpu.memref_slice %arg2[%dma_start3A_233, %dma_start3A_234] : memref<1000000x128xf32, #tpu.memory_space<hbm>> -> memref<1000000x128xf32, #tpu.memory_space<hbm>>
    %dma_start3A_236 = tpu.memref_slice %arg9[%dma_start3A_225] : memref<6x!tpu.dma_semaphore, #tpu.memory_space<semaphore_mem>> -> memref<1x!tpu.dma_semaphore, #tpu.memory_space<semaphore_mem>>
    %dma_start3A_237 = tpu.memref_squeeze %dma_start3A_236 : memref<1x!tpu.dma_semaphore, #tpu.memory_space<semaphore_mem>> -> memref<!tpu.dma_semaphore, #tpu.memory_space<semaphore_mem>>
    tpu.enqueue_indirect_dma source(%dma_start3A_235 : memref<1000000x128xf32, #tpu.memory_space<hbm>>) target(%dma_start3A_229 : memref<128x128xf32, #tpu.memory_space<vmem>>) offsets(%dma_start3A_232 : memref<128xi32, #tpu.memory_space<vmem>>) semaphore(%dma_start3A_237 : memref<!tpu.dma_semaphore, #tpu.memory_space<semaphore_mem>>)
    %dma_wait3A = arith.constant 0 : i32
    %dma_wait3A_238 = arith.constant 0 : i32
    %dma_wait3A_239 = arith.constant 0 : i32
    %dma_wait3A_240 = arith.constant 0 : i32
    %dma_wait3A_241 = arith.constant 0 : i32
    %dma_wait3A_242 = tpu.memref_slice %arg8[%dma_wait3A_238, %dma_wait3A_240, %dma_wait3A_241] : memref<6x128x128xf32, #tpu.memory_space<vmem>> -> memref<1x128x128xf32, #tpu.memory_space<vmem>>
    %dma_wait3A_243 = tpu.memref_squeeze %dma_wait3A_242 : memref<1x128x128xf32, #tpu.memory_space<vmem>> -> memref<128x128xf32, #tpu.memory_space<vmem>>
    %dma_wait3A_244 = arith.constant 0 : i32
    %dma_wait3A_245 = tpu.memref_slice %arg7[%dma_wait3A, %dma_wait3A_244] : memref<24x128xi32, #tpu.memory_space<vmem>> -> memref<1x128xi32, #tpu.memory_space<vmem>>
    %dma_wait3A_246 = tpu.memref_squeeze %dma_wait3A_245 : memref<1x128xi32, #tpu.memory_space<vmem>> -> memref<128xi32, #tpu.memory_space<vmem>>
    %dma_wait3A_247 = arith.constant 0 : i32
    %dma_wait3A_248 = arith.constant 0 : i32
    %dma_wait3A_249 = tpu.memref_slice %arg2[%dma_wait3A_247, %dma_wait3A_248] : memref<1000000x128xf32, #tpu.memory_space<hbm>> -> memref<1000000x128xf32, #tpu.memory_space<hbm>>
    %dma_wait3A_250 = tpu.memref_slice %arg9[%dma_wait3A_239] : memref<6x!tpu.dma_semaphore, #tpu.memory_space<semaphore_mem>> -> memref<1x!tpu.dma_semaphore, #tpu.memory_space<semaphore_mem>>
    %dma_wait3A_251 = tpu.memref_squeeze %dma_wait3A_250 : memref<1x!tpu.dma_semaphore, #tpu.memory_space<semaphore_mem>> -> memref<!tpu.dma_semaphore, #tpu.memory_space<semaphore_mem>>
    tpu.wait_indirect_dma semaphore(%dma_wait3A_251 : memref<!tpu.dma_semaphore, #tpu.memory_space<semaphore_mem>>) src(%dma_wait3A_249 : memref<1000000x128xf32, #tpu.memory_space<hbm>>) dst(%dma_wait3A_243 : memref<128x128xf32, #tpu.memory_space<vmem>>)
    %dma_start3A_252 = arith.constant 0 : i32
    %dma_start3A_253 = arith.constant 0 : i32
    %dma_start3A_254 = arith.constant 0 : i32
    %dma_start3A_255 = arith.constant 0 : i32
    %dma_start3A_256 = tpu.memref_slice %arg8[%dma_start3A_252, %dma_start3A_254, %dma_start3A_255] : memref<6x128x128xf32, #tpu.memory_space<vmem>> -> memref<1x128x128xf32, #tpu.memory_space<vmem>>
    %dma_start3A_257 = tpu.memref_squeeze %dma_start3A_256 : memref<1x128x128xf32, #tpu.memory_space<vmem>> -> memref<128x128xf32, #tpu.memory_space<vmem>>
    %dma_start3A_258 = arith.constant 0 : i32
    %dma_start3A_259 = tpu.memref_slice %arg5[%mul3A_10, %dma_start3A_258] : memref<16384x128xf32, #tpu.memory_space<hbm>> -> memref<128x128xf32, #tpu.memory_space<hbm>>
    %dma_start3A_260 = tpu.memref_slice %arg10[%dma_start3A_253] : memref<6x!tpu.dma_semaphore, #tpu.memory_space<semaphore_mem>> -> memref<1x!tpu.dma_semaphore, #tpu.memory_space<semaphore_mem>>
    %dma_start3A_261 = tpu.memref_squeeze %dma_start3A_260 : memref<1x!tpu.dma_semaphore, #tpu.memory_space<semaphore_mem>> -> memref<!tpu.dma_semaphore, #tpu.memory_space<semaphore_mem>>
    %dma_start3A_262 = arith.constant 0 : i32
    %dma_start3A_263 = tpu.memref_slice %arg5[%mul3A_10, %dma_start3A_262] : memref<16384x128xf32, #tpu.memory_space<hbm>> -> memref<128x128xf32, #tpu.memory_space<hbm>>
    %dma_start3A_264 = arith.constant 0 : i32
    %dma_start3A_265 = arith.constant 0 : i32
    %dma_start3A_266 = tpu.memref_slice %arg8[%dma_start3A_252, %dma_start3A_264, %dma_start3A_265] : memref<6x128x128xf32, #tpu.memory_space<vmem>> -> memref<1x128x128xf32, #tpu.memory_space<vmem>>
    %dma_start3A_267 = tpu.memref_squeeze %dma_start3A_266 : memref<1x128x128xf32, #tpu.memory_space<vmem>> -> memref<128x128xf32, #tpu.memory_space<vmem>>
    tpu.enqueue_dma source(%dma_start3A_267 : memref<128x128xf32, #tpu.memory_space<vmem>>) target(%dma_start3A_263 : memref<128x128xf32, #tpu.memory_space<hbm>>) target_semaphore(%dma_start3A_261 : memref<!tpu.dma_semaphore, #tpu.memory_space<semaphore_mem>>)
    %dma_wait3A_268 = arith.constant 0 : i32
    %dma_wait3A_269 = arith.constant 0 : i32
    %dma_wait3A_270 = arith.constant 0 : i32
    %dma_wait3A_271 = arith.constant 0 : i32
    %dma_wait3A_272 = tpu.memref_slice %arg8[%dma_wait3A_268, %dma_wait3A_270, %dma_wait3A_271] : memref<6x128x128xf32, #tpu.memory_space<vmem>> -> memref<1x128x128xf32, #tpu.memory_space<vmem>>
    %dma_wait3A_273 = tpu.memref_squeeze %dma_wait3A_272 : memref<1x128x128xf32, #tpu.memory_space<vmem>> -> memref<128x128xf32, #tpu.memory_space<vmem>>
    %dma_wait3A_274 = arith.constant 0 : i32
    %dma_wait3A_275 = tpu.memref_slice %arg5[%mul3A_10, %dma_wait3A_274] : memref<16384x128xf32, #tpu.memory_space<hbm>> -> memref<128x128xf32, #tpu.memory_space<hbm>>
    %dma_wait3A_276 = tpu.memref_slice %arg10[%dma_wait3A_269] : memref<6x!tpu.dma_semaphore, #tpu.memory_space<semaphore_mem>> -> memref<1x!tpu.dma_semaphore, #tpu.memory_space<semaphore_mem>>
    %dma_wait3A_277 = tpu.memref_squeeze %dma_wait3A_276 : memref<1x!tpu.dma_semaphore, #tpu.memory_space<semaphore_mem>> -> memref<!tpu.dma_semaphore, #tpu.memory_space<semaphore_mem>>
    %dma_wait3A_278 = arith.constant 0 : i32
    %dma_wait3A_279 = tpu.memref_slice %arg5[%mul3A_10, %dma_wait3A_278] : memref<16384x128xf32, #tpu.memory_space<hbm>> -> memref<128x128xf32, #tpu.memory_space<hbm>>
    %dma_wait3A_280 = arith.constant 0 : i32
    %dma_wait3A_281 = arith.constant 0 : i32
    %dma_wait3A_282 = tpu.memref_slice %arg8[%dma_wait3A_268, %dma_wait3A_280, %dma_wait3A_281] : memref<6x128x128xf32, #tpu.memory_space<vmem>> -> memref<1x128x128xf32, #tpu.memory_space<vmem>>
    %dma_wait3A_283 = tpu.memref_squeeze %dma_wait3A_282 : memref<1x128x128xf32, #tpu.memory_space<vmem>> -> memref<128x128xf32, #tpu.memory_space<vmem>>
    tpu.wait_dma2 semaphore(%dma_wait3A_277 : memref<!tpu.dma_semaphore, #tpu.memory_space<semaphore_mem>>) src(%dma_wait3A_283 : memref<128x128xf32, #tpu.memory_space<vmem>>) dst(%dma_wait3A_279 : memref<128x128xf32, #tpu.memory_space<hbm>>)
    %dma_start3A_284 = arith.constant 6 : i32
    %dma_start3A_285 = arith.constant 0 : i32
    %dma_start3A_286 = arith.constant 0 : i32
    %dma_start3A_287 = arith.constant 0 : i32
    %dma_start3A_288 = arith.constant 0 : i32
    %dma_start3A_289 = tpu.memref_slice %arg8[%dma_start3A_285, %dma_start3A_287, %dma_start3A_288] : memref<6x128x128xf32, #tpu.memory_space<vmem>> -> memref<1x128x128xf32, #tpu.memory_space<vmem>>
    %dma_start3A_290 = tpu.memref_squeeze %dma_start3A_289 : memref<1x128x128xf32, #tpu.memory_space<vmem>> -> memref<128x128xf32, #tpu.memory_space<vmem>>
    %dma_start3A_291 = arith.constant 0 : i32
    %dma_start3A_292 = tpu.memref_slice %arg7[%dma_start3A_284, %dma_start3A_291] : memref<24x128xi32, #tpu.memory_space<vmem>> -> memref<1x128xi32, #tpu.memory_space<vmem>>
    %dma_start3A_293 = tpu.memref_squeeze %dma_start3A_292 : memref<1x128xi32, #tpu.memory_space<vmem>> -> memref<128xi32, #tpu.memory_space<vmem>>
    %dma_start3A_294 = arith.constant 0 : i32
    %dma_start3A_295 = arith.constant 0 : i32
    %dma_start3A_296 = tpu.memref_slice %arg2[%dma_start3A_294, %dma_start3A_295] : memref<1000000x128xf32, #tpu.memory_space<hbm>> -> memref<1000000x128xf32, #tpu.memory_space<hbm>>
    %dma_start3A_297 = tpu.memref_slice %arg9[%dma_start3A_286] : memref<6x!tpu.dma_semaphore, #tpu.memory_space<semaphore_mem>> -> memref<1x!tpu.dma_semaphore, #tpu.memory_space<semaphore_mem>>
    %dma_start3A_298 = tpu.memref_squeeze %dma_start3A_297 : memref<1x!tpu.dma_semaphore, #tpu.memory_space<semaphore_mem>> -> memref<!tpu.dma_semaphore, #tpu.memory_space<semaphore_mem>>
    tpu.enqueue_indirect_dma source(%dma_start3A_296 : memref<1000000x128xf32, #tpu.memory_space<hbm>>) target(%dma_start3A_290 : memref<128x128xf32, #tpu.memory_space<vmem>>) offsets(%dma_start3A_293 : memref<128xi32, #tpu.memory_space<vmem>>) semaphore(%dma_start3A_298 : memref<!tpu.dma_semaphore, #tpu.memory_space<semaphore_mem>>)
    %dma_wait3A_299 = arith.constant 1 : i32
    %dma_wait3A_300 = arith.constant 1 : i32
    %dma_wait3A_301 = arith.constant 1 : i32
    %dma_wait3A_302 = arith.constant 0 : i32
    %dma_wait3A_303 = arith.constant 0 : i32
    %dma_wait3A_304 = tpu.memref_slice %arg8[%dma_wait3A_300, %dma_wait3A_302, %dma_wait3A_303] : memref<6x128x128xf32, #tpu.memory_space<vmem>> -> memref<1x128x128xf32, #tpu.memory_space<vmem>>
    %dma_wait3A_305 = tpu.memref_squeeze %dma_wait3A_304 : memref<1x128x128xf32, #tpu.memory_space<vmem>> -> memref<128x128xf32, #tpu.memory_space<vmem>>
    %dma_wait3A_306 = arith.constant 0 : i32
    %dma_wait3A_307 = tpu.memref_slice %arg7[%dma_wait3A_299, %dma_wait3A_306] : memref<24x128xi32, #tpu.memory_space<vmem>> -> memref<1x128xi32, #tpu.memory_space<vmem>>
    %dma_wait3A_308 = tpu.memref_squeeze %dma_wait3A_307 : memref<1x128xi32, #tpu.memory_space<vmem>> -> memref<128xi32, #tpu.memory_space<vmem>>
    %dma_wait3A_309 = arith.constant 0 : i32
    %dma_wait3A_310 = arith.constant 0 : i32
    %dma_wait3A_311 = tpu.memref_slice %arg2[%dma_wait3A_309, %dma_wait3A_310] : memref<1000000x128xf32, #tpu.memory_space<hbm>> -> memref<1000000x128xf32, #tpu.memory_space<hbm>>
    %dma_wait3A_312 = tpu.memref_slice %arg9[%dma_wait3A_301] : memref<6x!tpu.dma_semaphore, #tpu.memory_space<semaphore_mem>> -> memref<1x!tpu.dma_semaphore, #tpu.memory_space<semaphore_mem>>
    %dma_wait3A_313 = tpu.memref_squeeze %dma_wait3A_312 : memref<1x!tpu.dma_semaphore, #tpu.memory_space<semaphore_mem>> -> memref<!tpu.dma_semaphore, #tpu.memory_space<semaphore_mem>>
    tpu.wait_indirect_dma semaphore(%dma_wait3A_313 : memref<!tpu.dma_semaphore, #tpu.memory_space<semaphore_mem>>) src(%dma_wait3A_311 : memref<1000000x128xf32, #tpu.memory_space<hbm>>) dst(%dma_wait3A_305 : memref<128x128xf32, #tpu.memory_space<vmem>>)
    %dma_start3A_314 = arith.constant 1 : i32
    %dma_start3A_315 = arith.constant 1 : i32
    %dma_start3A_316 = arith.constant 0 : i32
    %dma_start3A_317 = arith.constant 0 : i32
    %dma_start3A_318 = tpu.memref_slice %arg8[%dma_start3A_314, %dma_start3A_316, %dma_start3A_317] : memref<6x128x128xf32, #tpu.memory_space<vmem>> -> memref<1x128x128xf32, #tpu.memory_space<vmem>>
    %dma_start3A_319 = tpu.memref_squeeze %dma_start3A_318 : memref<1x128x128xf32, #tpu.memory_space<vmem>> -> memref<128x128xf32, #tpu.memory_space<vmem>>
    %dma_start3A_320 = arith.constant 0 : i32
    %dma_start3A_321 = tpu.memref_slice %arg5[%mul3A_16, %dma_start3A_320] : memref<16384x128xf32, #tpu.memory_space<hbm>> -> memref<128x128xf32, #tpu.memory_space<hbm>>
    %dma_start3A_322 = tpu.memref_slice %arg10[%dma_start3A_315] : memref<6x!tpu.dma_semaphore, #tpu.memory_space<semaphore_mem>> -> memref<1x!tpu.dma_semaphore, #tpu.memory_space<semaphore_mem>>
    %dma_start3A_323 = tpu.memref_squeeze %dma_start3A_322 : memref<1x!tpu.dma_semaphore, #tpu.memory_space<semaphore_mem>> -> memref<!tpu.dma_semaphore, #tpu.memory_space<semaphore_mem>>
    %dma_start3A_324 = arith.constant 0 : i32
    %dma_start3A_325 = tpu.memref_slice %arg5[%mul3A_16, %dma_start3A_324] : memref<16384x128xf32, #tpu.memory_space<hbm>> -> memref<128x128xf32, #tpu.memory_space<hbm>>
    %dma_start3A_326 = arith.constant 0 : i32
    %dma_start3A_327 = arith.constant 0 : i32
    %dma_start3A_328 = tpu.memref_slice %arg8[%dma_start3A_314, %dma_start3A_326, %dma_start3A_327] : memref<6x128x128xf32, #tpu.memory_space<vmem>> -> memref<1x128x128xf32, #tpu.memory_space<vmem>>
    %dma_start3A_329 = tpu.memref_squeeze %dma_start3A_328 : memref<1x128x128xf32, #tpu.memory_space<vmem>> -> memref<128x128xf32, #tpu.memory_space<vmem>>
    tpu.enqueue_dma source(%dma_start3A_329 : memref<128x128xf32, #tpu.memory_space<vmem>>) target(%dma_start3A_325 : memref<128x128xf32, #tpu.memory_space<hbm>>) target_semaphore(%dma_start3A_323 : memref<!tpu.dma_semaphore, #tpu.memory_space<semaphore_mem>>)
    %dma_wait3A_330 = arith.constant 1 : i32
    %dma_wait3A_331 = arith.constant 1 : i32
    %dma_wait3A_332 = arith.constant 0 : i32
    %dma_wait3A_333 = arith.constant 0 : i32
    %dma_wait3A_334 = tpu.memref_slice %arg8[%dma_wait3A_330, %dma_wait3A_332, %dma_wait3A_333] : memref<6x128x128xf32, #tpu.memory_space<vmem>> -> memref<1x128x128xf32, #tpu.memory_space<vmem>>
    %dma_wait3A_335 = tpu.memref_squeeze %dma_wait3A_334 : memref<1x128x128xf32, #tpu.memory_space<vmem>> -> memref<128x128xf32, #tpu.memory_space<vmem>>
    %dma_wait3A_336 = arith.constant 0 : i32
    %dma_wait3A_337 = tpu.memref_slice %arg5[%mul3A_16, %dma_wait3A_336] : memref<16384x128xf32, #tpu.memory_space<hbm>> -> memref<128x128xf32, #tpu.memory_space<hbm>>
    %dma_wait3A_338 = tpu.memref_slice %arg10[%dma_wait3A_331] : memref<6x!tpu.dma_semaphore, #tpu.memory_space<semaphore_mem>> -> memref<1x!tpu.dma_semaphore, #tpu.memory_space<semaphore_mem>>
    %dma_wait3A_339 = tpu.memref_squeeze %dma_wait3A_338 : memref<1x!tpu.dma_semaphore, #tpu.memory_space<semaphore_mem>> -> memref<!tpu.dma_semaphore, #tpu.memory_space<semaphore_mem>>
    %dma_wait3A_340 = arith.constant 0 : i32
    %dma_wait3A_341 = tpu.memref_slice %arg5[%mul3A_16, %dma_wait3A_340] : memref<16384x128xf32, #tpu.memory_space<hbm>> -> memref<128x128xf32, #tpu.memory_space<hbm>>
    %dma_wait3A_342 = arith.constant 0 : i32
    %dma_wait3A_343 = arith.constant 0 : i32
    %dma_wait3A_344 = tpu.memref_slice %arg8[%dma_wait3A_330, %dma_wait3A_342, %dma_wait3A_343] : memref<6x128x128xf32, #tpu.memory_space<vmem>> -> memref<1x128x128xf32, #tpu.memory_space<vmem>>
    %dma_wait3A_345 = tpu.memref_squeeze %dma_wait3A_344 : memref<1x128x128xf32, #tpu.memory_space<vmem>> -> memref<128x128xf32, #tpu.memory_space<vmem>>
    tpu.wait_dma2 semaphore(%dma_wait3A_339 : memref<!tpu.dma_semaphore, #tpu.memory_space<semaphore_mem>>) src(%dma_wait3A_345 : memref<128x128xf32, #tpu.memory_space<vmem>>) dst(%dma_wait3A_341 : memref<128x128xf32, #tpu.memory_space<hbm>>)
    %dma_start3A_346 = arith.constant 7 : i32
    %dma_start3A_347 = arith.constant 1 : i32
    %dma_start3A_348 = arith.constant 1 : i32
    %dma_start3A_349 = arith.constant 0 : i32
    %dma_start3A_350 = arith.constant 0 : i32
    %dma_start3A_351 = tpu.memref_slice %arg8[%dma_start3A_347, %dma_start3A_349, %dma_start3A_350] : memref<6x128x128xf32, #tpu.memory_space<vmem>> -> memref<1x128x128xf32, #tpu.memory_space<vmem>>
    %dma_start3A_352 = tpu.memref_squeeze %dma_start3A_351 : memref<1x128x128xf32, #tpu.memory_space<vmem>> -> memref<128x128xf32, #tpu.memory_space<vmem>>
    %dma_start3A_353 = arith.constant 0 : i32
    %dma_start3A_354 = tpu.memref_slice %arg7[%dma_start3A_346, %dma_start3A_353] : memref<24x128xi32, #tpu.memory_space<vmem>> -> memref<1x128xi32, #tpu.memory_space<vmem>>
    %dma_start3A_355 = tpu.memref_squeeze %dma_start3A_354 : memref<1x128xi32, #tpu.memory_space<vmem>> -> memref<128xi32, #tpu.memory_space<vmem>>
    %dma_start3A_356 = arith.constant 0 : i32
    %dma_start3A_357 = arith.constant 0 : i32
    %dma_start3A_358 = tpu.memref_slice %arg2[%dma_start3A_356, %dma_start3A_357] : memref<1000000x128xf32, #tpu.memory_space<hbm>> -> memref<1000000x128xf32, #tpu.memory_space<hbm>>
    %dma_start3A_359 = tpu.memref_slice %arg9[%dma_start3A_348] : memref<6x!tpu.dma_semaphore, #tpu.memory_space<semaphore_mem>> -> memref<1x!tpu.dma_semaphore, #tpu.memory_space<semaphore_mem>>
    %dma_start3A_360 = tpu.memref_squeeze %dma_start3A_359 : memref<1x!tpu.dma_semaphore, #tpu.memory_space<semaphore_mem>> -> memref<!tpu.dma_semaphore, #tpu.memory_space<semaphore_mem>>
    tpu.enqueue_indirect_dma source(%dma_start3A_358 : memref<1000000x128xf32, #tpu.memory_space<hbm>>) target(%dma_start3A_352 : memref<128x128xf32, #tpu.memory_space<vmem>>) offsets(%dma_start3A_355 : memref<128xi32, #tpu.memory_space<vmem>>) semaphore(%dma_start3A_360 : memref<!tpu.dma_semaphore, #tpu.memory_space<semaphore_mem>>)
    %dma_wait3A_361 = arith.constant 2 : i32
    %dma_wait3A_362 = arith.constant 2 : i32
    %dma_wait3A_363 = arith.constant 2 : i32
    %dma_wait3A_364 = arith.constant 0 : i32
    %dma_wait3A_365 = arith.constant 0 : i32
    %dma_wait3A_366 = tpu.memref_slice %arg8[%dma_wait3A_362, %dma_wait3A_364, %dma_wait3A_365] : memref<6x128x128xf32, #tpu.memory_space<vmem>> -> memref<1x128x128xf32, #tpu.memory_space<vmem>>
    %dma_wait3A_367 = tpu.memref_squeeze %dma_wait3A_366 : memref<1x128x128xf32, #tpu.memory_space<vmem>> -> memref<128x128xf32, #tpu.memory_space<vmem>>
    %dma_wait3A_368 = arith.constant 0 : i32
    %dma_wait3A_369 = tpu.memref_slice %arg7[%dma_wait3A_361, %dma_wait3A_368] : memref<24x128xi32, #tpu.memory_space<vmem>> -> memref<1x128xi32, #tpu.memory_space<vmem>>
    %dma_wait3A_370 = tpu.memref_squeeze %dma_wait3A_369 : memref<1x128xi32, #tpu.memory_space<vmem>> -> memref<128xi32, #tpu.memory_space<vmem>>
    %dma_wait3A_371 = arith.constant 0 : i32
    %dma_wait3A_372 = arith.constant 0 : i32
    %dma_wait3A_373 = tpu.memref_slice %arg2[%dma_wait3A_371, %dma_wait3A_372] : memref<1000000x128xf32, #tpu.memory_space<hbm>> -> memref<1000000x128xf32, #tpu.memory_space<hbm>>
    %dma_wait3A_374 = tpu.memref_slice %arg9[%dma_wait3A_363] : memref<6x!tpu.dma_semaphore, #tpu.memory_space<semaphore_mem>> -> memref<1x!tpu.dma_semaphore, #tpu.memory_space<semaphore_mem>>
    %dma_wait3A_375 = tpu.memref_squeeze %dma_wait3A_374 : memref<1x!tpu.dma_semaphore, #tpu.memory_space<semaphore_mem>> -> memref<!tpu.dma_semaphore, #tpu.memory_space<semaphore_mem>>
    tpu.wait_indirect_dma semaphore(%dma_wait3A_375 : memref<!tpu.dma_semaphore, #tpu.memory_space<semaphore_mem>>) src(%dma_wait3A_373 : memref<1000000x128xf32, #tpu.memory_space<hbm>>) dst(%dma_wait3A_367 : memref<128x128xf32, #tpu.memory_space<vmem>>)
    %dma_start3A_376 = arith.constant 2 : i32
    %dma_start3A_377 = arith.constant 2 : i32
    %dma_start3A_378 = arith.constant 0 : i32
    %dma_start3A_379 = arith.constant 0 : i32
    %dma_start3A_380 = tpu.memref_slice %arg8[%dma_start3A_376, %dma_start3A_378, %dma_start3A_379] : memref<6x128x128xf32, #tpu.memory_space<vmem>> -> memref<1x128x128xf32, #tpu.memory_space<vmem>>
    %dma_start3A_381 = tpu.memref_squeeze %dma_start3A_380 : memref<1x128x128xf32, #tpu.memory_space<vmem>> -> memref<128x128xf32, #tpu.memory_space<vmem>>
    %dma_start3A_382 = arith.constant 0 : i32
    %dma_start3A_383 = tpu.memref_slice %arg5[%mul3A_22, %dma_start3A_382] : memref<16384x128xf32, #tpu.memory_space<hbm>> -> memref<128x128xf32, #tpu.memory_space<hbm>>
    %dma_start3A_384 = tpu.memref_slice %arg10[%dma_start3A_377] : memref<6x!tpu.dma_semaphore, #tpu.memory_space<semaphore_mem>> -> memref<1x!tpu.dma_semaphore, #tpu.memory_space<semaphore_mem>>
    %dma_start3A_385 = tpu.memref_squeeze %dma_start3A_384 : memref<1x!tpu.dma_semaphore, #tpu.memory_space<semaphore_mem>> -> memref<!tpu.dma_semaphore, #tpu.memory_space<semaphore_mem>>
    %dma_start3A_386 = arith.constant 0 : i32
    %dma_start3A_387 = tpu.memref_slice %arg5[%mul3A_22, %dma_start3A_386] : memref<16384x128xf32, #tpu.memory_space<hbm>> -> memref<128x128xf32, #tpu.memory_space<hbm>>
    %dma_start3A_388 = arith.constant 0 : i32
    %dma_start3A_389 = arith.constant 0 : i32
    %dma_start3A_390 = tpu.memref_slice %arg8[%dma_start3A_376, %dma_start3A_388, %dma_start3A_389] : memref<6x128x128xf32, #tpu.memory_space<vmem>> -> memref<1x128x128xf32, #tpu.memory_space<vmem>>
    %dma_start3A_391 = tpu.memref_squeeze %dma_start3A_390 : memref<1x128x128xf32, #tpu.memory_space<vmem>> -> memref<128x128xf32, #tpu.memory_space<vmem>>
    tpu.enqueue_dma source(%dma_start3A_391 : memref<128x128xf32, #tpu.memory_space<vmem>>) target(%dma_start3A_387 : memref<128x128xf32, #tpu.memory_space<hbm>>) target_semaphore(%dma_start3A_385 : memref<!tpu.dma_semaphore, #tpu.memory_space<semaphore_mem>>)
    %dma_wait3A_392 = arith.constant 2 : i32
    %dma_wait3A_393 = arith.constant 2 : i32
    %dma_wait3A_394 = arith.constant 0 : i32
    %dma_wait3A_395 = arith.constant 0 : i32
    %dma_wait3A_396 = tpu.memref_slice %arg8[%dma_wait3A_392, %dma_wait3A_394, %dma_wait3A_395] : memref<6x128x128xf32, #tpu.memory_space<vmem>> -> memref<1x128x128xf32, #tpu.memory_space<vmem>>
    %dma_wait3A_397 = tpu.memref_squeeze %dma_wait3A_396 : memref<1x128x128xf32, #tpu.memory_space<vmem>> -> memref<128x128xf32, #tpu.memory_space<vmem>>
    %dma_wait3A_398 = arith.constant 0 : i32
    %dma_wait3A_399 = tpu.memref_slice %arg5[%mul3A_22, %dma_wait3A_398] : memref<16384x128xf32, #tpu.memory_space<hbm>> -> memref<128x128xf32, #tpu.memory_space<hbm>>
    %dma_wait3A_400 = tpu.memref_slice %arg10[%dma_wait3A_393] : memref<6x!tpu.dma_semaphore, #tpu.memory_space<semaphore_mem>> -> memref<1x!tpu.dma_semaphore, #tpu.memory_space<semaphore_mem>>
    %dma_wait3A_401 = tpu.memref_squeeze %dma_wait3A_400 : memref<1x!tpu.dma_semaphore, #tpu.memory_space<semaphore_mem>> -> memref<!tpu.dma_semaphore, #tpu.memory_space<semaphore_mem>>
    %dma_wait3A_402 = arith.constant 0 : i32
    %dma_wait3A_403 = tpu.memref_slice %arg5[%mul3A_22, %dma_wait3A_402] : memref<16384x128xf32, #tpu.memory_space<hbm>> -> memref<128x128xf32, #tpu.memory_space<hbm>>
    %dma_wait3A_404 = arith.constant 0 : i32
    %dma_wait3A_405 = arith.constant 0 : i32
    %dma_wait3A_406 = tpu.memref_slice %arg8[%dma_wait3A_392, %dma_wait3A_404, %dma_wait3A_405] : memref<6x128x128xf32, #tpu.memory_space<vmem>> -> memref<1x128x128xf32, #tpu.memory_space<vmem>>
    %dma_wait3A_407 = tpu.memref_squeeze %dma_wait3A_406 : memref<1x128x128xf32, #tpu.memory_space<vmem>> -> memref<128x128xf32, #tpu.memory_space<vmem>>
    tpu.wait_dma2 semaphore(%dma_wait3A_401 : memref<!tpu.dma_semaphore, #tpu.memory_space<semaphore_mem>>) src(%dma_wait3A_407 : memref<128x128xf32, #tpu.memory_space<vmem>>) dst(%dma_wait3A_403 : memref<128x128xf32, #tpu.memory_space<hbm>>)
    %dma_start3A_408 = arith.constant 8 : i32
    %dma_start3A_409 = arith.constant 2 : i32
    %dma_start3A_410 = arith.constant 2 : i32
    %dma_start3A_411 = arith.constant 0 : i32
    %dma_start3A_412 = arith.constant 0 : i32
    %dma_start3A_413 = tpu.memref_slice %arg8[%dma_start3A_409, %dma_start3A_411, %dma_start3A_412] : memref<6x128x128xf32, #tpu.memory_space<vmem>> -> memref<1x128x128xf32, #tpu.memory_space<vmem>>
    %dma_start3A_414 = tpu.memref_squeeze %dma_start3A_413 : memref<1x128x128xf32, #tpu.memory_space<vmem>> -> memref<128x128xf32, #tpu.memory_space<vmem>>
    %dma_start3A_415 = arith.constant 0 : i32
    %dma_start3A_416 = tpu.memref_slice %arg7[%dma_start3A_408, %dma_start3A_415] : memref<24x128xi32, #tpu.memory_space<vmem>> -> memref<1x128xi32, #tpu.memory_space<vmem>>
    %dma_start3A_417 = tpu.memref_squeeze %dma_start3A_416 : memref<1x128xi32, #tpu.memory_space<vmem>> -> memref<128xi32, #tpu.memory_space<vmem>>
    %dma_start3A_418 = arith.constant 0 : i32
    %dma_start3A_419 = arith.constant 0 : i32
    %dma_start3A_420 = tpu.memref_slice %arg2[%dma_start3A_418, %dma_start3A_419] : memref<1000000x128xf32, #tpu.memory_space<hbm>> -> memref<1000000x128xf32, #tpu.memory_space<hbm>>
    %dma_start3A_421 = tpu.memref_slice %arg9[%dma_start3A_410] : memref<6x!tpu.dma_semaphore, #tpu.memory_space<semaphore_mem>> -> memref<1x!tpu.dma_semaphore, #tpu.memory_space<semaphore_mem>>
    %dma_start3A_422 = tpu.memref_squeeze %dma_start3A_421 : memref<1x!tpu.dma_semaphore, #tpu.memory_space<semaphore_mem>> -> memref<!tpu.dma_semaphore, #tpu.memory_space<semaphore_mem>>
    tpu.enqueue_indirect_dma source(%dma_start3A_420 : memref<1000000x128xf32, #tpu.memory_space<hbm>>) target(%dma_start3A_414 : memref<128x128xf32, #tpu.memory_space<vmem>>) offsets(%dma_start3A_417 : memref<128xi32, #tpu.memory_space<vmem>>) semaphore(%dma_start3A_422 : memref<!tpu.dma_semaphore, #tpu.memory_space<semaphore_mem>>)
    %dma_wait3A_423 = arith.constant 3 : i32
    %dma_wait3A_424 = arith.constant 3 : i32
    %dma_wait3A_425 = arith.constant 3 : i32
    %dma_wait3A_426 = arith.constant 0 : i32
    %dma_wait3A_427 = arith.constant 0 : i32
    %dma_wait3A_428 = tpu.memref_slice %arg8[%dma_wait3A_424, %dma_wait3A_426, %dma_wait3A_427] : memref<6x128x128xf32, #tpu.memory_space<vmem>> -> memref<1x128x128xf32, #tpu.memory_space<vmem>>
    %dma_wait3A_429 = tpu.memref_squeeze %dma_wait3A_428 : memref<1x128x128xf32, #tpu.memory_space<vmem>> -> memref<128x128xf32, #tpu.memory_space<vmem>>
    %dma_wait3A_430 = arith.constant 0 : i32
    %dma_wait3A_431 = tpu.memref_slice %arg7[%dma_wait3A_423, %dma_wait3A_430] : memref<24x128xi32, #tpu.memory_space<vmem>> -> memref<1x128xi32, #tpu.memory_space<vmem>>
    %dma_wait3A_432 = tpu.memref_squeeze %dma_wait3A_431 : memref<1x128xi32, #tpu.memory_space<vmem>> -> memref<128xi32, #tpu.memory_space<vmem>>
    %dma_wait3A_433 = arith.constant 0 : i32
    %dma_wait3A_434 = arith.constant 0 : i32
    %dma_wait3A_435 = tpu.memref_slice %arg2[%dma_wait3A_433, %dma_wait3A_434] : memref<1000000x128xf32, #tpu.memory_space<hbm>> -> memref<1000000x128xf32, #tpu.memory_space<hbm>>
    %dma_wait3A_436 = tpu.memref_slice %arg9[%dma_wait3A_425] : memref<6x!tpu.dma_semaphore, #tpu.memory_space<semaphore_mem>> -> memref<1x!tpu.dma_semaphore, #tpu.memory_space<semaphore_mem>>
    %dma_wait3A_437 = tpu.memref_squeeze %dma_wait3A_436 : memref<1x!tpu.dma_semaphore, #tpu.memory_space<semaphore_mem>> -> memref<!tpu.dma_semaphore, #tpu.memory_space<semaphore_mem>>
    tpu.wait_indirect_dma semaphore(%dma_wait3A_437 : memref<!tpu.dma_semaphore, #tpu.memory_space<semaphore_mem>>) src(%dma_wait3A_435 : memref<1000000x128xf32, #tpu.memory_space<hbm>>) dst(%dma_wait3A_429 : memref<128x128xf32, #tpu.memory_space<vmem>>)
    %dma_start3A_438 = arith.constant 3 : i32
    %dma_start3A_439 = arith.constant 3 : i32
    %dma_start3A_440 = arith.constant 0 : i32
    %dma_start3A_441 = arith.constant 0 : i32
    %dma_start3A_442 = tpu.memref_slice %arg8[%dma_start3A_438, %dma_start3A_440, %dma_start3A_441] : memref<6x128x128xf32, #tpu.memory_space<vmem>> -> memref<1x128x128xf32, #tpu.memory_space<vmem>>
    %dma_start3A_443 = tpu.memref_squeeze %dma_start3A_442 : memref<1x128x128xf32, #tpu.memory_space<vmem>> -> memref<128x128xf32, #tpu.memory_space<vmem>>
    %dma_start3A_444 = arith.constant 0 : i32
    %dma_start3A_445 = tpu.memref_slice %arg5[%mul3A_28, %dma_start3A_444] : memref<16384x128xf32, #tpu.memory_space<hbm>> -> memref<128x128xf32, #tpu.memory_space<hbm>>
    %dma_start3A_446 = tpu.memref_slice %arg10[%dma_start3A_439] : memref<6x!tpu.dma_semaphore, #tpu.memory_space<semaphore_mem>> -> memref<1x!tpu.dma_semaphore, #tpu.memory_space<semaphore_mem>>
    %dma_start3A_447 = tpu.memref_squeeze %dma_start3A_446 : memref<1x!tpu.dma_semaphore, #tpu.memory_space<semaphore_mem>> -> memref<!tpu.dma_semaphore, #tpu.memory_space<semaphore_mem>>
    %dma_start3A_448 = arith.constant 0 : i32
    %dma_start3A_449 = tpu.memref_slice %arg5[%mul3A_28, %dma_start3A_448] : memref<16384x128xf32, #tpu.memory_space<hbm>> -> memref<128x128xf32, #tpu.memory_space<hbm>>
    %dma_start3A_450 = arith.constant 0 : i32
    %dma_start3A_451 = arith.constant 0 : i32
    %dma_start3A_452 = tpu.memref_slice %arg8[%dma_start3A_438, %dma_start3A_450, %dma_start3A_451] : memref<6x128x128xf32, #tpu.memory_space<vmem>> -> memref<1x128x128xf32, #tpu.memory_space<vmem>>
    %dma_start3A_453 = tpu.memref_squeeze %dma_start3A_452 : memref<1x128x128xf32, #tpu.memory_space<vmem>> -> memref<128x128xf32, #tpu.memory_space<vmem>>
    tpu.enqueue_dma source(%dma_start3A_453 : memref<128x128xf32, #tpu.memory_space<vmem>>) target(%dma_start3A_449 : memref<128x128xf32, #tpu.memory_space<hbm>>) target_semaphore(%dma_start3A_447 : memref<!tpu.dma_semaphore, #tpu.memory_space<semaphore_mem>>)
    %dma_wait3A_454 = arith.constant 3 : i32
    %dma_wait3A_455 = arith.constant 3 : i32
    %dma_wait3A_456 = arith.constant 0 : i32
    %dma_wait3A_457 = arith.constant 0 : i32
    %dma_wait3A_458 = tpu.memref_slice %arg8[%dma_wait3A_454, %dma_wait3A_456, %dma_wait3A_457] : memref<6x128x128xf32, #tpu.memory_space<vmem>> -> memref<1x128x128xf32, #tpu.memory_space<vmem>>
    %dma_wait3A_459 = tpu.memref_squeeze %dma_wait3A_458 : memref<1x128x128xf32, #tpu.memory_space<vmem>> -> memref<128x128xf32, #tpu.memory_space<vmem>>
    %dma_wait3A_460 = arith.constant 0 : i32
    %dma_wait3A_461 = tpu.memref_slice %arg5[%mul3A_28, %dma_wait3A_460] : memref<16384x128xf32, #tpu.memory_space<hbm>> -> memref<128x128xf32, #tpu.memory_space<hbm>>
    %dma_wait3A_462 = tpu.memref_slice %arg10[%dma_wait3A_455] : memref<6x!tpu.dma_semaphore, #tpu.memory_space<semaphore_mem>> -> memref<1x!tpu.dma_semaphore, #tpu.memory_space<semaphore_mem>>
    %dma_wait3A_463 = tpu.memref_squeeze %dma_wait3A_462 : memref<1x!tpu.dma_semaphore, #tpu.memory_space<semaphore_mem>> -> memref<!tpu.dma_semaphore, #tpu.memory_space<semaphore_mem>>
    %dma_wait3A_464 = arith.constant 0 : i32
    %dma_wait3A_465 = tpu.memref_slice %arg5[%mul3A_28, %dma_wait3A_464] : memref<16384x128xf32, #tpu.memory_space<hbm>> -> memref<128x128xf32, #tpu.memory_space<hbm>>
    %dma_wait3A_466 = arith.constant 0 : i32
    %dma_wait3A_467 = arith.constant 0 : i32
    %dma_wait3A_468 = tpu.memref_slice %arg8[%dma_wait3A_454, %dma_wait3A_466, %dma_wait3A_467] : memref<6x128x128xf32, #tpu.memory_space<vmem>> -> memref<1x128x128xf32, #tpu.memory_space<vmem>>
    %dma_wait3A_469 = tpu.memref_squeeze %dma_wait3A_468 : memref<1x128x128xf32, #tpu.memory_space<vmem>> -> memref<128x128xf32, #tpu.memory_space<vmem>>
    tpu.wait_dma2 semaphore(%dma_wait3A_463 : memref<!tpu.dma_semaphore, #tpu.memory_space<semaphore_mem>>) src(%dma_wait3A_469 : memref<128x128xf32, #tpu.memory_space<vmem>>) dst(%dma_wait3A_465 : memref<128x128xf32, #tpu.memory_space<hbm>>)
    %dma_start3A_470 = arith.constant 9 : i32
    %dma_start3A_471 = arith.constant 3 : i32
    %dma_start3A_472 = arith.constant 3 : i32
    %dma_start3A_473 = arith.constant 0 : i32
    %dma_start3A_474 = arith.constant 0 : i32
    %dma_start3A_475 = tpu.memref_slice %arg8[%dma_start3A_471, %dma_start3A_473, %dma_start3A_474] : memref<6x128x128xf32, #tpu.memory_space<vmem>> -> memref<1x128x128xf32, #tpu.memory_space<vmem>>
    %dma_start3A_476 = tpu.memref_squeeze %dma_start3A_475 : memref<1x128x128xf32, #tpu.memory_space<vmem>> -> memref<128x128xf32, #tpu.memory_space<vmem>>
    %dma_start3A_477 = arith.constant 0 : i32
    %dma_start3A_478 = tpu.memref_slice %arg7[%dma_start3A_470, %dma_start3A_477] : memref<24x128xi32, #tpu.memory_space<vmem>> -> memref<1x128xi32, #tpu.memory_space<vmem>>
    %dma_start3A_479 = tpu.memref_squeeze %dma_start3A_478 : memref<1x128xi32, #tpu.memory_space<vmem>> -> memref<128xi32, #tpu.memory_space<vmem>>
    %dma_start3A_480 = arith.constant 0 : i32
    %dma_start3A_481 = arith.constant 0 : i32
    %dma_start3A_482 = tpu.memref_slice %arg2[%dma_start3A_480, %dma_start3A_481] : memref<1000000x128xf32, #tpu.memory_space<hbm>> -> memref<1000000x128xf32, #tpu.memory_space<hbm>>
    %dma_start3A_483 = tpu.memref_slice %arg9[%dma_start3A_472] : memref<6x!tpu.dma_semaphore, #tpu.memory_space<semaphore_mem>> -> memref<1x!tpu.dma_semaphore, #tpu.memory_space<semaphore_mem>>
    %dma_start3A_484 = tpu.memref_squeeze %dma_start3A_483 : memref<1x!tpu.dma_semaphore, #tpu.memory_space<semaphore_mem>> -> memref<!tpu.dma_semaphore, #tpu.memory_space<semaphore_mem>>
    tpu.enqueue_indirect_dma source(%dma_start3A_482 : memref<1000000x128xf32, #tpu.memory_space<hbm>>) target(%dma_start3A_476 : memref<128x128xf32, #tpu.memory_space<vmem>>) offsets(%dma_start3A_479 : memref<128xi32, #tpu.memory_space<vmem>>) semaphore(%dma_start3A_484 : memref<!tpu.dma_semaphore, #tpu.memory_space<semaphore_mem>>)
    %dma_wait3A_485 = arith.constant 4 : i32
    %dma_wait3A_486 = arith.constant 4 : i32
    %dma_wait3A_487 = arith.constant 4 : i32
    %dma_wait3A_488 = arith.constant 0 : i32
    %dma_wait3A_489 = arith.constant 0 : i32
    %dma_wait3A_490 = tpu.memref_slice %arg8[%dma_wait3A_486, %dma_wait3A_488, %dma_wait3A_489] : memref<6x128x128xf32, #tpu.memory_space<vmem>> -> memref<1x128x128xf32, #tpu.memory_space<vmem>>
    %dma_wait3A_491 = tpu.memref_squeeze %dma_wait3A_490 : memref<1x128x128xf32, #tpu.memory_space<vmem>> -> memref<128x128xf32, #tpu.memory_space<vmem>>
    %dma_wait3A_492 = arith.constant 0 : i32
    %dma_wait3A_493 = tpu.memref_slice %arg7[%dma_wait3A_485, %dma_wait3A_492] : memref<24x128xi32, #tpu.memory_space<vmem>> -> memref<1x128xi32, #tpu.memory_space<vmem>>
    %dma_wait3A_494 = tpu.memref_squeeze %dma_wait3A_493 : memref<1x128xi32, #tpu.memory_space<vmem>> -> memref<128xi32, #tpu.memory_space<vmem>>
    %dma_wait3A_495 = arith.constant 0 : i32
    %dma_wait3A_496 = arith.constant 0 : i32
    %dma_wait3A_497 = tpu.memref_slice %arg2[%dma_wait3A_495, %dma_wait3A_496] : memref<1000000x128xf32, #tpu.memory_space<hbm>> -> memref<1000000x128xf32, #tpu.memory_space<hbm>>
    %dma_wait3A_498 = tpu.memref_slice %arg9[%dma_wait3A_487] : memref<6x!tpu.dma_semaphore, #tpu.memory_space<semaphore_mem>> -> memref<1x!tpu.dma_semaphore, #tpu.memory_space<semaphore_mem>>
    %dma_wait3A_499 = tpu.memref_squeeze %dma_wait3A_498 : memref<1x!tpu.dma_semaphore, #tpu.memory_space<semaphore_mem>> -> memref<!tpu.dma_semaphore, #tpu.memory_space<semaphore_mem>>
    tpu.wait_indirect_dma semaphore(%dma_wait3A_499 : memref<!tpu.dma_semaphore, #tpu.memory_space<semaphore_mem>>) src(%dma_wait3A_497 : memref<1000000x128xf32, #tpu.memory_space<hbm>>) dst(%dma_wait3A_491 : memref<128x128xf32, #tpu.memory_space<vmem>>)
    %dma_start3A_500 = arith.constant 4 : i32
    %dma_start3A_501 = arith.constant 4 : i32
    %dma_start3A_502 = arith.constant 0 : i32
    %dma_start3A_503 = arith.constant 0 : i32
    %dma_start3A_504 = tpu.memref_slice %arg8[%dma_start3A_500, %dma_start3A_502, %dma_start3A_503] : memref<6x128x128xf32, #tpu.memory_space<vmem>> -> memref<1x128x128xf32, #tpu.memory_space<vmem>>
    %dma_start3A_505 = tpu.memref_squeeze %dma_start3A_504 : memref<1x128x128xf32, #tpu.memory_space<vmem>> -> memref<128x128xf32, #tpu.memory_space<vmem>>
    %dma_start3A_506 = arith.constant 0 : i32
    %dma_start3A_507 = tpu.memref_slice %arg6[%mul3A_34, %dma_start3A_506] : memref<81920x128xf32, #tpu.memory_space<hbm>> -> memref<128x128xf32, #tpu.memory_space<hbm>>
    %dma_start3A_508 = tpu.memref_slice %arg10[%dma_start3A_501] : memref<6x!tpu.dma_semaphore, #tpu.memory_space<semaphore_mem>> -> memref<1x!tpu.dma_semaphore, #tpu.memory_space<semaphore_mem>>
    %dma_start3A_509 = tpu.memref_squeeze %dma_start3A_508 : memref<1x!tpu.dma_semaphore, #tpu.memory_space<semaphore_mem>> -> memref<!tpu.dma_semaphore, #tpu.memory_space<semaphore_mem>>
    %dma_start3A_510 = arith.constant 0 : i32
    %dma_start3A_511 = tpu.memref_slice %arg6[%mul3A_34, %dma_start3A_510] : memref<81920x128xf32, #tpu.memory_space<hbm>> -> memref<128x128xf32, #tpu.memory_space<hbm>>
    %dma_start3A_512 = arith.constant 0 : i32
    %dma_start3A_513 = arith.constant 0 : i32
    %dma_start3A_514 = tpu.memref_slice %arg8[%dma_start3A_500, %dma_start3A_512, %dma_start3A_513] : memref<6x128x128xf32, #tpu.memory_space<vmem>> -> memref<1x128x128xf32, #tpu.memory_space<vmem>>
    %dma_start3A_515 = tpu.memref_squeeze %dma_start3A_514 : memref<1x128x128xf32, #tpu.memory_space<vmem>> -> memref<128x128xf32, #tpu.memory_space<vmem>>
    tpu.enqueue_dma source(%dma_start3A_515 : memref<128x128xf32, #tpu.memory_space<vmem>>) target(%dma_start3A_511 : memref<128x128xf32, #tpu.memory_space<hbm>>) target_semaphore(%dma_start3A_509 : memref<!tpu.dma_semaphore, #tpu.memory_space<semaphore_mem>>)
    %dma_wait3A_516 = arith.constant 4 : i32
    %dma_wait3A_517 = arith.constant 4 : i32
    %dma_wait3A_518 = arith.constant 0 : i32
    %dma_wait3A_519 = arith.constant 0 : i32
    %dma_wait3A_520 = tpu.memref_slice %arg8[%dma_wait3A_516, %dma_wait3A_518, %dma_wait3A_519] : memref<6x128x128xf32, #tpu.memory_space<vmem>> -> memref<1x128x128xf32, #tpu.memory_space<vmem>>
    %dma_wait3A_521 = tpu.memref_squeeze %dma_wait3A_520 : memref<1x128x128xf32, #tpu.memory_space<vmem>> -> memref<128x128xf32, #tpu.memory_space<vmem>>
    %dma_wait3A_522 = arith.constant 0 : i32
    %dma_wait3A_523 = tpu.memref_slice %arg6[%mul3A_34, %dma_wait3A_522] : memref<81920x128xf32, #tpu.memory_space<hbm>> -> memref<128x128xf32, #tpu.memory_space<hbm>>
    %dma_wait3A_524 = tpu.memref_slice %arg10[%dma_wait3A_517] : memref<6x!tpu.dma_semaphore, #tpu.memory_space<semaphore_mem>> -> memref<1x!tpu.dma_semaphore, #tpu.memory_space<semaphore_mem>>
    %dma_wait3A_525 = tpu.memref_squeeze %dma_wait3A_524 : memref<1x!tpu.dma_semaphore, #tpu.memory_space<semaphore_mem>> -> memref<!tpu.dma_semaphore, #tpu.memory_space<semaphore_mem>>
    %dma_wait3A_526 = arith.constant 0 : i32
    %dma_wait3A_527 = tpu.memref_slice %arg6[%mul3A_34, %dma_wait3A_526] : memref<81920x128xf32, #tpu.memory_space<hbm>> -> memref<128x128xf32, #tpu.memory_space<hbm>>
    %dma_wait3A_528 = arith.constant 0 : i32
    %dma_wait3A_529 = arith.constant 0 : i32
    %dma_wait3A_530 = tpu.memref_slice %arg8[%dma_wait3A_516, %dma_wait3A_528, %dma_wait3A_529] : memref<6x128x128xf32, #tpu.memory_space<vmem>> -> memref<1x128x128xf32, #tpu.memory_space<vmem>>
    %dma_wait3A_531 = tpu.memref_squeeze %dma_wait3A_530 : memref<1x128x128xf32, #tpu.memory_space<vmem>> -> memref<128x128xf32, #tpu.memory_space<vmem>>
    tpu.wait_dma2 semaphore(%dma_wait3A_525 : memref<!tpu.dma_semaphore, #tpu.memory_space<semaphore_mem>>) src(%dma_wait3A_531 : memref<128x128xf32, #tpu.memory_space<vmem>>) dst(%dma_wait3A_527 : memref<128x128xf32, #tpu.memory_space<hbm>>)
    %dma_start3A_532 = arith.constant 10 : i32
    %dma_start3A_533 = arith.constant 4 : i32
    %dma_start3A_534 = arith.constant 4 : i32
    %dma_start3A_535 = arith.constant 0 : i32
    %dma_start3A_536 = arith.constant 0 : i32
    %dma_start3A_537 = tpu.memref_slice %arg8[%dma_start3A_533, %dma_start3A_535, %dma_start3A_536] : memref<6x128x128xf32, #tpu.memory_space<vmem>> -> memref<1x128x128xf32, #tpu.memory_space<vmem>>
    %dma_start3A_538 = tpu.memref_squeeze %dma_start3A_537 : memref<1x128x128xf32, #tpu.memory_space<vmem>> -> memref<128x128xf32, #tpu.memory_space<vmem>>
    %dma_start3A_539 = arith.constant 0 : i32
    %dma_start3A_540 = tpu.memref_slice %arg7[%dma_start3A_532, %dma_start3A_539] : memref<24x128xi32, #tpu.memory_space<vmem>> -> memref<1x128xi32, #tpu.memory_space<vmem>>
    %dma_start3A_541 = tpu.memref_squeeze %dma_start3A_540 : memref<1x128xi32, #tpu.memory_space<vmem>> -> memref<128xi32, #tpu.memory_space<vmem>>
    %dma_start3A_542 = arith.constant 0 : i32
    %dma_start3A_543 = arith.constant 0 : i32
    %dma_start3A_544 = tpu.memref_slice %arg2[%dma_start3A_542, %dma_start3A_543] : memref<1000000x128xf32, #tpu.memory_space<hbm>> -> memref<1000000x128xf32, #tpu.memory_space<hbm>>
    %dma_start3A_545 = tpu.memref_slice %arg9[%dma_start3A_534] : memref<6x!tpu.dma_semaphore, #tpu.memory_space<semaphore_mem>> -> memref<1x!tpu.dma_semaphore, #tpu.memory_space<semaphore_mem>>
    %dma_start3A_546 = tpu.memref_squeeze %dma_start3A_545 : memref<1x!tpu.dma_semaphore, #tpu.memory_space<semaphore_mem>> -> memref<!tpu.dma_semaphore, #tpu.memory_space<semaphore_mem>>
    tpu.enqueue_indirect_dma source(%dma_start3A_544 : memref<1000000x128xf32, #tpu.memory_space<hbm>>) target(%dma_start3A_538 : memref<128x128xf32, #tpu.memory_space<vmem>>) offsets(%dma_start3A_541 : memref<128xi32, #tpu.memory_space<vmem>>) semaphore(%dma_start3A_546 : memref<!tpu.dma_semaphore, #tpu.memory_space<semaphore_mem>>)
    %dma_wait3A_547 = arith.constant 5 : i32
    %dma_wait3A_548 = arith.constant 5 : i32
    %dma_wait3A_549 = arith.constant 5 : i32
    %dma_wait3A_550 = arith.constant 0 : i32
    %dma_wait3A_551 = arith.constant 0 : i32
    %dma_wait3A_552 = tpu.memref_slice %arg8[%dma_wait3A_548, %dma_wait3A_550, %dma_wait3A_551] : memref<6x128x128xf32, #tpu.memory_space<vmem>> -> memref<1x128x128xf32, #tpu.memory_space<vmem>>
    %dma_wait3A_553 = tpu.memref_squeeze %dma_wait3A_552 : memref<1x128x128xf32, #tpu.memory_space<vmem>> -> memref<128x128xf32, #tpu.memory_space<vmem>>
    %dma_wait3A_554 = arith.constant 0 : i32
    %dma_wait3A_555 = tpu.memref_slice %arg7[%dma_wait3A_547, %dma_wait3A_554] : memref<24x128xi32, #tpu.memory_space<vmem>> -> memref<1x128xi32, #tpu.memory_space<vmem>>
    %dma_wait3A_556 = tpu.memref_squeeze %dma_wait3A_555 : memref<1x128xi32, #tpu.memory_space<vmem>> -> memref<128xi32, #tpu.memory_space<vmem>>
    %dma_wait3A_557 = arith.constant 0 : i32
    %dma_wait3A_558 = arith.constant 0 : i32
    %dma_wait3A_559 = tpu.memref_slice %arg2[%dma_wait3A_557, %dma_wait3A_558] : memref<1000000x128xf32, #tpu.memory_space<hbm>> -> memref<1000000x128xf32, #tpu.memory_space<hbm>>
    %dma_wait3A_560 = tpu.memref_slice %arg9[%dma_wait3A_549] : memref<6x!tpu.dma_semaphore, #tpu.memory_space<semaphore_mem>> -> memref<1x!tpu.dma_semaphore, #tpu.memory_space<semaphore_mem>>
    %dma_wait3A_561 = tpu.memref_squeeze %dma_wait3A_560 : memref<1x!tpu.dma_semaphore, #tpu.memory_space<semaphore_mem>> -> memref<!tpu.dma_semaphore, #tpu.memory_space<semaphore_mem>>
    tpu.wait_indirect_dma semaphore(%dma_wait3A_561 : memref<!tpu.dma_semaphore, #tpu.memory_space<semaphore_mem>>) src(%dma_wait3A_559 : memref<1000000x128xf32, #tpu.memory_space<hbm>>) dst(%dma_wait3A_553 : memref<128x128xf32, #tpu.memory_space<vmem>>)
    %dma_start3A_562 = arith.constant 5 : i32
    %dma_start3A_563 = arith.constant 5 : i32
    %dma_start3A_564 = arith.constant 0 : i32
    %dma_start3A_565 = arith.constant 0 : i32
    %dma_start3A_566 = tpu.memref_slice %arg8[%dma_start3A_562, %dma_start3A_564, %dma_start3A_565] : memref<6x128x128xf32, #tpu.memory_space<vmem>> -> memref<1x128x128xf32, #tpu.memory_space<vmem>>
    %dma_start3A_567 = tpu.memref_squeeze %dma_start3A_566 : memref<1x128x128xf32, #tpu.memory_space<vmem>> -> memref<128x128xf32, #tpu.memory_space<vmem>>
    %dma_start3A_568 = arith.constant 0 : i32
    %dma_start3A_569 = tpu.memref_slice %arg6[%mul3A_40, %dma_start3A_568] : memref<81920x128xf32, #tpu.memory_space<hbm>> -> memref<128x128xf32, #tpu.memory_space<hbm>>
    %dma_start3A_570 = tpu.memref_slice %arg10[%dma_start3A_563] : memref<6x!tpu.dma_semaphore, #tpu.memory_space<semaphore_mem>> -> memref<1x!tpu.dma_semaphore, #tpu.memory_space<semaphore_mem>>
    %dma_start3A_571 = tpu.memref_squeeze %dma_start3A_570 : memref<1x!tpu.dma_semaphore, #tpu.memory_space<semaphore_mem>> -> memref<!tpu.dma_semaphore, #tpu.memory_space<semaphore_mem>>
    %dma_start3A_572 = arith.constant 0 : i32
    %dma_start3A_573 = tpu.memref_slice %arg6[%mul3A_40, %dma_start3A_572] : memref<81920x128xf32, #tpu.memory_space<hbm>> -> memref<128x128xf32, #tpu.memory_space<hbm>>
    %dma_start3A_574 = arith.constant 0 : i32
    %dma_start3A_575 = arith.constant 0 : i32
    %dma_start3A_576 = tpu.memref_slice %arg8[%dma_start3A_562, %dma_start3A_574, %dma_start3A_575] : memref<6x128x128xf32, #tpu.memory_space<vmem>> -> memref<1x128x128xf32, #tpu.memory_space<vmem>>
    %dma_start3A_577 = tpu.memref_squeeze %dma_start3A_576 : memref<1x128x128xf32, #tpu.memory_space<vmem>> -> memref<128x128xf32, #tpu.memory_space<vmem>>
    tpu.enqueue_dma source(%dma_start3A_577 : memref<128x128xf32, #tpu.memory_space<vmem>>) target(%dma_start3A_573 : memref<128x128xf32, #tpu.memory_space<hbm>>) target_semaphore(%dma_start3A_571 : memref<!tpu.dma_semaphore, #tpu.memory_space<semaphore_mem>>)
    %dma_wait3A_578 = arith.constant 5 : i32
    %dma_wait3A_579 = arith.constant 5 : i32
    %dma_wait3A_580 = arith.constant 0 : i32
    %dma_wait3A_581 = arith.constant 0 : i32
    %dma_wait3A_582 = tpu.memref_slice %arg8[%dma_wait3A_578, %dma_wait3A_580, %dma_wait3A_581] : memref<6x128x128xf32, #tpu.memory_space<vmem>> -> memref<1x128x128xf32, #tpu.memory_space<vmem>>
    %dma_wait3A_583 = tpu.memref_squeeze %dma_wait3A_582 : memref<1x128x128xf32, #tpu.memory_space<vmem>> -> memref<128x128xf32, #tpu.memory_space<vmem>>
    %dma_wait3A_584 = arith.constant 0 : i32
    %dma_wait3A_585 = tpu.memref_slice %arg6[%mul3A_40, %dma_wait3A_584] : memref<81920x128xf32, #tpu.memory_space<hbm>> -> memref<128x128xf32, #tpu.memory_space<hbm>>
    %dma_wait3A_586 = tpu.memref_slice %arg10[%dma_wait3A_579] : memref<6x!tpu.dma_semaphore, #tpu.memory_space<semaphore_mem>> -> memref<1x!tpu.dma_semaphore, #tpu.memory_space<semaphore_mem>>
    %dma_wait3A_587 = tpu.memref_squeeze %dma_wait3A_586 : memref<1x!tpu.dma_semaphore, #tpu.memory_space<semaphore_mem>> -> memref<!tpu.dma_semaphore, #tpu.memory_space<semaphore_mem>>
    %dma_wait3A_588 = arith.constant 0 : i32
    %dma_wait3A_589 = tpu.memref_slice %arg6[%mul3A_40, %dma_wait3A_588] : memref<81920x128xf32, #tpu.memory_space<hbm>> -> memref<128x128xf32, #tpu.memory_space<hbm>>
    %dma_wait3A_590 = arith.constant 0 : i32
    %dma_wait3A_591 = arith.constant 0 : i32
    %dma_wait3A_592 = tpu.memref_slice %arg8[%dma_wait3A_578, %dma_wait3A_590, %dma_wait3A_591] : memref<6x128x128xf32, #tpu.memory_space<vmem>> -> memref<1x128x128xf32, #tpu.memory_space<vmem>>
    %dma_wait3A_593 = tpu.memref_squeeze %dma_wait3A_592 : memref<1x128x128xf32, #tpu.memory_space<vmem>> -> memref<128x128xf32, #tpu.memory_space<vmem>>
    tpu.wait_dma2 semaphore(%dma_wait3A_587 : memref<!tpu.dma_semaphore, #tpu.memory_space<semaphore_mem>>) src(%dma_wait3A_593 : memref<128x128xf32, #tpu.memory_space<vmem>>) dst(%dma_wait3A_589 : memref<128x128xf32, #tpu.memory_space<hbm>>)
    %dma_start3A_594 = arith.constant 11 : i32
    %dma_start3A_595 = arith.constant 5 : i32
    %dma_start3A_596 = arith.constant 5 : i32
    %dma_start3A_597 = arith.constant 0 : i32
    %dma_start3A_598 = arith.constant 0 : i32
    %dma_start3A_599 = tpu.memref_slice %arg8[%dma_start3A_595, %dma_start3A_597, %dma_start3A_598] : memref<6x128x128xf32, #tpu.memory_space<vmem>> -> memref<1x128x128xf32, #tpu.memory_space<vmem>>
    %dma_start3A_600 = tpu.memref_squeeze %dma_start3A_599 : memref<1x128x128xf32, #tpu.memory_space<vmem>> -> memref<128x128xf32, #tpu.memory_space<vmem>>
    %dma_start3A_601 = arith.constant 0 : i32
    %dma_start3A_602 = tpu.memref_slice %arg7[%dma_start3A_594, %dma_start3A_601] : memref<24x128xi32, #tpu.memory_space<vmem>> -> memref<1x128xi32, #tpu.memory_space<vmem>>
    %dma_start3A_603 = tpu.memref_squeeze %dma_start3A_602 : memref<1x128xi32, #tpu.memory_space<vmem>> -> memref<128xi32, #tpu.memory_space<vmem>>
    %dma_start3A_604 = arith.constant 0 : i32
    %dma_start3A_605 = arith.constant 0 : i32
    %dma_start3A_606 = tpu.memref_slice %arg2[%dma_start3A_604, %dma_start3A_605] : memref<1000000x128xf32, #tpu.memory_space<hbm>> -> memref<1000000x128xf32, #tpu.memory_space<hbm>>
    %dma_start3A_607 = tpu.memref_slice %arg9[%dma_start3A_596] : memref<6x!tpu.dma_semaphore, #tpu.memory_space<semaphore_mem>> -> memref<1x!tpu.dma_semaphore, #tpu.memory_space<semaphore_mem>>
    %dma_start3A_608 = tpu.memref_squeeze %dma_start3A_607 : memref<1x!tpu.dma_semaphore, #tpu.memory_space<semaphore_mem>> -> memref<!tpu.dma_semaphore, #tpu.memory_space<semaphore_mem>>
    tpu.enqueue_indirect_dma source(%dma_start3A_606 : memref<1000000x128xf32, #tpu.memory_space<hbm>>) target(%dma_start3A_600 : memref<128x128xf32, #tpu.memory_space<vmem>>) offsets(%dma_start3A_603 : memref<128xi32, #tpu.memory_space<vmem>>) semaphore(%dma_start3A_608 : memref<!tpu.dma_semaphore, #tpu.memory_space<semaphore_mem>>)
    %dma_wait3A_609 = arith.constant 6 : i32
    %dma_wait3A_610 = arith.constant 0 : i32
    %dma_wait3A_611 = arith.constant 0 : i32
    %dma_wait3A_612 = arith.constant 0 : i32
    %dma_wait3A_613 = arith.constant 0 : i32
    %dma_wait3A_614 = tpu.memref_slice %arg8[%dma_wait3A_610, %dma_wait3A_612, %dma_wait3A_613] : memref<6x128x128xf32, #tpu.memory_space<vmem>> -> memref<1x128x128xf32, #tpu.memory_space<vmem>>
    %dma_wait3A_615 = tpu.memref_squeeze %dma_wait3A_614 : memref<1x128x128xf32, #tpu.memory_space<vmem>> -> memref<128x128xf32, #tpu.memory_space<vmem>>
    %dma_wait3A_616 = arith.constant 0 : i32
    %dma_wait3A_617 = tpu.memref_slice %arg7[%dma_wait3A_609, %dma_wait3A_616] : memref<24x128xi32, #tpu.memory_space<vmem>> -> memref<1x128xi32, #tpu.memory_space<vmem>>
    %dma_wait3A_618 = tpu.memref_squeeze %dma_wait3A_617 : memref<1x128xi32, #tpu.memory_space<vmem>> -> memref<128xi32, #tpu.memory_space<vmem>>
    %dma_wait3A_619 = arith.constant 0 : i32
    %dma_wait3A_620 = arith.constant 0 : i32
    %dma_wait3A_621 = tpu.memref_slice %arg2[%dma_wait3A_619, %dma_wait3A_620] : memref<1000000x128xf32, #tpu.memory_space<hbm>> -> memref<1000000x128xf32, #tpu.memory_space<hbm>>
    %dma_wait3A_622 = tpu.memref_slice %arg9[%dma_wait3A_611] : memref<6x!tpu.dma_semaphore, #tpu.memory_space<semaphore_mem>> -> memref<1x!tpu.dma_semaphore, #tpu.memory_space<semaphore_mem>>
    %dma_wait3A_623 = tpu.memref_squeeze %dma_wait3A_622 : memref<1x!tpu.dma_semaphore, #tpu.memory_space<semaphore_mem>> -> memref<!tpu.dma_semaphore, #tpu.memory_space<semaphore_mem>>
    tpu.wait_indirect_dma semaphore(%dma_wait3A_623 : memref<!tpu.dma_semaphore, #tpu.memory_space<semaphore_mem>>) src(%dma_wait3A_621 : memref<1000000x128xf32, #tpu.memory_space<hbm>>) dst(%dma_wait3A_615 : memref<128x128xf32, #tpu.memory_space<vmem>>)
    %dma_start3A_624 = arith.constant 0 : i32
    %dma_start3A_625 = arith.constant 0 : i32
    %dma_start3A_626 = arith.constant 0 : i32
    %dma_start3A_627 = arith.constant 0 : i32
    %dma_start3A_628 = tpu.memref_slice %arg8[%dma_start3A_624, %dma_start3A_626, %dma_start3A_627] : memref<6x128x128xf32, #tpu.memory_space<vmem>> -> memref<1x128x128xf32, #tpu.memory_space<vmem>>
    %dma_start3A_629 = tpu.memref_squeeze %dma_start3A_628 : memref<1x128x128xf32, #tpu.memory_space<vmem>> -> memref<128x128xf32, #tpu.memory_space<vmem>>
    %dma_start3A_630 = arith.constant 0 : i32
    %dma_start3A_631 = tpu.memref_slice %arg6[%mul3A_46, %dma_start3A_630] : memref<81920x128xf32, #tpu.memory_space<hbm>> -> memref<128x128xf32, #tpu.memory_space<hbm>>
    %dma_start3A_632 = tpu.memref_slice %arg10[%dma_start3A_625] : memref<6x!tpu.dma_semaphore, #tpu.memory_space<semaphore_mem>> -> memref<1x!tpu.dma_semaphore, #tpu.memory_space<semaphore_mem>>
    %dma_start3A_633 = tpu.memref_squeeze %dma_start3A_632 : memref<1x!tpu.dma_semaphore, #tpu.memory_space<semaphore_mem>> -> memref<!tpu.dma_semaphore, #tpu.memory_space<semaphore_mem>>
    %dma_start3A_634 = arith.constant 0 : i32
    %dma_start3A_635 = tpu.memref_slice %arg6[%mul3A_46, %dma_start3A_634] : memref<81920x128xf32, #tpu.memory_space<hbm>> -> memref<128x128xf32, #tpu.memory_space<hbm>>
    %dma_start3A_636 = arith.constant 0 : i32
    %dma_start3A_637 = arith.constant 0 : i32
    %dma_start3A_638 = tpu.memref_slice %arg8[%dma_start3A_624, %dma_start3A_636, %dma_start3A_637] : memref<6x128x128xf32, #tpu.memory_space<vmem>> -> memref<1x128x128xf32, #tpu.memory_space<vmem>>
    %dma_start3A_639 = tpu.memref_squeeze %dma_start3A_638 : memref<1x128x128xf32, #tpu.memory_space<vmem>> -> memref<128x128xf32, #tpu.memory_space<vmem>>
    tpu.enqueue_dma source(%dma_start3A_639 : memref<128x128xf32, #tpu.memory_space<vmem>>) target(%dma_start3A_635 : memref<128x128xf32, #tpu.memory_space<hbm>>) target_semaphore(%dma_start3A_633 : memref<!tpu.dma_semaphore, #tpu.memory_space<semaphore_mem>>)
    %dma_wait3A_640 = arith.constant 0 : i32
    %dma_wait3A_641 = arith.constant 0 : i32
    %dma_wait3A_642 = arith.constant 0 : i32
    %dma_wait3A_643 = arith.constant 0 : i32
    %dma_wait3A_644 = tpu.memref_slice %arg8[%dma_wait3A_640, %dma_wait3A_642, %dma_wait3A_643] : memref<6x128x128xf32, #tpu.memory_space<vmem>> -> memref<1x128x128xf32, #tpu.memory_space<vmem>>
    %dma_wait3A_645 = tpu.memref_squeeze %dma_wait3A_644 : memref<1x128x128xf32, #tpu.memory_space<vmem>> -> memref<128x128xf32, #tpu.memory_space<vmem>>
    %dma_wait3A_646 = arith.constant 0 : i32
    %dma_wait3A_647 = tpu.memref_slice %arg6[%mul3A_46, %dma_wait3A_646] : memref<81920x128xf32, #tpu.memory_space<hbm>> -> memref<128x128xf32, #tpu.memory_space<hbm>>
    %dma_wait3A_648 = tpu.memref_slice %arg10[%dma_wait3A_641] : memref<6x!tpu.dma_semaphore, #tpu.memory_space<semaphore_mem>> -> memref<1x!tpu.dma_semaphore, #tpu.memory_space<semaphore_mem>>
    %dma_wait3A_649 = tpu.memref_squeeze %dma_wait3A_648 : memref<1x!tpu.dma_semaphore, #tpu.memory_space<semaphore_mem>> -> memref<!tpu.dma_semaphore, #tpu.memory_space<semaphore_mem>>
    %dma_wait3A_650 = arith.constant 0 : i32
    %dma_wait3A_651 = tpu.memref_slice %arg6[%mul3A_46, %dma_wait3A_650] : memref<81920x128xf32, #tpu.memory_space<hbm>> -> memref<128x128xf32, #tpu.memory_space<hbm>>
    %dma_wait3A_652 = arith.constant 0 : i32
    %dma_wait3A_653 = arith.constant 0 : i32
    %dma_wait3A_654 = tpu.memref_slice %arg8[%dma_wait3A_640, %dma_wait3A_652, %dma_wait3A_653] : memref<6x128x128xf32, #tpu.memory_space<vmem>> -> memref<1x128x128xf32, #tpu.memory_space<vmem>>
    %dma_wait3A_655 = tpu.memref_squeeze %dma_wait3A_654 : memref<1x128x128xf32, #tpu.memory_space<vmem>> -> memref<128x128xf32, #tpu.memory_space<vmem>>
    tpu.wait_dma2 semaphore(%dma_wait3A_649 : memref<!tpu.dma_semaphore, #tpu.memory_space<semaphore_mem>>) src(%dma_wait3A_655 : memref<128x128xf32, #tpu.memory_space<vmem>>) dst(%dma_wait3A_651 : memref<128x128xf32, #tpu.memory_space<hbm>>)
    %dma_start3A_656 = arith.constant 12 : i32
    %dma_start3A_657 = arith.constant 0 : i32
    %dma_start3A_658 = arith.constant 0 : i32
    %dma_start3A_659 = arith.constant 0 : i32
    %dma_start3A_660 = arith.constant 0 : i32
    %dma_start3A_661 = tpu.memref_slice %arg8[%dma_start3A_657, %dma_start3A_659, %dma_start3A_660] : memref<6x128x128xf32, #tpu.memory_space<vmem>> -> memref<1x128x128xf32, #tpu.memory_space<vmem>>
    %dma_start3A_662 = tpu.memref_squeeze %dma_start3A_661 : memref<1x128x128xf32, #tpu.memory_space<vmem>> -> memref<128x128xf32, #tpu.memory_space<vmem>>
    %dma_start3A_663 = arith.constant 0 : i32
    %dma_start3A_664 = tpu.memref_slice %arg7[%dma_start3A_656, %dma_start3A_663] : memref<24x128xi32, #tpu.memory_space<vmem>> -> memref<1x128xi32, #tpu.memory_space<vmem>>
    %dma_start3A_665 = tpu.memref_squeeze %dma_start3A_664 : memref<1x128xi32, #tpu.memory_space<vmem>> -> memref<128xi32, #tpu.memory_space<vmem>>
    %dma_start3A_666 = arith.constant 0 : i32
    %dma_start3A_667 = arith.constant 0 : i32
    %dma_start3A_668 = tpu.memref_slice %arg2[%dma_start3A_666, %dma_start3A_667] : memref<1000000x128xf32, #tpu.memory_space<hbm>> -> memref<1000000x128xf32, #tpu.memory_space<hbm>>
    %dma_start3A_669 = tpu.memref_slice %arg9[%dma_start3A_658] : memref<6x!tpu.dma_semaphore, #tpu.memory_space<semaphore_mem>> -> memref<1x!tpu.dma_semaphore, #tpu.memory_space<semaphore_mem>>
    %dma_start3A_670 = tpu.memref_squeeze %dma_start3A_669 : memref<1x!tpu.dma_semaphore, #tpu.memory_space<semaphore_mem>> -> memref<!tpu.dma_semaphore, #tpu.memory_space<semaphore_mem>>
    tpu.enqueue_indirect_dma source(%dma_start3A_668 : memref<1000000x128xf32, #tpu.memory_space<hbm>>) target(%dma_start3A_662 : memref<128x128xf32, #tpu.memory_space<vmem>>) offsets(%dma_start3A_665 : memref<128xi32, #tpu.memory_space<vmem>>) semaphore(%dma_start3A_670 : memref<!tpu.dma_semaphore, #tpu.memory_space<semaphore_mem>>)
    %dma_wait3A_671 = arith.constant 7 : i32
    %dma_wait3A_672 = arith.constant 1 : i32
    %dma_wait3A_673 = arith.constant 1 : i32
    %dma_wait3A_674 = arith.constant 0 : i32
    %dma_wait3A_675 = arith.constant 0 : i32
    %dma_wait3A_676 = tpu.memref_slice %arg8[%dma_wait3A_672, %dma_wait3A_674, %dma_wait3A_675] : memref<6x128x128xf32, #tpu.memory_space<vmem>> -> memref<1x128x128xf32, #tpu.memory_space<vmem>>
    %dma_wait3A_677 = tpu.memref_squeeze %dma_wait3A_676 : memref<1x128x128xf32, #tpu.memory_space<vmem>> -> memref<128x128xf32, #tpu.memory_space<vmem>>
    %dma_wait3A_678 = arith.constant 0 : i32
    %dma_wait3A_679 = tpu.memref_slice %arg7[%dma_wait3A_671, %dma_wait3A_678] : memref<24x128xi32, #tpu.memory_space<vmem>> -> memref<1x128xi32, #tpu.memory_space<vmem>>
    %dma_wait3A_680 = tpu.memref_squeeze %dma_wait3A_679 : memref<1x128xi32, #tpu.memory_space<vmem>> -> memref<128xi32, #tpu.memory_space<vmem>>
    %dma_wait3A_681 = arith.constant 0 : i32
    %dma_wait3A_682 = arith.constant 0 : i32
    %dma_wait3A_683 = tpu.memref_slice %arg2[%dma_wait3A_681, %dma_wait3A_682] : memref<1000000x128xf32, #tpu.memory_space<hbm>> -> memref<1000000x128xf32, #tpu.memory_space<hbm>>
    %dma_wait3A_684 = tpu.memref_slice %arg9[%dma_wait3A_673] : memref<6x!tpu.dma_semaphore, #tpu.memory_space<semaphore_mem>> -> memref<1x!tpu.dma_semaphore, #tpu.memory_space<semaphore_mem>>
    %dma_wait3A_685 = tpu.memref_squeeze %dma_wait3A_684 : memref<1x!tpu.dma_semaphore, #tpu.memory_space<semaphore_mem>> -> memref<!tpu.dma_semaphore, #tpu.memory_space<semaphore_mem>>
    tpu.wait_indirect_dma semaphore(%dma_wait3A_685 : memref<!tpu.dma_semaphore, #tpu.memory_space<semaphore_mem>>) src(%dma_wait3A_683 : memref<1000000x128xf32, #tpu.memory_space<hbm>>) dst(%dma_wait3A_677 : memref<128x128xf32, #tpu.memory_space<vmem>>)
    %dma_start3A_686 = arith.constant 1 : i32
    %dma_start3A_687 = arith.constant 1 : i32
    %dma_start3A_688 = arith.constant 0 : i32
    %dma_start3A_689 = arith.constant 0 : i32
    %dma_start3A_690 = tpu.memref_slice %arg8[%dma_start3A_686, %dma_start3A_688, %dma_start3A_689] : memref<6x128x128xf32, #tpu.memory_space<vmem>> -> memref<1x128x128xf32, #tpu.memory_space<vmem>>
    %dma_start3A_691 = tpu.memref_squeeze %dma_start3A_690 : memref<1x128x128xf32, #tpu.memory_space<vmem>> -> memref<128x128xf32, #tpu.memory_space<vmem>>
    %dma_start3A_692 = arith.constant 0 : i32
    %dma_start3A_693 = tpu.memref_slice %arg6[%mul3A_52, %dma_start3A_692] : memref<81920x128xf32, #tpu.memory_space<hbm>> -> memref<128x128xf32, #tpu.memory_space<hbm>>
    %dma_start3A_694 = tpu.memref_slice %arg10[%dma_start3A_687] : memref<6x!tpu.dma_semaphore, #tpu.memory_space<semaphore_mem>> -> memref<1x!tpu.dma_semaphore, #tpu.memory_space<semaphore_mem>>
    %dma_start3A_695 = tpu.memref_squeeze %dma_start3A_694 : memref<1x!tpu.dma_semaphore, #tpu.memory_space<semaphore_mem>> -> memref<!tpu.dma_semaphore, #tpu.memory_space<semaphore_mem>>
    %dma_start3A_696 = arith.constant 0 : i32
    %dma_start3A_697 = tpu.memref_slice %arg6[%mul3A_52, %dma_start3A_696] : memref<81920x128xf32, #tpu.memory_space<hbm>> -> memref<128x128xf32, #tpu.memory_space<hbm>>
    %dma_start3A_698 = arith.constant 0 : i32
    %dma_start3A_699 = arith.constant 0 : i32
    %dma_start3A_700 = tpu.memref_slice %arg8[%dma_start3A_686, %dma_start3A_698, %dma_start3A_699] : memref<6x128x128xf32, #tpu.memory_space<vmem>> -> memref<1x128x128xf32, #tpu.memory_space<vmem>>
    %dma_start3A_701 = tpu.memref_squeeze %dma_start3A_700 : memref<1x128x128xf32, #tpu.memory_space<vmem>> -> memref<128x128xf32, #tpu.memory_space<vmem>>
    tpu.enqueue_dma source(%dma_start3A_701 : memref<128x128xf32, #tpu.memory_space<vmem>>) target(%dma_start3A_697 : memref<128x128xf32, #tpu.memory_space<hbm>>) target_semaphore(%dma_start3A_695 : memref<!tpu.dma_semaphore, #tpu.memory_space<semaphore_mem>>)
    %dma_wait3A_702 = arith.constant 1 : i32
    %dma_wait3A_703 = arith.constant 1 : i32
    %dma_wait3A_704 = arith.constant 0 : i32
    %dma_wait3A_705 = arith.constant 0 : i32
    %dma_wait3A_706 = tpu.memref_slice %arg8[%dma_wait3A_702, %dma_wait3A_704, %dma_wait3A_705] : memref<6x128x128xf32, #tpu.memory_space<vmem>> -> memref<1x128x128xf32, #tpu.memory_space<vmem>>
    %dma_wait3A_707 = tpu.memref_squeeze %dma_wait3A_706 : memref<1x128x128xf32, #tpu.memory_space<vmem>> -> memref<128x128xf32, #tpu.memory_space<vmem>>
    %dma_wait3A_708 = arith.constant 0 : i32
    %dma_wait3A_709 = tpu.memref_slice %arg6[%mul3A_52, %dma_wait3A_708] : memref<81920x128xf32, #tpu.memory_space<hbm>> -> memref<128x128xf32, #tpu.memory_space<hbm>>
    %dma_wait3A_710 = tpu.memref_slice %arg10[%dma_wait3A_703] : memref<6x!tpu.dma_semaphore, #tpu.memory_space<semaphore_mem>> -> memref<1x!tpu.dma_semaphore, #tpu.memory_space<semaphore_mem>>
    %dma_wait3A_711 = tpu.memref_squeeze %dma_wait3A_710 : memref<1x!tpu.dma_semaphore, #tpu.memory_space<semaphore_mem>> -> memref<!tpu.dma_semaphore, #tpu.memory_space<semaphore_mem>>
    %dma_wait3A_712 = arith.constant 0 : i32
    %dma_wait3A_713 = tpu.memref_slice %arg6[%mul3A_52, %dma_wait3A_712] : memref<81920x128xf32, #tpu.memory_space<hbm>> -> memref<128x128xf32, #tpu.memory_space<hbm>>
    %dma_wait3A_714 = arith.constant 0 : i32
    %dma_wait3A_715 = arith.constant 0 : i32
    %dma_wait3A_716 = tpu.memref_slice %arg8[%dma_wait3A_702, %dma_wait3A_714, %dma_wait3A_715] : memref<6x128x128xf32, #tpu.memory_space<vmem>> -> memref<1x128x128xf32, #tpu.memory_space<vmem>>
    %dma_wait3A_717 = tpu.memref_squeeze %dma_wait3A_716 : memref<1x128x128xf32, #tpu.memory_space<vmem>> -> memref<128x128xf32, #tpu.memory_space<vmem>>
    tpu.wait_dma2 semaphore(%dma_wait3A_711 : memref<!tpu.dma_semaphore, #tpu.memory_space<semaphore_mem>>) src(%dma_wait3A_717 : memref<128x128xf32, #tpu.memory_space<vmem>>) dst(%dma_wait3A_713 : memref<128x128xf32, #tpu.memory_space<hbm>>)
    %dma_start3A_718 = arith.constant 13 : i32
    %dma_start3A_719 = arith.constant 1 : i32
    %dma_start3A_720 = arith.constant 1 : i32
    %dma_start3A_721 = arith.constant 0 : i32
    %dma_start3A_722 = arith.constant 0 : i32
    %dma_start3A_723 = tpu.memref_slice %arg8[%dma_start3A_719, %dma_start3A_721, %dma_start3A_722] : memref<6x128x128xf32, #tpu.memory_space<vmem>> -> memref<1x128x128xf32, #tpu.memory_space<vmem>>
    %dma_start3A_724 = tpu.memref_squeeze %dma_start3A_723 : memref<1x128x128xf32, #tpu.memory_space<vmem>> -> memref<128x128xf32, #tpu.memory_space<vmem>>
    %dma_start3A_725 = arith.constant 0 : i32
    %dma_start3A_726 = tpu.memref_slice %arg7[%dma_start3A_718, %dma_start3A_725] : memref<24x128xi32, #tpu.memory_space<vmem>> -> memref<1x128xi32, #tpu.memory_space<vmem>>
    %dma_start3A_727 = tpu.memref_squeeze %dma_start3A_726 : memref<1x128xi32, #tpu.memory_space<vmem>> -> memref<128xi32, #tpu.memory_space<vmem>>
    %dma_start3A_728 = arith.constant 0 : i32
    %dma_start3A_729 = arith.constant 0 : i32
    %dma_start3A_730 = tpu.memref_slice %arg2[%dma_start3A_728, %dma_start3A_729] : memref<1000000x128xf32, #tpu.memory_space<hbm>> -> memref<1000000x128xf32, #tpu.memory_space<hbm>>
    %dma_start3A_731 = tpu.memref_slice %arg9[%dma_start3A_720] : memref<6x!tpu.dma_semaphore, #tpu.memory_space<semaphore_mem>> -> memref<1x!tpu.dma_semaphore, #tpu.memory_space<semaphore_mem>>
    %dma_start3A_732 = tpu.memref_squeeze %dma_start3A_731 : memref<1x!tpu.dma_semaphore, #tpu.memory_space<semaphore_mem>> -> memref<!tpu.dma_semaphore, #tpu.memory_space<semaphore_mem>>
    tpu.enqueue_indirect_dma source(%dma_start3A_730 : memref<1000000x128xf32, #tpu.memory_space<hbm>>) target(%dma_start3A_724 : memref<128x128xf32, #tpu.memory_space<vmem>>) offsets(%dma_start3A_727 : memref<128xi32, #tpu.memory_space<vmem>>) semaphore(%dma_start3A_732 : memref<!tpu.dma_semaphore, #tpu.memory_space<semaphore_mem>>)
    %dma_wait3A_733 = arith.constant 8 : i32
    %dma_wait3A_734 = arith.constant 2 : i32
    %dma_wait3A_735 = arith.constant 2 : i32
    %dma_wait3A_736 = arith.constant 0 : i32
    %dma_wait3A_737 = arith.constant 0 : i32
    %dma_wait3A_738 = tpu.memref_slice %arg8[%dma_wait3A_734, %dma_wait3A_736, %dma_wait3A_737] : memref<6x128x128xf32, #tpu.memory_space<vmem>> -> memref<1x128x128xf32, #tpu.memory_space<vmem>>
    %dma_wait3A_739 = tpu.memref_squeeze %dma_wait3A_738 : memref<1x128x128xf32, #tpu.memory_space<vmem>> -> memref<128x128xf32, #tpu.memory_space<vmem>>
    %dma_wait3A_740 = arith.constant 0 : i32
    %dma_wait3A_741 = tpu.memref_slice %arg7[%dma_wait3A_733, %dma_wait3A_740] : memref<24x128xi32, #tpu.memory_space<vmem>> -> memref<1x128xi32, #tpu.memory_space<vmem>>
    %dma_wait3A_742 = tpu.memref_squeeze %dma_wait3A_741 : memref<1x128xi32, #tpu.memory_space<vmem>> -> memref<128xi32, #tpu.memory_space<vmem>>
    %dma_wait3A_743 = arith.constant 0 : i32
    %dma_wait3A_744 = arith.constant 0 : i32
    %dma_wait3A_745 = tpu.memref_slice %arg2[%dma_wait3A_743, %dma_wait3A_744] : memref<1000000x128xf32, #tpu.memory_space<hbm>> -> memref<1000000x128xf32, #tpu.memory_space<hbm>>
    %dma_wait3A_746 = tpu.memref_slice %arg9[%dma_wait3A_735] : memref<6x!tpu.dma_semaphore, #tpu.memory_space<semaphore_mem>> -> memref<1x!tpu.dma_semaphore, #tpu.memory_space<semaphore_mem>>
    %dma_wait3A_747 = tpu.memref_squeeze %dma_wait3A_746 : memref<1x!tpu.dma_semaphore, #tpu.memory_space<semaphore_mem>> -> memref<!tpu.dma_semaphore, #tpu.memory_space<semaphore_mem>>
    tpu.wait_indirect_dma semaphore(%dma_wait3A_747 : memref<!tpu.dma_semaphore, #tpu.memory_space<semaphore_mem>>) src(%dma_wait3A_745 : memref<1000000x128xf32, #tpu.memory_space<hbm>>) dst(%dma_wait3A_739 : memref<128x128xf32, #tpu.memory_space<vmem>>)
    %dma_start3A_748 = arith.constant 2 : i32
    %dma_start3A_749 = arith.constant 2 : i32
    %dma_start3A_750 = arith.constant 0 : i32
    %dma_start3A_751 = arith.constant 0 : i32
    %dma_start3A_752 = tpu.memref_slice %arg8[%dma_start3A_748, %dma_start3A_750, %dma_start3A_751] : memref<6x128x128xf32, #tpu.memory_space<vmem>> -> memref<1x128x128xf32, #tpu.memory_space<vmem>>
    %dma_start3A_753 = tpu.memref_squeeze %dma_start3A_752 : memref<1x128x128xf32, #tpu.memory_space<vmem>> -> memref<128x128xf32, #tpu.memory_space<vmem>>
    %dma_start3A_754 = arith.constant 0 : i32
    %dma_start3A_755 = tpu.memref_slice %arg6[%mul3A_58, %dma_start3A_754] : memref<81920x128xf32, #tpu.memory_space<hbm>> -> memref<128x128xf32, #tpu.memory_space<hbm>>
    %dma_start3A_756 = tpu.memref_slice %arg10[%dma_start3A_749] : memref<6x!tpu.dma_semaphore, #tpu.memory_space<semaphore_mem>> -> memref<1x!tpu.dma_semaphore, #tpu.memory_space<semaphore_mem>>
    %dma_start3A_757 = tpu.memref_squeeze %dma_start3A_756 : memref<1x!tpu.dma_semaphore, #tpu.memory_space<semaphore_mem>> -> memref<!tpu.dma_semaphore, #tpu.memory_space<semaphore_mem>>
    %dma_start3A_758 = arith.constant 0 : i32
    %dma_start3A_759 = tpu.memref_slice %arg6[%mul3A_58, %dma_start3A_758] : memref<81920x128xf32, #tpu.memory_space<hbm>> -> memref<128x128xf32, #tpu.memory_space<hbm>>
    %dma_start3A_760 = arith.constant 0 : i32
    %dma_start3A_761 = arith.constant 0 : i32
    %dma_start3A_762 = tpu.memref_slice %arg8[%dma_start3A_748, %dma_start3A_760, %dma_start3A_761] : memref<6x128x128xf32, #tpu.memory_space<vmem>> -> memref<1x128x128xf32, #tpu.memory_space<vmem>>
    %dma_start3A_763 = tpu.memref_squeeze %dma_start3A_762 : memref<1x128x128xf32, #tpu.memory_space<vmem>> -> memref<128x128xf32, #tpu.memory_space<vmem>>
    tpu.enqueue_dma source(%dma_start3A_763 : memref<128x128xf32, #tpu.memory_space<vmem>>) target(%dma_start3A_759 : memref<128x128xf32, #tpu.memory_space<hbm>>) target_semaphore(%dma_start3A_757 : memref<!tpu.dma_semaphore, #tpu.memory_space<semaphore_mem>>)
    %dma_wait3A_764 = arith.constant 2 : i32
    %dma_wait3A_765 = arith.constant 2 : i32
    %dma_wait3A_766 = arith.constant 0 : i32
    %dma_wait3A_767 = arith.constant 0 : i32
    %dma_wait3A_768 = tpu.memref_slice %arg8[%dma_wait3A_764, %dma_wait3A_766, %dma_wait3A_767] : memref<6x128x128xf32, #tpu.memory_space<vmem>> -> memref<1x128x128xf32, #tpu.memory_space<vmem>>
    %dma_wait3A_769 = tpu.memref_squeeze %dma_wait3A_768 : memref<1x128x128xf32, #tpu.memory_space<vmem>> -> memref<128x128xf32, #tpu.memory_space<vmem>>
    %dma_wait3A_770 = arith.constant 0 : i32
    %dma_wait3A_771 = tpu.memref_slice %arg6[%mul3A_58, %dma_wait3A_770] : memref<81920x128xf32, #tpu.memory_space<hbm>> -> memref<128x128xf32, #tpu.memory_space<hbm>>
    %dma_wait3A_772 = tpu.memref_slice %arg10[%dma_wait3A_765] : memref<6x!tpu.dma_semaphore, #tpu.memory_space<semaphore_mem>> -> memref<1x!tpu.dma_semaphore, #tpu.memory_space<semaphore_mem>>
    %dma_wait3A_773 = tpu.memref_squeeze %dma_wait3A_772 : memref<1x!tpu.dma_semaphore, #tpu.memory_space<semaphore_mem>> -> memref<!tpu.dma_semaphore, #tpu.memory_space<semaphore_mem>>
    %dma_wait3A_774 = arith.constant 0 : i32
    %dma_wait3A_775 = tpu.memref_slice %arg6[%mul3A_58, %dma_wait3A_774] : memref<81920x128xf32, #tpu.memory_space<hbm>> -> memref<128x128xf32, #tpu.memory_space<hbm>>
    %dma_wait3A_776 = arith.constant 0 : i32
    %dma_wait3A_777 = arith.constant 0 : i32
    %dma_wait3A_778 = tpu.memref_slice %arg8[%dma_wait3A_764, %dma_wait3A_776, %dma_wait3A_777] : memref<6x128x128xf32, #tpu.memory_space<vmem>> -> memref<1x128x128xf32, #tpu.memory_space<vmem>>
    %dma_wait3A_779 = tpu.memref_squeeze %dma_wait3A_778 : memref<1x128x128xf32, #tpu.memory_space<vmem>> -> memref<128x128xf32, #tpu.memory_space<vmem>>
    tpu.wait_dma2 semaphore(%dma_wait3A_773 : memref<!tpu.dma_semaphore, #tpu.memory_space<semaphore_mem>>) src(%dma_wait3A_779 : memref<128x128xf32, #tpu.memory_space<vmem>>) dst(%dma_wait3A_775 : memref<128x128xf32, #tpu.memory_space<hbm>>)
    %dma_start3A_780 = arith.constant 14 : i32
    %dma_start3A_781 = arith.constant 2 : i32
    %dma_start3A_782 = arith.constant 2 : i32
    %dma_start3A_783 = arith.constant 0 : i32
    %dma_start3A_784 = arith.constant 0 : i32
    %dma_start3A_785 = tpu.memref_slice %arg8[%dma_start3A_781, %dma_start3A_783, %dma_start3A_784] : memref<6x128x128xf32, #tpu.memory_space<vmem>> -> memref<1x128x128xf32, #tpu.memory_space<vmem>>
    %dma_start3A_786 = tpu.memref_squeeze %dma_start3A_785 : memref<1x128x128xf32, #tpu.memory_space<vmem>> -> memref<128x128xf32, #tpu.memory_space<vmem>>
    %dma_start3A_787 = arith.constant 0 : i32
    %dma_start3A_788 = tpu.memref_slice %arg7[%dma_start3A_780, %dma_start3A_787] : memref<24x128xi32, #tpu.memory_space<vmem>> -> memref<1x128xi32, #tpu.memory_space<vmem>>
    %dma_start3A_789 = tpu.memref_squeeze %dma_start3A_788 : memref<1x128xi32, #tpu.memory_space<vmem>> -> memref<128xi32, #tpu.memory_space<vmem>>
    %dma_start3A_790 = arith.constant 0 : i32
    %dma_start3A_791 = arith.constant 0 : i32
    %dma_start3A_792 = tpu.memref_slice %arg2[%dma_start3A_790, %dma_start3A_791] : memref<1000000x128xf32, #tpu.memory_space<hbm>> -> memref<1000000x128xf32, #tpu.memory_space<hbm>>
    %dma_start3A_793 = tpu.memref_slice %arg9[%dma_start3A_782] : memref<6x!tpu.dma_semaphore, #tpu.memory_space<semaphore_mem>> -> memref<1x!tpu.dma_semaphore, #tpu.memory_space<semaphore_mem>>
    %dma_start3A_794 = tpu.memref_squeeze %dma_start3A_793 : memref<1x!tpu.dma_semaphore, #tpu.memory_space<semaphore_mem>> -> memref<!tpu.dma_semaphore, #tpu.memory_space<semaphore_mem>>
    tpu.enqueue_indirect_dma source(%dma_start3A_792 : memref<1000000x128xf32, #tpu.memory_space<hbm>>) target(%dma_start3A_786 : memref<128x128xf32, #tpu.memory_space<vmem>>) offsets(%dma_start3A_789 : memref<128xi32, #tpu.memory_space<vmem>>) semaphore(%dma_start3A_794 : memref<!tpu.dma_semaphore, #tpu.memory_space<semaphore_mem>>)
    %dma_wait3A_795 = arith.constant 9 : i32
    %dma_wait3A_796 = arith.constant 3 : i32
    %dma_wait3A_797 = arith.constant 3 : i32
    %dma_wait3A_798 = arith.constant 0 : i32
    %dma_wait3A_799 = arith.constant 0 : i32
    %dma_wait3A_800 = tpu.memref_slice %arg8[%dma_wait3A_796, %dma_wait3A_798, %dma_wait3A_799] : memref<6x128x128xf32, #tpu.memory_space<vmem>> -> memref<1x128x128xf32, #tpu.memory_space<vmem>>
    %dma_wait3A_801 = tpu.memref_squeeze %dma_wait3A_800 : memref<1x128x128xf32, #tpu.memory_space<vmem>> -> memref<128x128xf32, #tpu.memory_space<vmem>>
    %dma_wait3A_802 = arith.constant 0 : i32
    %dma_wait3A_803 = tpu.memref_slice %arg7[%dma_wait3A_795, %dma_wait3A_802] : memref<24x128xi32, #tpu.memory_space<vmem>> -> memref<1x128xi32, #tpu.memory_space<vmem>>
    %dma_wait3A_804 = tpu.memref_squeeze %dma_wait3A_803 : memref<1x128xi32, #tpu.memory_space<vmem>> -> memref<128xi32, #tpu.memory_space<vmem>>
    %dma_wait3A_805 = arith.constant 0 : i32
    %dma_wait3A_806 = arith.constant 0 : i32
    %dma_wait3A_807 = tpu.memref_slice %arg2[%dma_wait3A_805, %dma_wait3A_806] : memref<1000000x128xf32, #tpu.memory_space<hbm>> -> memref<1000000x128xf32, #tpu.memory_space<hbm>>
    %dma_wait3A_808 = tpu.memref_slice %arg9[%dma_wait3A_797] : memref<6x!tpu.dma_semaphore, #tpu.memory_space<semaphore_mem>> -> memref<1x!tpu.dma_semaphore, #tpu.memory_space<semaphore_mem>>
    %dma_wait3A_809 = tpu.memref_squeeze %dma_wait3A_808 : memref<1x!tpu.dma_semaphore, #tpu.memory_space<semaphore_mem>> -> memref<!tpu.dma_semaphore, #tpu.memory_space<semaphore_mem>>
    tpu.wait_indirect_dma semaphore(%dma_wait3A_809 : memref<!tpu.dma_semaphore, #tpu.memory_space<semaphore_mem>>) src(%dma_wait3A_807 : memref<1000000x128xf32, #tpu.memory_space<hbm>>) dst(%dma_wait3A_801 : memref<128x128xf32, #tpu.memory_space<vmem>>)
    %dma_start3A_810 = arith.constant 3 : i32
    %dma_start3A_811 = arith.constant 3 : i32
    %dma_start3A_812 = arith.constant 0 : i32
    %dma_start3A_813 = arith.constant 0 : i32
    %dma_start3A_814 = tpu.memref_slice %arg8[%dma_start3A_810, %dma_start3A_812, %dma_start3A_813] : memref<6x128x128xf32, #tpu.memory_space<vmem>> -> memref<1x128x128xf32, #tpu.memory_space<vmem>>
    %dma_start3A_815 = tpu.memref_squeeze %dma_start3A_814 : memref<1x128x128xf32, #tpu.memory_space<vmem>> -> memref<128x128xf32, #tpu.memory_space<vmem>>
    %dma_start3A_816 = arith.constant 0 : i32
    %dma_start3A_817 = tpu.memref_slice %arg6[%mul3A_64, %dma_start3A_816] : memref<81920x128xf32, #tpu.memory_space<hbm>> -> memref<128x128xf32, #tpu.memory_space<hbm>>
    %dma_start3A_818 = tpu.memref_slice %arg10[%dma_start3A_811] : memref<6x!tpu.dma_semaphore, #tpu.memory_space<semaphore_mem>> -> memref<1x!tpu.dma_semaphore, #tpu.memory_space<semaphore_mem>>
    %dma_start3A_819 = tpu.memref_squeeze %dma_start3A_818 : memref<1x!tpu.dma_semaphore, #tpu.memory_space<semaphore_mem>> -> memref<!tpu.dma_semaphore, #tpu.memory_space<semaphore_mem>>
    %dma_start3A_820 = arith.constant 0 : i32
    %dma_start3A_821 = tpu.memref_slice %arg6[%mul3A_64, %dma_start3A_820] : memref<81920x128xf32, #tpu.memory_space<hbm>> -> memref<128x128xf32, #tpu.memory_space<hbm>>
    %dma_start3A_822 = arith.constant 0 : i32
    %dma_start3A_823 = arith.constant 0 : i32
    %dma_start3A_824 = tpu.memref_slice %arg8[%dma_start3A_810, %dma_start3A_822, %dma_start3A_823] : memref<6x128x128xf32, #tpu.memory_space<vmem>> -> memref<1x128x128xf32, #tpu.memory_space<vmem>>
    %dma_start3A_825 = tpu.memref_squeeze %dma_start3A_824 : memref<1x128x128xf32, #tpu.memory_space<vmem>> -> memref<128x128xf32, #tpu.memory_space<vmem>>
    tpu.enqueue_dma source(%dma_start3A_825 : memref<128x128xf32, #tpu.memory_space<vmem>>) target(%dma_start3A_821 : memref<128x128xf32, #tpu.memory_space<hbm>>) target_semaphore(%dma_start3A_819 : memref<!tpu.dma_semaphore, #tpu.memory_space<semaphore_mem>>)
    %dma_wait3A_826 = arith.constant 3 : i32
    %dma_wait3A_827 = arith.constant 3 : i32
    %dma_wait3A_828 = arith.constant 0 : i32
    %dma_wait3A_829 = arith.constant 0 : i32
    %dma_wait3A_830 = tpu.memref_slice %arg8[%dma_wait3A_826, %dma_wait3A_828, %dma_wait3A_829] : memref<6x128x128xf32, #tpu.memory_space<vmem>> -> memref<1x128x128xf32, #tpu.memory_space<vmem>>
    %dma_wait3A_831 = tpu.memref_squeeze %dma_wait3A_830 : memref<1x128x128xf32, #tpu.memory_space<vmem>> -> memref<128x128xf32, #tpu.memory_space<vmem>>
    %dma_wait3A_832 = arith.constant 0 : i32
    %dma_wait3A_833 = tpu.memref_slice %arg6[%mul3A_64, %dma_wait3A_832] : memref<81920x128xf32, #tpu.memory_space<hbm>> -> memref<128x128xf32, #tpu.memory_space<hbm>>
    %dma_wait3A_834 = tpu.memref_slice %arg10[%dma_wait3A_827] : memref<6x!tpu.dma_semaphore, #tpu.memory_space<semaphore_mem>> -> memref<1x!tpu.dma_semaphore, #tpu.memory_space<semaphore_mem>>
    %dma_wait3A_835 = tpu.memref_squeeze %dma_wait3A_834 : memref<1x!tpu.dma_semaphore, #tpu.memory_space<semaphore_mem>> -> memref<!tpu.dma_semaphore, #tpu.memory_space<semaphore_mem>>
    %dma_wait3A_836 = arith.constant 0 : i32
    %dma_wait3A_837 = tpu.memref_slice %arg6[%mul3A_64, %dma_wait3A_836] : memref<81920x128xf32, #tpu.memory_space<hbm>> -> memref<128x128xf32, #tpu.memory_space<hbm>>
    %dma_wait3A_838 = arith.constant 0 : i32
    %dma_wait3A_839 = arith.constant 0 : i32
    %dma_wait3A_840 = tpu.memref_slice %arg8[%dma_wait3A_826, %dma_wait3A_838, %dma_wait3A_839] : memref<6x128x128xf32, #tpu.memory_space<vmem>> -> memref<1x128x128xf32, #tpu.memory_space<vmem>>
    %dma_wait3A_841 = tpu.memref_squeeze %dma_wait3A_840 : memref<1x128x128xf32, #tpu.memory_space<vmem>> -> memref<128x128xf32, #tpu.memory_space<vmem>>
    tpu.wait_dma2 semaphore(%dma_wait3A_835 : memref<!tpu.dma_semaphore, #tpu.memory_space<semaphore_mem>>) src(%dma_wait3A_841 : memref<128x128xf32, #tpu.memory_space<vmem>>) dst(%dma_wait3A_837 : memref<128x128xf32, #tpu.memory_space<hbm>>)
    %dma_start3A_842 = arith.constant 15 : i32
    %dma_start3A_843 = arith.constant 3 : i32
    %dma_start3A_844 = arith.constant 3 : i32
    %dma_start3A_845 = arith.constant 0 : i32
    %dma_start3A_846 = arith.constant 0 : i32
    %dma_start3A_847 = tpu.memref_slice %arg8[%dma_start3A_843, %dma_start3A_845, %dma_start3A_846] : memref<6x128x128xf32, #tpu.memory_space<vmem>> -> memref<1x128x128xf32, #tpu.memory_space<vmem>>
    %dma_start3A_848 = tpu.memref_squeeze %dma_start3A_847 : memref<1x128x128xf32, #tpu.memory_space<vmem>> -> memref<128x128xf32, #tpu.memory_space<vmem>>
    %dma_start3A_849 = arith.constant 0 : i32
    %dma_start3A_850 = tpu.memref_slice %arg7[%dma_start3A_842, %dma_start3A_849] : memref<24x128xi32, #tpu.memory_space<vmem>> -> memref<1x128xi32, #tpu.memory_space<vmem>>
    %dma_start3A_851 = tpu.memref_squeeze %dma_start3A_850 : memref<1x128xi32, #tpu.memory_space<vmem>> -> memref<128xi32, #tpu.memory_space<vmem>>
    %dma_start3A_852 = arith.constant 0 : i32
    %dma_start3A_853 = arith.constant 0 : i32
    %dma_start3A_854 = tpu.memref_slice %arg2[%dma_start3A_852, %dma_start3A_853] : memref<1000000x128xf32, #tpu.memory_space<hbm>> -> memref<1000000x128xf32, #tpu.memory_space<hbm>>
    %dma_start3A_855 = tpu.memref_slice %arg9[%dma_start3A_844] : memref<6x!tpu.dma_semaphore, #tpu.memory_space<semaphore_mem>> -> memref<1x!tpu.dma_semaphore, #tpu.memory_space<semaphore_mem>>
    %dma_start3A_856 = tpu.memref_squeeze %dma_start3A_855 : memref<1x!tpu.dma_semaphore, #tpu.memory_space<semaphore_mem>> -> memref<!tpu.dma_semaphore, #tpu.memory_space<semaphore_mem>>
    tpu.enqueue_indirect_dma source(%dma_start3A_854 : memref<1000000x128xf32, #tpu.memory_space<hbm>>) target(%dma_start3A_848 : memref<128x128xf32, #tpu.memory_space<vmem>>) offsets(%dma_start3A_851 : memref<128xi32, #tpu.memory_space<vmem>>) semaphore(%dma_start3A_856 : memref<!tpu.dma_semaphore, #tpu.memory_space<semaphore_mem>>)
    %dma_wait3A_857 = arith.constant 10 : i32
    %dma_wait3A_858 = arith.constant 4 : i32
    %dma_wait3A_859 = arith.constant 4 : i32
    %dma_wait3A_860 = arith.constant 0 : i32
    %dma_wait3A_861 = arith.constant 0 : i32
    %dma_wait3A_862 = tpu.memref_slice %arg8[%dma_wait3A_858, %dma_wait3A_860, %dma_wait3A_861] : memref<6x128x128xf32, #tpu.memory_space<vmem>> -> memref<1x128x128xf32, #tpu.memory_space<vmem>>
    %dma_wait3A_863 = tpu.memref_squeeze %dma_wait3A_862 : memref<1x128x128xf32, #tpu.memory_space<vmem>> -> memref<128x128xf32, #tpu.memory_space<vmem>>
    %dma_wait3A_864 = arith.constant 0 : i32
    %dma_wait3A_865 = tpu.memref_slice %arg7[%dma_wait3A_857, %dma_wait3A_864] : memref<24x128xi32, #tpu.memory_space<vmem>> -> memref<1x128xi32, #tpu.memory_space<vmem>>
    %dma_wait3A_866 = tpu.memref_squeeze %dma_wait3A_865 : memref<1x128xi32, #tpu.memory_space<vmem>> -> memref<128xi32, #tpu.memory_space<vmem>>
    %dma_wait3A_867 = arith.constant 0 : i32
    %dma_wait3A_868 = arith.constant 0 : i32
    %dma_wait3A_869 = tpu.memref_slice %arg2[%dma_wait3A_867, %dma_wait3A_868] : memref<1000000x128xf32, #tpu.memory_space<hbm>> -> memref<1000000x128xf32, #tpu.memory_space<hbm>>
    %dma_wait3A_870 = tpu.memref_slice %arg9[%dma_wait3A_859] : memref<6x!tpu.dma_semaphore, #tpu.memory_space<semaphore_mem>> -> memref<1x!tpu.dma_semaphore, #tpu.memory_space<semaphore_mem>>
    %dma_wait3A_871 = tpu.memref_squeeze %dma_wait3A_870 : memref<1x!tpu.dma_semaphore, #tpu.memory_space<semaphore_mem>> -> memref<!tpu.dma_semaphore, #tpu.memory_space<semaphore_mem>>
    tpu.wait_indirect_dma semaphore(%dma_wait3A_871 : memref<!tpu.dma_semaphore, #tpu.memory_space<semaphore_mem>>) src(%dma_wait3A_869 : memref<1000000x128xf32, #tpu.memory_space<hbm>>) dst(%dma_wait3A_863 : memref<128x128xf32, #tpu.memory_space<vmem>>)
    %dma_start3A_872 = arith.constant 4 : i32
    %dma_start3A_873 = arith.constant 4 : i32
    %dma_start3A_874 = arith.constant 0 : i32
    %dma_start3A_875 = arith.constant 0 : i32
    %dma_start3A_876 = tpu.memref_slice %arg8[%dma_start3A_872, %dma_start3A_874, %dma_start3A_875] : memref<6x128x128xf32, #tpu.memory_space<vmem>> -> memref<1x128x128xf32, #tpu.memory_space<vmem>>
    %dma_start3A_877 = tpu.memref_squeeze %dma_start3A_876 : memref<1x128x128xf32, #tpu.memory_space<vmem>> -> memref<128x128xf32, #tpu.memory_space<vmem>>
    %dma_start3A_878 = arith.constant 0 : i32
    %dma_start3A_879 = tpu.memref_slice %arg6[%mul3A_70, %dma_start3A_878] : memref<81920x128xf32, #tpu.memory_space<hbm>> -> memref<128x128xf32, #tpu.memory_space<hbm>>
    %dma_start3A_880 = tpu.memref_slice %arg10[%dma_start3A_873] : memref<6x!tpu.dma_semaphore, #tpu.memory_space<semaphore_mem>> -> memref<1x!tpu.dma_semaphore, #tpu.memory_space<semaphore_mem>>
    %dma_start3A_881 = tpu.memref_squeeze %dma_start3A_880 : memref<1x!tpu.dma_semaphore, #tpu.memory_space<semaphore_mem>> -> memref<!tpu.dma_semaphore, #tpu.memory_space<semaphore_mem>>
    %dma_start3A_882 = arith.constant 0 : i32
    %dma_start3A_883 = tpu.memref_slice %arg6[%mul3A_70, %dma_start3A_882] : memref<81920x128xf32, #tpu.memory_space<hbm>> -> memref<128x128xf32, #tpu.memory_space<hbm>>
    %dma_start3A_884 = arith.constant 0 : i32
    %dma_start3A_885 = arith.constant 0 : i32
    %dma_start3A_886 = tpu.memref_slice %arg8[%dma_start3A_872, %dma_start3A_884, %dma_start3A_885] : memref<6x128x128xf32, #tpu.memory_space<vmem>> -> memref<1x128x128xf32, #tpu.memory_space<vmem>>
    %dma_start3A_887 = tpu.memref_squeeze %dma_start3A_886 : memref<1x128x128xf32, #tpu.memory_space<vmem>> -> memref<128x128xf32, #tpu.memory_space<vmem>>
    tpu.enqueue_dma source(%dma_start3A_887 : memref<128x128xf32, #tpu.memory_space<vmem>>) target(%dma_start3A_883 : memref<128x128xf32, #tpu.memory_space<hbm>>) target_semaphore(%dma_start3A_881 : memref<!tpu.dma_semaphore, #tpu.memory_space<semaphore_mem>>)
    %dma_wait3A_888 = arith.constant 4 : i32
    %dma_wait3A_889 = arith.constant 4 : i32
    %dma_wait3A_890 = arith.constant 0 : i32
    %dma_wait3A_891 = arith.constant 0 : i32
    %dma_wait3A_892 = tpu.memref_slice %arg8[%dma_wait3A_888, %dma_wait3A_890, %dma_wait3A_891] : memref<6x128x128xf32, #tpu.memory_space<vmem>> -> memref<1x128x128xf32, #tpu.memory_space<vmem>>
    %dma_wait3A_893 = tpu.memref_squeeze %dma_wait3A_892 : memref<1x128x128xf32, #tpu.memory_space<vmem>> -> memref<128x128xf32, #tpu.memory_space<vmem>>
    %dma_wait3A_894 = arith.constant 0 : i32
    %dma_wait3A_895 = tpu.memref_slice %arg6[%mul3A_70, %dma_wait3A_894] : memref<81920x128xf32, #tpu.memory_space<hbm>> -> memref<128x128xf32, #tpu.memory_space<hbm>>
    %dma_wait3A_896 = tpu.memref_slice %arg10[%dma_wait3A_889] : memref<6x!tpu.dma_semaphore, #tpu.memory_space<semaphore_mem>> -> memref<1x!tpu.dma_semaphore, #tpu.memory_space<semaphore_mem>>
    %dma_wait3A_897 = tpu.memref_squeeze %dma_wait3A_896 : memref<1x!tpu.dma_semaphore, #tpu.memory_space<semaphore_mem>> -> memref<!tpu.dma_semaphore, #tpu.memory_space<semaphore_mem>>
    %dma_wait3A_898 = arith.constant 0 : i32
    %dma_wait3A_899 = tpu.memref_slice %arg6[%mul3A_70, %dma_wait3A_898] : memref<81920x128xf32, #tpu.memory_space<hbm>> -> memref<128x128xf32, #tpu.memory_space<hbm>>
    %dma_wait3A_900 = arith.constant 0 : i32
    %dma_wait3A_901 = arith.constant 0 : i32
    %dma_wait3A_902 = tpu.memref_slice %arg8[%dma_wait3A_888, %dma_wait3A_900, %dma_wait3A_901] : memref<6x128x128xf32, #tpu.memory_space<vmem>> -> memref<1x128x128xf32, #tpu.memory_space<vmem>>
    %dma_wait3A_903 = tpu.memref_squeeze %dma_wait3A_902 : memref<1x128x128xf32, #tpu.memory_space<vmem>> -> memref<128x128xf32, #tpu.memory_space<vmem>>
    tpu.wait_dma2 semaphore(%dma_wait3A_897 : memref<!tpu.dma_semaphore, #tpu.memory_space<semaphore_mem>>) src(%dma_wait3A_903 : memref<128x128xf32, #tpu.memory_space<vmem>>) dst(%dma_wait3A_899 : memref<128x128xf32, #tpu.memory_space<hbm>>)
    %dma_start3A_904 = arith.constant 16 : i32
    %dma_start3A_905 = arith.constant 4 : i32
    %dma_start3A_906 = arith.constant 4 : i32
    %dma_start3A_907 = arith.constant 0 : i32
    %dma_start3A_908 = arith.constant 0 : i32
    %dma_start3A_909 = tpu.memref_slice %arg8[%dma_start3A_905, %dma_start3A_907, %dma_start3A_908] : memref<6x128x128xf32, #tpu.memory_space<vmem>> -> memref<1x128x128xf32, #tpu.memory_space<vmem>>
    %dma_start3A_910 = tpu.memref_squeeze %dma_start3A_909 : memref<1x128x128xf32, #tpu.memory_space<vmem>> -> memref<128x128xf32, #tpu.memory_space<vmem>>
    %dma_start3A_911 = arith.constant 0 : i32
    %dma_start3A_912 = tpu.memref_slice %arg7[%dma_start3A_904, %dma_start3A_911] : memref<24x128xi32, #tpu.memory_space<vmem>> -> memref<1x128xi32, #tpu.memory_space<vmem>>
    %dma_start3A_913 = tpu.memref_squeeze %dma_start3A_912 : memref<1x128xi32, #tpu.memory_space<vmem>> -> memref<128xi32, #tpu.memory_space<vmem>>
    %dma_start3A_914 = arith.constant 0 : i32
    %dma_start3A_915 = arith.constant 0 : i32
    %dma_start3A_916 = tpu.memref_slice %arg2[%dma_start3A_914, %dma_start3A_915] : memref<1000000x128xf32, #tpu.memory_space<hbm>> -> memref<1000000x128xf32, #tpu.memory_space<hbm>>
    %dma_start3A_917 = tpu.memref_slice %arg9[%dma_start3A_906] : memref<6x!tpu.dma_semaphore, #tpu.memory_space<semaphore_mem>> -> memref<1x!tpu.dma_semaphore, #tpu.memory_space<semaphore_mem>>
    %dma_start3A_918 = tpu.memref_squeeze %dma_start3A_917 : memref<1x!tpu.dma_semaphore, #tpu.memory_space<semaphore_mem>> -> memref<!tpu.dma_semaphore, #tpu.memory_space<semaphore_mem>>
    tpu.enqueue_indirect_dma source(%dma_start3A_916 : memref<1000000x128xf32, #tpu.memory_space<hbm>>) target(%dma_start3A_910 : memref<128x128xf32, #tpu.memory_space<vmem>>) offsets(%dma_start3A_913 : memref<128xi32, #tpu.memory_space<vmem>>) semaphore(%dma_start3A_918 : memref<!tpu.dma_semaphore, #tpu.memory_space<semaphore_mem>>)
    %dma_wait3A_919 = arith.constant 11 : i32
    %dma_wait3A_920 = arith.constant 5 : i32
    %dma_wait3A_921 = arith.constant 5 : i32
    %dma_wait3A_922 = arith.constant 0 : i32
    %dma_wait3A_923 = arith.constant 0 : i32
    %dma_wait3A_924 = tpu.memref_slice %arg8[%dma_wait3A_920, %dma_wait3A_922, %dma_wait3A_923] : memref<6x128x128xf32, #tpu.memory_space<vmem>> -> memref<1x128x128xf32, #tpu.memory_space<vmem>>
    %dma_wait3A_925 = tpu.memref_squeeze %dma_wait3A_924 : memref<1x128x128xf32, #tpu.memory_space<vmem>> -> memref<128x128xf32, #tpu.memory_space<vmem>>
    %dma_wait3A_926 = arith.constant 0 : i32
    %dma_wait3A_927 = tpu.memref_slice %arg7[%dma_wait3A_919, %dma_wait3A_926] : memref<24x128xi32, #tpu.memory_space<vmem>> -> memref<1x128xi32, #tpu.memory_space<vmem>>
    %dma_wait3A_928 = tpu.memref_squeeze %dma_wait3A_927 : memref<1x128xi32, #tpu.memory_space<vmem>> -> memref<128xi32, #tpu.memory_space<vmem>>
    %dma_wait3A_929 = arith.constant 0 : i32
    %dma_wait3A_930 = arith.constant 0 : i32
    %dma_wait3A_931 = tpu.memref_slice %arg2[%dma_wait3A_929, %dma_wait3A_930] : memref<1000000x128xf32, #tpu.memory_space<hbm>> -> memref<1000000x128xf32, #tpu.memory_space<hbm>>
    %dma_wait3A_932 = tpu.memref_slice %arg9[%dma_wait3A_921] : memref<6x!tpu.dma_semaphore, #tpu.memory_space<semaphore_mem>> -> memref<1x!tpu.dma_semaphore, #tpu.memory_space<semaphore_mem>>
    %dma_wait3A_933 = tpu.memref_squeeze %dma_wait3A_932 : memref<1x!tpu.dma_semaphore, #tpu.memory_space<semaphore_mem>> -> memref<!tpu.dma_semaphore, #tpu.memory_space<semaphore_mem>>
    tpu.wait_indirect_dma semaphore(%dma_wait3A_933 : memref<!tpu.dma_semaphore, #tpu.memory_space<semaphore_mem>>) src(%dma_wait3A_931 : memref<1000000x128xf32, #tpu.memory_space<hbm>>) dst(%dma_wait3A_925 : memref<128x128xf32, #tpu.memory_space<vmem>>)
    %dma_start3A_934 = arith.constant 5 : i32
    %dma_start3A_935 = arith.constant 5 : i32
    %dma_start3A_936 = arith.constant 0 : i32
    %dma_start3A_937 = arith.constant 0 : i32
    %dma_start3A_938 = tpu.memref_slice %arg8[%dma_start3A_934, %dma_start3A_936, %dma_start3A_937] : memref<6x128x128xf32, #tpu.memory_space<vmem>> -> memref<1x128x128xf32, #tpu.memory_space<vmem>>
    %dma_start3A_939 = tpu.memref_squeeze %dma_start3A_938 : memref<1x128x128xf32, #tpu.memory_space<vmem>> -> memref<128x128xf32, #tpu.memory_space<vmem>>
    %dma_start3A_940 = arith.constant 0 : i32
    %dma_start3A_941 = tpu.memref_slice %arg6[%mul3A_76, %dma_start3A_940] : memref<81920x128xf32, #tpu.memory_space<hbm>> -> memref<128x128xf32, #tpu.memory_space<hbm>>
    %dma_start3A_942 = tpu.memref_slice %arg10[%dma_start3A_935] : memref<6x!tpu.dma_semaphore, #tpu.memory_space<semaphore_mem>> -> memref<1x!tpu.dma_semaphore, #tpu.memory_space<semaphore_mem>>
    %dma_start3A_943 = tpu.memref_squeeze %dma_start3A_942 : memref<1x!tpu.dma_semaphore, #tpu.memory_space<semaphore_mem>> -> memref<!tpu.dma_semaphore, #tpu.memory_space<semaphore_mem>>
    %dma_start3A_944 = arith.constant 0 : i32
    %dma_start3A_945 = tpu.memref_slice %arg6[%mul3A_76, %dma_start3A_944] : memref<81920x128xf32, #tpu.memory_space<hbm>> -> memref<128x128xf32, #tpu.memory_space<hbm>>
    %dma_start3A_946 = arith.constant 0 : i32
    %dma_start3A_947 = arith.constant 0 : i32
    %dma_start3A_948 = tpu.memref_slice %arg8[%dma_start3A_934, %dma_start3A_946, %dma_start3A_947] : memref<6x128x128xf32, #tpu.memory_space<vmem>> -> memref<1x128x128xf32, #tpu.memory_space<vmem>>
    %dma_start3A_949 = tpu.memref_squeeze %dma_start3A_948 : memref<1x128x128xf32, #tpu.memory_space<vmem>> -> memref<128x128xf32, #tpu.memory_space<vmem>>
    tpu.enqueue_dma source(%dma_start3A_949 : memref<128x128xf32, #tpu.memory_space<vmem>>) target(%dma_start3A_945 : memref<128x128xf32, #tpu.memory_space<hbm>>) target_semaphore(%dma_start3A_943 : memref<!tpu.dma_semaphore, #tpu.memory_space<semaphore_mem>>)
    %dma_wait3A_950 = arith.constant 5 : i32
    %dma_wait3A_951 = arith.constant 5 : i32
    %dma_wait3A_952 = arith.constant 0 : i32
    %dma_wait3A_953 = arith.constant 0 : i32
    %dma_wait3A_954 = tpu.memref_slice %arg8[%dma_wait3A_950, %dma_wait3A_952, %dma_wait3A_953] : memref<6x128x128xf32, #tpu.memory_space<vmem>> -> memref<1x128x128xf32, #tpu.memory_space<vmem>>
    %dma_wait3A_955 = tpu.memref_squeeze %dma_wait3A_954 : memref<1x128x128xf32, #tpu.memory_space<vmem>> -> memref<128x128xf32, #tpu.memory_space<vmem>>
    %dma_wait3A_956 = arith.constant 0 : i32
    %dma_wait3A_957 = tpu.memref_slice %arg6[%mul3A_76, %dma_wait3A_956] : memref<81920x128xf32, #tpu.memory_space<hbm>> -> memref<128x128xf32, #tpu.memory_space<hbm>>
    %dma_wait3A_958 = tpu.memref_slice %arg10[%dma_wait3A_951] : memref<6x!tpu.dma_semaphore, #tpu.memory_space<semaphore_mem>> -> memref<1x!tpu.dma_semaphore, #tpu.memory_space<semaphore_mem>>
    %dma_wait3A_959 = tpu.memref_squeeze %dma_wait3A_958 : memref<1x!tpu.dma_semaphore, #tpu.memory_space<semaphore_mem>> -> memref<!tpu.dma_semaphore, #tpu.memory_space<semaphore_mem>>
    %dma_wait3A_960 = arith.constant 0 : i32
    %dma_wait3A_961 = tpu.memref_slice %arg6[%mul3A_76, %dma_wait3A_960] : memref<81920x128xf32, #tpu.memory_space<hbm>> -> memref<128x128xf32, #tpu.memory_space<hbm>>
    %dma_wait3A_962 = arith.constant 0 : i32
    %dma_wait3A_963 = arith.constant 0 : i32
    %dma_wait3A_964 = tpu.memref_slice %arg8[%dma_wait3A_950, %dma_wait3A_962, %dma_wait3A_963] : memref<6x128x128xf32, #tpu.memory_space<vmem>> -> memref<1x128x128xf32, #tpu.memory_space<vmem>>
    %dma_wait3A_965 = tpu.memref_squeeze %dma_wait3A_964 : memref<1x128x128xf32, #tpu.memory_space<vmem>> -> memref<128x128xf32, #tpu.memory_space<vmem>>
    tpu.wait_dma2 semaphore(%dma_wait3A_959 : memref<!tpu.dma_semaphore, #tpu.memory_space<semaphore_mem>>) src(%dma_wait3A_965 : memref<128x128xf32, #tpu.memory_space<vmem>>) dst(%dma_wait3A_961 : memref<128x128xf32, #tpu.memory_space<hbm>>)
    %dma_start3A_966 = arith.constant 17 : i32
    %dma_start3A_967 = arith.constant 5 : i32
    %dma_start3A_968 = arith.constant 5 : i32
    %dma_start3A_969 = arith.constant 0 : i32
    %dma_start3A_970 = arith.constant 0 : i32
    %dma_start3A_971 = tpu.memref_slice %arg8[%dma_start3A_967, %dma_start3A_969, %dma_start3A_970] : memref<6x128x128xf32, #tpu.memory_space<vmem>> -> memref<1x128x128xf32, #tpu.memory_space<vmem>>
    %dma_start3A_972 = tpu.memref_squeeze %dma_start3A_971 : memref<1x128x128xf32, #tpu.memory_space<vmem>> -> memref<128x128xf32, #tpu.memory_space<vmem>>
    %dma_start3A_973 = arith.constant 0 : i32
    %dma_start3A_974 = tpu.memref_slice %arg7[%dma_start3A_966, %dma_start3A_973] : memref<24x128xi32, #tpu.memory_space<vmem>> -> memref<1x128xi32, #tpu.memory_space<vmem>>
    %dma_start3A_975 = tpu.memref_squeeze %dma_start3A_974 : memref<1x128xi32, #tpu.memory_space<vmem>> -> memref<128xi32, #tpu.memory_space<vmem>>
    %dma_start3A_976 = arith.constant 0 : i32
    %dma_start3A_977 = arith.constant 0 : i32
    %dma_start3A_978 = tpu.memref_slice %arg2[%dma_start3A_976, %dma_start3A_977] : memref<1000000x128xf32, #tpu.memory_space<hbm>> -> memref<1000000x128xf32, #tpu.memory_space<hbm>>
    %dma_start3A_979 = tpu.memref_slice %arg9[%dma_start3A_968] : memref<6x!tpu.dma_semaphore, #tpu.memory_space<semaphore_mem>> -> memref<1x!tpu.dma_semaphore, #tpu.memory_space<semaphore_mem>>
    %dma_start3A_980 = tpu.memref_squeeze %dma_start3A_979 : memref<1x!tpu.dma_semaphore, #tpu.memory_space<semaphore_mem>> -> memref<!tpu.dma_semaphore, #tpu.memory_space<semaphore_mem>>
    tpu.enqueue_indirect_dma source(%dma_start3A_978 : memref<1000000x128xf32, #tpu.memory_space<hbm>>) target(%dma_start3A_972 : memref<128x128xf32, #tpu.memory_space<vmem>>) offsets(%dma_start3A_975 : memref<128xi32, #tpu.memory_space<vmem>>) semaphore(%dma_start3A_980 : memref<!tpu.dma_semaphore, #tpu.memory_space<semaphore_mem>>)
    %dma_wait3A_981 = arith.constant 12 : i32
    %dma_wait3A_982 = arith.constant 0 : i32
    %dma_wait3A_983 = arith.constant 0 : i32
    %dma_wait3A_984 = arith.constant 0 : i32
    %dma_wait3A_985 = arith.constant 0 : i32
    %dma_wait3A_986 = tpu.memref_slice %arg8[%dma_wait3A_982, %dma_wait3A_984, %dma_wait3A_985] : memref<6x128x128xf32, #tpu.memory_space<vmem>> -> memref<1x128x128xf32, #tpu.memory_space<vmem>>
    %dma_wait3A_987 = tpu.memref_squeeze %dma_wait3A_986 : memref<1x128x128xf32, #tpu.memory_space<vmem>> -> memref<128x128xf32, #tpu.memory_space<vmem>>
    %dma_wait3A_988 = arith.constant 0 : i32
    %dma_wait3A_989 = tpu.memref_slice %arg7[%dma_wait3A_981, %dma_wait3A_988] : memref<24x128xi32, #tpu.memory_space<vmem>> -> memref<1x128xi32, #tpu.memory_space<vmem>>
    %dma_wait3A_990 = tpu.memref_squeeze %dma_wait3A_989 : memref<1x128xi32, #tpu.memory_space<vmem>> -> memref<128xi32, #tpu.memory_space<vmem>>
    %dma_wait3A_991 = arith.constant 0 : i32
    %dma_wait3A_992 = arith.constant 0 : i32
    %dma_wait3A_993 = tpu.memref_slice %arg2[%dma_wait3A_991, %dma_wait3A_992] : memref<1000000x128xf32, #tpu.memory_space<hbm>> -> memref<1000000x128xf32, #tpu.memory_space<hbm>>
    %dma_wait3A_994 = tpu.memref_slice %arg9[%dma_wait3A_983] : memref<6x!tpu.dma_semaphore, #tpu.memory_space<semaphore_mem>> -> memref<1x!tpu.dma_semaphore, #tpu.memory_space<semaphore_mem>>
    %dma_wait3A_995 = tpu.memref_squeeze %dma_wait3A_994 : memref<1x!tpu.dma_semaphore, #tpu.memory_space<semaphore_mem>> -> memref<!tpu.dma_semaphore, #tpu.memory_space<semaphore_mem>>
    tpu.wait_indirect_dma semaphore(%dma_wait3A_995 : memref<!tpu.dma_semaphore, #tpu.memory_space<semaphore_mem>>) src(%dma_wait3A_993 : memref<1000000x128xf32, #tpu.memory_space<hbm>>) dst(%dma_wait3A_987 : memref<128x128xf32, #tpu.memory_space<vmem>>)
    %dma_start3A_996 = arith.constant 0 : i32
    %dma_start3A_997 = arith.constant 0 : i32
    %dma_start3A_998 = arith.constant 0 : i32
    %dma_start3A_999 = arith.constant 0 : i32
    %dma_start3A_1000 = tpu.memref_slice %arg8[%dma_start3A_996, %dma_start3A_998, %dma_start3A_999] : memref<6x128x128xf32, #tpu.memory_space<vmem>> -> memref<1x128x128xf32, #tpu.memory_space<vmem>>
    %dma_start3A_1001 = tpu.memref_squeeze %dma_start3A_1000 : memref<1x128x128xf32, #tpu.memory_space<vmem>> -> memref<128x128xf32, #tpu.memory_space<vmem>>
    %dma_start3A_1002 = arith.constant 0 : i32
    %dma_start3A_1003 = tpu.memref_slice %arg6[%mul3A_82, %dma_start3A_1002] : memref<81920x128xf32, #tpu.memory_space<hbm>> -> memref<128x128xf32, #tpu.memory_space<hbm>>
    %dma_start3A_1004 = tpu.memref_slice %arg10[%dma_start3A_997] : memref<6x!tpu.dma_semaphore, #tpu.memory_space<semaphore_mem>> -> memref<1x!tpu.dma_semaphore, #tpu.memory_space<semaphore_mem>>
    %dma_start3A_1005 = tpu.memref_squeeze %dma_start3A_1004 : memref<1x!tpu.dma_semaphore, #tpu.memory_space<semaphore_mem>> -> memref<!tpu.dma_semaphore, #tpu.memory_space<semaphore_mem>>
    %dma_start3A_1006 = arith.constant 0 : i32
    %dma_start3A_1007 = tpu.memref_slice %arg6[%mul3A_82, %dma_start3A_1006] : memref<81920x128xf32, #tpu.memory_space<hbm>> -> memref<128x128xf32, #tpu.memory_space<hbm>>
    %dma_start3A_1008 = arith.constant 0 : i32
    %dma_start3A_1009 = arith.constant 0 : i32
    %dma_start3A_1010 = tpu.memref_slice %arg8[%dma_start3A_996, %dma_start3A_1008, %dma_start3A_1009] : memref<6x128x128xf32, #tpu.memory_space<vmem>> -> memref<1x128x128xf32, #tpu.memory_space<vmem>>
    %dma_start3A_1011 = tpu.memref_squeeze %dma_start3A_1010 : memref<1x128x128xf32, #tpu.memory_space<vmem>> -> memref<128x128xf32, #tpu.memory_space<vmem>>
    tpu.enqueue_dma source(%dma_start3A_1011 : memref<128x128xf32, #tpu.memory_space<vmem>>) target(%dma_start3A_1007 : memref<128x128xf32, #tpu.memory_space<hbm>>) target_semaphore(%dma_start3A_1005 : memref<!tpu.dma_semaphore, #tpu.memory_space<semaphore_mem>>)
    %dma_wait3A_1012 = arith.constant 0 : i32
    %dma_wait3A_1013 = arith.constant 0 : i32
    %dma_wait3A_1014 = arith.constant 0 : i32
    %dma_wait3A_1015 = arith.constant 0 : i32
    %dma_wait3A_1016 = tpu.memref_slice %arg8[%dma_wait3A_1012, %dma_wait3A_1014, %dma_wait3A_1015] : memref<6x128x128xf32, #tpu.memory_space<vmem>> -> memref<1x128x128xf32, #tpu.memory_space<vmem>>
    %dma_wait3A_1017 = tpu.memref_squeeze %dma_wait3A_1016 : memref<1x128x128xf32, #tpu.memory_space<vmem>> -> memref<128x128xf32, #tpu.memory_space<vmem>>
    %dma_wait3A_1018 = arith.constant 0 : i32
    %dma_wait3A_1019 = tpu.memref_slice %arg6[%mul3A_82, %dma_wait3A_1018] : memref<81920x128xf32, #tpu.memory_space<hbm>> -> memref<128x128xf32, #tpu.memory_space<hbm>>
    %dma_wait3A_1020 = tpu.memref_slice %arg10[%dma_wait3A_1013] : memref<6x!tpu.dma_semaphore, #tpu.memory_space<semaphore_mem>> -> memref<1x!tpu.dma_semaphore, #tpu.memory_space<semaphore_mem>>
    %dma_wait3A_1021 = tpu.memref_squeeze %dma_wait3A_1020 : memref<1x!tpu.dma_semaphore, #tpu.memory_space<semaphore_mem>> -> memref<!tpu.dma_semaphore, #tpu.memory_space<semaphore_mem>>
    %dma_wait3A_1022 = arith.constant 0 : i32
    %dma_wait3A_1023 = tpu.memref_slice %arg6[%mul3A_82, %dma_wait3A_1022] : memref<81920x128xf32, #tpu.memory_space<hbm>> -> memref<128x128xf32, #tpu.memory_space<hbm>>
    %dma_wait3A_1024 = arith.constant 0 : i32
    %dma_wait3A_1025 = arith.constant 0 : i32
    %dma_wait3A_1026 = tpu.memref_slice %arg8[%dma_wait3A_1012, %dma_wait3A_1024, %dma_wait3A_1025] : memref<6x128x128xf32, #tpu.memory_space<vmem>> -> memref<1x128x128xf32, #tpu.memory_space<vmem>>
    %dma_wait3A_1027 = tpu.memref_squeeze %dma_wait3A_1026 : memref<1x128x128xf32, #tpu.memory_space<vmem>> -> memref<128x128xf32, #tpu.memory_space<vmem>>
    tpu.wait_dma2 semaphore(%dma_wait3A_1021 : memref<!tpu.dma_semaphore, #tpu.memory_space<semaphore_mem>>) src(%dma_wait3A_1027 : memref<128x128xf32, #tpu.memory_space<vmem>>) dst(%dma_wait3A_1023 : memref<128x128xf32, #tpu.memory_space<hbm>>)
    %dma_start3A_1028 = arith.constant 18 : i32
    %dma_start3A_1029 = arith.constant 0 : i32
    %dma_start3A_1030 = arith.constant 0 : i32
    %dma_start3A_1031 = arith.constant 0 : i32
    %dma_start3A_1032 = arith.constant 0 : i32
    %dma_start3A_1033 = tpu.memref_slice %arg8[%dma_start3A_1029, %dma_start3A_1031, %dma_start3A_1032] : memref<6x128x128xf32, #tpu.memory_space<vmem>> -> memref<1x128x128xf32, #tpu.memory_space<vmem>>
    %dma_start3A_1034 = tpu.memref_squeeze %dma_start3A_1033 : memref<1x128x128xf32, #tpu.memory_space<vmem>> -> memref<128x128xf32, #tpu.memory_space<vmem>>
    %dma_start3A_1035 = arith.constant 0 : i32
    %dma_start3A_1036 = tpu.memref_slice %arg7[%dma_start3A_1028, %dma_start3A_1035] : memref<24x128xi32, #tpu.memory_space<vmem>> -> memref<1x128xi32, #tpu.memory_space<vmem>>
    %dma_start3A_1037 = tpu.memref_squeeze %dma_start3A_1036 : memref<1x128xi32, #tpu.memory_space<vmem>> -> memref<128xi32, #tpu.memory_space<vmem>>
    %dma_start3A_1038 = arith.constant 0 : i32
    %dma_start3A_1039 = arith.constant 0 : i32
    %dma_start3A_1040 = tpu.memref_slice %arg2[%dma_start3A_1038, %dma_start3A_1039] : memref<1000000x128xf32, #tpu.memory_space<hbm>> -> memref<1000000x128xf32, #tpu.memory_space<hbm>>
    %dma_start3A_1041 = tpu.memref_slice %arg9[%dma_start3A_1030] : memref<6x!tpu.dma_semaphore, #tpu.memory_space<semaphore_mem>> -> memref<1x!tpu.dma_semaphore, #tpu.memory_space<semaphore_mem>>
    %dma_start3A_1042 = tpu.memref_squeeze %dma_start3A_1041 : memref<1x!tpu.dma_semaphore, #tpu.memory_space<semaphore_mem>> -> memref<!tpu.dma_semaphore, #tpu.memory_space<semaphore_mem>>
    tpu.enqueue_indirect_dma source(%dma_start3A_1040 : memref<1000000x128xf32, #tpu.memory_space<hbm>>) target(%dma_start3A_1034 : memref<128x128xf32, #tpu.memory_space<vmem>>) offsets(%dma_start3A_1037 : memref<128xi32, #tpu.memory_space<vmem>>) semaphore(%dma_start3A_1042 : memref<!tpu.dma_semaphore, #tpu.memory_space<semaphore_mem>>)
    %dma_wait3A_1043 = arith.constant 13 : i32
    %dma_wait3A_1044 = arith.constant 1 : i32
    %dma_wait3A_1045 = arith.constant 1 : i32
    %dma_wait3A_1046 = arith.constant 0 : i32
    %dma_wait3A_1047 = arith.constant 0 : i32
    %dma_wait3A_1048 = tpu.memref_slice %arg8[%dma_wait3A_1044, %dma_wait3A_1046, %dma_wait3A_1047] : memref<6x128x128xf32, #tpu.memory_space<vmem>> -> memref<1x128x128xf32, #tpu.memory_space<vmem>>
    %dma_wait3A_1049 = tpu.memref_squeeze %dma_wait3A_1048 : memref<1x128x128xf32, #tpu.memory_space<vmem>> -> memref<128x128xf32, #tpu.memory_space<vmem>>
    %dma_wait3A_1050 = arith.constant 0 : i32
    %dma_wait3A_1051 = tpu.memref_slice %arg7[%dma_wait3A_1043, %dma_wait3A_1050] : memref<24x128xi32, #tpu.memory_space<vmem>> -> memref<1x128xi32, #tpu.memory_space<vmem>>
    %dma_wait3A_1052 = tpu.memref_squeeze %dma_wait3A_1051 : memref<1x128xi32, #tpu.memory_space<vmem>> -> memref<128xi32, #tpu.memory_space<vmem>>
    %dma_wait3A_1053 = arith.constant 0 : i32
    %dma_wait3A_1054 = arith.constant 0 : i32
    %dma_wait3A_1055 = tpu.memref_slice %arg2[%dma_wait3A_1053, %dma_wait3A_1054] : memref<1000000x128xf32, #tpu.memory_space<hbm>> -> memref<1000000x128xf32, #tpu.memory_space<hbm>>
    %dma_wait3A_1056 = tpu.memref_slice %arg9[%dma_wait3A_1045] : memref<6x!tpu.dma_semaphore, #tpu.memory_space<semaphore_mem>> -> memref<1x!tpu.dma_semaphore, #tpu.memory_space<semaphore_mem>>
    %dma_wait3A_1057 = tpu.memref_squeeze %dma_wait3A_1056 : memref<1x!tpu.dma_semaphore, #tpu.memory_space<semaphore_mem>> -> memref<!tpu.dma_semaphore, #tpu.memory_space<semaphore_mem>>
    tpu.wait_indirect_dma semaphore(%dma_wait3A_1057 : memref<!tpu.dma_semaphore, #tpu.memory_space<semaphore_mem>>) src(%dma_wait3A_1055 : memref<1000000x128xf32, #tpu.memory_space<hbm>>) dst(%dma_wait3A_1049 : memref<128x128xf32, #tpu.memory_space<vmem>>)
    %dma_start3A_1058 = arith.constant 1 : i32
    %dma_start3A_1059 = arith.constant 1 : i32
    %dma_start3A_1060 = arith.constant 0 : i32
    %dma_start3A_1061 = arith.constant 0 : i32
    %dma_start3A_1062 = tpu.memref_slice %arg8[%dma_start3A_1058, %dma_start3A_1060, %dma_start3A_1061] : memref<6x128x128xf32, #tpu.memory_space<vmem>> -> memref<1x128x128xf32, #tpu.memory_space<vmem>>
    %dma_start3A_1063 = tpu.memref_squeeze %dma_start3A_1062 : memref<1x128x128xf32, #tpu.memory_space<vmem>> -> memref<128x128xf32, #tpu.memory_space<vmem>>
    %dma_start3A_1064 = arith.constant 0 : i32
    %dma_start3A_1065 = tpu.memref_slice %arg6[%mul3A_88, %dma_start3A_1064] : memref<81920x128xf32, #tpu.memory_space<hbm>> -> memref<128x128xf32, #tpu.memory_space<hbm>>
    %dma_start3A_1066 = tpu.memref_slice %arg10[%dma_start3A_1059] : memref<6x!tpu.dma_semaphore, #tpu.memory_space<semaphore_mem>> -> memref<1x!tpu.dma_semaphore, #tpu.memory_space<semaphore_mem>>
    %dma_start3A_1067 = tpu.memref_squeeze %dma_start3A_1066 : memref<1x!tpu.dma_semaphore, #tpu.memory_space<semaphore_mem>> -> memref<!tpu.dma_semaphore, #tpu.memory_space<semaphore_mem>>
    %dma_start3A_1068 = arith.constant 0 : i32
    %dma_start3A_1069 = tpu.memref_slice %arg6[%mul3A_88, %dma_start3A_1068] : memref<81920x128xf32, #tpu.memory_space<hbm>> -> memref<128x128xf32, #tpu.memory_space<hbm>>
    %dma_start3A_1070 = arith.constant 0 : i32
    %dma_start3A_1071 = arith.constant 0 : i32
    %dma_start3A_1072 = tpu.memref_slice %arg8[%dma_start3A_1058, %dma_start3A_1070, %dma_start3A_1071] : memref<6x128x128xf32, #tpu.memory_space<vmem>> -> memref<1x128x128xf32, #tpu.memory_space<vmem>>
    %dma_start3A_1073 = tpu.memref_squeeze %dma_start3A_1072 : memref<1x128x128xf32, #tpu.memory_space<vmem>> -> memref<128x128xf32, #tpu.memory_space<vmem>>
    tpu.enqueue_dma source(%dma_start3A_1073 : memref<128x128xf32, #tpu.memory_space<vmem>>) target(%dma_start3A_1069 : memref<128x128xf32, #tpu.memory_space<hbm>>) target_semaphore(%dma_start3A_1067 : memref<!tpu.dma_semaphore, #tpu.memory_space<semaphore_mem>>)
    %dma_wait3A_1074 = arith.constant 1 : i32
    %dma_wait3A_1075 = arith.constant 1 : i32
    %dma_wait3A_1076 = arith.constant 0 : i32
    %dma_wait3A_1077 = arith.constant 0 : i32
    %dma_wait3A_1078 = tpu.memref_slice %arg8[%dma_wait3A_1074, %dma_wait3A_1076, %dma_wait3A_1077] : memref<6x128x128xf32, #tpu.memory_space<vmem>> -> memref<1x128x128xf32, #tpu.memory_space<vmem>>
    %dma_wait3A_1079 = tpu.memref_squeeze %dma_wait3A_1078 : memref<1x128x128xf32, #tpu.memory_space<vmem>> -> memref<128x128xf32, #tpu.memory_space<vmem>>
    %dma_wait3A_1080 = arith.constant 0 : i32
    %dma_wait3A_1081 = tpu.memref_slice %arg6[%mul3A_88, %dma_wait3A_1080] : memref<81920x128xf32, #tpu.memory_space<hbm>> -> memref<128x128xf32, #tpu.memory_space<hbm>>
    %dma_wait3A_1082 = tpu.memref_slice %arg10[%dma_wait3A_1075] : memref<6x!tpu.dma_semaphore, #tpu.memory_space<semaphore_mem>> -> memref<1x!tpu.dma_semaphore, #tpu.memory_space<semaphore_mem>>
    %dma_wait3A_1083 = tpu.memref_squeeze %dma_wait3A_1082 : memref<1x!tpu.dma_semaphore, #tpu.memory_space<semaphore_mem>> -> memref<!tpu.dma_semaphore, #tpu.memory_space<semaphore_mem>>
    %dma_wait3A_1084 = arith.constant 0 : i32
    %dma_wait3A_1085 = tpu.memref_slice %arg6[%mul3A_88, %dma_wait3A_1084] : memref<81920x128xf32, #tpu.memory_space<hbm>> -> memref<128x128xf32, #tpu.memory_space<hbm>>
    %dma_wait3A_1086 = arith.constant 0 : i32
    %dma_wait3A_1087 = arith.constant 0 : i32
    %dma_wait3A_1088 = tpu.memref_slice %arg8[%dma_wait3A_1074, %dma_wait3A_1086, %dma_wait3A_1087] : memref<6x128x128xf32, #tpu.memory_space<vmem>> -> memref<1x128x128xf32, #tpu.memory_space<vmem>>
    %dma_wait3A_1089 = tpu.memref_squeeze %dma_wait3A_1088 : memref<1x128x128xf32, #tpu.memory_space<vmem>> -> memref<128x128xf32, #tpu.memory_space<vmem>>
    tpu.wait_dma2 semaphore(%dma_wait3A_1083 : memref<!tpu.dma_semaphore, #tpu.memory_space<semaphore_mem>>) src(%dma_wait3A_1089 : memref<128x128xf32, #tpu.memory_space<vmem>>) dst(%dma_wait3A_1085 : memref<128x128xf32, #tpu.memory_space<hbm>>)
    %dma_start3A_1090 = arith.constant 19 : i32
    %dma_start3A_1091 = arith.constant 1 : i32
    %dma_start3A_1092 = arith.constant 1 : i32
    %dma_start3A_1093 = arith.constant 0 : i32
    %dma_start3A_1094 = arith.constant 0 : i32
    %dma_start3A_1095 = tpu.memref_slice %arg8[%dma_start3A_1091, %dma_start3A_1093, %dma_start3A_1094] : memref<6x128x128xf32, #tpu.memory_space<vmem>> -> memref<1x128x128xf32, #tpu.memory_space<vmem>>
    %dma_start3A_1096 = tpu.memref_squeeze %dma_start3A_1095 : memref<1x128x128xf32, #tpu.memory_space<vmem>> -> memref<128x128xf32, #tpu.memory_space<vmem>>
    %dma_start3A_1097 = arith.constant 0 : i32
    %dma_start3A_1098 = tpu.memref_slice %arg7[%dma_start3A_1090, %dma_start3A_1097] : memref<24x128xi32, #tpu.memory_space<vmem>> -> memref<1x128xi32, #tpu.memory_space<vmem>>
    %dma_start3A_1099 = tpu.memref_squeeze %dma_start3A_1098 : memref<1x128xi32, #tpu.memory_space<vmem>> -> memref<128xi32, #tpu.memory_space<vmem>>
    %dma_start3A_1100 = arith.constant 0 : i32
    %dma_start3A_1101 = arith.constant 0 : i32
    %dma_start3A_1102 = tpu.memref_slice %arg2[%dma_start3A_1100, %dma_start3A_1101] : memref<1000000x128xf32, #tpu.memory_space<hbm>> -> memref<1000000x128xf32, #tpu.memory_space<hbm>>
    %dma_start3A_1103 = tpu.memref_slice %arg9[%dma_start3A_1092] : memref<6x!tpu.dma_semaphore, #tpu.memory_space<semaphore_mem>> -> memref<1x!tpu.dma_semaphore, #tpu.memory_space<semaphore_mem>>
    %dma_start3A_1104 = tpu.memref_squeeze %dma_start3A_1103 : memref<1x!tpu.dma_semaphore, #tpu.memory_space<semaphore_mem>> -> memref<!tpu.dma_semaphore, #tpu.memory_space<semaphore_mem>>
    tpu.enqueue_indirect_dma source(%dma_start3A_1102 : memref<1000000x128xf32, #tpu.memory_space<hbm>>) target(%dma_start3A_1096 : memref<128x128xf32, #tpu.memory_space<vmem>>) offsets(%dma_start3A_1099 : memref<128xi32, #tpu.memory_space<vmem>>) semaphore(%dma_start3A_1104 : memref<!tpu.dma_semaphore, #tpu.memory_space<semaphore_mem>>)
    %dma_wait3A_1105 = arith.constant 14 : i32
    %dma_wait3A_1106 = arith.constant 2 : i32
    %dma_wait3A_1107 = arith.constant 2 : i32
    %dma_wait3A_1108 = arith.constant 0 : i32
    %dma_wait3A_1109 = arith.constant 0 : i32
    %dma_wait3A_1110 = tpu.memref_slice %arg8[%dma_wait3A_1106, %dma_wait3A_1108, %dma_wait3A_1109] : memref<6x128x128xf32, #tpu.memory_space<vmem>> -> memref<1x128x128xf32, #tpu.memory_space<vmem>>
    %dma_wait3A_1111 = tpu.memref_squeeze %dma_wait3A_1110 : memref<1x128x128xf32, #tpu.memory_space<vmem>> -> memref<128x128xf32, #tpu.memory_space<vmem>>
    %dma_wait3A_1112 = arith.constant 0 : i32
    %dma_wait3A_1113 = tpu.memref_slice %arg7[%dma_wait3A_1105, %dma_wait3A_1112] : memref<24x128xi32, #tpu.memory_space<vmem>> -> memref<1x128xi32, #tpu.memory_space<vmem>>
    %dma_wait3A_1114 = tpu.memref_squeeze %dma_wait3A_1113 : memref<1x128xi32, #tpu.memory_space<vmem>> -> memref<128xi32, #tpu.memory_space<vmem>>
    %dma_wait3A_1115 = arith.constant 0 : i32
    %dma_wait3A_1116 = arith.constant 0 : i32
    %dma_wait3A_1117 = tpu.memref_slice %arg2[%dma_wait3A_1115, %dma_wait3A_1116] : memref<1000000x128xf32, #tpu.memory_space<hbm>> -> memref<1000000x128xf32, #tpu.memory_space<hbm>>
    %dma_wait3A_1118 = tpu.memref_slice %arg9[%dma_wait3A_1107] : memref<6x!tpu.dma_semaphore, #tpu.memory_space<semaphore_mem>> -> memref<1x!tpu.dma_semaphore, #tpu.memory_space<semaphore_mem>>
    %dma_wait3A_1119 = tpu.memref_squeeze %dma_wait3A_1118 : memref<1x!tpu.dma_semaphore, #tpu.memory_space<semaphore_mem>> -> memref<!tpu.dma_semaphore, #tpu.memory_space<semaphore_mem>>
    tpu.wait_indirect_dma semaphore(%dma_wait3A_1119 : memref<!tpu.dma_semaphore, #tpu.memory_space<semaphore_mem>>) src(%dma_wait3A_1117 : memref<1000000x128xf32, #tpu.memory_space<hbm>>) dst(%dma_wait3A_1111 : memref<128x128xf32, #tpu.memory_space<vmem>>)
    %dma_start3A_1120 = arith.constant 2 : i32
    %dma_start3A_1121 = arith.constant 2 : i32
    %dma_start3A_1122 = arith.constant 0 : i32
    %dma_start3A_1123 = arith.constant 0 : i32
    %dma_start3A_1124 = tpu.memref_slice %arg8[%dma_start3A_1120, %dma_start3A_1122, %dma_start3A_1123] : memref<6x128x128xf32, #tpu.memory_space<vmem>> -> memref<1x128x128xf32, #tpu.memory_space<vmem>>
    %dma_start3A_1125 = tpu.memref_squeeze %dma_start3A_1124 : memref<1x128x128xf32, #tpu.memory_space<vmem>> -> memref<128x128xf32, #tpu.memory_space<vmem>>
    %dma_start3A_1126 = arith.constant 0 : i32
    %dma_start3A_1127 = tpu.memref_slice %arg6[%mul3A_94, %dma_start3A_1126] : memref<81920x128xf32, #tpu.memory_space<hbm>> -> memref<128x128xf32, #tpu.memory_space<hbm>>
    %dma_start3A_1128 = tpu.memref_slice %arg10[%dma_start3A_1121] : memref<6x!tpu.dma_semaphore, #tpu.memory_space<semaphore_mem>> -> memref<1x!tpu.dma_semaphore, #tpu.memory_space<semaphore_mem>>
    %dma_start3A_1129 = tpu.memref_squeeze %dma_start3A_1128 : memref<1x!tpu.dma_semaphore, #tpu.memory_space<semaphore_mem>> -> memref<!tpu.dma_semaphore, #tpu.memory_space<semaphore_mem>>
    %dma_start3A_1130 = arith.constant 0 : i32
    %dma_start3A_1131 = tpu.memref_slice %arg6[%mul3A_94, %dma_start3A_1130] : memref<81920x128xf32, #tpu.memory_space<hbm>> -> memref<128x128xf32, #tpu.memory_space<hbm>>
    %dma_start3A_1132 = arith.constant 0 : i32
    %dma_start3A_1133 = arith.constant 0 : i32
    %dma_start3A_1134 = tpu.memref_slice %arg8[%dma_start3A_1120, %dma_start3A_1132, %dma_start3A_1133] : memref<6x128x128xf32, #tpu.memory_space<vmem>> -> memref<1x128x128xf32, #tpu.memory_space<vmem>>
    %dma_start3A_1135 = tpu.memref_squeeze %dma_start3A_1134 : memref<1x128x128xf32, #tpu.memory_space<vmem>> -> memref<128x128xf32, #tpu.memory_space<vmem>>
    tpu.enqueue_dma source(%dma_start3A_1135 : memref<128x128xf32, #tpu.memory_space<vmem>>) target(%dma_start3A_1131 : memref<128x128xf32, #tpu.memory_space<hbm>>) target_semaphore(%dma_start3A_1129 : memref<!tpu.dma_semaphore, #tpu.memory_space<semaphore_mem>>)
    %dma_wait3A_1136 = arith.constant 2 : i32
    %dma_wait3A_1137 = arith.constant 2 : i32
    %dma_wait3A_1138 = arith.constant 0 : i32
    %dma_wait3A_1139 = arith.constant 0 : i32
    %dma_wait3A_1140 = tpu.memref_slice %arg8[%dma_wait3A_1136, %dma_wait3A_1138, %dma_wait3A_1139] : memref<6x128x128xf32, #tpu.memory_space<vmem>> -> memref<1x128x128xf32, #tpu.memory_space<vmem>>
    %dma_wait3A_1141 = tpu.memref_squeeze %dma_wait3A_1140 : memref<1x128x128xf32, #tpu.memory_space<vmem>> -> memref<128x128xf32, #tpu.memory_space<vmem>>
    %dma_wait3A_1142 = arith.constant 0 : i32
    %dma_wait3A_1143 = tpu.memref_slice %arg6[%mul3A_94, %dma_wait3A_1142] : memref<81920x128xf32, #tpu.memory_space<hbm>> -> memref<128x128xf32, #tpu.memory_space<hbm>>
    %dma_wait3A_1144 = tpu.memref_slice %arg10[%dma_wait3A_1137] : memref<6x!tpu.dma_semaphore, #tpu.memory_space<semaphore_mem>> -> memref<1x!tpu.dma_semaphore, #tpu.memory_space<semaphore_mem>>
    %dma_wait3A_1145 = tpu.memref_squeeze %dma_wait3A_1144 : memref<1x!tpu.dma_semaphore, #tpu.memory_space<semaphore_mem>> -> memref<!tpu.dma_semaphore, #tpu.memory_space<semaphore_mem>>
    %dma_wait3A_1146 = arith.constant 0 : i32
    %dma_wait3A_1147 = tpu.memref_slice %arg6[%mul3A_94, %dma_wait3A_1146] : memref<81920x128xf32, #tpu.memory_space<hbm>> -> memref<128x128xf32, #tpu.memory_space<hbm>>
    %dma_wait3A_1148 = arith.constant 0 : i32
    %dma_wait3A_1149 = arith.constant 0 : i32
    %dma_wait3A_1150 = tpu.memref_slice %arg8[%dma_wait3A_1136, %dma_wait3A_1148, %dma_wait3A_1149] : memref<6x128x128xf32, #tpu.memory_space<vmem>> -> memref<1x128x128xf32, #tpu.memory_space<vmem>>
    %dma_wait3A_1151 = tpu.memref_squeeze %dma_wait3A_1150 : memref<1x128x128xf32, #tpu.memory_space<vmem>> -> memref<128x128xf32, #tpu.memory_space<vmem>>
    tpu.wait_dma2 semaphore(%dma_wait3A_1145 : memref<!tpu.dma_semaphore, #tpu.memory_space<semaphore_mem>>) src(%dma_wait3A_1151 : memref<128x128xf32, #tpu.memory_space<vmem>>) dst(%dma_wait3A_1147 : memref<128x128xf32, #tpu.memory_space<hbm>>)
    %dma_start3A_1152 = arith.constant 20 : i32
    %dma_start3A_1153 = arith.constant 2 : i32
    %dma_start3A_1154 = arith.constant 2 : i32
    %dma_start3A_1155 = arith.constant 0 : i32
    %dma_start3A_1156 = arith.constant 0 : i32
    %dma_start3A_1157 = tpu.memref_slice %arg8[%dma_start3A_1153, %dma_start3A_1155, %dma_start3A_1156] : memref<6x128x128xf32, #tpu.memory_space<vmem>> -> memref<1x128x128xf32, #tpu.memory_space<vmem>>
    %dma_start3A_1158 = tpu.memref_squeeze %dma_start3A_1157 : memref<1x128x128xf32, #tpu.memory_space<vmem>> -> memref<128x128xf32, #tpu.memory_space<vmem>>
    %dma_start3A_1159 = arith.constant 0 : i32
    %dma_start3A_1160 = tpu.memref_slice %arg7[%dma_start3A_1152, %dma_start3A_1159] : memref<24x128xi32, #tpu.memory_space<vmem>> -> memref<1x128xi32, #tpu.memory_space<vmem>>
    %dma_start3A_1161 = tpu.memref_squeeze %dma_start3A_1160 : memref<1x128xi32, #tpu.memory_space<vmem>> -> memref<128xi32, #tpu.memory_space<vmem>>
    %dma_start3A_1162 = arith.constant 0 : i32
    %dma_start3A_1163 = arith.constant 0 : i32
    %dma_start3A_1164 = tpu.memref_slice %arg2[%dma_start3A_1162, %dma_start3A_1163] : memref<1000000x128xf32, #tpu.memory_space<hbm>> -> memref<1000000x128xf32, #tpu.memory_space<hbm>>
    %dma_start3A_1165 = tpu.memref_slice %arg9[%dma_start3A_1154] : memref<6x!tpu.dma_semaphore, #tpu.memory_space<semaphore_mem>> -> memref<1x!tpu.dma_semaphore, #tpu.memory_space<semaphore_mem>>
    %dma_start3A_1166 = tpu.memref_squeeze %dma_start3A_1165 : memref<1x!tpu.dma_semaphore, #tpu.memory_space<semaphore_mem>> -> memref<!tpu.dma_semaphore, #tpu.memory_space<semaphore_mem>>
    tpu.enqueue_indirect_dma source(%dma_start3A_1164 : memref<1000000x128xf32, #tpu.memory_space<hbm>>) target(%dma_start3A_1158 : memref<128x128xf32, #tpu.memory_space<vmem>>) offsets(%dma_start3A_1161 : memref<128xi32, #tpu.memory_space<vmem>>) semaphore(%dma_start3A_1166 : memref<!tpu.dma_semaphore, #tpu.memory_space<semaphore_mem>>)
    %dma_wait3A_1167 = arith.constant 15 : i32
    %dma_wait3A_1168 = arith.constant 3 : i32
    %dma_wait3A_1169 = arith.constant 3 : i32
    %dma_wait3A_1170 = arith.constant 0 : i32
    %dma_wait3A_1171 = arith.constant 0 : i32
    %dma_wait3A_1172 = tpu.memref_slice %arg8[%dma_wait3A_1168, %dma_wait3A_1170, %dma_wait3A_1171] : memref<6x128x128xf32, #tpu.memory_space<vmem>> -> memref<1x128x128xf32, #tpu.memory_space<vmem>>
    %dma_wait3A_1173 = tpu.memref_squeeze %dma_wait3A_1172 : memref<1x128x128xf32, #tpu.memory_space<vmem>> -> memref<128x128xf32, #tpu.memory_space<vmem>>
    %dma_wait3A_1174 = arith.constant 0 : i32
    %dma_wait3A_1175 = tpu.memref_slice %arg7[%dma_wait3A_1167, %dma_wait3A_1174] : memref<24x128xi32, #tpu.memory_space<vmem>> -> memref<1x128xi32, #tpu.memory_space<vmem>>
    %dma_wait3A_1176 = tpu.memref_squeeze %dma_wait3A_1175 : memref<1x128xi32, #tpu.memory_space<vmem>> -> memref<128xi32, #tpu.memory_space<vmem>>
    %dma_wait3A_1177 = arith.constant 0 : i32
    %dma_wait3A_1178 = arith.constant 0 : i32
    %dma_wait3A_1179 = tpu.memref_slice %arg2[%dma_wait3A_1177, %dma_wait3A_1178] : memref<1000000x128xf32, #tpu.memory_space<hbm>> -> memref<1000000x128xf32, #tpu.memory_space<hbm>>
    %dma_wait3A_1180 = tpu.memref_slice %arg9[%dma_wait3A_1169] : memref<6x!tpu.dma_semaphore, #tpu.memory_space<semaphore_mem>> -> memref<1x!tpu.dma_semaphore, #tpu.memory_space<semaphore_mem>>
    %dma_wait3A_1181 = tpu.memref_squeeze %dma_wait3A_1180 : memref<1x!tpu.dma_semaphore, #tpu.memory_space<semaphore_mem>> -> memref<!tpu.dma_semaphore, #tpu.memory_space<semaphore_mem>>
    tpu.wait_indirect_dma semaphore(%dma_wait3A_1181 : memref<!tpu.dma_semaphore, #tpu.memory_space<semaphore_mem>>) src(%dma_wait3A_1179 : memref<1000000x128xf32, #tpu.memory_space<hbm>>) dst(%dma_wait3A_1173 : memref<128x128xf32, #tpu.memory_space<vmem>>)
    %dma_start3A_1182 = arith.constant 3 : i32
    %dma_start3A_1183 = arith.constant 3 : i32
    %dma_start3A_1184 = arith.constant 0 : i32
    %dma_start3A_1185 = arith.constant 0 : i32
    %dma_start3A_1186 = tpu.memref_slice %arg8[%dma_start3A_1182, %dma_start3A_1184, %dma_start3A_1185] : memref<6x128x128xf32, #tpu.memory_space<vmem>> -> memref<1x128x128xf32, #tpu.memory_space<vmem>>
    %dma_start3A_1187 = tpu.memref_squeeze %dma_start3A_1186 : memref<1x128x128xf32, #tpu.memory_space<vmem>> -> memref<128x128xf32, #tpu.memory_space<vmem>>
    %dma_start3A_1188 = arith.constant 0 : i32
    %dma_start3A_1189 = tpu.memref_slice %arg6[%mul3A_100, %dma_start3A_1188] : memref<81920x128xf32, #tpu.memory_space<hbm>> -> memref<128x128xf32, #tpu.memory_space<hbm>>
    %dma_start3A_1190 = tpu.memref_slice %arg10[%dma_start3A_1183] : memref<6x!tpu.dma_semaphore, #tpu.memory_space<semaphore_mem>> -> memref<1x!tpu.dma_semaphore, #tpu.memory_space<semaphore_mem>>
    %dma_start3A_1191 = tpu.memref_squeeze %dma_start3A_1190 : memref<1x!tpu.dma_semaphore, #tpu.memory_space<semaphore_mem>> -> memref<!tpu.dma_semaphore, #tpu.memory_space<semaphore_mem>>
    %dma_start3A_1192 = arith.constant 0 : i32
    %dma_start3A_1193 = tpu.memref_slice %arg6[%mul3A_100, %dma_start3A_1192] : memref<81920x128xf32, #tpu.memory_space<hbm>> -> memref<128x128xf32, #tpu.memory_space<hbm>>
    %dma_start3A_1194 = arith.constant 0 : i32
    %dma_start3A_1195 = arith.constant 0 : i32
    %dma_start3A_1196 = tpu.memref_slice %arg8[%dma_start3A_1182, %dma_start3A_1194, %dma_start3A_1195] : memref<6x128x128xf32, #tpu.memory_space<vmem>> -> memref<1x128x128xf32, #tpu.memory_space<vmem>>
    %dma_start3A_1197 = tpu.memref_squeeze %dma_start3A_1196 : memref<1x128x128xf32, #tpu.memory_space<vmem>> -> memref<128x128xf32, #tpu.memory_space<vmem>>
    tpu.enqueue_dma source(%dma_start3A_1197 : memref<128x128xf32, #tpu.memory_space<vmem>>) target(%dma_start3A_1193 : memref<128x128xf32, #tpu.memory_space<hbm>>) target_semaphore(%dma_start3A_1191 : memref<!tpu.dma_semaphore, #tpu.memory_space<semaphore_mem>>)
    %dma_wait3A_1198 = arith.constant 3 : i32
    %dma_wait3A_1199 = arith.constant 3 : i32
    %dma_wait3A_1200 = arith.constant 0 : i32
    %dma_wait3A_1201 = arith.constant 0 : i32
    %dma_wait3A_1202 = tpu.memref_slice %arg8[%dma_wait3A_1198, %dma_wait3A_1200, %dma_wait3A_1201] : memref<6x128x128xf32, #tpu.memory_space<vmem>> -> memref<1x128x128xf32, #tpu.memory_space<vmem>>
    %dma_wait3A_1203 = tpu.memref_squeeze %dma_wait3A_1202 : memref<1x128x128xf32, #tpu.memory_space<vmem>> -> memref<128x128xf32, #tpu.memory_space<vmem>>
    %dma_wait3A_1204 = arith.constant 0 : i32
    %dma_wait3A_1205 = tpu.memref_slice %arg6[%mul3A_100, %dma_wait3A_1204] : memref<81920x128xf32, #tpu.memory_space<hbm>> -> memref<128x128xf32, #tpu.memory_space<hbm>>
    %dma_wait3A_1206 = tpu.memref_slice %arg10[%dma_wait3A_1199] : memref<6x!tpu.dma_semaphore, #tpu.memory_space<semaphore_mem>> -> memref<1x!tpu.dma_semaphore, #tpu.memory_space<semaphore_mem>>
    %dma_wait3A_1207 = tpu.memref_squeeze %dma_wait3A_1206 : memref<1x!tpu.dma_semaphore, #tpu.memory_space<semaphore_mem>> -> memref<!tpu.dma_semaphore, #tpu.memory_space<semaphore_mem>>
    %dma_wait3A_1208 = arith.constant 0 : i32
    %dma_wait3A_1209 = tpu.memref_slice %arg6[%mul3A_100, %dma_wait3A_1208] : memref<81920x128xf32, #tpu.memory_space<hbm>> -> memref<128x128xf32, #tpu.memory_space<hbm>>
    %dma_wait3A_1210 = arith.constant 0 : i32
    %dma_wait3A_1211 = arith.constant 0 : i32
    %dma_wait3A_1212 = tpu.memref_slice %arg8[%dma_wait3A_1198, %dma_wait3A_1210, %dma_wait3A_1211] : memref<6x128x128xf32, #tpu.memory_space<vmem>> -> memref<1x128x128xf32, #tpu.memory_space<vmem>>
    %dma_wait3A_1213 = tpu.memref_squeeze %dma_wait3A_1212 : memref<1x128x128xf32, #tpu.memory_space<vmem>> -> memref<128x128xf32, #tpu.memory_space<vmem>>
    tpu.wait_dma2 semaphore(%dma_wait3A_1207 : memref<!tpu.dma_semaphore, #tpu.memory_space<semaphore_mem>>) src(%dma_wait3A_1213 : memref<128x128xf32, #tpu.memory_space<vmem>>) dst(%dma_wait3A_1209 : memref<128x128xf32, #tpu.memory_space<hbm>>)
    %dma_start3A_1214 = arith.constant 21 : i32
    %dma_start3A_1215 = arith.constant 3 : i32
    %dma_start3A_1216 = arith.constant 3 : i32
    %dma_start3A_1217 = arith.constant 0 : i32
    %dma_start3A_1218 = arith.constant 0 : i32
    %dma_start3A_1219 = tpu.memref_slice %arg8[%dma_start3A_1215, %dma_start3A_1217, %dma_start3A_1218] : memref<6x128x128xf32, #tpu.memory_space<vmem>> -> memref<1x128x128xf32, #tpu.memory_space<vmem>>
    %dma_start3A_1220 = tpu.memref_squeeze %dma_start3A_1219 : memref<1x128x128xf32, #tpu.memory_space<vmem>> -> memref<128x128xf32, #tpu.memory_space<vmem>>
    %dma_start3A_1221 = arith.constant 0 : i32
    %dma_start3A_1222 = tpu.memref_slice %arg7[%dma_start3A_1214, %dma_start3A_1221] : memref<24x128xi32, #tpu.memory_space<vmem>> -> memref<1x128xi32, #tpu.memory_space<vmem>>
    %dma_start3A_1223 = tpu.memref_squeeze %dma_start3A_1222 : memref<1x128xi32, #tpu.memory_space<vmem>> -> memref<128xi32, #tpu.memory_space<vmem>>
    %dma_start3A_1224 = arith.constant 0 : i32
    %dma_start3A_1225 = arith.constant 0 : i32
    %dma_start3A_1226 = tpu.memref_slice %arg2[%dma_start3A_1224, %dma_start3A_1225] : memref<1000000x128xf32, #tpu.memory_space<hbm>> -> memref<1000000x128xf32, #tpu.memory_space<hbm>>
    %dma_start3A_1227 = tpu.memref_slice %arg9[%dma_start3A_1216] : memref<6x!tpu.dma_semaphore, #tpu.memory_space<semaphore_mem>> -> memref<1x!tpu.dma_semaphore, #tpu.memory_space<semaphore_mem>>
    %dma_start3A_1228 = tpu.memref_squeeze %dma_start3A_1227 : memref<1x!tpu.dma_semaphore, #tpu.memory_space<semaphore_mem>> -> memref<!tpu.dma_semaphore, #tpu.memory_space<semaphore_mem>>
    tpu.enqueue_indirect_dma source(%dma_start3A_1226 : memref<1000000x128xf32, #tpu.memory_space<hbm>>) target(%dma_start3A_1220 : memref<128x128xf32, #tpu.memory_space<vmem>>) offsets(%dma_start3A_1223 : memref<128xi32, #tpu.memory_space<vmem>>) semaphore(%dma_start3A_1228 : memref<!tpu.dma_semaphore, #tpu.memory_space<semaphore_mem>>)
    %dma_wait3A_1229 = arith.constant 16 : i32
    %dma_wait3A_1230 = arith.constant 4 : i32
    %dma_wait3A_1231 = arith.constant 4 : i32
    %dma_wait3A_1232 = arith.constant 0 : i32
    %dma_wait3A_1233 = arith.constant 0 : i32
    %dma_wait3A_1234 = tpu.memref_slice %arg8[%dma_wait3A_1230, %dma_wait3A_1232, %dma_wait3A_1233] : memref<6x128x128xf32, #tpu.memory_space<vmem>> -> memref<1x128x128xf32, #tpu.memory_space<vmem>>
    %dma_wait3A_1235 = tpu.memref_squeeze %dma_wait3A_1234 : memref<1x128x128xf32, #tpu.memory_space<vmem>> -> memref<128x128xf32, #tpu.memory_space<vmem>>
    %dma_wait3A_1236 = arith.constant 0 : i32
    %dma_wait3A_1237 = tpu.memref_slice %arg7[%dma_wait3A_1229, %dma_wait3A_1236] : memref<24x128xi32, #tpu.memory_space<vmem>> -> memref<1x128xi32, #tpu.memory_space<vmem>>
    %dma_wait3A_1238 = tpu.memref_squeeze %dma_wait3A_1237 : memref<1x128xi32, #tpu.memory_space<vmem>> -> memref<128xi32, #tpu.memory_space<vmem>>
    %dma_wait3A_1239 = arith.constant 0 : i32
    %dma_wait3A_1240 = arith.constant 0 : i32
    %dma_wait3A_1241 = tpu.memref_slice %arg2[%dma_wait3A_1239, %dma_wait3A_1240] : memref<1000000x128xf32, #tpu.memory_space<hbm>> -> memref<1000000x128xf32, #tpu.memory_space<hbm>>
    %dma_wait3A_1242 = tpu.memref_slice %arg9[%dma_wait3A_1231] : memref<6x!tpu.dma_semaphore, #tpu.memory_space<semaphore_mem>> -> memref<1x!tpu.dma_semaphore, #tpu.memory_space<semaphore_mem>>
    %dma_wait3A_1243 = tpu.memref_squeeze %dma_wait3A_1242 : memref<1x!tpu.dma_semaphore, #tpu.memory_space<semaphore_mem>> -> memref<!tpu.dma_semaphore, #tpu.memory_space<semaphore_mem>>
    tpu.wait_indirect_dma semaphore(%dma_wait3A_1243 : memref<!tpu.dma_semaphore, #tpu.memory_space<semaphore_mem>>) src(%dma_wait3A_1241 : memref<1000000x128xf32, #tpu.memory_space<hbm>>) dst(%dma_wait3A_1235 : memref<128x128xf32, #tpu.memory_space<vmem>>)
    %dma_start3A_1244 = arith.constant 4 : i32
    %dma_start3A_1245 = arith.constant 4 : i32
    %dma_start3A_1246 = arith.constant 0 : i32
    %dma_start3A_1247 = arith.constant 0 : i32
    %dma_start3A_1248 = tpu.memref_slice %arg8[%dma_start3A_1244, %dma_start3A_1246, %dma_start3A_1247] : memref<6x128x128xf32, #tpu.memory_space<vmem>> -> memref<1x128x128xf32, #tpu.memory_space<vmem>>
    %dma_start3A_1249 = tpu.memref_squeeze %dma_start3A_1248 : memref<1x128x128xf32, #tpu.memory_space<vmem>> -> memref<128x128xf32, #tpu.memory_space<vmem>>
    %dma_start3A_1250 = arith.constant 0 : i32
    %dma_start3A_1251 = tpu.memref_slice %arg6[%mul3A_106, %dma_start3A_1250] : memref<81920x128xf32, #tpu.memory_space<hbm>> -> memref<128x128xf32, #tpu.memory_space<hbm>>
    %dma_start3A_1252 = tpu.memref_slice %arg10[%dma_start3A_1245] : memref<6x!tpu.dma_semaphore, #tpu.memory_space<semaphore_mem>> -> memref<1x!tpu.dma_semaphore, #tpu.memory_space<semaphore_mem>>
    %dma_start3A_1253 = tpu.memref_squeeze %dma_start3A_1252 : memref<1x!tpu.dma_semaphore, #tpu.memory_space<semaphore_mem>> -> memref<!tpu.dma_semaphore, #tpu.memory_space<semaphore_mem>>
    %dma_start3A_1254 = arith.constant 0 : i32
    %dma_start3A_1255 = tpu.memref_slice %arg6[%mul3A_106, %dma_start3A_1254] : memref<81920x128xf32, #tpu.memory_space<hbm>> -> memref<128x128xf32, #tpu.memory_space<hbm>>
    %dma_start3A_1256 = arith.constant 0 : i32
    %dma_start3A_1257 = arith.constant 0 : i32
    %dma_start3A_1258 = tpu.memref_slice %arg8[%dma_start3A_1244, %dma_start3A_1256, %dma_start3A_1257] : memref<6x128x128xf32, #tpu.memory_space<vmem>> -> memref<1x128x128xf32, #tpu.memory_space<vmem>>
    %dma_start3A_1259 = tpu.memref_squeeze %dma_start3A_1258 : memref<1x128x128xf32, #tpu.memory_space<vmem>> -> memref<128x128xf32, #tpu.memory_space<vmem>>
    tpu.enqueue_dma source(%dma_start3A_1259 : memref<128x128xf32, #tpu.memory_space<vmem>>) target(%dma_start3A_1255 : memref<128x128xf32, #tpu.memory_space<hbm>>) target_semaphore(%dma_start3A_1253 : memref<!tpu.dma_semaphore, #tpu.memory_space<semaphore_mem>>)
    %dma_wait3A_1260 = arith.constant 4 : i32
    %dma_wait3A_1261 = arith.constant 4 : i32
    %dma_wait3A_1262 = arith.constant 0 : i32
    %dma_wait3A_1263 = arith.constant 0 : i32
    %dma_wait3A_1264 = tpu.memref_slice %arg8[%dma_wait3A_1260, %dma_wait3A_1262, %dma_wait3A_1263] : memref<6x128x128xf32, #tpu.memory_space<vmem>> -> memref<1x128x128xf32, #tpu.memory_space<vmem>>
    %dma_wait3A_1265 = tpu.memref_squeeze %dma_wait3A_1264 : memref<1x128x128xf32, #tpu.memory_space<vmem>> -> memref<128x128xf32, #tpu.memory_space<vmem>>
    %dma_wait3A_1266 = arith.constant 0 : i32
    %dma_wait3A_1267 = tpu.memref_slice %arg6[%mul3A_106, %dma_wait3A_1266] : memref<81920x128xf32, #tpu.memory_space<hbm>> -> memref<128x128xf32, #tpu.memory_space<hbm>>
    %dma_wait3A_1268 = tpu.memref_slice %arg10[%dma_wait3A_1261] : memref<6x!tpu.dma_semaphore, #tpu.memory_space<semaphore_mem>> -> memref<1x!tpu.dma_semaphore, #tpu.memory_space<semaphore_mem>>
    %dma_wait3A_1269 = tpu.memref_squeeze %dma_wait3A_1268 : memref<1x!tpu.dma_semaphore, #tpu.memory_space<semaphore_mem>> -> memref<!tpu.dma_semaphore, #tpu.memory_space<semaphore_mem>>
    %dma_wait3A_1270 = arith.constant 0 : i32
    %dma_wait3A_1271 = tpu.memref_slice %arg6[%mul3A_106, %dma_wait3A_1270] : memref<81920x128xf32, #tpu.memory_space<hbm>> -> memref<128x128xf32, #tpu.memory_space<hbm>>
    %dma_wait3A_1272 = arith.constant 0 : i32
    %dma_wait3A_1273 = arith.constant 0 : i32
    %dma_wait3A_1274 = tpu.memref_slice %arg8[%dma_wait3A_1260, %dma_wait3A_1272, %dma_wait3A_1273] : memref<6x128x128xf32, #tpu.memory_space<vmem>> -> memref<1x128x128xf32, #tpu.memory_space<vmem>>
    %dma_wait3A_1275 = tpu.memref_squeeze %dma_wait3A_1274 : memref<1x128x128xf32, #tpu.memory_space<vmem>> -> memref<128x128xf32, #tpu.memory_space<vmem>>
    tpu.wait_dma2 semaphore(%dma_wait3A_1269 : memref<!tpu.dma_semaphore, #tpu.memory_space<semaphore_mem>>) src(%dma_wait3A_1275 : memref<128x128xf32, #tpu.memory_space<vmem>>) dst(%dma_wait3A_1271 : memref<128x128xf32, #tpu.memory_space<hbm>>)
    %dma_start3A_1276 = arith.constant 22 : i32
    %dma_start3A_1277 = arith.constant 4 : i32
    %dma_start3A_1278 = arith.constant 4 : i32
    %dma_start3A_1279 = arith.constant 0 : i32
    %dma_start3A_1280 = arith.constant 0 : i32
    %dma_start3A_1281 = tpu.memref_slice %arg8[%dma_start3A_1277, %dma_start3A_1279, %dma_start3A_1280] : memref<6x128x128xf32, #tpu.memory_space<vmem>> -> memref<1x128x128xf32, #tpu.memory_space<vmem>>
    %dma_start3A_1282 = tpu.memref_squeeze %dma_start3A_1281 : memref<1x128x128xf32, #tpu.memory_space<vmem>> -> memref<128x128xf32, #tpu.memory_space<vmem>>
    %dma_start3A_1283 = arith.constant 0 : i32
    %dma_start3A_1284 = tpu.memref_slice %arg7[%dma_start3A_1276, %dma_start3A_1283] : memref<24x128xi32, #tpu.memory_space<vmem>> -> memref<1x128xi32, #tpu.memory_space<vmem>>
    %dma_start3A_1285 = tpu.memref_squeeze %dma_start3A_1284 : memref<1x128xi32, #tpu.memory_space<vmem>> -> memref<128xi32, #tpu.memory_space<vmem>>
    %dma_start3A_1286 = arith.constant 0 : i32
    %dma_start3A_1287 = arith.constant 0 : i32
    %dma_start3A_1288 = tpu.memref_slice %arg2[%dma_start3A_1286, %dma_start3A_1287] : memref<1000000x128xf32, #tpu.memory_space<hbm>> -> memref<1000000x128xf32, #tpu.memory_space<hbm>>
    %dma_start3A_1289 = tpu.memref_slice %arg9[%dma_start3A_1278] : memref<6x!tpu.dma_semaphore, #tpu.memory_space<semaphore_mem>> -> memref<1x!tpu.dma_semaphore, #tpu.memory_space<semaphore_mem>>
    %dma_start3A_1290 = tpu.memref_squeeze %dma_start3A_1289 : memref<1x!tpu.dma_semaphore, #tpu.memory_space<semaphore_mem>> -> memref<!tpu.dma_semaphore, #tpu.memory_space<semaphore_mem>>
    tpu.enqueue_indirect_dma source(%dma_start3A_1288 : memref<1000000x128xf32, #tpu.memory_space<hbm>>) target(%dma_start3A_1282 : memref<128x128xf32, #tpu.memory_space<vmem>>) offsets(%dma_start3A_1285 : memref<128xi32, #tpu.memory_space<vmem>>) semaphore(%dma_start3A_1290 : memref<!tpu.dma_semaphore, #tpu.memory_space<semaphore_mem>>)
    %dma_wait3A_1291 = arith.constant 17 : i32
    %dma_wait3A_1292 = arith.constant 5 : i32
    %dma_wait3A_1293 = arith.constant 5 : i32
    %dma_wait3A_1294 = arith.constant 0 : i32
    %dma_wait3A_1295 = arith.constant 0 : i32
    %dma_wait3A_1296 = tpu.memref_slice %arg8[%dma_wait3A_1292, %dma_wait3A_1294, %dma_wait3A_1295] : memref<6x128x128xf32, #tpu.memory_space<vmem>> -> memref<1x128x128xf32, #tpu.memory_space<vmem>>
    %dma_wait3A_1297 = tpu.memref_squeeze %dma_wait3A_1296 : memref<1x128x128xf32, #tpu.memory_space<vmem>> -> memref<128x128xf32, #tpu.memory_space<vmem>>
    %dma_wait3A_1298 = arith.constant 0 : i32
    %dma_wait3A_1299 = tpu.memref_slice %arg7[%dma_wait3A_1291, %dma_wait3A_1298] : memref<24x128xi32, #tpu.memory_space<vmem>> -> memref<1x128xi32, #tpu.memory_space<vmem>>
    %dma_wait3A_1300 = tpu.memref_squeeze %dma_wait3A_1299 : memref<1x128xi32, #tpu.memory_space<vmem>> -> memref<128xi32, #tpu.memory_space<vmem>>
    %dma_wait3A_1301 = arith.constant 0 : i32
    %dma_wait3A_1302 = arith.constant 0 : i32
    %dma_wait3A_1303 = tpu.memref_slice %arg2[%dma_wait3A_1301, %dma_wait3A_1302] : memref<1000000x128xf32, #tpu.memory_space<hbm>> -> memref<1000000x128xf32, #tpu.memory_space<hbm>>
    %dma_wait3A_1304 = tpu.memref_slice %arg9[%dma_wait3A_1293] : memref<6x!tpu.dma_semaphore, #tpu.memory_space<semaphore_mem>> -> memref<1x!tpu.dma_semaphore, #tpu.memory_space<semaphore_mem>>
    %dma_wait3A_1305 = tpu.memref_squeeze %dma_wait3A_1304 : memref<1x!tpu.dma_semaphore, #tpu.memory_space<semaphore_mem>> -> memref<!tpu.dma_semaphore, #tpu.memory_space<semaphore_mem>>
    tpu.wait_indirect_dma semaphore(%dma_wait3A_1305 : memref<!tpu.dma_semaphore, #tpu.memory_space<semaphore_mem>>) src(%dma_wait3A_1303 : memref<1000000x128xf32, #tpu.memory_space<hbm>>) dst(%dma_wait3A_1297 : memref<128x128xf32, #tpu.memory_space<vmem>>)
    %dma_start3A_1306 = arith.constant 5 : i32
    %dma_start3A_1307 = arith.constant 5 : i32
    %dma_start3A_1308 = arith.constant 0 : i32
    %dma_start3A_1309 = arith.constant 0 : i32
    %dma_start3A_1310 = tpu.memref_slice %arg8[%dma_start3A_1306, %dma_start3A_1308, %dma_start3A_1309] : memref<6x128x128xf32, #tpu.memory_space<vmem>> -> memref<1x128x128xf32, #tpu.memory_space<vmem>>
    %dma_start3A_1311 = tpu.memref_squeeze %dma_start3A_1310 : memref<1x128x128xf32, #tpu.memory_space<vmem>> -> memref<128x128xf32, #tpu.memory_space<vmem>>
    %dma_start3A_1312 = arith.constant 0 : i32
    %dma_start3A_1313 = tpu.memref_slice %arg6[%mul3A_112, %dma_start3A_1312] : memref<81920x128xf32, #tpu.memory_space<hbm>> -> memref<128x128xf32, #tpu.memory_space<hbm>>
    %dma_start3A_1314 = tpu.memref_slice %arg10[%dma_start3A_1307] : memref<6x!tpu.dma_semaphore, #tpu.memory_space<semaphore_mem>> -> memref<1x!tpu.dma_semaphore, #tpu.memory_space<semaphore_mem>>
    %dma_start3A_1315 = tpu.memref_squeeze %dma_start3A_1314 : memref<1x!tpu.dma_semaphore, #tpu.memory_space<semaphore_mem>> -> memref<!tpu.dma_semaphore, #tpu.memory_space<semaphore_mem>>
    %dma_start3A_1316 = arith.constant 0 : i32
    %dma_start3A_1317 = tpu.memref_slice %arg6[%mul3A_112, %dma_start3A_1316] : memref<81920x128xf32, #tpu.memory_space<hbm>> -> memref<128x128xf32, #tpu.memory_space<hbm>>
    %dma_start3A_1318 = arith.constant 0 : i32
    %dma_start3A_1319 = arith.constant 0 : i32
    %dma_start3A_1320 = tpu.memref_slice %arg8[%dma_start3A_1306, %dma_start3A_1318, %dma_start3A_1319] : memref<6x128x128xf32, #tpu.memory_space<vmem>> -> memref<1x128x128xf32, #tpu.memory_space<vmem>>
    %dma_start3A_1321 = tpu.memref_squeeze %dma_start3A_1320 : memref<1x128x128xf32, #tpu.memory_space<vmem>> -> memref<128x128xf32, #tpu.memory_space<vmem>>
    tpu.enqueue_dma source(%dma_start3A_1321 : memref<128x128xf32, #tpu.memory_space<vmem>>) target(%dma_start3A_1317 : memref<128x128xf32, #tpu.memory_space<hbm>>) target_semaphore(%dma_start3A_1315 : memref<!tpu.dma_semaphore, #tpu.memory_space<semaphore_mem>>)
    %dma_wait3A_1322 = arith.constant 5 : i32
    %dma_wait3A_1323 = arith.constant 5 : i32
    %dma_wait3A_1324 = arith.constant 0 : i32
    %dma_wait3A_1325 = arith.constant 0 : i32
    %dma_wait3A_1326 = tpu.memref_slice %arg8[%dma_wait3A_1322, %dma_wait3A_1324, %dma_wait3A_1325] : memref<6x128x128xf32, #tpu.memory_space<vmem>> -> memref<1x128x128xf32, #tpu.memory_space<vmem>>
    %dma_wait3A_1327 = tpu.memref_squeeze %dma_wait3A_1326 : memref<1x128x128xf32, #tpu.memory_space<vmem>> -> memref<128x128xf32, #tpu.memory_space<vmem>>
    %dma_wait3A_1328 = arith.constant 0 : i32
    %dma_wait3A_1329 = tpu.memref_slice %arg6[%mul3A_112, %dma_wait3A_1328] : memref<81920x128xf32, #tpu.memory_space<hbm>> -> memref<128x128xf32, #tpu.memory_space<hbm>>
    %dma_wait3A_1330 = tpu.memref_slice %arg10[%dma_wait3A_1323] : memref<6x!tpu.dma_semaphore, #tpu.memory_space<semaphore_mem>> -> memref<1x!tpu.dma_semaphore, #tpu.memory_space<semaphore_mem>>
    %dma_wait3A_1331 = tpu.memref_squeeze %dma_wait3A_1330 : memref<1x!tpu.dma_semaphore, #tpu.memory_space<semaphore_mem>> -> memref<!tpu.dma_semaphore, #tpu.memory_space<semaphore_mem>>
    %dma_wait3A_1332 = arith.constant 0 : i32
    %dma_wait3A_1333 = tpu.memref_slice %arg6[%mul3A_112, %dma_wait3A_1332] : memref<81920x128xf32, #tpu.memory_space<hbm>> -> memref<128x128xf32, #tpu.memory_space<hbm>>
    %dma_wait3A_1334 = arith.constant 0 : i32
    %dma_wait3A_1335 = arith.constant 0 : i32
    %dma_wait3A_1336 = tpu.memref_slice %arg8[%dma_wait3A_1322, %dma_wait3A_1334, %dma_wait3A_1335] : memref<6x128x128xf32, #tpu.memory_space<vmem>> -> memref<1x128x128xf32, #tpu.memory_space<vmem>>
    %dma_wait3A_1337 = tpu.memref_squeeze %dma_wait3A_1336 : memref<1x128x128xf32, #tpu.memory_space<vmem>> -> memref<128x128xf32, #tpu.memory_space<vmem>>
    tpu.wait_dma2 semaphore(%dma_wait3A_1331 : memref<!tpu.dma_semaphore, #tpu.memory_space<semaphore_mem>>) src(%dma_wait3A_1337 : memref<128x128xf32, #tpu.memory_space<vmem>>) dst(%dma_wait3A_1333 : memref<128x128xf32, #tpu.memory_space<hbm>>)
    %dma_start3A_1338 = arith.constant 23 : i32
    %dma_start3A_1339 = arith.constant 5 : i32
    %dma_start3A_1340 = arith.constant 5 : i32
    %dma_start3A_1341 = arith.constant 0 : i32
    %dma_start3A_1342 = arith.constant 0 : i32
    %dma_start3A_1343 = tpu.memref_slice %arg8[%dma_start3A_1339, %dma_start3A_1341, %dma_start3A_1342] : memref<6x128x128xf32, #tpu.memory_space<vmem>> -> memref<1x128x128xf32, #tpu.memory_space<vmem>>
    %dma_start3A_1344 = tpu.memref_squeeze %dma_start3A_1343 : memref<1x128x128xf32, #tpu.memory_space<vmem>> -> memref<128x128xf32, #tpu.memory_space<vmem>>
    %dma_start3A_1345 = arith.constant 0 : i32
    %dma_start3A_1346 = tpu.memref_slice %arg7[%dma_start3A_1338, %dma_start3A_1345] : memref<24x128xi32, #tpu.memory_space<vmem>> -> memref<1x128xi32, #tpu.memory_space<vmem>>
    %dma_start3A_1347 = tpu.memref_squeeze %dma_start3A_1346 : memref<1x128xi32, #tpu.memory_space<vmem>> -> memref<128xi32, #tpu.memory_space<vmem>>
    %dma_start3A_1348 = arith.constant 0 : i32
    %dma_start3A_1349 = arith.constant 0 : i32
    %dma_start3A_1350 = tpu.memref_slice %arg2[%dma_start3A_1348, %dma_start3A_1349] : memref<1000000x128xf32, #tpu.memory_space<hbm>> -> memref<1000000x128xf32, #tpu.memory_space<hbm>>
    %dma_start3A_1351 = tpu.memref_slice %arg9[%dma_start3A_1340] : memref<6x!tpu.dma_semaphore, #tpu.memory_space<semaphore_mem>> -> memref<1x!tpu.dma_semaphore, #tpu.memory_space<semaphore_mem>>
    %dma_start3A_1352 = tpu.memref_squeeze %dma_start3A_1351 : memref<1x!tpu.dma_semaphore, #tpu.memory_space<semaphore_mem>> -> memref<!tpu.dma_semaphore, #tpu.memory_space<semaphore_mem>>
    tpu.enqueue_indirect_dma source(%dma_start3A_1350 : memref<1000000x128xf32, #tpu.memory_space<hbm>>) target(%dma_start3A_1344 : memref<128x128xf32, #tpu.memory_space<vmem>>) offsets(%dma_start3A_1347 : memref<128xi32, #tpu.memory_space<vmem>>) semaphore(%dma_start3A_1352 : memref<!tpu.dma_semaphore, #tpu.memory_space<semaphore_mem>>)
    %dma_wait3A_1353 = arith.constant 18 : i32
    %dma_wait3A_1354 = arith.constant 0 : i32
    %dma_wait3A_1355 = arith.constant 0 : i32
    %dma_wait3A_1356 = arith.constant 0 : i32
    %dma_wait3A_1357 = arith.constant 0 : i32
    %dma_wait3A_1358 = tpu.memref_slice %arg8[%dma_wait3A_1354, %dma_wait3A_1356, %dma_wait3A_1357] : memref<6x128x128xf32, #tpu.memory_space<vmem>> -> memref<1x128x128xf32, #tpu.memory_space<vmem>>
    %dma_wait3A_1359 = tpu.memref_squeeze %dma_wait3A_1358 : memref<1x128x128xf32, #tpu.memory_space<vmem>> -> memref<128x128xf32, #tpu.memory_space<vmem>>
    %dma_wait3A_1360 = arith.constant 0 : i32
    %dma_wait3A_1361 = tpu.memref_slice %arg7[%dma_wait3A_1353, %dma_wait3A_1360] : memref<24x128xi32, #tpu.memory_space<vmem>> -> memref<1x128xi32, #tpu.memory_space<vmem>>
    %dma_wait3A_1362 = tpu.memref_squeeze %dma_wait3A_1361 : memref<1x128xi32, #tpu.memory_space<vmem>> -> memref<128xi32, #tpu.memory_space<vmem>>
    %dma_wait3A_1363 = arith.constant 0 : i32
    %dma_wait3A_1364 = arith.constant 0 : i32
    %dma_wait3A_1365 = tpu.memref_slice %arg2[%dma_wait3A_1363, %dma_wait3A_1364] : memref<1000000x128xf32, #tpu.memory_space<hbm>> -> memref<1000000x128xf32, #tpu.memory_space<hbm>>
    %dma_wait3A_1366 = tpu.memref_slice %arg9[%dma_wait3A_1355] : memref<6x!tpu.dma_semaphore, #tpu.memory_space<semaphore_mem>> -> memref<1x!tpu.dma_semaphore, #tpu.memory_space<semaphore_mem>>
    %dma_wait3A_1367 = tpu.memref_squeeze %dma_wait3A_1366 : memref<1x!tpu.dma_semaphore, #tpu.memory_space<semaphore_mem>> -> memref<!tpu.dma_semaphore, #tpu.memory_space<semaphore_mem>>
    tpu.wait_indirect_dma semaphore(%dma_wait3A_1367 : memref<!tpu.dma_semaphore, #tpu.memory_space<semaphore_mem>>) src(%dma_wait3A_1365 : memref<1000000x128xf32, #tpu.memory_space<hbm>>) dst(%dma_wait3A_1359 : memref<128x128xf32, #tpu.memory_space<vmem>>)
    %dma_start3A_1368 = arith.constant 0 : i32
    %dma_start3A_1369 = arith.constant 0 : i32
    %dma_start3A_1370 = arith.constant 0 : i32
    %dma_start3A_1371 = arith.constant 0 : i32
    %dma_start3A_1372 = tpu.memref_slice %arg8[%dma_start3A_1368, %dma_start3A_1370, %dma_start3A_1371] : memref<6x128x128xf32, #tpu.memory_space<vmem>> -> memref<1x128x128xf32, #tpu.memory_space<vmem>>
    %dma_start3A_1373 = tpu.memref_squeeze %dma_start3A_1372 : memref<1x128x128xf32, #tpu.memory_space<vmem>> -> memref<128x128xf32, #tpu.memory_space<vmem>>
    %dma_start3A_1374 = arith.constant 0 : i32
    %dma_start3A_1375 = tpu.memref_slice %arg6[%mul3A_118, %dma_start3A_1374] : memref<81920x128xf32, #tpu.memory_space<hbm>> -> memref<128x128xf32, #tpu.memory_space<hbm>>
    %dma_start3A_1376 = tpu.memref_slice %arg10[%dma_start3A_1369] : memref<6x!tpu.dma_semaphore, #tpu.memory_space<semaphore_mem>> -> memref<1x!tpu.dma_semaphore, #tpu.memory_space<semaphore_mem>>
    %dma_start3A_1377 = tpu.memref_squeeze %dma_start3A_1376 : memref<1x!tpu.dma_semaphore, #tpu.memory_space<semaphore_mem>> -> memref<!tpu.dma_semaphore, #tpu.memory_space<semaphore_mem>>
    %dma_start3A_1378 = arith.constant 0 : i32
    %dma_start3A_1379 = tpu.memref_slice %arg6[%mul3A_118, %dma_start3A_1378] : memref<81920x128xf32, #tpu.memory_space<hbm>> -> memref<128x128xf32, #tpu.memory_space<hbm>>
    %dma_start3A_1380 = arith.constant 0 : i32
    %dma_start3A_1381 = arith.constant 0 : i32
    %dma_start3A_1382 = tpu.memref_slice %arg8[%dma_start3A_1368, %dma_start3A_1380, %dma_start3A_1381] : memref<6x128x128xf32, #tpu.memory_space<vmem>> -> memref<1x128x128xf32, #tpu.memory_space<vmem>>
    %dma_start3A_1383 = tpu.memref_squeeze %dma_start3A_1382 : memref<1x128x128xf32, #tpu.memory_space<vmem>> -> memref<128x128xf32, #tpu.memory_space<vmem>>
    tpu.enqueue_dma source(%dma_start3A_1383 : memref<128x128xf32, #tpu.memory_space<vmem>>) target(%dma_start3A_1379 : memref<128x128xf32, #tpu.memory_space<hbm>>) target_semaphore(%dma_start3A_1377 : memref<!tpu.dma_semaphore, #tpu.memory_space<semaphore_mem>>)
    %dma_wait3A_1384 = arith.constant 19 : i32
    %dma_wait3A_1385 = arith.constant 1 : i32
    %dma_wait3A_1386 = arith.constant 1 : i32
    %dma_wait3A_1387 = arith.constant 0 : i32
    %dma_wait3A_1388 = arith.constant 0 : i32
    %dma_wait3A_1389 = tpu.memref_slice %arg8[%dma_wait3A_1385, %dma_wait3A_1387, %dma_wait3A_1388] : memref<6x128x128xf32, #tpu.memory_space<vmem>> -> memref<1x128x128xf32, #tpu.memory_space<vmem>>
    %dma_wait3A_1390 = tpu.memref_squeeze %dma_wait3A_1389 : memref<1x128x128xf32, #tpu.memory_space<vmem>> -> memref<128x128xf32, #tpu.memory_space<vmem>>
    %dma_wait3A_1391 = arith.constant 0 : i32
    %dma_wait3A_1392 = tpu.memref_slice %arg7[%dma_wait3A_1384, %dma_wait3A_1391] : memref<24x128xi32, #tpu.memory_space<vmem>> -> memref<1x128xi32, #tpu.memory_space<vmem>>
    %dma_wait3A_1393 = tpu.memref_squeeze %dma_wait3A_1392 : memref<1x128xi32, #tpu.memory_space<vmem>> -> memref<128xi32, #tpu.memory_space<vmem>>
    %dma_wait3A_1394 = arith.constant 0 : i32
    %dma_wait3A_1395 = arith.constant 0 : i32
    %dma_wait3A_1396 = tpu.memref_slice %arg2[%dma_wait3A_1394, %dma_wait3A_1395] : memref<1000000x128xf32, #tpu.memory_space<hbm>> -> memref<1000000x128xf32, #tpu.memory_space<hbm>>
    %dma_wait3A_1397 = tpu.memref_slice %arg9[%dma_wait3A_1386] : memref<6x!tpu.dma_semaphore, #tpu.memory_space<semaphore_mem>> -> memref<1x!tpu.dma_semaphore, #tpu.memory_space<semaphore_mem>>
    %dma_wait3A_1398 = tpu.memref_squeeze %dma_wait3A_1397 : memref<1x!tpu.dma_semaphore, #tpu.memory_space<semaphore_mem>> -> memref<!tpu.dma_semaphore, #tpu.memory_space<semaphore_mem>>
    tpu.wait_indirect_dma semaphore(%dma_wait3A_1398 : memref<!tpu.dma_semaphore, #tpu.memory_space<semaphore_mem>>) src(%dma_wait3A_1396 : memref<1000000x128xf32, #tpu.memory_space<hbm>>) dst(%dma_wait3A_1390 : memref<128x128xf32, #tpu.memory_space<vmem>>)
    %dma_start3A_1399 = arith.constant 1 : i32
    %dma_start3A_1400 = arith.constant 1 : i32
    %dma_start3A_1401 = arith.constant 0 : i32
    %dma_start3A_1402 = arith.constant 0 : i32
    %dma_start3A_1403 = tpu.memref_slice %arg8[%dma_start3A_1399, %dma_start3A_1401, %dma_start3A_1402] : memref<6x128x128xf32, #tpu.memory_space<vmem>> -> memref<1x128x128xf32, #tpu.memory_space<vmem>>
    %dma_start3A_1404 = tpu.memref_squeeze %dma_start3A_1403 : memref<1x128x128xf32, #tpu.memory_space<vmem>> -> memref<128x128xf32, #tpu.memory_space<vmem>>
    %dma_start3A_1405 = arith.constant 0 : i32
    %dma_start3A_1406 = tpu.memref_slice %arg6[%mul3A_124, %dma_start3A_1405] : memref<81920x128xf32, #tpu.memory_space<hbm>> -> memref<128x128xf32, #tpu.memory_space<hbm>>
    %dma_start3A_1407 = tpu.memref_slice %arg10[%dma_start3A_1400] : memref<6x!tpu.dma_semaphore, #tpu.memory_space<semaphore_mem>> -> memref<1x!tpu.dma_semaphore, #tpu.memory_space<semaphore_mem>>
    %dma_start3A_1408 = tpu.memref_squeeze %dma_start3A_1407 : memref<1x!tpu.dma_semaphore, #tpu.memory_space<semaphore_mem>> -> memref<!tpu.dma_semaphore, #tpu.memory_space<semaphore_mem>>
    %dma_start3A_1409 = arith.constant 0 : i32
    %dma_start3A_1410 = tpu.memref_slice %arg6[%mul3A_124, %dma_start3A_1409] : memref<81920x128xf32, #tpu.memory_space<hbm>> -> memref<128x128xf32, #tpu.memory_space<hbm>>
    %dma_start3A_1411 = arith.constant 0 : i32
    %dma_start3A_1412 = arith.constant 0 : i32
    %dma_start3A_1413 = tpu.memref_slice %arg8[%dma_start3A_1399, %dma_start3A_1411, %dma_start3A_1412] : memref<6x128x128xf32, #tpu.memory_space<vmem>> -> memref<1x128x128xf32, #tpu.memory_space<vmem>>
    %dma_start3A_1414 = tpu.memref_squeeze %dma_start3A_1413 : memref<1x128x128xf32, #tpu.memory_space<vmem>> -> memref<128x128xf32, #tpu.memory_space<vmem>>
    tpu.enqueue_dma source(%dma_start3A_1414 : memref<128x128xf32, #tpu.memory_space<vmem>>) target(%dma_start3A_1410 : memref<128x128xf32, #tpu.memory_space<hbm>>) target_semaphore(%dma_start3A_1408 : memref<!tpu.dma_semaphore, #tpu.memory_space<semaphore_mem>>)
    %dma_wait3A_1415 = arith.constant 20 : i32
    %dma_wait3A_1416 = arith.constant 2 : i32
    %dma_wait3A_1417 = arith.constant 2 : i32
    %dma_wait3A_1418 = arith.constant 0 : i32
    %dma_wait3A_1419 = arith.constant 0 : i32
    %dma_wait3A_1420 = tpu.memref_slice %arg8[%dma_wait3A_1416, %dma_wait3A_1418, %dma_wait3A_1419] : memref<6x128x128xf32, #tpu.memory_space<vmem>> -> memref<1x128x128xf32, #tpu.memory_space<vmem>>
    %dma_wait3A_1421 = tpu.memref_squeeze %dma_wait3A_1420 : memref<1x128x128xf32, #tpu.memory_space<vmem>> -> memref<128x128xf32, #tpu.memory_space<vmem>>
    %dma_wait3A_1422 = arith.constant 0 : i32
    %dma_wait3A_1423 = tpu.memref_slice %arg7[%dma_wait3A_1415, %dma_wait3A_1422] : memref<24x128xi32, #tpu.memory_space<vmem>> -> memref<1x128xi32, #tpu.memory_space<vmem>>
    %dma_wait3A_1424 = tpu.memref_squeeze %dma_wait3A_1423 : memref<1x128xi32, #tpu.memory_space<vmem>> -> memref<128xi32, #tpu.memory_space<vmem>>
    %dma_wait3A_1425 = arith.constant 0 : i32
    %dma_wait3A_1426 = arith.constant 0 : i32
    %dma_wait3A_1427 = tpu.memref_slice %arg2[%dma_wait3A_1425, %dma_wait3A_1426] : memref<1000000x128xf32, #tpu.memory_space<hbm>> -> memref<1000000x128xf32, #tpu.memory_space<hbm>>
    %dma_wait3A_1428 = tpu.memref_slice %arg9[%dma_wait3A_1417] : memref<6x!tpu.dma_semaphore, #tpu.memory_space<semaphore_mem>> -> memref<1x!tpu.dma_semaphore, #tpu.memory_space<semaphore_mem>>
    %dma_wait3A_1429 = tpu.memref_squeeze %dma_wait3A_1428 : memref<1x!tpu.dma_semaphore, #tpu.memory_space<semaphore_mem>> -> memref<!tpu.dma_semaphore, #tpu.memory_space<semaphore_mem>>
    tpu.wait_indirect_dma semaphore(%dma_wait3A_1429 : memref<!tpu.dma_semaphore, #tpu.memory_space<semaphore_mem>>) src(%dma_wait3A_1427 : memref<1000000x128xf32, #tpu.memory_space<hbm>>) dst(%dma_wait3A_1421 : memref<128x128xf32, #tpu.memory_space<vmem>>)
    %dma_start3A_1430 = arith.constant 2 : i32
    %dma_start3A_1431 = arith.constant 2 : i32
    %dma_start3A_1432 = arith.constant 0 : i32
    %dma_start3A_1433 = arith.constant 0 : i32
    %dma_start3A_1434 = tpu.memref_slice %arg8[%dma_start3A_1430, %dma_start3A_1432, %dma_start3A_1433] : memref<6x128x128xf32, #tpu.memory_space<vmem>> -> memref<1x128x128xf32, #tpu.memory_space<vmem>>
    %dma_start3A_1435 = tpu.memref_squeeze %dma_start3A_1434 : memref<1x128x128xf32, #tpu.memory_space<vmem>> -> memref<128x128xf32, #tpu.memory_space<vmem>>
    %dma_start3A_1436 = arith.constant 0 : i32
    %dma_start3A_1437 = tpu.memref_slice %arg6[%mul3A_130, %dma_start3A_1436] : memref<81920x128xf32, #tpu.memory_space<hbm>> -> memref<128x128xf32, #tpu.memory_space<hbm>>
    %dma_start3A_1438 = tpu.memref_slice %arg10[%dma_start3A_1431] : memref<6x!tpu.dma_semaphore, #tpu.memory_space<semaphore_mem>> -> memref<1x!tpu.dma_semaphore, #tpu.memory_space<semaphore_mem>>
    %dma_start3A_1439 = tpu.memref_squeeze %dma_start3A_1438 : memref<1x!tpu.dma_semaphore, #tpu.memory_space<semaphore_mem>> -> memref<!tpu.dma_semaphore, #tpu.memory_space<semaphore_mem>>
    %dma_start3A_1440 = arith.constant 0 : i32
    %dma_start3A_1441 = tpu.memref_slice %arg6[%mul3A_130, %dma_start3A_1440] : memref<81920x128xf32, #tpu.memory_space<hbm>> -> memref<128x128xf32, #tpu.memory_space<hbm>>
    %dma_start3A_1442 = arith.constant 0 : i32
    %dma_start3A_1443 = arith.constant 0 : i32
    %dma_start3A_1444 = tpu.memref_slice %arg8[%dma_start3A_1430, %dma_start3A_1442, %dma_start3A_1443] : memref<6x128x128xf32, #tpu.memory_space<vmem>> -> memref<1x128x128xf32, #tpu.memory_space<vmem>>
    %dma_start3A_1445 = tpu.memref_squeeze %dma_start3A_1444 : memref<1x128x128xf32, #tpu.memory_space<vmem>> -> memref<128x128xf32, #tpu.memory_space<vmem>>
    tpu.enqueue_dma source(%dma_start3A_1445 : memref<128x128xf32, #tpu.memory_space<vmem>>) target(%dma_start3A_1441 : memref<128x128xf32, #tpu.memory_space<hbm>>) target_semaphore(%dma_start3A_1439 : memref<!tpu.dma_semaphore, #tpu.memory_space<semaphore_mem>>)
    %dma_wait3A_1446 = arith.constant 21 : i32
    %dma_wait3A_1447 = arith.constant 3 : i32
    %dma_wait3A_1448 = arith.constant 3 : i32
    %dma_wait3A_1449 = arith.constant 0 : i32
    %dma_wait3A_1450 = arith.constant 0 : i32
    %dma_wait3A_1451 = tpu.memref_slice %arg8[%dma_wait3A_1447, %dma_wait3A_1449, %dma_wait3A_1450] : memref<6x128x128xf32, #tpu.memory_space<vmem>> -> memref<1x128x128xf32, #tpu.memory_space<vmem>>
    %dma_wait3A_1452 = tpu.memref_squeeze %dma_wait3A_1451 : memref<1x128x128xf32, #tpu.memory_space<vmem>> -> memref<128x128xf32, #tpu.memory_space<vmem>>
    %dma_wait3A_1453 = arith.constant 0 : i32
    %dma_wait3A_1454 = tpu.memref_slice %arg7[%dma_wait3A_1446, %dma_wait3A_1453] : memref<24x128xi32, #tpu.memory_space<vmem>> -> memref<1x128xi32, #tpu.memory_space<vmem>>
    %dma_wait3A_1455 = tpu.memref_squeeze %dma_wait3A_1454 : memref<1x128xi32, #tpu.memory_space<vmem>> -> memref<128xi32, #tpu.memory_space<vmem>>
    %dma_wait3A_1456 = arith.constant 0 : i32
    %dma_wait3A_1457 = arith.constant 0 : i32
    %dma_wait3A_1458 = tpu.memref_slice %arg2[%dma_wait3A_1456, %dma_wait3A_1457] : memref<1000000x128xf32, #tpu.memory_space<hbm>> -> memref<1000000x128xf32, #tpu.memory_space<hbm>>
    %dma_wait3A_1459 = tpu.memref_slice %arg9[%dma_wait3A_1448] : memref<6x!tpu.dma_semaphore, #tpu.memory_space<semaphore_mem>> -> memref<1x!tpu.dma_semaphore, #tpu.memory_space<semaphore_mem>>
    %dma_wait3A_1460 = tpu.memref_squeeze %dma_wait3A_1459 : memref<1x!tpu.dma_semaphore, #tpu.memory_space<semaphore_mem>> -> memref<!tpu.dma_semaphore, #tpu.memory_space<semaphore_mem>>
    tpu.wait_indirect_dma semaphore(%dma_wait3A_1460 : memref<!tpu.dma_semaphore, #tpu.memory_space<semaphore_mem>>) src(%dma_wait3A_1458 : memref<1000000x128xf32, #tpu.memory_space<hbm>>) dst(%dma_wait3A_1452 : memref<128x128xf32, #tpu.memory_space<vmem>>)
    %dma_start3A_1461 = arith.constant 3 : i32
    %dma_start3A_1462 = arith.constant 3 : i32
    %dma_start3A_1463 = arith.constant 0 : i32
    %dma_start3A_1464 = arith.constant 0 : i32
    %dma_start3A_1465 = tpu.memref_slice %arg8[%dma_start3A_1461, %dma_start3A_1463, %dma_start3A_1464] : memref<6x128x128xf32, #tpu.memory_space<vmem>> -> memref<1x128x128xf32, #tpu.memory_space<vmem>>
    %dma_start3A_1466 = tpu.memref_squeeze %dma_start3A_1465 : memref<1x128x128xf32, #tpu.memory_space<vmem>> -> memref<128x128xf32, #tpu.memory_space<vmem>>
    %dma_start3A_1467 = arith.constant 0 : i32
    %dma_start3A_1468 = tpu.memref_slice %arg6[%mul3A_136, %dma_start3A_1467] : memref<81920x128xf32, #tpu.memory_space<hbm>> -> memref<128x128xf32, #tpu.memory_space<hbm>>
    %dma_start3A_1469 = tpu.memref_slice %arg10[%dma_start3A_1462] : memref<6x!tpu.dma_semaphore, #tpu.memory_space<semaphore_mem>> -> memref<1x!tpu.dma_semaphore, #tpu.memory_space<semaphore_mem>>
    %dma_start3A_1470 = tpu.memref_squeeze %dma_start3A_1469 : memref<1x!tpu.dma_semaphore, #tpu.memory_space<semaphore_mem>> -> memref<!tpu.dma_semaphore, #tpu.memory_space<semaphore_mem>>
    %dma_start3A_1471 = arith.constant 0 : i32
    %dma_start3A_1472 = tpu.memref_slice %arg6[%mul3A_136, %dma_start3A_1471] : memref<81920x128xf32, #tpu.memory_space<hbm>> -> memref<128x128xf32, #tpu.memory_space<hbm>>
    %dma_start3A_1473 = arith.constant 0 : i32
    %dma_start3A_1474 = arith.constant 0 : i32
    %dma_start3A_1475 = tpu.memref_slice %arg8[%dma_start3A_1461, %dma_start3A_1473, %dma_start3A_1474] : memref<6x128x128xf32, #tpu.memory_space<vmem>> -> memref<1x128x128xf32, #tpu.memory_space<vmem>>
    %dma_start3A_1476 = tpu.memref_squeeze %dma_start3A_1475 : memref<1x128x128xf32, #tpu.memory_space<vmem>> -> memref<128x128xf32, #tpu.memory_space<vmem>>
    tpu.enqueue_dma source(%dma_start3A_1476 : memref<128x128xf32, #tpu.memory_space<vmem>>) target(%dma_start3A_1472 : memref<128x128xf32, #tpu.memory_space<hbm>>) target_semaphore(%dma_start3A_1470 : memref<!tpu.dma_semaphore, #tpu.memory_space<semaphore_mem>>)
    %dma_wait3A_1477 = arith.constant 22 : i32
    %dma_wait3A_1478 = arith.constant 4 : i32
    %dma_wait3A_1479 = arith.constant 4 : i32
    %dma_wait3A_1480 = arith.constant 0 : i32
    %dma_wait3A_1481 = arith.constant 0 : i32
    %dma_wait3A_1482 = tpu.memref_slice %arg8[%dma_wait3A_1478, %dma_wait3A_1480, %dma_wait3A_1481] : memref<6x128x128xf32, #tpu.memory_space<vmem>> -> memref<1x128x128xf32, #tpu.memory_space<vmem>>
    %dma_wait3A_1483 = tpu.memref_squeeze %dma_wait3A_1482 : memref<1x128x128xf32, #tpu.memory_space<vmem>> -> memref<128x128xf32, #tpu.memory_space<vmem>>
    %dma_wait3A_1484 = arith.constant 0 : i32
    %dma_wait3A_1485 = tpu.memref_slice %arg7[%dma_wait3A_1477, %dma_wait3A_1484] : memref<24x128xi32, #tpu.memory_space<vmem>> -> memref<1x128xi32, #tpu.memory_space<vmem>>
    %dma_wait3A_1486 = tpu.memref_squeeze %dma_wait3A_1485 : memref<1x128xi32, #tpu.memory_space<vmem>> -> memref<128xi32, #tpu.memory_space<vmem>>
    %dma_wait3A_1487 = arith.constant 0 : i32
    %dma_wait3A_1488 = arith.constant 0 : i32
    %dma_wait3A_1489 = tpu.memref_slice %arg2[%dma_wait3A_1487, %dma_wait3A_1488] : memref<1000000x128xf32, #tpu.memory_space<hbm>> -> memref<1000000x128xf32, #tpu.memory_space<hbm>>
    %dma_wait3A_1490 = tpu.memref_slice %arg9[%dma_wait3A_1479] : memref<6x!tpu.dma_semaphore, #tpu.memory_space<semaphore_mem>> -> memref<1x!tpu.dma_semaphore, #tpu.memory_space<semaphore_mem>>
    %dma_wait3A_1491 = tpu.memref_squeeze %dma_wait3A_1490 : memref<1x!tpu.dma_semaphore, #tpu.memory_space<semaphore_mem>> -> memref<!tpu.dma_semaphore, #tpu.memory_space<semaphore_mem>>
    tpu.wait_indirect_dma semaphore(%dma_wait3A_1491 : memref<!tpu.dma_semaphore, #tpu.memory_space<semaphore_mem>>) src(%dma_wait3A_1489 : memref<1000000x128xf32, #tpu.memory_space<hbm>>) dst(%dma_wait3A_1483 : memref<128x128xf32, #tpu.memory_space<vmem>>)
    %dma_start3A_1492 = arith.constant 4 : i32
    %dma_start3A_1493 = arith.constant 4 : i32
    %dma_start3A_1494 = arith.constant 0 : i32
    %dma_start3A_1495 = arith.constant 0 : i32
    %dma_start3A_1496 = tpu.memref_slice %arg8[%dma_start3A_1492, %dma_start3A_1494, %dma_start3A_1495] : memref<6x128x128xf32, #tpu.memory_space<vmem>> -> memref<1x128x128xf32, #tpu.memory_space<vmem>>
    %dma_start3A_1497 = tpu.memref_squeeze %dma_start3A_1496 : memref<1x128x128xf32, #tpu.memory_space<vmem>> -> memref<128x128xf32, #tpu.memory_space<vmem>>
    %dma_start3A_1498 = arith.constant 0 : i32
    %dma_start3A_1499 = tpu.memref_slice %arg6[%mul3A_142, %dma_start3A_1498] : memref<81920x128xf32, #tpu.memory_space<hbm>> -> memref<128x128xf32, #tpu.memory_space<hbm>>
    %dma_start3A_1500 = tpu.memref_slice %arg10[%dma_start3A_1493] : memref<6x!tpu.dma_semaphore, #tpu.memory_space<semaphore_mem>> -> memref<1x!tpu.dma_semaphore, #tpu.memory_space<semaphore_mem>>
    %dma_start3A_1501 = tpu.memref_squeeze %dma_start3A_1500 : memref<1x!tpu.dma_semaphore, #tpu.memory_space<semaphore_mem>> -> memref<!tpu.dma_semaphore, #tpu.memory_space<semaphore_mem>>
    %dma_start3A_1502 = arith.constant 0 : i32
    %dma_start3A_1503 = tpu.memref_slice %arg6[%mul3A_142, %dma_start3A_1502] : memref<81920x128xf32, #tpu.memory_space<hbm>> -> memref<128x128xf32, #tpu.memory_space<hbm>>
    %dma_start3A_1504 = arith.constant 0 : i32
    %dma_start3A_1505 = arith.constant 0 : i32
    %dma_start3A_1506 = tpu.memref_slice %arg8[%dma_start3A_1492, %dma_start3A_1504, %dma_start3A_1505] : memref<6x128x128xf32, #tpu.memory_space<vmem>> -> memref<1x128x128xf32, #tpu.memory_space<vmem>>
    %dma_start3A_1507 = tpu.memref_squeeze %dma_start3A_1506 : memref<1x128x128xf32, #tpu.memory_space<vmem>> -> memref<128x128xf32, #tpu.memory_space<vmem>>
    tpu.enqueue_dma source(%dma_start3A_1507 : memref<128x128xf32, #tpu.memory_space<vmem>>) target(%dma_start3A_1503 : memref<128x128xf32, #tpu.memory_space<hbm>>) target_semaphore(%dma_start3A_1501 : memref<!tpu.dma_semaphore, #tpu.memory_space<semaphore_mem>>)
    %dma_wait3A_1508 = arith.constant 23 : i32
    %dma_wait3A_1509 = arith.constant 5 : i32
    %dma_wait3A_1510 = arith.constant 5 : i32
    %dma_wait3A_1511 = arith.constant 0 : i32
    %dma_wait3A_1512 = arith.constant 0 : i32
    %dma_wait3A_1513 = tpu.memref_slice %arg8[%dma_wait3A_1509, %dma_wait3A_1511, %dma_wait3A_1512] : memref<6x128x128xf32, #tpu.memory_space<vmem>> -> memref<1x128x128xf32, #tpu.memory_space<vmem>>
    %dma_wait3A_1514 = tpu.memref_squeeze %dma_wait3A_1513 : memref<1x128x128xf32, #tpu.memory_space<vmem>> -> memref<128x128xf32, #tpu.memory_space<vmem>>
    %dma_wait3A_1515 = arith.constant 0 : i32
    %dma_wait3A_1516 = tpu.memref_slice %arg7[%dma_wait3A_1508, %dma_wait3A_1515] : memref<24x128xi32, #tpu.memory_space<vmem>> -> memref<1x128xi32, #tpu.memory_space<vmem>>
    %dma_wait3A_1517 = tpu.memref_squeeze %dma_wait3A_1516 : memref<1x128xi32, #tpu.memory_space<vmem>> -> memref<128xi32, #tpu.memory_space<vmem>>
    %dma_wait3A_1518 = arith.constant 0 : i32
    %dma_wait3A_1519 = arith.constant 0 : i32
    %dma_wait3A_1520 = tpu.memref_slice %arg2[%dma_wait3A_1518, %dma_wait3A_1519] : memref<1000000x128xf32, #tpu.memory_space<hbm>> -> memref<1000000x128xf32, #tpu.memory_space<hbm>>
    %dma_wait3A_1521 = tpu.memref_slice %arg9[%dma_wait3A_1510] : memref<6x!tpu.dma_semaphore, #tpu.memory_space<semaphore_mem>> -> memref<1x!tpu.dma_semaphore, #tpu.memory_space<semaphore_mem>>
    %dma_wait3A_1522 = tpu.memref_squeeze %dma_wait3A_1521 : memref<1x!tpu.dma_semaphore, #tpu.memory_space<semaphore_mem>> -> memref<!tpu.dma_semaphore, #tpu.memory_space<semaphore_mem>>
    tpu.wait_indirect_dma semaphore(%dma_wait3A_1522 : memref<!tpu.dma_semaphore, #tpu.memory_space<semaphore_mem>>) src(%dma_wait3A_1520 : memref<1000000x128xf32, #tpu.memory_space<hbm>>) dst(%dma_wait3A_1514 : memref<128x128xf32, #tpu.memory_space<vmem>>)
    %dma_start3A_1523 = arith.constant 5 : i32
    %dma_start3A_1524 = arith.constant 5 : i32
    %dma_start3A_1525 = arith.constant 0 : i32
    %dma_start3A_1526 = arith.constant 0 : i32
    %dma_start3A_1527 = tpu.memref_slice %arg8[%dma_start3A_1523, %dma_start3A_1525, %dma_start3A_1526] : memref<6x128x128xf32, #tpu.memory_space<vmem>> -> memref<1x128x128xf32, #tpu.memory_space<vmem>>
    %dma_start3A_1528 = tpu.memref_squeeze %dma_start3A_1527 : memref<1x128x128xf32, #tpu.memory_space<vmem>> -> memref<128x128xf32, #tpu.memory_space<vmem>>
    %dma_start3A_1529 = arith.constant 0 : i32
    %dma_start3A_1530 = tpu.memref_slice %arg6[%mul3A_148, %dma_start3A_1529] : memref<81920x128xf32, #tpu.memory_space<hbm>> -> memref<128x128xf32, #tpu.memory_space<hbm>>
    %dma_start3A_1531 = tpu.memref_slice %arg10[%dma_start3A_1524] : memref<6x!tpu.dma_semaphore, #tpu.memory_space<semaphore_mem>> -> memref<1x!tpu.dma_semaphore, #tpu.memory_space<semaphore_mem>>
    %dma_start3A_1532 = tpu.memref_squeeze %dma_start3A_1531 : memref<1x!tpu.dma_semaphore, #tpu.memory_space<semaphore_mem>> -> memref<!tpu.dma_semaphore, #tpu.memory_space<semaphore_mem>>
    %dma_start3A_1533 = arith.constant 0 : i32
    %dma_start3A_1534 = tpu.memref_slice %arg6[%mul3A_148, %dma_start3A_1533] : memref<81920x128xf32, #tpu.memory_space<hbm>> -> memref<128x128xf32, #tpu.memory_space<hbm>>
    %dma_start3A_1535 = arith.constant 0 : i32
    %dma_start3A_1536 = arith.constant 0 : i32
    %dma_start3A_1537 = tpu.memref_slice %arg8[%dma_start3A_1523, %dma_start3A_1535, %dma_start3A_1536] : memref<6x128x128xf32, #tpu.memory_space<vmem>> -> memref<1x128x128xf32, #tpu.memory_space<vmem>>
    %dma_start3A_1538 = tpu.memref_squeeze %dma_start3A_1537 : memref<1x128x128xf32, #tpu.memory_space<vmem>> -> memref<128x128xf32, #tpu.memory_space<vmem>>
    tpu.enqueue_dma source(%dma_start3A_1538 : memref<128x128xf32, #tpu.memory_space<vmem>>) target(%dma_start3A_1534 : memref<128x128xf32, #tpu.memory_space<hbm>>) target_semaphore(%dma_start3A_1532 : memref<!tpu.dma_semaphore, #tpu.memory_space<semaphore_mem>>)
    %dma_wait3A_1539 = arith.constant 0 : i32
    %dma_wait3A_1540 = arith.constant 0 : i32
    %dma_wait3A_1541 = arith.constant 0 : i32
    %dma_wait3A_1542 = arith.constant 0 : i32
    %dma_wait3A_1543 = tpu.memref_slice %arg8[%dma_wait3A_1539, %dma_wait3A_1541, %dma_wait3A_1542] : memref<6x128x128xf32, #tpu.memory_space<vmem>> -> memref<1x128x128xf32, #tpu.memory_space<vmem>>
    %dma_wait3A_1544 = tpu.memref_squeeze %dma_wait3A_1543 : memref<1x128x128xf32, #tpu.memory_space<vmem>> -> memref<128x128xf32, #tpu.memory_space<vmem>>
    %dma_wait3A_1545 = arith.constant 0 : i32
    %dma_wait3A_1546 = tpu.memref_slice %arg6[%mul3A_118, %dma_wait3A_1545] : memref<81920x128xf32, #tpu.memory_space<hbm>> -> memref<128x128xf32, #tpu.memory_space<hbm>>
    %dma_wait3A_1547 = tpu.memref_slice %arg10[%dma_wait3A_1540] : memref<6x!tpu.dma_semaphore, #tpu.memory_space<semaphore_mem>> -> memref<1x!tpu.dma_semaphore, #tpu.memory_space<semaphore_mem>>
    %dma_wait3A_1548 = tpu.memref_squeeze %dma_wait3A_1547 : memref<1x!tpu.dma_semaphore, #tpu.memory_space<semaphore_mem>> -> memref<!tpu.dma_semaphore, #tpu.memory_space<semaphore_mem>>
    %dma_wait3A_1549 = arith.constant 0 : i32
    %dma_wait3A_1550 = tpu.memref_slice %arg6[%mul3A_118, %dma_wait3A_1549] : memref<81920x128xf32, #tpu.memory_space<hbm>> -> memref<128x128xf32, #tpu.memory_space<hbm>>
    %dma_wait3A_1551 = arith.constant 0 : i32
    %dma_wait3A_1552 = arith.constant 0 : i32
    %dma_wait3A_1553 = tpu.memref_slice %arg8[%dma_wait3A_1539, %dma_wait3A_1551, %dma_wait3A_1552] : memref<6x128x128xf32, #tpu.memory_space<vmem>> -> memref<1x128x128xf32, #tpu.memory_space<vmem>>
    %dma_wait3A_1554 = tpu.memref_squeeze %dma_wait3A_1553 : memref<1x128x128xf32, #tpu.memory_space<vmem>> -> memref<128x128xf32, #tpu.memory_space<vmem>>
    tpu.wait_dma2 semaphore(%dma_wait3A_1548 : memref<!tpu.dma_semaphore, #tpu.memory_space<semaphore_mem>>) src(%dma_wait3A_1554 : memref<128x128xf32, #tpu.memory_space<vmem>>) dst(%dma_wait3A_1550 : memref<128x128xf32, #tpu.memory_space<hbm>>)
    %dma_wait3A_1555 = arith.constant 1 : i32
    %dma_wait3A_1556 = arith.constant 1 : i32
    %dma_wait3A_1557 = arith.constant 0 : i32
    %dma_wait3A_1558 = arith.constant 0 : i32
    %dma_wait3A_1559 = tpu.memref_slice %arg8[%dma_wait3A_1555, %dma_wait3A_1557, %dma_wait3A_1558] : memref<6x128x128xf32, #tpu.memory_space<vmem>> -> memref<1x128x128xf32, #tpu.memory_space<vmem>>
    %dma_wait3A_1560 = tpu.memref_squeeze %dma_wait3A_1559 : memref<1x128x128xf32, #tpu.memory_space<vmem>> -> memref<128x128xf32, #tpu.memory_space<vmem>>
    %dma_wait3A_1561 = arith.constant 0 : i32
    %dma_wait3A_1562 = tpu.memref_slice %arg6[%mul3A_124, %dma_wait3A_1561] : memref<81920x128xf32, #tpu.memory_space<hbm>> -> memref<128x128xf32, #tpu.memory_space<hbm>>
    %dma_wait3A_1563 = tpu.memref_slice %arg10[%dma_wait3A_1556] : memref<6x!tpu.dma_semaphore, #tpu.memory_space<semaphore_mem>> -> memref<1x!tpu.dma_semaphore, #tpu.memory_space<semaphore_mem>>
    %dma_wait3A_1564 = tpu.memref_squeeze %dma_wait3A_1563 : memref<1x!tpu.dma_semaphore, #tpu.memory_space<semaphore_mem>> -> memref<!tpu.dma_semaphore, #tpu.memory_space<semaphore_mem>>
    %dma_wait3A_1565 = arith.constant 0 : i32
    %dma_wait3A_1566 = tpu.memref_slice %arg6[%mul3A_124, %dma_wait3A_1565] : memref<81920x128xf32, #tpu.memory_space<hbm>> -> memref<128x128xf32, #tpu.memory_space<hbm>>
    %dma_wait3A_1567 = arith.constant 0 : i32
    %dma_wait3A_1568 = arith.constant 0 : i32
    %dma_wait3A_1569 = tpu.memref_slice %arg8[%dma_wait3A_1555, %dma_wait3A_1567, %dma_wait3A_1568] : memref<6x128x128xf32, #tpu.memory_space<vmem>> -> memref<1x128x128xf32, #tpu.memory_space<vmem>>
    %dma_wait3A_1570 = tpu.memref_squeeze %dma_wait3A_1569 : memref<1x128x128xf32, #tpu.memory_space<vmem>> -> memref<128x128xf32, #tpu.memory_space<vmem>>
    tpu.wait_dma2 semaphore(%dma_wait3A_1564 : memref<!tpu.dma_semaphore, #tpu.memory_space<semaphore_mem>>) src(%dma_wait3A_1570 : memref<128x128xf32, #tpu.memory_space<vmem>>) dst(%dma_wait3A_1566 : memref<128x128xf32, #tpu.memory_space<hbm>>)
    %dma_wait3A_1571 = arith.constant 2 : i32
    %dma_wait3A_1572 = arith.constant 2 : i32
    %dma_wait3A_1573 = arith.constant 0 : i32
    %dma_wait3A_1574 = arith.constant 0 : i32
    %dma_wait3A_1575 = tpu.memref_slice %arg8[%dma_wait3A_1571, %dma_wait3A_1573, %dma_wait3A_1574] : memref<6x128x128xf32, #tpu.memory_space<vmem>> -> memref<1x128x128xf32, #tpu.memory_space<vmem>>
    %dma_wait3A_1576 = tpu.memref_squeeze %dma_wait3A_1575 : memref<1x128x128xf32, #tpu.memory_space<vmem>> -> memref<128x128xf32, #tpu.memory_space<vmem>>
    %dma_wait3A_1577 = arith.constant 0 : i32
    %dma_wait3A_1578 = tpu.memref_slice %arg6[%mul3A_130, %dma_wait3A_1577] : memref<81920x128xf32, #tpu.memory_space<hbm>> -> memref<128x128xf32, #tpu.memory_space<hbm>>
    %dma_wait3A_1579 = tpu.memref_slice %arg10[%dma_wait3A_1572] : memref<6x!tpu.dma_semaphore, #tpu.memory_space<semaphore_mem>> -> memref<1x!tpu.dma_semaphore, #tpu.memory_space<semaphore_mem>>
    %dma_wait3A_1580 = tpu.memref_squeeze %dma_wait3A_1579 : memref<1x!tpu.dma_semaphore, #tpu.memory_space<semaphore_mem>> -> memref<!tpu.dma_semaphore, #tpu.memory_space<semaphore_mem>>
    %dma_wait3A_1581 = arith.constant 0 : i32
    %dma_wait3A_1582 = tpu.memref_slice %arg6[%mul3A_130, %dma_wait3A_1581] : memref<81920x128xf32, #tpu.memory_space<hbm>> -> memref<128x128xf32, #tpu.memory_space<hbm>>
    %dma_wait3A_1583 = arith.constant 0 : i32
    %dma_wait3A_1584 = arith.constant 0 : i32
    %dma_wait3A_1585 = tpu.memref_slice %arg8[%dma_wait3A_1571, %dma_wait3A_1583, %dma_wait3A_1584] : memref<6x128x128xf32, #tpu.memory_space<vmem>> -> memref<1x128x128xf32, #tpu.memory_space<vmem>>
    %dma_wait3A_1586 = tpu.memref_squeeze %dma_wait3A_1585 : memref<1x128x128xf32, #tpu.memory_space<vmem>> -> memref<128x128xf32, #tpu.memory_space<vmem>>
    tpu.wait_dma2 semaphore(%dma_wait3A_1580 : memref<!tpu.dma_semaphore, #tpu.memory_space<semaphore_mem>>) src(%dma_wait3A_1586 : memref<128x128xf32, #tpu.memory_space<vmem>>) dst(%dma_wait3A_1582 : memref<128x128xf32, #tpu.memory_space<hbm>>)
    %dma_wait3A_1587 = arith.constant 3 : i32
    %dma_wait3A_1588 = arith.constant 3 : i32
    %dma_wait3A_1589 = arith.constant 0 : i32
    %dma_wait3A_1590 = arith.constant 0 : i32
    %dma_wait3A_1591 = tpu.memref_slice %arg8[%dma_wait3A_1587, %dma_wait3A_1589, %dma_wait3A_1590] : memref<6x128x128xf32, #tpu.memory_space<vmem>> -> memref<1x128x128xf32, #tpu.memory_space<vmem>>
    %dma_wait3A_1592 = tpu.memref_squeeze %dma_wait3A_1591 : memref<1x128x128xf32, #tpu.memory_space<vmem>> -> memref<128x128xf32, #tpu.memory_space<vmem>>
    %dma_wait3A_1593 = arith.constant 0 : i32
    %dma_wait3A_1594 = tpu.memref_slice %arg6[%mul3A_136, %dma_wait3A_1593] : memref<81920x128xf32, #tpu.memory_space<hbm>> -> memref<128x128xf32, #tpu.memory_space<hbm>>
    %dma_wait3A_1595 = tpu.memref_slice %arg10[%dma_wait3A_1588] : memref<6x!tpu.dma_semaphore, #tpu.memory_space<semaphore_mem>> -> memref<1x!tpu.dma_semaphore, #tpu.memory_space<semaphore_mem>>
    %dma_wait3A_1596 = tpu.memref_squeeze %dma_wait3A_1595 : memref<1x!tpu.dma_semaphore, #tpu.memory_space<semaphore_mem>> -> memref<!tpu.dma_semaphore, #tpu.memory_space<semaphore_mem>>
    %dma_wait3A_1597 = arith.constant 0 : i32
    %dma_wait3A_1598 = tpu.memref_slice %arg6[%mul3A_136, %dma_wait3A_1597] : memref<81920x128xf32, #tpu.memory_space<hbm>> -> memref<128x128xf32, #tpu.memory_space<hbm>>
    %dma_wait3A_1599 = arith.constant 0 : i32
    %dma_wait3A_1600 = arith.constant 0 : i32
    %dma_wait3A_1601 = tpu.memref_slice %arg8[%dma_wait3A_1587, %dma_wait3A_1599, %dma_wait3A_1600] : memref<6x128x128xf32, #tpu.memory_space<vmem>> -> memref<1x128x128xf32, #tpu.memory_space<vmem>>
    %dma_wait3A_1602 = tpu.memref_squeeze %dma_wait3A_1601 : memref<1x128x128xf32, #tpu.memory_space<vmem>> -> memref<128x128xf32, #tpu.memory_space<vmem>>
    tpu.wait_dma2 semaphore(%dma_wait3A_1596 : memref<!tpu.dma_semaphore, #tpu.memory_space<semaphore_mem>>) src(%dma_wait3A_1602 : memref<128x128xf32, #tpu.memory_space<vmem>>) dst(%dma_wait3A_1598 : memref<128x128xf32, #tpu.memory_space<hbm>>)
    %dma_wait3A_1603 = arith.constant 4 : i32
    %dma_wait3A_1604 = arith.constant 4 : i32
    %dma_wait3A_1605 = arith.constant 0 : i32
    %dma_wait3A_1606 = arith.constant 0 : i32
    %dma_wait3A_1607 = tpu.memref_slice %arg8[%dma_wait3A_1603, %dma_wait3A_1605, %dma_wait3A_1606] : memref<6x128x128xf32, #tpu.memory_space<vmem>> -> memref<1x128x128xf32, #tpu.memory_space<vmem>>
    %dma_wait3A_1608 = tpu.memref_squeeze %dma_wait3A_1607 : memref<1x128x128xf32, #tpu.memory_space<vmem>> -> memref<128x128xf32, #tpu.memory_space<vmem>>
    %dma_wait3A_1609 = arith.constant 0 : i32
    %dma_wait3A_1610 = tpu.memref_slice %arg6[%mul3A_142, %dma_wait3A_1609] : memref<81920x128xf32, #tpu.memory_space<hbm>> -> memref<128x128xf32, #tpu.memory_space<hbm>>
    %dma_wait3A_1611 = tpu.memref_slice %arg10[%dma_wait3A_1604] : memref<6x!tpu.dma_semaphore, #tpu.memory_space<semaphore_mem>> -> memref<1x!tpu.dma_semaphore, #tpu.memory_space<semaphore_mem>>
    %dma_wait3A_1612 = tpu.memref_squeeze %dma_wait3A_1611 : memref<1x!tpu.dma_semaphore, #tpu.memory_space<semaphore_mem>> -> memref<!tpu.dma_semaphore, #tpu.memory_space<semaphore_mem>>
    %dma_wait3A_1613 = arith.constant 0 : i32
    %dma_wait3A_1614 = tpu.memref_slice %arg6[%mul3A_142, %dma_wait3A_1613] : memref<81920x128xf32, #tpu.memory_space<hbm>> -> memref<128x128xf32, #tpu.memory_space<hbm>>
    %dma_wait3A_1615 = arith.constant 0 : i32
    %dma_wait3A_1616 = arith.constant 0 : i32
    %dma_wait3A_1617 = tpu.memref_slice %arg8[%dma_wait3A_1603, %dma_wait3A_1615, %dma_wait3A_1616] : memref<6x128x128xf32, #tpu.memory_space<vmem>> -> memref<1x128x128xf32, #tpu.memory_space<vmem>>
    %dma_wait3A_1618 = tpu.memref_squeeze %dma_wait3A_1617 : memref<1x128x128xf32, #tpu.memory_space<vmem>> -> memref<128x128xf32, #tpu.memory_space<vmem>>
    tpu.wait_dma2 semaphore(%dma_wait3A_1612 : memref<!tpu.dma_semaphore, #tpu.memory_space<semaphore_mem>>) src(%dma_wait3A_1618 : memref<128x128xf32, #tpu.memory_space<vmem>>) dst(%dma_wait3A_1614 : memref<128x128xf32, #tpu.memory_space<hbm>>)
    %dma_wait3A_1619 = arith.constant 5 : i32
    %dma_wait3A_1620 = arith.constant 5 : i32
    %dma_wait3A_1621 = arith.constant 0 : i32
    %dma_wait3A_1622 = arith.constant 0 : i32
    %dma_wait3A_1623 = tpu.memref_slice %arg8[%dma_wait3A_1619, %dma_wait3A_1621, %dma_wait3A_1622] : memref<6x128x128xf32, #tpu.memory_space<vmem>> -> memref<1x128x128xf32, #tpu.memory_space<vmem>>
    %dma_wait3A_1624 = tpu.memref_squeeze %dma_wait3A_1623 : memref<1x128x128xf32, #tpu.memory_space<vmem>> -> memref<128x128xf32, #tpu.memory_space<vmem>>
    %dma_wait3A_1625 = arith.constant 0 : i32
    %dma_wait3A_1626 = tpu.memref_slice %arg6[%mul3A_148, %dma_wait3A_1625] : memref<81920x128xf32, #tpu.memory_space<hbm>> -> memref<128x128xf32, #tpu.memory_space<hbm>>
    %dma_wait3A_1627 = tpu.memref_slice %arg10[%dma_wait3A_1620] : memref<6x!tpu.dma_semaphore, #tpu.memory_space<semaphore_mem>> -> memref<1x!tpu.dma_semaphore, #tpu.memory_space<semaphore_mem>>
    %dma_wait3A_1628 = tpu.memref_squeeze %dma_wait3A_1627 : memref<1x!tpu.dma_semaphore, #tpu.memory_space<semaphore_mem>> -> memref<!tpu.dma_semaphore, #tpu.memory_space<semaphore_mem>>
    %dma_wait3A_1629 = arith.constant 0 : i32
    %dma_wait3A_1630 = tpu.memref_slice %arg6[%mul3A_148, %dma_wait3A_1629] : memref<81920x128xf32, #tpu.memory_space<hbm>> -> memref<128x128xf32, #tpu.memory_space<hbm>>
    %dma_wait3A_1631 = arith.constant 0 : i32
    %dma_wait3A_1632 = arith.constant 0 : i32
    %dma_wait3A_1633 = tpu.memref_slice %arg8[%dma_wait3A_1619, %dma_wait3A_1631, %dma_wait3A_1632] : memref<6x128x128xf32, #tpu.memory_space<vmem>> -> memref<1x128x128xf32, #tpu.memory_space<vmem>>
    %dma_wait3A_1634 = tpu.memref_squeeze %dma_wait3A_1633 : memref<1x128x128xf32, #tpu.memory_space<vmem>> -> memref<128x128xf32, #tpu.memory_space<vmem>>
    tpu.wait_dma2 semaphore(%dma_wait3A_1628 : memref<!tpu.dma_semaphore, #tpu.memory_space<semaphore_mem>>) src(%dma_wait3A_1634 : memref<128x128xf32, #tpu.memory_space<vmem>>) dst(%dma_wait3A_1630 : memref<128x128xf32, #tpu.memory_space<hbm>>)
    return
  }
}

</mosaic_0001>

<sc_bundles>
// kernel: _gather.4.cloned.1.call-start
scs
__scs_entry_jumppad:
0x0: {  	(pc) =	sbr.rel $0x88, $3  }
0x1: {  	(tag) =	ssettag $0x0;
	lr =	simm.s32 $0x1  }
0x2: {  	[smem:$0x3F9C] =	sst lr;
	_ =	strace $0xD0000000  }
0x3: {  	_ = 	snop  }
0x4: {  	_ = 	snop  }
0x5: {  	_ = 	snop  }
0x6: {  	_ = 	snop  }
0x7: {  	_ = 	snop  }
__scs_overlays_trampoline_lowered:
0x8: {  	[smem:$0x3FAB] =	sst s0  }
0x9: {  	[smem:$0x3FAC] =	sst s1  }
0xa: {  	[smem:$0x3FAD] =	sst s2  }
0xb: {  	[smem:$0x3FAE] =	sst s3  }
0xc: {  	[smem:$0x3FAF] =	sst s4  }
0xd: {  	[smem:$0x3FB0] =	sst s5  }
0xe: {  	[smem:$0x3FB1] =	sst s6  }
0xf: {  	[smem:$0x3FB2] =	sst s7  }
0x10: {  	[smem:$0x3FB3] =	sst s8  }
0x11: {  	[smem:$0x3FB4] =	sst s9;
	s0 =	simm.s32 @!p0 $0x0  }
0x12: {  	s1 =	sld [smem:$0x3F9A];
	s0 =	simm.s32 @p0 $0x1  }
0x13: {  	[smem:$0x3FB5] =	sst s0;
	s0 =	simm.s32 @!p1 $0x0  }
0x14: {  	s2 =	sld [smem:$0x3F99];
	s0 =	simm.s32 @p1 $0x1  }
0x15: {  	[smem:$0x3FB6] =	sst s0;
	s0 =	simm.s32 @!p2 $0x0  }
0x16: {  	s3 =	sld [smem:$0x3FDB];
	s0 =	simm.s32 @p2 $0x1  }
0x17: {  	s4 =	simm.s32 $0x1BF5;
	[smem:$0x3FB8] =	sst s0  }
0x18: {  	s0 =	sld [smem:$0x3F9B];
	_ =	swait.ge [sflag:s4], $0x0  }
0x19: {  	s7 =	sld [smem:$0x3F9C]  }
0x1a: {  	s8 =	sadd.s32 $0xFFFFE003, lr  }
0x1b: {  	s9 =	sadd.s32 $0xFFFFFEF7, lr;
	s5 =	simm.s32 $0xFFFFFFFF;
	p2 =	slt.u32 s8, $0xFFFFF086  }
0x1c: {  	p1 =	slt.u32 s9, $0xF7A;
	s5 =	simm.s32 @!p2 $0x0  }
0x1d: {  	s5 =	simm.s32 @p1 $0x1;
	p0 =	seq.s32 s7, s2  }
0x1e: {  	s7 =	smul.u32 @!p0 $0xF7A, s2;
	p2 =	seq.s32 @!p0 s5, $0x0  }
0x1f: {  	s9 =	smul.u32 $0xF7A, s1;
	s8 =	simm.s32 @!p0 $0x1BF5;
	p2 =	por !p2, p0  }
0x20: {  	[sflag:s8] =	ssyncset.s32 @!p0 $0xFFFFF086;
	s6 =	sadd.s32 @!p0 s3, s7;
	s7 =	simm.s32 @!p0 $0x108  }
0x21: {  	s3 =	sadd.s32 s3, s9;
	s6 =	sadd.s32 @!p0 $0x88, s6;
	s7 =	simm.s32 @p2 $0x1082  }
0x22: {  	[simem:s7], [sflag:s8] =	dma.local @!p0 [hbm:s6], $0xF7A  }
0x23: {  	s9 =	sor.u32 $0xD0000000, s2;
	s6 =	simm.s32 $0x108;
	_ =	swait.ge @!p0 [sflag:s8], $0x0  }
0x24: {  	s3 =	sadd.s32 $0x88, s3;
	s6 =	simm.s32 @!p1 $0x1082;
	[sflag:s4] =	ssyncset.s32 $0xFFFFF086  }
0x25: {  	[simem:s6], [sflag:s4] =	dma.local [hbm:s3], $0xF7A  }
0x26: {  	[smem:$0x3F9C] =	sst s1;
	(tag) =	ssettag s2;
	_ =	strace s9  }
0x27: {  	s1 =	sld [smem:$0x3FAC]  }
0x28: {  	s2 =	sld [smem:$0x3FAD]  }
0x29: {  	s4 =	sld [smem:$0x3FAF]  }
0x2a: {  	p0 =	seq.s32 s5, $0x0;
	s5 =	sld [smem:$0x3FB0]  }
0x2b: {  	s6 =	sld [smem:$0x3FB1]  }
0x2c: {  	s7 =	sld [smem:$0x3FB2]  }
0x2d: {  	s3 =	simm.s32 $0x108;
	s8 =	sld [smem:$0x3FB3]  }
0x2e: {  	s3 =	simm.s32 @!p0 $0x1082;
	s9 =	sld [smem:$0x3FB4]  }
0x2f: {  	lr =	sadd.s32 s0, s3;
	s0 =	sld [smem:$0x3FAB]  }
0x30: {  	s3 =	sld [smem:$0x3FAE]  }
0x31: {  	[smem:$0x3FB7] =	sst s10  }
0x32: {  	s10 =	sld [smem:$0x3FB5];
	_ =	sdelay $0x3  }
0x33: {  	p0 =	seq.s32 s10, $0x1;
	s10 =	sld [smem:$0x3FB7];
	_ =	sdelay $0x3  }
0x34: {  	[smem:$0x3FB7] =	sst s10  }
0x35: {  	s10 =	sld [smem:$0x3FB6];
	_ =	sdelay $0x3  }
0x36: {  	p1 =	seq.s32 s10, $0x1;
	s10 =	sld [smem:$0x3FB7];
	_ =	sdelay $0x3  }
0x37: {  	[smem:$0x3FB7] =	sst s10  }
0x38: {  	s10 =	sld [smem:$0x3FB8]  }
0x39: {  	_ = 	snop;
	(pc) =	sbr.ind lr, $3  }
0x3a: {  	_ = 	snop  }
0x3b: {  	_ = 	snop  }
0x3c: {  	p2 =	seq.s32 s10, $0x1;
	s10 =	sld [smem:$0x3FB7]  }
0x3d: {  	_ =	shalt  }
0x3e: {  	_ =	shalt  }
0x3f: {  	_ =	shalt  }
0x40: {  	_ =	shalt  }
0x41: {  	_ =	shalt  }
0x42: {  	_ =	shalt  }
0x43: {  	_ =	shalt  }
0x44: {  	_ =	shalt  }
0x45: {  	_ =	shalt  }
0x46: {  	_ =	shalt  }
0x47: {  	_ =	shalt  }
0x48: {  	_ =	shalt  }
0x49: {  	_ =	shalt  }
0x4a: {  	_ =	shalt  }
0x4b: {  	_ =	shalt  }
0x4c: {  	_ =	shalt  }
0x4d: {  	_ =	shalt  }
0x4e: {  	_ =	shalt  }
0x4f: {  	_ =	shalt  }
0x50: {  	_ =	shalt  }
0x51: {  	_ =	shalt  }
0x52: {  	_ =	shalt  }
0x53: {  	_ =	shalt  }
0x54: {  	_ =	shalt  }
0x55: {  	_ =	shalt  }
0x56: {  	_ =	shalt  }
0x57: {  	_ =	shalt  }
0x58: {  	_ =	shalt  }
0x59: {  	_ =	shalt  }
0x5a: {  	_ =	shalt  }
0x5b: {  	_ =	shalt  }
0x5c: {  	_ =	shalt  }
0x5d: {  	_ =	shalt  }
0x5e: {  	_ =	shalt  }
0x5f: {  	_ =	shalt  }
0x60: {  	_ =	shalt  }
0x61: {  	_ =	shalt  }
0x62: {  	_ =	shalt  }
0x63: {  	_ =	shalt  }
0x64: {  	_ =	shalt  }
0x65: {  	_ =	shalt  }
0x66: {  	_ =	shalt  }
0x67: {  	_ =	shalt  }
0x68: {  	_ =	shalt  }
0x69: {  	_ =	shalt  }
0x6a: {  	_ =	shalt  }
0x6b: {  	_ =	shalt  }
0x6c: {  	_ =	shalt  }
0x6d: {  	_ =	shalt  }
0x6e: {  	_ =	shalt  }
0x6f: {  	_ =	shalt  }
0x70: {  	_ =	shalt  }
0x71: {  	_ =	shalt  }
0x72: {  	_ =	shalt  }
0x73: {  	_ =	shalt  }
0x74: {  	_ =	shalt  }
0x75: {  	_ =	shalt  }
0x76: {  	_ =	shalt  }
0x77: {  	_ =	shalt  }
0x78: {  	_ =	shalt  }
0x79: {  	_ =	shalt  }
0x7a: {  	_ =	shalt  }
0x7b: {  	_ =	shalt  }
0x7c: {  	_ =	shalt  }
0x7d: {  	_ =	shalt  }
0x7e: {  	_ =	shalt  }
0x7f: {  	_ =	shalt  }
0x80: {  	_ =	shalt  }
0x81: {  	_ =	shalt  }
0x82: {  	_ =	shalt  }
0x83: {  	_ =	shalt  }
0x84: {  	_ =	shalt  }
0x85: {  	_ =	shalt  }
0x86: {  	_ =	shalt  }
0x87: {  	_ =	shalt  }
.Lfunc_end0:
.L_simem_size_0:
called_computation_lowered:
.L_overlay_start_0:
0x88: {  	s2 =	sld [smem:$0x3FD9]  }
0x89: {  	s3 =	sld [smem:$0x3FFE];
	_ =	sdelay $0x1  }
0x8a: {  	s1 =	srdreg.scid  }
0x8b: {  	s0 =	sand.u32 $0x1, s1  }
0x8c: {  	s15 =	sshll.u32 s0, $0xA;
	s2 =	sadd.s32 s3, s2  }
0x8d: {  	s2 =	sadd.s32 s2, s15  }
0x8e: {  	[smem:$0x3FC3] =	sst s2  }
0x8f: {  	_ = 	snop  }
0x90: {  	s4 =	sld [smem:$0x3FD0];
	_ =	sdelay $0x1  }
0x91: {  	s2 =	sld [smem:$0x3FC6]  }
0x92: {  	s5 =	simm.s32 $0xB;
	s6 =	simm.s32 $0x10;
	s16 =	sld [smem:$0x3FC5]  }
0x93: {  	[smem:s6], [sflag:s5] =	dma.local [hbm:s4], $0x1  }
0x94: {  	_ =	swait.eq [sflag:s5], $0x1  }
0x95: {  	[sflag:s5] =	ssyncset.done $0x0  }
0x96: {  	[sflag:s5] =	ssyncadd.s32 $0xFFFFFFFF  }
0x97: {  	s17 =	sld [smem:$0x12];
	(tm) =	ssettm $0x1  }
0x98: {  	s18 =	sld [smem:$0x3FFB];
	_ =	sdelay $0x3  }
0x99: {  	_ =	strace s18  }
0x9a: {  	s4 =	sld [smem:$0x3FFC];
	_ =	sdelay $0x3  }
0x9b: {  	_ =	strace s4  }
0x9c: {  	s4 =	sld [smem:$0x3FFD];
	_ =	sdelay $0x3  }
0x9d: {  	_ =	strace s4  }
0x9e: {  	_ =	strace $0x8FFFFFFF  }
0x9f: {  	s19 =	sld [smem:$0x3FDB];
	_ =	sdelay $0x1  }
0xa0: {  	s20 =	simm.s32 $_scs_section_size  }
0xa1: {  	s7 =	simm.s32 $_size__tile_overlayer_lowered;
	s8 =	simm.s32 $_tile_overlayer_lowered  }
0xa2: {  	s9 =	simm.s32 $0x1BFF;
	s21 =	sshll.u32 s8, $0x1;
	s6 =	sadd.s32 s20, s19  }
0xa3: {  	s22 =	simm.s32 $0x0;
	s7 =	sshll.u32 s7, $0x1;
	s8 =	sadd.s32 s21, s6  }
0xa4: {  	[timem:s22], [sflag:s9] =	dma.local [hbm:s8], s7  }
0xa5: {  	_ =	swait.ge [sflag:s9], s7  }
0xa6: {  	s7 =	ssub.s32 $0x0, s7;
	[sflag:s9] =	ssyncset.done $0x0  }
0xa7: {  	[sflag:s9] =	ssyncadd.s32 s7;
	_ =	sdelay $0x1  }
0xa8: {  	s23 =	simm.s32 $0x1B8B  }
0xa9: {  	_ =	swait.ge [sflag:s23], $0x1  }
0xaa: {  	[sflag:s23] =	ssyncset.done $0x0  }
0xab: {  	[sflag:s23] =	ssyncadd.s32 $0xFFFFFFFF  }
0xac: {  	s7 =	sld [smem:$0x0]  }
0xad: {  	s8 =	sand.u32 $0xFFFFFFFE, s1  }
0xae: {  	p0 =	sne.s32 s1, s8  }
0xaf: {  	s8 =	sshll.u32 @p0 s8, $0xE  }
0xb0: {  	s8 =	sadd.s32 @p0 $0x11B8D, s8;
	s9 =	sshll.u32 @p0 s7, $0x11  }
0xb1: {  	s8 =	sor.u32 @p0 s9, s8  }
0xb2: {  	[sflag:s8] =	ssyncadd.remote.s32 @p0 $0x1;
	_ =	sdelay $0x1  }
0xb3: {  	s8 =	simm.s32 @p0 $0x1B8D  }
0xb4: {  	_ =	swait.eq @p0 [sflag:s8], $0x1  }
0xb5: {  	[sflag:s8] =	ssyncadd.s32 @p0 $0xFFFFFFFF  }
0xb6: {  	s9 =	sshll.u32 @!p0 s1, $0xE  }
0xb7: {  	s9 =	sor.u32 @!p0 $0x4000, s9;
	s8 =	simm.s32 @!p0 $0x1B8D  }
0xb8: {  	s7 =	sshll.u32 @!p0 s7, $0x11;
	s9 =	sadd.s32 @!p0 $0x11B8D, s9;
	_ =	swait.eq @!p0 [sflag:s8], $0x1  }
0xb9: {  	s7 =	sor.u32 @!p0 s7, s9;
	[sflag:s8] =	ssyncadd.s32 @!p0 $0xFFFFFFFF  }
0xba: {  	s25 =	simm.s32 $0x1B8E;
	s24 =	sld [smem:$0x3FFE];
	[sflag:s7] =	ssyncadd.remote.s32 @!p0 $0x1  }
0xbb: {  	s26 =	simm.s32 $execute0_lowered;
	[smem:$0x3FD2] =	sst s25  }
0xbc: {  	s8 =	sshll.u32 s26, $0x1;
	_ =	strace $0x80000049;
	[dreg:$0x1] =	wrdreg $0xFFFFFFFF  }
0xbd: {  	s28 =	simm.s32 $_size_execute0_lowered;
	s6 =	sadd.s32 s6, s8;
	[dreg:$0x0] =	wrdreg $0x0  }
0xbe: {  	s8 =	sshll.u32 s28, $0x1;
	[dreg:$0x2] =	wrdreg s6  }
0xbf: {  	[dreg:$0x3] =	wrdreg s8  }
0xc0: {  	[dreg:$0x4] =	wrdreg $0xC0  }
0xc1: {  	_ =	task [dreg:s22], $0x5FFFF  }
0xc2: {  	[dreg:$0x1] =	wrdreg $0xFFFFFFFF  }
0xc3: {  	[dreg:$0x0] =	wrdreg $0x60  }
0xc4: {  	[dreg:$0x2] =	wrdreg s24  }
0xc5: {  	[dreg:$0x3] =	wrdreg s2  }
0xc6: {  	[dreg:$0x4] =	wrdreg s16  }
0xc7: {  	[dreg:$0x5] =	wrdreg s17  }
0xc8: {  	[dreg:$0x6] =	wrdreg $0x9  }
0xc9: {  	_ =	task.clear_ibuf [dreg:s22], $0x7FFFF;
	_ =	strace $0x90000049  }
0xca: {  	s29 =	simm.s32 $0x9;
	_ =	strace $0x8000004B  }
0xcb: {  	_ =	swait.ge [sflag:s29], $0x1  }
0xcc: {  	[sflag:s29] =	ssyncadd.s32 $0xFFFFFFFF  }
0xcd: {  	_ =	strace $0x9000004B  }
0xce: {  	_ =	sfence  }
0xcf: {  	s30 =	sld [smem:$0x0];
	_ =	sdelay $0x2  }
0xd0: {  	s31 =	sshll.u32 s1, $0xD;
	s1 =	sshrl.u32 s1, $0x2  }
0xd1: {  	s3 =	sand.u32 $0x4000, s31;
	s1 =	sadd.s32 s1, s30  }
0xd2: {  	s0 =	sor.u32 s3, s0;
	s1 =	sshll.u32 s1, $0x11  }
0xd3: {  	s0 =	sor.u32 s1, s0  }
0xd4: {  	s0 =	sadd.s32 $0x8F2B, s0  }
0xd5: {  	[sflag:s0] =	ssyncadd.remote.s32 $0x1  }
0xd6: {  	_ =	sfence.sel $0xFFFF  }
0xd7: {  	[dreg:$0x0] =	wrdreg $0xFFFFFFFF;
	(pc) =	sbr.abs _section_cstart, $3  }
0xd8: {  	[dreg:$0x1] =	wrdreg $0xFFFFFFFF  }
0xd9: {  	_ =	task.clear_ibuf [dreg:s22], $0x2FFFF;
	_ =	strace $0x9FFFFFFF  }
0xda: {  	(tm) =	ssettm $0x7FFFFFFF  }
0xdb: {  	_ =	shalt  }
tec
execute0_lowered:
.L_overlay_start_1:
0x0: {  	(tag) =	ssettag $0x1  }
0x1: {  	s1 =	rddreg [dreg:$0x0]  }
0x2: {  	s0 =	rddreg [dreg:$0x1]  }
0x3: {  	s3 =	rddreg [dreg:$0x2]  }
0x4: {  	s2 =	srdreg.scid;
	s23 =	stileid.u32  }
0x5: {  	s4 =	rddreg [dreg:$0x3];
	s5 =	sand.u32 $0x1, s2;
	s6 =	sshll.u32 s23, $0x1  }
0x6: {  	s2 =	simm.s32 $0x0;
	s17 =	sadd.s32 $0x40C00, s1;
	s6 =	sor.u32 s5, s6  }
0x7: {  	[smem:$0x7FF] =	sst s2;
	s7 =	sshll.u32 s6, $0x6;
	s8 =	smul.u32 $0x140, s6  }
0x8: {  	_ =	strace $0x8000004A;
	s12 =	sshll.u32 s6, $0xD;
	s0 =	sadd.s32 s0, s7  }
0x9: {  	s29 =	sadd.s32 s4, s12;
	[dreg:$0x5] =	wrdreg s0;
	s13 =	sadd.s32 s3, s8  }
0xa: {  	s16 =	smul.u32 $0xA000, s6;
	s14 =	sadd.s32 $0x800, s29;
	[dreg:$0x6] =	wrdreg s13  }
0xb: {  	s19 =	smul.u32 $0x50000, s6;
	s15 =	sadd.s32 $0x1000, s29;
	[dreg:$0x7] =	wrdreg s14  }
0xc: {  	s18 =	sadd.s32 $0x1800, s29;
	s26 =	sadd.s32 s17, s16;
	[dreg:$0x8] =	wrdreg s15  }
0xd: {  	[dreg:$0x9] =	wrdreg s18;
	s20 =	sadd.s32 $0x800, s26  }
0xe: {  	s3 =	sshrl.u32 s19, $0x3;
	s21 =	sadd.s32 $0x1000, s26;
	[dreg:$0xa] =	wrdreg s20  }
0xf: {  	s22 =	sadd.s32 $0x1800, s26;
	s3 =	sadd.s32 s17, s3;
	[dreg:$0xb] =	wrdreg s21  }
0x10: {  	[dreg:$0xc] =	wrdreg s22;
	s24 =	sadd.s32 $0x2000, s3  }
0x11: {  	s25 =	sadd.s32 $0x2800, s3;
	[dreg:$0xd] =	wrdreg s24  }
0x12: {  	s4 =	sadd.s32 $0x3000, s3;
	[dreg:$0xe] =	wrdreg s25  }
0x13: {  	s6 =	sadd.s32 $0x3800, s3;
	[dreg:$0xf] =	wrdreg s4  }
0x14: {  	s7 =	sadd.s32 $0x4000, s3;
	[dreg:$0x10] =	wrdreg s6  }
0x15: {  	s8 =	sadd.s32 $0x4800, s3;
	[dreg:$0x11] =	wrdreg s7  }
0x16: {  	s9 =	sadd.s32 $0x5000, s3;
	[dreg:$0x12] =	wrdreg s8  }
0x17: {  	s31 =	simm.s32 $0xD;
	s10 =	sadd.s32 $0x5800, s3;
	[dreg:$0x13] =	wrdreg s9  }
0x18: {  	s30 =	simm.s32 $0x200;
	s11 =	sadd.s32 $0x6000, s3;
	[dreg:$0x14] =	wrdreg s10  }
0x19: {  	p0 =	por $0x0, $0x0;
	s12 =	sadd.s32 $0x6800, s3;
	[dreg:$0x15] =	wrdreg s11  }
0x1a: {  	s28 =	simm.s32 $0xA80;
	s13 =	sadd.s32 $0x7000, s3;
	[dreg:$0x16] =	wrdreg s12  }
0x1b: {  	s16 =	ssub.s32 $0x2, s5;
	s14 =	sadd.s32 $0x7800, s3;
	[dreg:$0x17] =	wrdreg s13  }
0x1c: {  	s5 =	sshrl.u32 s16, $0x1;
	s15 =	sadd.s32 $0x8000, s3;
	[dreg:$0x18] =	wrdreg s14  }
0x1d: {  	s17 =	sadd.s32 $0x8800, s3;
	s18 =	sadd.s32 $0x9000, s3;
	[dreg:$0x19] =	wrdreg s15  }
0x1e: {  	s19 =	sadd.s32 $0x9800, s3;
	s20 =	simm.s32 $0x100;
	[dreg:$0x1a] =	wrdreg s17  }
0x1f: {  	s21 =	simm.s32 $0x180;
	s22 =	simm.s32 $0x280;
	[dreg:$0x1b] =	wrdreg s18  }
0x20: {  	s3 =	simm.s32 $0x400;
	s4 =	ssub.s32 s16, s5;
	[dreg:$0x1c] =	wrdreg s19  }
0x21: {  	s7 =	sadd.s32 $0x2DC7800, s1;
	s13 =	simm.s32 $0x80;
	[dreg:$0x1d] =	wrdreg s20  }
0x22: {  	s12 =	simm.s32 $0xC00;
	[dreg:$0x1e] =	wrdreg s21;
	s10 =	simm.s32 $0x4C00  }
0x23: {  	[dreg:$0x1f] =	wrdreg s22;
	s24 =	simm.s32 $0x300;
	s8 =	simm.s32 $0x8C00  }
0x24: {  	s25 =	simm.s32 $0x380;
	s6 =	simm.s32 $0xCC00;
	[smem:$0x7F2] =	sst s3  }
0x25: {  	s5 =	simm.s32 $0x480;
	s3 =	simm.s32 $0x14C00;
	[smem:$0x7F0] =	sst s24  }
0x26: {  	s9 =	simm.s32 $0x500;
	s17 =	simm.s32 $0x1;
	[smem:$0x7F1] =	sst s25  }
0x27: {  	s11 =	simm.s32 $0x580;
	s14 =	simm.s32 $0x600;
	[smem:$0x7F3] =	sst s5  }
0x28: {  	s18 =	simm.s32 $0x2;
	s15 =	simm.s32 $0x680;
	[smem:$0x7F4] =	sst s9  }
0x29: {  	s16 =	simm.s32 $0x700;
	s19 =	simm.s32 $0x3;
	[smem:$0x7F5] =	sst s11  }
0x2a: {  	s20 =	simm.s32 $0x780;
	s21 =	simm.s32 $0x800;
	[smem:$0x7F6] =	sst s14  }
0x2b: {  	s22 =	simm.s32 $0x880;
	s0 =	smax.u32 s4, $0x1;
	[smem:$0x7F7] =	sst s15  }
0x2c: {  	s4 =	simm.s32 $0x10C00;
	s5 =	simm.s32 $0x7;
	[smem:$0x7F8] =	sst s16  }
0x2d: {  	s9 =	simm.s32 $0x8;
	s11 =	simm.s32 $0x9;
	[smem:$0x7F9] =	sst s20  }
0x2e: {  	s20 =	simm.s32 $0x4;
	[smem:$0x7FA] =	sst s21;
	p1 =	sne.s32 s0, $0x1  }
.Ltmp0:
0x2f: {  	s14 =	simm.s32 $0xA;
	[smem:$0x7FB] =	sst s22;
	(pc) =	sbr.rel @!p1 .LBB2_1-.Ltmp0, $4  }
0x30: {  	s24 =	simm.s32 $0x900;
	s21 =	simm.s32 $0x5;
	s25 =	simm.s32 $0x980  }
0x31: {  	s15 =	simm.s32 $0xB;
	s22 =	simm.s32 $0x6;
	[smem:$0x7FC] =	sst s24  }
0x32: {  	s16 =	simm.s32 $0xC;
	[smem:$0x7FD] =	sst s25;
	s1 =	sadd.s32 $0xFFFFFFFF, s0  }
0x33: {  	s25 =	simm.s32 $0xB00;
	s24 =	simm.s32 $0xB80;
	s0 =	rddreg [dreg:$0x5]  }
0x34: {  	[tilespmem:s2], [sflag:$0xD] =	stream.linear.gather [hbm4b:s0+s2], $0x200, $0x38;
	[tilespmem:$0x18C00] =	vst v63  }
0x35: {  	_ =	swait.ge [sflag:s31], $0x200  }
0x36: {  	[sflag:s31] =	ssyncset.done $0x0  }
0x37: {  	s23 =	rddreg [dreg:$0x6];
	[sflag:s31] =	ssyncadd.s32 $0xFFFFFE00  }
0x38: {  	[tilespmem:s30], [sflag:$0xD] =	stream.linear.gather [hbm4b:s23+s2], $0xA00, $0x38;
	[tilespmem:$0x18C00] =	vst v63  }
0x39: {  	_ =	swait.ge [sflag:s31], $0xA00  }
0x3a: {  	[sflag:s31] =	ssyncset.done $0x0  }
0x3b: {  	[sflag:s31] =	ssyncadd.s32 $0xFFFFF600  }
0x3c: {  	[tilespmem:s12], [sflag:$0x1] =	stream.indirect.gather [hbm4b:s7+s13], $0x80, s2, s13, $0xb8;
	[tilespmem:$0x18C00] =	vst v63  }
0x3d: {  	_ = 	snop  }
0x3e: {  	[tilespmem:s10], [sflag:$0x2] =	stream.indirect.gather [hbm4b:s7+s13], $0x80, s13, s13, $0xb8;
	[tilespmem:$0x18C00] =	vst v63  }
0x3f: {  	s0 =	rddreg [dreg:$0x1d]  }
0x40: {  	[tilespmem:s8], [sflag:$0x3] =	stream.indirect.gather [hbm4b:s7+s13], $0x80, s0, s13, $0xb8;
	[tilespmem:$0x18C00] =	vst v63  }
0x41: {  	s23 =	smov.u32 s1;
	s1 =	rddreg [dreg:$0x1e]  }
0x42: {  	[tilespmem:s6], [sflag:$0x4] =	stream.indirect.gather [hbm4b:s7+s13], $0x80, s1, s13, $0xb8;
	[tilespmem:$0x18C00] =	vst v63  }
0x43: {  	_ = 	snop  }
0x44: {  	[tilespmem:s4], [sflag:$0x5] =	stream.indirect.gather [hbm4b:s7+s13], $0x80, s30, s13, $0xb8;
	[tilespmem:$0x18C00] =	vst v63  }
0x45: {  	s1 =	rddreg [dreg:$0x1f]  }
0x46: {  	[tilespmem:s3], [sflag:$0x6] =	stream.indirect.gather [hbm4b:s7+s13], $0x80, s1, s13, $0xb8;
	[tilespmem:$0x18C00] =	vst v63  }
0x47: {  	_ =	swait.ge [sflag:s17], $0x4000  }
0x48: {  	[sflag:s17] =	ssyncset.done $0x0  }
0x49: {  	[sflag:s17] =	ssyncadd.s32 $0xFFFFC000  }
0x4a: {  	[hbm4b:s29+s2] =	stream.linear.scatter [tilespmem:s12], [sflag:$0x7], $0x4000, $0x38;
	[tilespmem:$0x18C00] =	vst v63  }
0x4b: {  	_ =	swait.ge [sflag:s5], $0x4000  }
0x4c: {  	s1 =	sld [smem:$0x7F0]  }
0x4d: {  	[sflag:s5] =	ssyncset.done $0x0  }
0x4e: {  	[sflag:s5] =	ssyncadd.s32 $0xFFFFC000  }
0x4f: {  	[tilespmem:s12], [sflag:$0x1] =	stream.indirect.gather [hbm4b:s7+s13], $0x80, s1, s13, $0xb8;
	[tilespmem:$0x18C00] =	vst v63  }
0x50: {  	_ =	swait.ge [sflag:s18], $0x4000  }
0x51: {  	[sflag:s18] =	ssyncset.done $0x0  }
0x52: {  	s1 =	rddreg [dreg:$0x7];
	[sflag:s18] =	ssyncadd.s32 $0xFFFFC000  }
0x53: {  	[hbm4b:s1+s2] =	stream.linear.scatter [tilespmem:s10], [sflag:$0x8], $0x4000, $0x38;
	[tilespmem:$0x18C00] =	vst v63  }
0x54: {  	_ =	swait.ge [sflag:s9], $0x4000  }
0x55: {  	s1 =	sld [smem:$0x7F1]  }
0x56: {  	[sflag:s9] =	ssyncset.done $0x0  }
0x57: {  	[sflag:s9] =	ssyncadd.s32 $0xFFFFC000  }
0x58: {  	[tilespmem:s10], [sflag:$0x2] =	stream.indirect.gather [hbm4b:s7+s13], $0x80, s1, s13, $0xb8;
	[tilespmem:$0x18C00] =	vst v63  }
0x59: {  	_ =	swait.ge [sflag:s19], $0x4000  }
0x5a: {  	[sflag:s19] =	ssyncset.done $0x0  }
0x5b: {  	s1 =	rddreg [dreg:$0x8];
	[sflag:s19] =	ssyncadd.s32 $0xFFFFC000  }
0x5c: {  	[hbm4b:s1+s2] =	stream.linear.scatter [tilespmem:s8], [sflag:$0x9], $0x4000, $0x38;
	[tilespmem:$0x18C00] =	vst v63  }
0x5d: {  	_ =	swait.ge [sflag:s11], $0x4000  }
0x5e: {  	s1 =	sld [smem:$0x7F2]  }
0x5f: {  	[sflag:s11] =	ssyncset.done $0x0  }
0x60: {  	[sflag:s11] =	ssyncadd.s32 $0xFFFFC000  }
0x61: {  	[tilespmem:s8], [sflag:$0x3] =	stream.indirect.gather [hbm4b:s7+s13], $0x80, s1, s13, $0xb8;
	[tilespmem:$0x18C00] =	vst v63  }
0x62: {  	_ =	swait.ge [sflag:s20], $0x4000  }
0x63: {  	[sflag:s20] =	ssyncset.done $0x0  }
0x64: {  	s1 =	rddreg [dreg:$0x9];
	[sflag:s20] =	ssyncadd.s32 $0xFFFFC000  }
0x65: {  	[hbm4b:s1+s2] =	stream.linear.scatter [tilespmem:s6], [sflag:$0xA], $0x4000, $0x38;
	[tilespmem:$0x18C00] =	vst v63  }
0x66: {  	_ =	swait.ge [sflag:s14], $0x4000  }
0x67: {  	s1 =	sld [smem:$0x7F3]  }
0x68: {  	[sflag:s14] =	ssyncset.done $0x0  }
0x69: {  	[sflag:s14] =	ssyncadd.s32 $0xFFFFC000  }
0x6a: {  	[tilespmem:s6], [sflag:$0x4] =	stream.indirect.gather [hbm4b:s7+s13], $0x80, s1, s13, $0xb8;
	[tilespmem:$0x18C00] =	vst v63  }
0x6b: {  	_ =	swait.ge [sflag:s21], $0x4000  }
0x6c: {  	[sflag:s21] =	ssyncset.done $0x0  }
0x6d: {  	[sflag:s21] =	ssyncadd.s32 $0xFFFFC000  }
0x6e: {  	[hbm4b:s26+s2] =	stream.linear.scatter [tilespmem:s4], [sflag:$0xB], $0x4000, $0x38;
	[tilespmem:$0x18C00] =	vst v63  }
0x6f: {  	_ =	swait.ge [sflag:s15], $0x4000  }
0x70: {  	s1 =	sld [smem:$0x7F4]  }
0x71: {  	[sflag:s15] =	ssyncset.done $0x0  }
0x72: {  	[sflag:s15] =	ssyncadd.s32 $0xFFFFC000  }
0x73: {  	[tilespmem:s4], [sflag:$0x5] =	stream.indirect.gather [hbm4b:s7+s13], $0x80, s1, s13, $0xb8;
	[tilespmem:$0x18C00] =	vst v63  }
0x74: {  	_ =	swait.ge [sflag:s22], $0x4000  }
0x75: {  	[sflag:s22] =	ssyncset.done $0x0  }
0x76: {  	s1 =	rddreg [dreg:$0xa];
	[sflag:s22] =	ssyncadd.s32 $0xFFFFC000  }
0x77: {  	[hbm4b:s1+s2] =	stream.linear.scatter [tilespmem:s3], [sflag:$0xC], $0x4000, $0x38;
	[tilespmem:$0x18C00] =	vst v63  }
0x78: {  	_ =	swait.ge [sflag:s16], $0x4000  }
0x79: {  	s1 =	sld [smem:$0x7F5]  }
0x7a: {  	[sflag:s16] =	ssyncset.done $0x0  }
0x7b: {  	[sflag:s16] =	ssyncadd.s32 $0xFFFFC000  }
0x7c: {  	[tilespmem:s3], [sflag:$0x6] =	stream.indirect.gather [hbm4b:s7+s13], $0x80, s1, s13, $0xb8;
	[tilespmem:$0x18C00] =	vst v63  }
0x7d: {  	_ =	swait.ge [sflag:s17], $0x4000  }
0x7e: {  	[sflag:s17] =	ssyncset.done $0x0  }
0x7f: {  	s1 =	rddreg [dreg:$0xb];
	[sflag:s17] =	ssyncadd.s32 $0xFFFFC000  }
0x80: {  	[hbm4b:s1+s2] =	stream.linear.scatter [tilespmem:s12], [sflag:$0x7], $0x4000, $0x38;
	[tilespmem:$0x18C00] =	vst v63  }
0x81: {  	_ =	swait.ge [sflag:s5], $0x4000  }
0x82: {  	s1 =	sld [smem:$0x7F6]  }
0x83: {  	[sflag:s5] =	ssyncset.done $0x0  }
0x84: {  	[sflag:s5] =	ssyncadd.s32 $0xFFFFC000  }
0x85: {  	[tilespmem:s12], [sflag:$0x1] =	stream.indirect.gather [hbm4b:s7+s13], $0x80, s1, s13, $0xb8;
	[tilespmem:$0x18C00] =	vst v63  }
0x86: {  	_ =	swait.ge [sflag:s18], $0x4000  }
0x87: {  	[sflag:s18] =	ssyncset.done $0x0  }
0x88: {  	s1 =	rddreg [dreg:$0xc];
	[sflag:s18] =	ssyncadd.s32 $0xFFFFC000  }
0x89: {  	[hbm4b:s1+s2] =	stream.linear.scatter [tilespmem:s10], [sflag:$0x8], $0x4000, $0x38;
	[tilespmem:$0x18C00] =	vst v63  }
0x8a: {  	_ =	swait.ge [sflag:s9], $0x4000  }
0x8b: {  	s1 =	sld [smem:$0x7F7]  }
0x8c: {  	[sflag:s9] =	ssyncset.done $0x0  }
0x8d: {  	[sflag:s9] =	ssyncadd.s32 $0xFFFFC000  }
0x8e: {  	[tilespmem:s10], [sflag:$0x2] =	stream.indirect.gather [hbm4b:s7+s13], $0x80, s1, s13, $0xb8;
	[tilespmem:$0x18C00] =	vst v63  }
0x8f: {  	_ =	swait.ge [sflag:s19], $0x4000  }
0x90: {  	[sflag:s19] =	ssyncset.done $0x0  }
0x91: {  	s1 =	rddreg [dreg:$0xd];
	[sflag:s19] =	ssyncadd.s32 $0xFFFFC000  }
0x92: {  	[hbm4b:s1+s2] =	stream.linear.scatter [tilespmem:s8], [sflag:$0x9], $0x4000, $0x38;
	[tilespmem:$0x18C00] =	vst v63  }
0x93: {  	_ =	swait.ge [sflag:s11], $0x4000  }
0x94: {  	s1 =	sld [smem:$0x7F8]  }
0x95: {  	[sflag:s11] =	ssyncset.done $0x0  }
0x96: {  	[sflag:s11] =	ssyncadd.s32 $0xFFFFC000  }
0x97: {  	[tilespmem:s8], [sflag:$0x3] =	stream.indirect.gather [hbm4b:s7+s13], $0x80, s1, s13, $0xb8;
	[tilespmem:$0x18C00] =	vst v63  }
0x98: {  	_ =	swait.ge [sflag:s20], $0x4000  }
0x99: {  	[sflag:s20] =	ssyncset.done $0x0  }
0x9a: {  	s1 =	rddreg [dreg:$0xe];
	[sflag:s20] =	ssyncadd.s32 $0xFFFFC000  }
0x9b: {  	[hbm4b:s1+s2] =	stream.linear.scatter [tilespmem:s6], [sflag:$0xA], $0x4000, $0x38;
	[tilespmem:$0x18C00] =	vst v63  }
0x9c: {  	_ =	swait.ge [sflag:s14], $0x4000  }
0x9d: {  	s1 =	sld [smem:$0x7F9]  }
0x9e: {  	[sflag:s14] =	ssyncset.done $0x0  }
0x9f: {  	[sflag:s14] =	ssyncadd.s32 $0xFFFFC000  }
0xa0: {  	[tilespmem:s6], [sflag:$0x4] =	stream.indirect.gather [hbm4b:s7+s13], $0x80, s1, s13, $0xb8;
	[tilespmem:$0x18C00] =	vst v63  }
0xa1: {  	_ =	swait.ge [sflag:s21], $0x4000  }
0xa2: {  	[sflag:s21] =	ssyncset.done $0x0  }
0xa3: {  	s1 =	rddreg [dreg:$0xf];
	[sflag:s21] =	ssyncadd.s32 $0xFFFFC000  }
0xa4: {  	[hbm4b:s1+s2] =	stream.linear.scatter [tilespmem:s4], [sflag:$0xB], $0x4000, $0x38;
	[tilespmem:$0x18C00] =	vst v63  }
0xa5: {  	_ =	swait.ge [sflag:s15], $0x4000  }
0xa6: {  	s1 =	sld [smem:$0x7FA]  }
0xa7: {  	[sflag:s15] =	ssyncset.done $0x0  }
0xa8: {  	[sflag:s15] =	ssyncadd.s32 $0xFFFFC000  }
0xa9: {  	[tilespmem:s4], [sflag:$0x5] =	stream.indirect.gather [hbm4b:s7+s13], $0x80, s1, s13, $0xb8;
	[tilespmem:$0x18C00] =	vst v63  }
0xaa: {  	_ =	swait.ge [sflag:s22], $0x4000  }
0xab: {  	[sflag:s22] =	ssyncset.done $0x0  }
0xac: {  	s1 =	rddreg [dreg:$0x10];
	[sflag:s22] =	ssyncadd.s32 $0xFFFFC000  }
0xad: {  	[hbm4b:s1+s2] =	stream.linear.scatter [tilespmem:s3], [sflag:$0xC], $0x4000, $0x38;
	[tilespmem:$0x18C00] =	vst v63  }
0xae: {  	_ =	swait.ge [sflag:s16], $0x4000  }
0xaf: {  	s1 =	sld [smem:$0x7FB]  }
0xb0: {  	[sflag:s16] =	ssyncset.done $0x0  }
0xb1: {  	[sflag:s16] =	ssyncadd.s32 $0xFFFFC000  }
0xb2: {  	[tilespmem:s3], [sflag:$0x6] =	stream.indirect.gather [hbm4b:s7+s13], $0x80, s1, s13, $0xb8;
	[tilespmem:$0x18C00] =	vst v63  }
0xb3: {  	_ =	swait.ge [sflag:s17], $0x4000  }
0xb4: {  	[sflag:s17] =	ssyncset.done $0x0  }
0xb5: {  	s1 =	rddreg [dreg:$0x11];
	[sflag:s17] =	ssyncadd.s32 $0xFFFFC000  }
0xb6: {  	[hbm4b:s1+s2] =	stream.linear.scatter [tilespmem:s12], [sflag:$0x7], $0x4000, $0x38;
	[tilespmem:$0x18C00] =	vst v63  }
0xb7: {  	_ =	swait.ge [sflag:s5], $0x4000  }
0xb8: {  	s1 =	sld [smem:$0x7FC]  }
0xb9: {  	[sflag:s5] =	ssyncset.done $0x0  }
0xba: {  	[sflag:s5] =	ssyncadd.s32 $0xFFFFC000  }
0xbb: {  	[tilespmem:s12], [sflag:$0x1] =	stream.indirect.gather [hbm4b:s7+s13], $0x80, s1, s13, $0xb8;
	[tilespmem:$0x18C00] =	vst v63  }
0xbc: {  	_ =	swait.ge [sflag:s18], $0x4000  }
0xbd: {  	[sflag:s18] =	ssyncset.done $0x0  }
0xbe: {  	s1 =	rddreg [dreg:$0x12];
	[sflag:s18] =	ssyncadd.s32 $0xFFFFC000  }
0xbf: {  	[hbm4b:s1+s2] =	stream.linear.scatter [tilespmem:s10], [sflag:$0x8], $0x4000, $0x38;
	[tilespmem:$0x18C00] =	vst v63  }
0xc0: {  	_ =	swait.ge [sflag:s9], $0x4000  }
0xc1: {  	s1 =	sld [smem:$0x7FD]  }
0xc2: {  	[sflag:s9] =	ssyncset.done $0x0  }
0xc3: {  	[sflag:s9] =	ssyncadd.s32 $0xFFFFC000  }
0xc4: {  	[tilespmem:s10], [sflag:$0x2] =	stream.indirect.gather [hbm4b:s7+s13], $0x80, s1, s13, $0xb8;
	[tilespmem:$0x18C00] =	vst v63  }
0xc5: {  	_ =	swait.ge [sflag:s19], $0x4000  }
0xc6: {  	[sflag:s19] =	ssyncset.done $0x0  }
0xc7: {  	s1 =	rddreg [dreg:$0x13];
	[sflag:s19] =	ssyncadd.s32 $0xFFFFC000  }
0xc8: {  	[hbm4b:s1+s2] =	stream.linear.scatter [tilespmem:s8], [sflag:$0x9], $0x4000, $0x38;
	[tilespmem:$0x18C00] =	vst v63  }
0xc9: {  	_ =	swait.ge [sflag:s11], $0x4000  }
0xca: {  	[sflag:s11] =	ssyncset.done $0x0  }
0xcb: {  	s1 =	simm.s32 $0xA00;
	[sflag:s11] =	ssyncadd.s32 $0xFFFFC000  }
0xcc: {  	[tilespmem:s8], [sflag:$0x3] =	stream.indirect.gather [hbm4b:s7+s13], $0x80, s1, s13, $0xb8;
	[tilespmem:$0x18C00] =	vst v63  }
0xcd: {  	_ =	swait.ge [sflag:s20], $0x4000  }
0xce: {  	[sflag:s20] =	ssyncset.done $0x0  }
0xcf: {  	s1 =	rddreg [dreg:$0x14];
	[sflag:s20] =	ssyncadd.s32 $0xFFFFC000  }
0xd0: {  	[hbm4b:s1+s2] =	stream.linear.scatter [tilespmem:s6], [sflag:$0xA], $0x4000, $0x38;
	[tilespmem:$0x18C00] =	vst v63  }
0xd1: {  	_ =	swait.ge [sflag:s14], $0x4000  }
0xd2: {  	[sflag:s14] =	ssyncset.done $0x0  }
0xd3: {  	[sflag:s14] =	ssyncadd.s32 $0xFFFFC000  }
0xd4: {  	[tilespmem:s6], [sflag:$0x4] =	stream.indirect.gather [hbm4b:s7+s13], $0x80, s28, s13, $0xb8;
	[tilespmem:$0x18C00] =	vst v63  }
0xd5: {  	_ =	swait.ge [sflag:s21], $0x4000  }
0xd6: {  	[sflag:s21] =	ssyncset.done $0x0  }
0xd7: {  	s1 =	rddreg [dreg:$0x15];
	[sflag:s21] =	ssyncadd.s32 $0xFFFFC000  }
0xd8: {  	[hbm4b:s1+s2] =	stream.linear.scatter [tilespmem:s4], [sflag:$0xB], $0x4000, $0x38;
	[tilespmem:$0x18C00] =	vst v63  }
0xd9: {  	_ =	swait.ge [sflag:s15], $0x4000  }
0xda: {  	[sflag:s15] =	ssyncset.done $0x0  }
0xdb: {  	[sflag:s15] =	ssyncadd.s32 $0xFFFFC000  }
0xdc: {  	[tilespmem:s4], [sflag:$0x5] =	stream.indirect.gather [hbm4b:s7+s13], $0x80, s25, s13, $0xb8;
	[tilespmem:$0x18C00] =	vst v63  }
0xdd: {  	_ =	swait.ge [sflag:s22], $0x4000  }
0xde: {  	[sflag:s22] =	ssyncset.done $0x0  }
0xdf: {  	s1 =	rddreg [dreg:$0x16];
	[sflag:s22] =	ssyncadd.s32 $0xFFFFC000  }
0xe0: {  	[hbm4b:s1+s2] =	stream.linear.scatter [tilespmem:s3], [sflag:$0xC], $0x4000, $0x38;
	[tilespmem:$0x18C00] =	vst v63  }
0xe1: {  	_ =	swait.ge [sflag:s16], $0x4000  }
0xe2: {  	[sflag:s16] =	ssyncset.done $0x0  }
0xe3: {  	[sflag:s16] =	ssyncadd.s32 $0xFFFFC000  }
0xe4: {  	[tilespmem:s3], [sflag:$0x6] =	stream.indirect.gather [hbm4b:s7+s13], $0x80, s24, s13, $0xb8;
	[tilespmem:$0x18C00] =	vst v63  }
0xe5: {  	_ =	swait.ge [sflag:s17], $0x4000  }
0xe6: {  	[sflag:s17] =	ssyncset.done $0x0  }
0xe7: {  	s1 =	rddreg [dreg:$0x17];
	[sflag:s17] =	ssyncadd.s32 $0xFFFFC000  }
0xe8: {  	[hbm4b:s1+s2] =	stream.linear.scatter [tilespmem:s12], [sflag:$0x7], $0x4000, $0x38;
	[tilespmem:$0x18C00] =	vst v63  }
0xe9: {  	_ =	swait.ge [sflag:s18], $0x4000  }
0xea: {  	[sflag:s18] =	ssyncset.done $0x0  }
0xeb: {  	s1 =	rddreg [dreg:$0x18];
	[sflag:s18] =	ssyncadd.s32 $0xFFFFC000  }
0xec: {  	[hbm4b:s1+s2] =	stream.linear.scatter [tilespmem:s10], [sflag:$0x8], $0x4000, $0x38;
	[tilespmem:$0x18C00] =	vst v63  }
0xed: {  	_ =	swait.ge [sflag:s19], $0x4000  }
0xee: {  	[sflag:s19] =	ssyncset.done $0x0  }
0xef: {  	s1 =	rddreg [dreg:$0x19];
	[sflag:s19] =	ssyncadd.s32 $0xFFFFC000  }
0xf0: {  	[hbm4b:s1+s2] =	stream.linear.scatter [tilespmem:s8], [sflag:$0x9], $0x4000, $0x38;
	[tilespmem:$0x18C00] =	vst v63  }
0xf1: {  	_ =	swait.ge [sflag:s20], $0x4000  }
0xf2: {  	[sflag:s20] =	ssyncset.done $0x0  }
0xf3: {  	s1 =	rddreg [dreg:$0x1a];
	[sflag:s20] =	ssyncadd.s32 $0xFFFFC000  }
0xf4: {  	[hbm4b:s1+s2] =	stream.linear.scatter [tilespmem:s6], [sflag:$0xA], $0x4000, $0x38;
	[tilespmem:$0x18C00] =	vst v63  }
0xf5: {  	_ =	swait.ge [sflag:s21], $0x4000  }
0xf6: {  	[sflag:s21] =	ssyncset.done $0x0  }
0xf7: {  	s1 =	rddreg [dreg:$0x1b];
	[sflag:s21] =	ssyncadd.s32 $0xFFFFC000  }
0xf8: {  	[hbm4b:s1+s2] =	stream.linear.scatter [tilespmem:s4], [sflag:$0xB], $0x4000, $0x38;
	[tilespmem:$0x18C00] =	vst v63  }
0xf9: {  	_ =	swait.ge [sflag:s22], $0x4000  }
0xfa: {  	[sflag:s22] =	ssyncset.done $0x0  }
0xfb: {  	s1 =	rddreg [dreg:$0x1c];
	[sflag:s22] =	ssyncadd.s32 $0xFFFFC000  }
0xfc: {  	[hbm4b:s1+s2] =	stream.linear.scatter [tilespmem:s3], [sflag:$0xC], $0x4000, $0x38;
	[tilespmem:$0x18C00] =	vst v63  }
0xfd: {  	_ =	swait.ge [sflag:s5], $0x4000  }
0xfe: {  	[sflag:s5] =	ssyncset.done $0x0  }
0xff: {  	[sflag:s5] =	ssyncadd.s32 $0xFFFFC000  }
0x100: {  	_ =	swait.ge [sflag:s9], $0x4000  }
0x101: {  	[sflag:s9] =	ssyncset.done $0x0  }
0x102: {  	[sflag:s9] =	ssyncadd.s32 $0xFFFFC000  }
0x103: {  	_ =	swait.ge [sflag:s11], $0x4000  }
0x104: {  	[sflag:s11] =	ssyncset.done $0x0  }
0x105: {  	[sflag:s11] =	ssyncadd.s32 $0xFFFFC000  }
0x106: {  	_ =	swait.ge [sflag:s14], $0x4000  }
0x107: {  	[sflag:s14] =	ssyncset.done $0x0  }
0x108: {  	p1 =	sne.s32 s23, $0x1;
	[sflag:s14] =	ssyncadd.s32 $0xFFFFC000  }
.Ltmp1:
0x109: {  	_ =	swait.ge [sflag:s15], $0x4000;
	(pc) =	sbr.rel @!p1 .LBB2_3-.Ltmp1, $4  }
0x10a: {  	[sflag:s15] =	ssyncset.done $0x0  }
0x10b: {  	[sflag:s15] =	ssyncadd.s32 $0xFFFFC000  }
0x10c: {  	p0 =	por $0x1, $0x1;
	_ =	swait.ge [sflag:s16], $0x4000  }
0x10d: {  	s1 =	sadd.s32 $0xFFFFFFFF, s23;
	s0 =	rddreg [dreg:$0x5];
	[sflag:s16] =	ssyncset.done $0x0  }
.LBB2_4:
0x10e: {  	[sflag:s16] =	ssyncadd.s32 $0xFFFFC000  }
0x10f: {  	[tilespmem:s2], [sflag:$0xD] =	stream.linear.gather [hbm4b:s0+s2], $0x200, $0x38;
	[tilespmem:$0x18C00] =	vst v63  }
0x110: {  	_ =	swait.ge [sflag:s31], $0x200  }
0x111: {  	[sflag:s31] =	ssyncset.done $0x0  }
0x112: {  	s23 =	rddreg [dreg:$0x6];
	[sflag:s31] =	ssyncadd.s32 $0xFFFFFE00  }
0x113: {  	[tilespmem:s30], [sflag:$0xD] =	stream.linear.gather [hbm4b:s23+s2], $0xA00, $0x38;
	[tilespmem:$0x18C00] =	vst v63  }
0x114: {  	_ =	swait.ge [sflag:s31], $0xA00  }
0x115: {  	[sflag:s31] =	ssyncset.done $0x0  }
0x116: {  	[sflag:s31] =	ssyncadd.s32 $0xFFFFF600  }
0x117: {  	[tilespmem:s12], [sflag:$0x1] =	stream.indirect.gather [hbm4b:s7+s13], $0x80, s2, s13, $0xb8;
	[tilespmem:$0x18C00] =	vst v63  }
0x118: {  	_ = 	snop  }
0x119: {  	[tilespmem:s10], [sflag:$0x2] =	stream.indirect.gather [hbm4b:s7+s13], $0x80, s13, s13, $0xb8;
	[tilespmem:$0x18C00] =	vst v63  }
0x11a: {  	s0 =	rddreg [dreg:$0x1d]  }
0x11b: {  	[tilespmem:s8], [sflag:$0x3] =	stream.indirect.gather [hbm4b:s7+s13], $0x80, s0, s13, $0xb8;
	[tilespmem:$0x18C00] =	vst v63  }
0x11c: {  	s23 =	rddreg [dreg:$0x1e]  }
0x11d: {  	[tilespmem:s6], [sflag:$0x4] =	stream.indirect.gather [hbm4b:s7+s13], $0x80, s23, s13, $0xb8;
	[tilespmem:$0x18C00] =	vst v63  }
0x11e: {  	_ = 	snop  }
0x11f: {  	[tilespmem:s4], [sflag:$0x5] =	stream.indirect.gather [hbm4b:s7+s13], $0x80, s30, s13, $0xb8;
	[tilespmem:$0x18C00] =	vst v63  }
0x120: {  	s23 =	rddreg [dreg:$0x1f]  }
0x121: {  	[tilespmem:s3], [sflag:$0x6] =	stream.indirect.gather [hbm4b:s7+s13], $0x80, s23, s13, $0xb8;
	[tilespmem:$0x18C00] =	vst v63  }
0x122: {  	_ =	swait.ge [sflag:s17], $0x4000  }
0x123: {  	[sflag:s17] =	ssyncset.done $0x0  }
0x124: {  	[sflag:s17] =	ssyncadd.s32 $0xFFFFC000  }
0x125: {  	[hbm4b:s29+s2] =	stream.linear.scatter [tilespmem:s12], [sflag:$0x7], $0x4000, $0x38;
	[tilespmem:$0x18C00] =	vst v63  }
0x126: {  	_ =	swait.ge [sflag:s5], $0x4000  }
0x127: {  	s23 =	sld [smem:$0x7F0]  }
0x128: {  	[sflag:s5] =	ssyncset.done $0x0  }
0x129: {  	[sflag:s5] =	ssyncadd.s32 $0xFFFFC000  }
0x12a: {  	[tilespmem:s12], [sflag:$0x1] =	stream.indirect.gather [hbm4b:s7+s13], $0x80, s23, s13, $0xb8;
	[tilespmem:$0x18C00] =	vst v63  }
0x12b: {  	_ =	swait.ge [sflag:s18], $0x4000  }
0x12c: {  	[sflag:s18] =	ssyncset.done $0x0  }
0x12d: {  	s23 =	rddreg [dreg:$0x7];
	[sflag:s18] =	ssyncadd.s32 $0xFFFFC000  }
0x12e: {  	[hbm4b:s23+s2] =	stream.linear.scatter [tilespmem:s10], [sflag:$0x8], $0x4000, $0x38;
	[tilespmem:$0x18C00] =	vst v63  }
0x12f: {  	_ =	swait.ge [sflag:s9], $0x4000  }
0x130: {  	s23 =	sld [smem:$0x7F1]  }
0x131: {  	[sflag:s9] =	ssyncset.done $0x0  }
0x132: {  	[sflag:s9] =	ssyncadd.s32 $0xFFFFC000  }
0x133: {  	[tilespmem:s10], [sflag:$0x2] =	stream.indirect.gather [hbm4b:s7+s13], $0x80, s23, s13, $0xb8;
	[tilespmem:$0x18C00] =	vst v63  }
0x134: {  	_ =	swait.ge [sflag:s19], $0x4000  }
0x135: {  	[sflag:s19] =	ssyncset.done $0x0  }
0x136: {  	s23 =	rddreg [dreg:$0x8];
	[sflag:s19] =	ssyncadd.s32 $0xFFFFC000  }
0x137: {  	[hbm4b:s23+s2] =	stream.linear.scatter [tilespmem:s8], [sflag:$0x9], $0x4000, $0x38;
	[tilespmem:$0x18C00] =	vst v63  }
0x138: {  	_ =	swait.ge [sflag:s11], $0x4000  }
0x139: {  	s23 =	sld [smem:$0x7F2]  }
0x13a: {  	[sflag:s11] =	ssyncset.done $0x0  }
0x13b: {  	[sflag:s11] =	ssyncadd.s32 $0xFFFFC000  }
0x13c: {  	[tilespmem:s8], [sflag:$0x3] =	stream.indirect.gather [hbm4b:s7+s13], $0x80, s23, s13, $0xb8;
	[tilespmem:$0x18C00] =	vst v63  }
0x13d: {  	_ =	swait.ge [sflag:s20], $0x4000  }
0x13e: {  	[sflag:s20] =	ssyncset.done $0x0  }
0x13f: {  	s23 =	rddreg [dreg:$0x9];
	[sflag:s20] =	ssyncadd.s32 $0xFFFFC000  }
0x140: {  	[hbm4b:s23+s2] =	stream.linear.scatter [tilespmem:s6], [sflag:$0xA], $0x4000, $0x38;
	[tilespmem:$0x18C00] =	vst v63  }
0x141: {  	_ =	swait.ge [sflag:s14], $0x4000  }
0x142: {  	s23 =	sld [smem:$0x7F3]  }
0x143: {  	[sflag:s14] =	ssyncset.done $0x0  }
0x144: {  	[sflag:s14] =	ssyncadd.s32 $0xFFFFC000  }
0x145: {  	[tilespmem:s6], [sflag:$0x4] =	stream.indirect.gather [hbm4b:s7+s13], $0x80, s23, s13, $0xb8;
	[tilespmem:$0x18C00] =	vst v63  }
0x146: {  	_ =	swait.ge [sflag:s21], $0x4000  }
0x147: {  	[sflag:s21] =	ssyncset.done $0x0  }
0x148: {  	[sflag:s21] =	ssyncadd.s32 $0xFFFFC000  }
0x149: {  	[hbm4b:s26+s2] =	stream.linear.scatter [tilespmem:s4], [sflag:$0xB], $0x4000, $0x38;
	[tilespmem:$0x18C00] =	vst v63  }
0x14a: {  	_ =	swait.ge [sflag:s15], $0x4000  }
0x14b: {  	s23 =	sld [smem:$0x7F4]  }
0x14c: {  	[sflag:s15] =	ssyncset.done $0x0  }
0x14d: {  	[sflag:s15] =	ssyncadd.s32 $0xFFFFC000  }
0x14e: {  	[tilespmem:s4], [sflag:$0x5] =	stream.indirect.gather [hbm4b:s7+s13], $0x80, s23, s13, $0xb8;
	[tilespmem:$0x18C00] =	vst v63  }
0x14f: {  	_ =	swait.ge [sflag:s22], $0x4000  }
0x150: {  	[sflag:s22] =	ssyncset.done $0x0  }
0x151: {  	s23 =	rddreg [dreg:$0xa];
	[sflag:s22] =	ssyncadd.s32 $0xFFFFC000  }
0x152: {  	[hbm4b:s23+s2] =	stream.linear.scatter [tilespmem:s3], [sflag:$0xC], $0x4000, $0x38;
	[tilespmem:$0x18C00] =	vst v63  }
0x153: {  	_ =	swait.ge [sflag:s16], $0x4000  }
0x154: {  	s23 =	sld [smem:$0x7F5]  }
0x155: {  	[sflag:s16] =	ssyncset.done $0x0  }
0x156: {  	[sflag:s16] =	ssyncadd.s32 $0xFFFFC000  }
0x157: {  	[tilespmem:s3], [sflag:$0x6] =	stream.indirect.gather [hbm4b:s7+s13], $0x80, s23, s13, $0xb8;
	[tilespmem:$0x18C00] =	vst v63  }
0x158: {  	_ =	swait.ge [sflag:s17], $0x4000  }
0x159: {  	[sflag:s17] =	ssyncset.done $0x0  }
0x15a: {  	s23 =	rddreg [dreg:$0xb];
	[sflag:s17] =	ssyncadd.s32 $0xFFFFC000  }
0x15b: {  	[hbm4b:s23+s2] =	stream.linear.scatter [tilespmem:s12], [sflag:$0x7], $0x4000, $0x38;
	[tilespmem:$0x18C00] =	vst v63  }
0x15c: {  	_ =	swait.ge [sflag:s5], $0x4000  }
0x15d: {  	s23 =	sld [smem:$0x7F6]  }
0x15e: {  	[sflag:s5] =	ssyncset.done $0x0  }
0x15f: {  	[sflag:s5] =	ssyncadd.s32 $0xFFFFC000  }
0x160: {  	[tilespmem:s12], [sflag:$0x1] =	stream.indirect.gather [hbm4b:s7+s13], $0x80, s23, s13, $0xb8;
	[tilespmem:$0x18C00] =	vst v63  }
0x161: {  	_ =	swait.ge [sflag:s18], $0x4000  }
0x162: {  	[sflag:s18] =	ssyncset.done $0x0  }
0x163: {  	s23 =	rddreg [dreg:$0xc];
	[sflag:s18] =	ssyncadd.s32 $0xFFFFC000  }
0x164: {  	[hbm4b:s23+s2] =	stream.linear.scatter [tilespmem:s10], [sflag:$0x8], $0x4000, $0x38;
	[tilespmem:$0x18C00] =	vst v63  }
0x165: {  	_ =	swait.ge [sflag:s9], $0x4000  }
0x166: {  	s23 =	sld [smem:$0x7F7]  }
0x167: {  	[sflag:s9] =	ssyncset.done $0x0  }
0x168: {  	[sflag:s9] =	ssyncadd.s32 $0xFFFFC000  }
0x169: {  	[tilespmem:s10], [sflag:$0x2] =	stream.indirect.gather [hbm4b:s7+s13], $0x80, s23, s13, $0xb8;
	[tilespmem:$0x18C00] =	vst v63  }
0x16a: {  	_ =	swait.ge [sflag:s19], $0x4000  }
0x16b: {  	[sflag:s19] =	ssyncset.done $0x0  }
0x16c: {  	s23 =	rddreg [dreg:$0xd];
	[sflag:s19] =	ssyncadd.s32 $0xFFFFC000  }
0x16d: {  	[hbm4b:s23+s2] =	stream.linear.scatter [tilespmem:s8], [sflag:$0x9], $0x4000, $0x38;
	[tilespmem:$0x18C00] =	vst v63  }
0x16e: {  	_ =	swait.ge [sflag:s11], $0x4000  }
0x16f: {  	s23 =	sld [smem:$0x7F8]  }
0x170: {  	[sflag:s11] =	ssyncset.done $0x0  }
0x171: {  	[sflag:s11] =	ssyncadd.s32 $0xFFFFC000  }
0x172: {  	[tilespmem:s8], [sflag:$0x3] =	stream.indirect.gather [hbm4b:s7+s13], $0x80, s23, s13, $0xb8;
	[tilespmem:$0x18C00] =	vst v63  }
0x173: {  	_ =	swait.ge [sflag:s20], $0x4000  }
0x174: {  	[sflag:s20] =	ssyncset.done $0x0  }
0x175: {  	s23 =	rddreg [dreg:$0xe];
	[sflag:s20] =	ssyncadd.s32 $0xFFFFC000  }
0x176: {  	[hbm4b:s23+s2] =	stream.linear.scatter [tilespmem:s6], [sflag:$0xA], $0x4000, $0x38;
	[tilespmem:$0x18C00] =	vst v63  }
0x177: {  	_ =	swait.ge [sflag:s14], $0x4000  }
0x178: {  	s23 =	sld [smem:$0x7F9]  }
0x179: {  	[sflag:s14] =	ssyncset.done $0x0  }
0x17a: {  	[sflag:s14] =	ssyncadd.s32 $0xFFFFC000  }
0x17b: {  	[tilespmem:s6], [sflag:$0x4] =	stream.indirect.gather [hbm4b:s7+s13], $0x80, s23, s13, $0xb8;
	[tilespmem:$0x18C00] =	vst v63  }
0x17c: {  	_ =	swait.ge [sflag:s21], $0x4000  }
0x17d: {  	[sflag:s21] =	ssyncset.done $0x0  }
0x17e: {  	s23 =	rddreg [dreg:$0xf];
	[sflag:s21] =	ssyncadd.s32 $0xFFFFC000  }
0x17f: {  	[hbm4b:s23+s2] =	stream.linear.scatter [tilespmem:s4], [sflag:$0xB], $0x4000, $0x38;
	[tilespmem:$0x18C00] =	vst v63  }
0x180: {  	_ =	swait.ge [sflag:s15], $0x4000  }
0x181: {  	s23 =	sld [smem:$0x7FA]  }
0x182: {  	[sflag:s15] =	ssyncset.done $0x0  }
0x183: {  	[sflag:s15] =	ssyncadd.s32 $0xFFFFC000  }
0x184: {  	[tilespmem:s4], [sflag:$0x5] =	stream.indirect.gather [hbm4b:s7+s13], $0x80, s23, s13, $0xb8;
	[tilespmem:$0x18C00] =	vst v63  }
0x185: {  	_ =	swait.ge [sflag:s22], $0x4000  }
0x186: {  	[sflag:s22] =	ssyncset.done $0x0  }
0x187: {  	s23 =	rddreg [dreg:$0x10];
	[sflag:s22] =	ssyncadd.s32 $0xFFFFC000  }
0x188: {  	[hbm4b:s23+s2] =	stream.linear.scatter [tilespmem:s3], [sflag:$0xC], $0x4000, $0x38;
	[tilespmem:$0x18C00] =	vst v63  }
0x189: {  	_ =	swait.ge [sflag:s16], $0x4000  }
0x18a: {  	s23 =	sld [smem:$0x7FB]  }
0x18b: {  	[sflag:s16] =	ssyncset.done $0x0  }
0x18c: {  	[sflag:s16] =	ssyncadd.s32 $0xFFFFC000  }
0x18d: {  	[tilespmem:s3], [sflag:$0x6] =	stream.indirect.gather [hbm4b:s7+s13], $0x80, s23, s13, $0xb8;
	[tilespmem:$0x18C00] =	vst v63  }
0x18e: {  	_ =	swait.ge [sflag:s17], $0x4000  }
0x18f: {  	[sflag:s17] =	ssyncset.done $0x0  }
0x190: {  	s23 =	rddreg [dreg:$0x11];
	[sflag:s17] =	ssyncadd.s32 $0xFFFFC000  }
0x191: {  	[hbm4b:s23+s2] =	stream.linear.scatter [tilespmem:s12], [sflag:$0x7], $0x4000, $0x38;
	[tilespmem:$0x18C00] =	vst v63  }
0x192: {  	_ =	swait.ge [sflag:s5], $0x4000  }
0x193: {  	s23 =	sld [smem:$0x7FC]  }
0x194: {  	[sflag:s5] =	ssyncset.done $0x0  }
0x195: {  	[sflag:s5] =	ssyncadd.s32 $0xFFFFC000  }
0x196: {  	[tilespmem:s12], [sflag:$0x1] =	stream.indirect.gather [hbm4b:s7+s13], $0x80, s23, s13, $0xb8;
	[tilespmem:$0x18C00] =	vst v63  }
0x197: {  	_ =	swait.ge [sflag:s18], $0x4000  }
0x198: {  	[sflag:s18] =	ssyncset.done $0x0  }
0x199: {  	s23 =	rddreg [dreg:$0x12];
	[sflag:s18] =	ssyncadd.s32 $0xFFFFC000  }
0x19a: {  	[hbm4b:s23+s2] =	stream.linear.scatter [tilespmem:s10], [sflag:$0x8], $0x4000, $0x38;
	[tilespmem:$0x18C00] =	vst v63  }
0x19b: {  	_ =	swait.ge [sflag:s9], $0x4000  }
0x19c: {  	s23 =	sld [smem:$0x7FD]  }
0x19d: {  	[sflag:s9] =	ssyncset.done $0x0  }
0x19e: {  	[sflag:s9] =	ssyncadd.s32 $0xFFFFC000  }
0x19f: {  	[tilespmem:s10], [sflag:$0x2] =	stream.indirect.gather [hbm4b:s7+s13], $0x80, s23, s13, $0xb8;
	[tilespmem:$0x18C00] =	vst v63  }
0x1a0: {  	_ =	swait.ge [sflag:s19], $0x4000  }
0x1a1: {  	[sflag:s19] =	ssyncset.done $0x0  }
0x1a2: {  	s23 =	rddreg [dreg:$0x13];
	[sflag:s19] =	ssyncadd.s32 $0xFFFFC000  }
0x1a3: {  	[hbm4b:s23+s2] =	stream.linear.scatter [tilespmem:s8], [sflag:$0x9], $0x4000, $0x38;
	[tilespmem:$0x18C00] =	vst v63  }
0x1a4: {  	_ =	swait.ge [sflag:s11], $0x4000  }
0x1a5: {  	[sflag:s11] =	ssyncset.done $0x0  }
0x1a6: {  	s23 =	simm.s32 $0xA00;
	[sflag:s11] =	ssyncadd.s32 $0xFFFFC000  }
0x1a7: {  	[tilespmem:s8], [sflag:$0x3] =	stream.indirect.gather [hbm4b:s7+s13], $0x80, s23, s13, $0xb8;
	[tilespmem:$0x18C00] =	vst v63  }
0x1a8: {  	_ =	swait.ge [sflag:s20], $0x4000  }
0x1a9: {  	[sflag:s20] =	ssyncset.done $0x0  }
0x1aa: {  	s23 =	rddreg [dreg:$0x14];
	[sflag:s20] =	ssyncadd.s32 $0xFFFFC000  }
0x1ab: {  	[hbm4b:s23+s2] =	stream.linear.scatter [tilespmem:s6], [sflag:$0xA], $0x4000, $0x38;
	[tilespmem:$0x18C00] =	vst v63  }
0x1ac: {  	_ =	swait.ge [sflag:s14], $0x4000  }
0x1ad: {  	[sflag:s14] =	ssyncset.done $0x0  }
0x1ae: {  	[sflag:s14] =	ssyncadd.s32 $0xFFFFC000  }
0x1af: {  	[tilespmem:s6], [sflag:$0x4] =	stream.indirect.gather [hbm4b:s7+s13], $0x80, s28, s13, $0xb8;
	[tilespmem:$0x18C00] =	vst v63  }
0x1b0: {  	_ =	swait.ge [sflag:s21], $0x4000  }
0x1b1: {  	[sflag:s21] =	ssyncset.done $0x0  }
0x1b2: {  	s23 =	rddreg [dreg:$0x15];
	[sflag:s21] =	ssyncadd.s32 $0xFFFFC000  }
0x1b3: {  	[hbm4b:s23+s2] =	stream.linear.scatter [tilespmem:s4], [sflag:$0xB], $0x4000, $0x38;
	[tilespmem:$0x18C00] =	vst v63  }
0x1b4: {  	_ =	swait.ge [sflag:s15], $0x4000  }
0x1b5: {  	[sflag:s15] =	ssyncset.done $0x0  }
0x1b6: {  	[sflag:s15] =	ssyncadd.s32 $0xFFFFC000  }
0x1b7: {  	[tilespmem:s4], [sflag:$0x5] =	stream.indirect.gather [hbm4b:s7+s13], $0x80, s25, s13, $0xb8;
	[tilespmem:$0x18C00] =	vst v63  }
0x1b8: {  	_ =	swait.ge [sflag:s22], $0x4000  }
0x1b9: {  	[sflag:s22] =	ssyncset.done $0x0  }
0x1ba: {  	s23 =	rddreg [dreg:$0x16];
	[sflag:s22] =	ssyncadd.s32 $0xFFFFC000  }
0x1bb: {  	[hbm4b:s23+s2] =	stream.linear.scatter [tilespmem:s3], [sflag:$0xC], $0x4000, $0x38;
	[tilespmem:$0x18C00] =	vst v63  }
0x1bc: {  	_ =	swait.ge [sflag:s16], $0x4000  }
0x1bd: {  	[sflag:s16] =	ssyncset.done $0x0  }
0x1be: {  	[sflag:s16] =	ssyncadd.s32 $0xFFFFC000  }
0x1bf: {  	[tilespmem:s3], [sflag:$0x6] =	stream.indirect.gather [hbm4b:s7+s13], $0x80, s24, s13, $0xb8;
	[tilespmem:$0x18C00] =	vst v63  }
0x1c0: {  	_ =	swait.ge [sflag:s17], $0x4000  }
0x1c1: {  	[sflag:s17] =	ssyncset.done $0x0  }
0x1c2: {  	s23 =	rddreg [dreg:$0x17];
	[sflag:s17] =	ssyncadd.s32 $0xFFFFC000  }
0x1c3: {  	[hbm4b:s23+s2] =	stream.linear.scatter [tilespmem:s12], [sflag:$0x7], $0x4000, $0x38;
	[tilespmem:$0x18C00] =	vst v63  }
0x1c4: {  	_ =	swait.ge [sflag:s18], $0x4000  }
0x1c5: {  	[sflag:s18] =	ssyncset.done $0x0  }
0x1c6: {  	s23 =	rddreg [dreg:$0x18];
	[sflag:s18] =	ssyncadd.s32 $0xFFFFC000  }
0x1c7: {  	[hbm4b:s23+s2] =	stream.linear.scatter [tilespmem:s10], [sflag:$0x8], $0x4000, $0x38;
	[tilespmem:$0x18C00] =	vst v63  }
0x1c8: {  	_ =	swait.ge [sflag:s19], $0x4000  }
0x1c9: {  	[sflag:s19] =	ssyncset.done $0x0  }
0x1ca: {  	s23 =	rddreg [dreg:$0x19];
	[sflag:s19] =	ssyncadd.s32 $0xFFFFC000  }
0x1cb: {  	[hbm4b:s23+s2] =	stream.linear.scatter [tilespmem:s8], [sflag:$0x9], $0x4000, $0x38;
	[tilespmem:$0x18C00] =	vst v63  }
0x1cc: {  	_ =	swait.ge [sflag:s20], $0x4000  }
0x1cd: {  	[sflag:s20] =	ssyncset.done $0x0  }
0x1ce: {  	s23 =	rddreg [dreg:$0x1a];
	[sflag:s20] =	ssyncadd.s32 $0xFFFFC000  }
0x1cf: {  	[hbm4b:s23+s2] =	stream.linear.scatter [tilespmem:s6], [sflag:$0xA], $0x4000, $0x38;
	[tilespmem:$0x18C00] =	vst v63  }
0x1d0: {  	_ =	swait.ge [sflag:s21], $0x4000  }
0x1d1: {  	[sflag:s21] =	ssyncset.done $0x0  }
0x1d2: {  	s23 =	rddreg [dreg:$0x1b];
	[sflag:s21] =	ssyncadd.s32 $0xFFFFC000  }
0x1d3: {  	[hbm4b:s23+s2] =	stream.linear.scatter [tilespmem:s4], [sflag:$0xB], $0x4000, $0x38;
	[tilespmem:$0x18C00] =	vst v63  }
0x1d4: {  	_ =	swait.ge [sflag:s22], $0x4000  }
0x1d5: {  	[sflag:s22] =	ssyncset.done $0x0  }
0x1d6: {  	s23 =	rddreg [dreg:$0x1c];
	[sflag:s22] =	ssyncadd.s32 $0xFFFFC000  }
0x1d7: {  	[hbm4b:s23+s2] =	stream.linear.scatter [tilespmem:s3], [sflag:$0xC], $0x4000, $0x38;
	[tilespmem:$0x18C00] =	vst v63  }
0x1d8: {  	_ =	swait.ge [sflag:s5], $0x4000  }
0x1d9: {  	[sflag:s5] =	ssyncset.done $0x0  }
0x1da: {  	[sflag:s5] =	ssyncadd.s32 $0xFFFFC000  }
0x1db: {  	_ =	swait.ge [sflag:s9], $0x4000  }
0x1dc: {  	[sflag:s9] =	ssyncset.done $0x0  }
0x1dd: {  	[sflag:s9] =	ssyncadd.s32 $0xFFFFC000  }
0x1de: {  	_ =	swait.ge [sflag:s11], $0x4000  }
0x1df: {  	[sflag:s11] =	ssyncset.done $0x0  }
0x1e0: {  	[sflag:s11] =	ssyncadd.s32 $0xFFFFC000  }
0x1e1: {  	_ =	swait.ge [sflag:s14], $0x4000  }
0x1e2: {  	[sflag:s14] =	ssyncset.done $0x0  }
0x1e3: {  	p1 =	sne.s32 s1, $0x1;
	[sflag:s14] =	ssyncadd.s32 $0xFFFFC000  }
.Ltmp2:
0x1e4: {  	_ =	swait.ge [sflag:s15], $0x4000;
	(pc) =	sbr.rel @p1 .LBB2_4-.Ltmp2, $4  }
0x1e5: {  	[sflag:s15] =	ssyncset.done $0x0  }
0x1e6: {  	[sflag:s15] =	ssyncadd.s32 $0xFFFFC000  }
0x1e7: {  	_ =	swait.ge [sflag:s16], $0x4000  }
0x1e8: {  	s1 =	sadd.s32 $0xFFFFFFFF, s1;
	s0 =	rddreg [dreg:$0x5];
	[sflag:s16] =	ssyncset.done $0x0  }
0x1e9: {  	s24 =	simm.s32 $0xA00  }
0x1ea: {  	s28 =	simm.s32 $0xA80;
	s25 =	simm.s32 $0xB00;
	s23 =	stileid.u32  }
.LBB2_6:
0x1eb: {  	[sflag:s16] =	ssyncadd.s32 @p0 $0xFFFFC000  }
0x1ec: {  	[tilespmem:s2], [sflag:$0xD] =	stream.linear.gather [hbm4b:s0+s2], $0x200, $0x38;
	[tilespmem:$0x18C00] =	vst v63  }
0x1ed: {  	_ =	swait.ge [sflag:s31], $0x200  }
0x1ee: {  	[sflag:s31] =	ssyncset.done $0x0  }
0x1ef: {  	s1 =	rddreg [dreg:$0x6];
	[sflag:s31] =	ssyncadd.s32 $0xFFFFFE00  }
0x1f0: {  	[tilespmem:s30], [sflag:$0xD] =	stream.linear.gather [hbm4b:s1+s2], $0xA00, $0x38;
	[tilespmem:$0x18C00] =	vst v63  }
0x1f1: {  	_ =	swait.ge [sflag:s31], $0xA00  }
0x1f2: {  	[sflag:s31] =	ssyncset.done $0x0  }
0x1f3: {  	[sflag:s31] =	ssyncadd.s32 $0xFFFFF600  }
0x1f4: {  	[tilespmem:s12], [sflag:$0x1] =	stream.indirect.gather [hbm4b:s7+s13], $0x80, s2, s13, $0xb8;
	[tilespmem:$0x18C00] =	vst v63  }
0x1f5: {  	_ = 	snop  }
0x1f6: {  	[tilespmem:s10], [sflag:$0x2] =	stream.indirect.gather [hbm4b:s7+s13], $0x80, s13, s13, $0xb8;
	[tilespmem:$0x18C00] =	vst v63  }
0x1f7: {  	s31 =	rddreg [dreg:$0x1d]  }
0x1f8: {  	[tilespmem:s8], [sflag:$0x3] =	stream.indirect.gather [hbm4b:s7+s13], $0x80, s31, s13, $0xb8;
	[tilespmem:$0x18C00] =	vst v63  }
0x1f9: {  	s1 =	rddreg [dreg:$0x1e]  }
0x1fa: {  	[tilespmem:s6], [sflag:$0x4] =	stream.indirect.gather [hbm4b:s7+s13], $0x80, s1, s13, $0xb8;
	[tilespmem:$0x18C00] =	vst v63  }
0x1fb: {  	_ = 	snop  }
0x1fc: {  	[tilespmem:s4], [sflag:$0x5] =	stream.indirect.gather [hbm4b:s7+s13], $0x80, s30, s13, $0xb8;
	[tilespmem:$0x18C00] =	vst v63  }
0x1fd: {  	s1 =	rddreg [dreg:$0x1f]  }
0x1fe: {  	[tilespmem:s3], [sflag:$0x6] =	stream.indirect.gather [hbm4b:s7+s13], $0x80, s1, s13, $0xb8;
	[tilespmem:$0x18C00] =	vst v63  }
0x1ff: {  	_ =	swait.ge [sflag:s17], $0x4000  }
0x200: {  	[sflag:s17] =	ssyncset.done $0x0  }
0x201: {  	[sflag:s17] =	ssyncadd.s32 $0xFFFFC000  }
0x202: {  	[hbm4b:s29+s2] =	stream.linear.scatter [tilespmem:s12], [sflag:$0x7], $0x4000, $0x38;
	[tilespmem:$0x18C00] =	vst v63  }
0x203: {  	_ =	swait.ge [sflag:s5], $0x4000  }
0x204: {  	s31 =	sld [smem:$0x7F0]  }
0x205: {  	[sflag:s5] =	ssyncset.done $0x0  }
0x206: {  	[sflag:s5] =	ssyncadd.s32 $0xFFFFC000  }
0x207: {  	[tilespmem:s12], [sflag:$0x1] =	stream.indirect.gather [hbm4b:s7+s13], $0x80, s31, s13, $0xb8;
	[tilespmem:$0x18C00] =	vst v63  }
0x208: {  	_ =	swait.ge [sflag:s18], $0x4000  }
0x209: {  	[sflag:s18] =	ssyncset.done $0x0  }
0x20a: {  	s1 =	rddreg [dreg:$0x7];
	[sflag:s18] =	ssyncadd.s32 $0xFFFFC000  }
0x20b: {  	[hbm4b:s1+s2] =	stream.linear.scatter [tilespmem:s10], [sflag:$0x8], $0x4000, $0x38;
	[tilespmem:$0x18C00] =	vst v63  }
0x20c: {  	_ =	swait.ge [sflag:s9], $0x4000  }
0x20d: {  	s29 =	sld [smem:$0x7F1]  }
0x20e: {  	[sflag:s9] =	ssyncset.done $0x0  }
0x20f: {  	[sflag:s9] =	ssyncadd.s32 $0xFFFFC000  }
0x210: {  	[tilespmem:s10], [sflag:$0x2] =	stream.indirect.gather [hbm4b:s7+s13], $0x80, s29, s13, $0xb8;
	[tilespmem:$0x18C00] =	vst v63  }
0x211: {  	_ =	swait.ge [sflag:s19], $0x4000  }
0x212: {  	[sflag:s19] =	ssyncset.done $0x0  }
0x213: {  	s30 =	rddreg [dreg:$0x8];
	[sflag:s19] =	ssyncadd.s32 $0xFFFFC000  }
0x214: {  	[hbm4b:s30+s2] =	stream.linear.scatter [tilespmem:s8], [sflag:$0x9], $0x4000, $0x38;
	[tilespmem:$0x18C00] =	vst v63  }
0x215: {  	_ =	swait.ge [sflag:s11], $0x4000  }
0x216: {  	s31 =	sld [smem:$0x7F2]  }
0x217: {  	[sflag:s11] =	ssyncset.done $0x0  }
0x218: {  	[sflag:s11] =	ssyncadd.s32 $0xFFFFC000  }
0x219: {  	[tilespmem:s8], [sflag:$0x3] =	stream.indirect.gather [hbm4b:s7+s13], $0x80, s31, s13, $0xb8;
	[tilespmem:$0x18C00] =	vst v63  }
0x21a: {  	_ =	swait.ge [sflag:s20], $0x4000  }
0x21b: {  	[sflag:s20] =	ssyncset.done $0x0  }
0x21c: {  	s1 =	rddreg [dreg:$0x9];
	[sflag:s20] =	ssyncadd.s32 $0xFFFFC000  }
0x21d: {  	[hbm4b:s1+s2] =	stream.linear.scatter [tilespmem:s6], [sflag:$0xA], $0x4000, $0x38;
	[tilespmem:$0x18C00] =	vst v63  }
0x21e: {  	_ =	swait.ge [sflag:s14], $0x4000  }
0x21f: {  	s29 =	sld [smem:$0x7F3]  }
0x220: {  	[sflag:s14] =	ssyncset.done $0x0  }
0x221: {  	[sflag:s14] =	ssyncadd.s32 $0xFFFFC000  }
0x222: {  	[tilespmem:s6], [sflag:$0x4] =	stream.indirect.gather [hbm4b:s7+s13], $0x80, s29, s13, $0xb8;
	[tilespmem:$0x18C00] =	vst v63  }
0x223: {  	_ =	swait.ge [sflag:s21], $0x4000  }
0x224: {  	[sflag:s21] =	ssyncset.done $0x0  }
0x225: {  	[sflag:s21] =	ssyncadd.s32 $0xFFFFC000  }
0x226: {  	[hbm4b:s26+s2] =	stream.linear.scatter [tilespmem:s4], [sflag:$0xB], $0x4000, $0x38;
	[tilespmem:$0x18C00] =	vst v63  }
0x227: {  	_ =	swait.ge [sflag:s15], $0x4000  }
0x228: {  	s30 =	sld [smem:$0x7F4]  }
0x229: {  	[sflag:s15] =	ssyncset.done $0x0  }
0x22a: {  	[sflag:s15] =	ssyncadd.s32 $0xFFFFC000  }
0x22b: {  	[tilespmem:s4], [sflag:$0x5] =	stream.indirect.gather [hbm4b:s7+s13], $0x80, s30, s13, $0xb8;
	[tilespmem:$0x18C00] =	vst v63  }
0x22c: {  	_ =	swait.ge [sflag:s22], $0x4000  }
0x22d: {  	[sflag:s22] =	ssyncset.done $0x0  }
0x22e: {  	s31 =	rddreg [dreg:$0xa];
	[sflag:s22] =	ssyncadd.s32 $0xFFFFC000  }
0x22f: {  	[hbm4b:s31+s2] =	stream.linear.scatter [tilespmem:s3], [sflag:$0xC], $0x4000, $0x38;
	[tilespmem:$0x18C00] =	vst v63  }
0x230: {  	_ =	swait.ge [sflag:s16], $0x4000  }
0x231: {  	s1 =	sld [smem:$0x7F5]  }
0x232: {  	[sflag:s16] =	ssyncset.done $0x0  }
0x233: {  	[sflag:s16] =	ssyncadd.s32 $0xFFFFC000  }
0x234: {  	[tilespmem:s3], [sflag:$0x6] =	stream.indirect.gather [hbm4b:s7+s13], $0x80, s1, s13, $0xb8;
	[tilespmem:$0x18C00] =	vst v63  }
0x235: {  	_ =	swait.ge [sflag:s17], $0x4000  }
0x236: {  	[sflag:s17] =	ssyncset.done $0x0  }
0x237: {  	s26 =	rddreg [dreg:$0xb];
	[sflag:s17] =	ssyncadd.s32 $0xFFFFC000  }
0x238: {  	[hbm4b:s26+s2] =	stream.linear.scatter [tilespmem:s12], [sflag:$0x7], $0x4000, $0x38;
	[tilespmem:$0x18C00] =	vst v63  }
0x239: {  	_ =	swait.ge [sflag:s5], $0x4000  }
0x23a: {  	s29 =	sld [smem:$0x7F6]  }
0x23b: {  	[sflag:s5] =	ssyncset.done $0x0  }
0x23c: {  	[sflag:s5] =	ssyncadd.s32 $0xFFFFC000  }
0x23d: {  	[tilespmem:s12], [sflag:$0x1] =	stream.indirect.gather [hbm4b:s7+s13], $0x80, s29, s13, $0xb8;
	[tilespmem:$0x18C00] =	vst v63  }
0x23e: {  	_ =	swait.ge [sflag:s18], $0x4000  }
0x23f: {  	[sflag:s18] =	ssyncset.done $0x0  }
0x240: {  	s30 =	rddreg [dreg:$0xc];
	[sflag:s18] =	ssyncadd.s32 $0xFFFFC000  }
0x241: {  	[hbm4b:s30+s2] =	stream.linear.scatter [tilespmem:s10], [sflag:$0x8], $0x4000, $0x38;
	[tilespmem:$0x18C00] =	vst v63  }
0x242: {  	_ =	swait.ge [sflag:s9], $0x4000  }
0x243: {  	s31 =	sld [smem:$0x7F7]  }
0x244: {  	[sflag:s9] =	ssyncset.done $0x0  }
0x245: {  	[sflag:s9] =	ssyncadd.s32 $0xFFFFC000  }
0x246: {  	[tilespmem:s10], [sflag:$0x2] =	stream.indirect.gather [hbm4b:s7+s13], $0x80, s31, s13, $0xb8;
	[tilespmem:$0x18C00] =	vst v63  }
0x247: {  	_ =	swait.ge [sflag:s19], $0x4000  }
0x248: {  	[sflag:s19] =	ssyncset.done $0x0  }
0x249: {  	s1 =	rddreg [dreg:$0xd];
	[sflag:s19] =	ssyncadd.s32 $0xFFFFC000  }
0x24a: {  	[hbm4b:s1+s2] =	stream.linear.scatter [tilespmem:s8], [sflag:$0x9], $0x4000, $0x38;
	[tilespmem:$0x18C00] =	vst v63  }
0x24b: {  	_ =	swait.ge [sflag:s11], $0x4000  }
0x24c: {  	s26 =	sld [smem:$0x7F8]  }
0x24d: {  	[sflag:s11] =	ssyncset.done $0x0  }
0x24e: {  	[sflag:s11] =	ssyncadd.s32 $0xFFFFC000  }
0x24f: {  	[tilespmem:s8], [sflag:$0x3] =	stream.indirect.gather [hbm4b:s7+s13], $0x80, s26, s13, $0xb8;
	[tilespmem:$0x18C00] =	vst v63  }
0x250: {  	_ =	swait.ge [sflag:s20], $0x4000  }
0x251: {  	[sflag:s20] =	ssyncset.done $0x0  }
0x252: {  	s29 =	rddreg [dreg:$0xe];
	[sflag:s20] =	ssyncadd.s32 $0xFFFFC000  }
0x253: {  	[hbm4b:s29+s2] =	stream.linear.scatter [tilespmem:s6], [sflag:$0xA], $0x4000, $0x38;
	[tilespmem:$0x18C00] =	vst v63  }
0x254: {  	_ =	swait.ge [sflag:s14], $0x4000  }
0x255: {  	s30 =	sld [smem:$0x7F9]  }
0x256: {  	[sflag:s14] =	ssyncset.done $0x0  }
0x257: {  	[sflag:s14] =	ssyncadd.s32 $0xFFFFC000  }
0x258: {  	[tilespmem:s6], [sflag:$0x4] =	stream.indirect.gather [hbm4b:s7+s13], $0x80, s30, s13, $0xb8;
	[tilespmem:$0x18C00] =	vst v63  }
0x259: {  	_ =	swait.ge [sflag:s21], $0x4000  }
0x25a: {  	[sflag:s21] =	ssyncset.done $0x0  }
0x25b: {  	s31 =	rddreg [dreg:$0xf];
	[sflag:s21] =	ssyncadd.s32 $0xFFFFC000  }
0x25c: {  	[hbm4b:s31+s2] =	stream.linear.scatter [tilespmem:s4], [sflag:$0xB], $0x4000, $0x38;
	[tilespmem:$0x18C00] =	vst v63  }
0x25d: {  	_ =	swait.ge [sflag:s15], $0x4000  }
0x25e: {  	s1 =	sld [smem:$0x7FA]  }
0x25f: {  	[sflag:s15] =	ssyncset.done $0x0  }
0x260: {  	[sflag:s15] =	ssyncadd.s32 $0xFFFFC000  }
0x261: {  	[tilespmem:s4], [sflag:$0x5] =	stream.indirect.gather [hbm4b:s7+s13], $0x80, s1, s13, $0xb8;
	[tilespmem:$0x18C00] =	vst v63  }
0x262: {  	_ =	swait.ge [sflag:s22], $0x4000  }
0x263: {  	[sflag:s22] =	ssyncset.done $0x0  }
0x264: {  	s26 =	rddreg [dreg:$0x10];
	[sflag:s22] =	ssyncadd.s32 $0xFFFFC000  }
0x265: {  	[hbm4b:s26+s2] =	stream.linear.scatter [tilespmem:s3], [sflag:$0xC], $0x4000, $0x38;
	[tilespmem:$0x18C00] =	vst v63  }
0x266: {  	_ =	swait.ge [sflag:s16], $0x4000  }
0x267: {  	s29 =	sld [smem:$0x7FB]  }
0x268: {  	[sflag:s16] =	ssyncset.done $0x0  }
0x269: {  	[sflag:s16] =	ssyncadd.s32 $0xFFFFC000  }
0x26a: {  	[tilespmem:s3], [sflag:$0x6] =	stream.indirect.gather [hbm4b:s7+s13], $0x80, s29, s13, $0xb8;
	[tilespmem:$0x18C00] =	vst v63  }
0x26b: {  	_ =	swait.ge [sflag:s17], $0x4000  }
0x26c: {  	[sflag:s17] =	ssyncset.done $0x0  }
0x26d: {  	s30 =	rddreg [dreg:$0x11];
	[sflag:s17] =	ssyncadd.s32 $0xFFFFC000  }
0x26e: {  	[hbm4b:s30+s2] =	stream.linear.scatter [tilespmem:s12], [sflag:$0x7], $0x4000, $0x38;
	[tilespmem:$0x18C00] =	vst v63  }
0x26f: {  	_ =	swait.ge [sflag:s5], $0x4000  }
0x270: {  	s31 =	sld [smem:$0x7FC]  }
0x271: {  	[sflag:s5] =	ssyncset.done $0x0  }
0x272: {  	[sflag:s5] =	ssyncadd.s32 $0xFFFFC000  }
0x273: {  	[tilespmem:s12], [sflag:$0x1] =	stream.indirect.gather [hbm4b:s7+s13], $0x80, s31, s13, $0xb8;
	[tilespmem:$0x18C00] =	vst v63  }
0x274: {  	_ =	swait.ge [sflag:s18], $0x4000  }
0x275: {  	[sflag:s18] =	ssyncset.done $0x0  }
0x276: {  	s1 =	rddreg [dreg:$0x12];
	[sflag:s18] =	ssyncadd.s32 $0xFFFFC000  }
0x277: {  	[hbm4b:s1+s2] =	stream.linear.scatter [tilespmem:s10], [sflag:$0x8], $0x4000, $0x38;
	[tilespmem:$0x18C00] =	vst v63  }
0x278: {  	_ =	swait.ge [sflag:s9], $0x4000  }
0x279: {  	s26 =	sld [smem:$0x7FD]  }
0x27a: {  	[sflag:s9] =	ssyncset.done $0x0  }
0x27b: {  	[sflag:s9] =	ssyncadd.s32 $0xFFFFC000  }
0x27c: {  	[tilespmem:s10], [sflag:$0x2] =	stream.indirect.gather [hbm4b:s7+s13], $0x80, s26, s13, $0xb8;
	[tilespmem:$0x18C00] =	vst v63  }
0x27d: {  	_ =	swait.ge [sflag:s19], $0x4000  }
0x27e: {  	[sflag:s19] =	ssyncset.done $0x0  }
0x27f: {  	s29 =	rddreg [dreg:$0x13];
	[sflag:s19] =	ssyncadd.s32 $0xFFFFC000  }
0x280: {  	[hbm4b:s29+s2] =	stream.linear.scatter [tilespmem:s8], [sflag:$0x9], $0x4000, $0x38;
	[tilespmem:$0x18C00] =	vst v63  }
0x281: {  	_ =	swait.ge [sflag:s11], $0x4000  }
0x282: {  	[sflag:s11] =	ssyncset.done $0x0  }
0x283: {  	[sflag:s11] =	ssyncadd.s32 $0xFFFFC000  }
0x284: {  	[tilespmem:s8], [sflag:$0x3] =	stream.indirect.gather [hbm4b:s7+s13], $0x80, s24, s13, $0xb8;
	[tilespmem:$0x18C00] =	vst v63  }
0x285: {  	_ =	swait.ge [sflag:s20], $0x4000  }
0x286: {  	[sflag:s20] =	ssyncset.done $0x0  }
0x287: {  	s30 =	rddreg [dreg:$0x14];
	[sflag:s20] =	ssyncadd.s32 $0xFFFFC000  }
0x288: {  	[hbm4b:s30+s2] =	stream.linear.scatter [tilespmem:s6], [sflag:$0xA], $0x4000, $0x38;
	[tilespmem:$0x18C00] =	vst v63  }
0x289: {  	_ =	swait.ge [sflag:s14], $0x4000  }
0x28a: {  	[sflag:s14] =	ssyncset.done $0x0  }
0x28b: {  	[sflag:s14] =	ssyncadd.s32 $0xFFFFC000  }
0x28c: {  	[tilespmem:s6], [sflag:$0x4] =	stream.indirect.gather [hbm4b:s7+s13], $0x80, s28, s13, $0xb8;
	[tilespmem:$0x18C00] =	vst v63  }
0x28d: {  	_ =	swait.ge [sflag:s21], $0x4000  }
0x28e: {  	[sflag:s21] =	ssyncset.done $0x0  }
0x28f: {  	s31 =	rddreg [dreg:$0x15];
	[sflag:s21] =	ssyncadd.s32 $0xFFFFC000  }
0x290: {  	[hbm4b:s31+s2] =	stream.linear.scatter [tilespmem:s4], [sflag:$0xB], $0x4000, $0x38;
	[tilespmem:$0x18C00] =	vst v63  }
0x291: {  	_ =	swait.ge [sflag:s15], $0x4000  }
0x292: {  	[sflag:s15] =	ssyncset.done $0x0  }
0x293: {  	[sflag:s15] =	ssyncadd.s32 $0xFFFFC000  }
0x294: {  	[tilespmem:s4], [sflag:$0x5] =	stream.indirect.gather [hbm4b:s7+s13], $0x80, s25, s13, $0xb8;
	[tilespmem:$0x18C00] =	vst v63  }
0x295: {  	_ =	swait.ge [sflag:s22], $0x4000  }
0x296: {  	[sflag:s22] =	ssyncset.done $0x0  }
0x297: {  	s1 =	rddreg [dreg:$0x16];
	[sflag:s22] =	ssyncadd.s32 $0xFFFFC000  }
0x298: {  	[hbm4b:s1+s2] =	stream.linear.scatter [tilespmem:s3], [sflag:$0xC], $0x4000, $0x38;
	[tilespmem:$0x18C00] =	vst v63  }
0x299: {  	_ =	swait.ge [sflag:s16], $0x4000  }
0x29a: {  	[sflag:s16] =	ssyncset.done $0x0  }
0x29b: {  	s24 =	simm.s32 $0xB80;
	[sflag:s16] =	ssyncadd.s32 $0xFFFFC000  }
0x29c: {  	[tilespmem:s3], [sflag:$0x6] =	stream.indirect.gather [hbm4b:s7+s13], $0x80, s24, s13, $0xb8;
	[tilespmem:$0x18C00] =	vst v63  }
0x29d: {  	_ =	swait.ge [sflag:s17], $0x4000  }
0x29e: {  	[sflag:s17] =	ssyncset.done $0x0  }
0x29f: {  	s25 =	rddreg [dreg:$0x17];
	[sflag:s17] =	ssyncadd.s32 $0xFFFFC000  }
0x2a0: {  	[hbm4b:s25+s2] =	stream.linear.scatter [tilespmem:s12], [sflag:$0x7], $0x4000, $0x38;
	[tilespmem:$0x18C00] =	vst v63  }
0x2a1: {  	_ =	swait.ge [sflag:s18], $0x4000  }
0x2a2: {  	[sflag:s18] =	ssyncset.done $0x0  }
0x2a3: {  	s26 =	rddreg [dreg:$0x18];
	[sflag:s18] =	ssyncadd.s32 $0xFFFFC000  }
0x2a4: {  	[hbm4b:s26+s2] =	stream.linear.scatter [tilespmem:s10], [sflag:$0x8], $0x4000, $0x38;
	[tilespmem:$0x18C00] =	vst v63  }
0x2a5: {  	_ =	swait.ge [sflag:s19], $0x4000  }
0x2a6: {  	[sflag:s19] =	ssyncset.done $0x0  }
0x2a7: {  	s28 =	rddreg [dreg:$0x19];
	[sflag:s19] =	ssyncadd.s32 $0xFFFFC000  }
0x2a8: {  	[hbm4b:s28+s2] =	stream.linear.scatter [tilespmem:s8], [sflag:$0x9], $0x4000, $0x38;
	[tilespmem:$0x18C00] =	vst v63  }
0x2a9: {  	_ =	swait.ge [sflag:s20], $0x4000  }
0x2aa: {  	[sflag:s20] =	ssyncset.done $0x0  }
0x2ab: {  	s29 =	rddreg [dreg:$0x1a];
	[sflag:s20] =	ssyncadd.s32 $0xFFFFC000  }
0x2ac: {  	[hbm4b:s29+s2] =	stream.linear.scatter [tilespmem:s6], [sflag:$0xA], $0x4000, $0x38;
	[tilespmem:$0x18C00] =	vst v63  }
0x2ad: {  	_ =	swait.ge [sflag:s21], $0x4000  }
0x2ae: {  	[sflag:s21] =	ssyncset.done $0x0  }
0x2af: {  	s30 =	rddreg [dreg:$0x1b];
	[sflag:s21] =	ssyncadd.s32 $0xFFFFC000  }
0x2b0: {  	[hbm4b:s30+s2] =	stream.linear.scatter [tilespmem:s4], [sflag:$0xB], $0x4000, $0x38;
	[tilespmem:$0x18C00] =	vst v63  }
0x2b1: {  	_ =	swait.ge [sflag:s22], $0x4000  }
0x2b2: {  	[sflag:s22] =	ssyncset.done $0x0  }
0x2b3: {  	s31 =	rddreg [dreg:$0x1c];
	[sflag:s22] =	ssyncadd.s32 $0xFFFFC000  }
0x2b4: {  	[hbm4b:s31+s2] =	stream.linear.scatter [tilespmem:s3], [sflag:$0xC], $0x4000, $0x38;
	[tilespmem:$0x18C00] =	vst v63  }
0x2b5: {  	_ =	swait.ge [sflag:s5], $0x4000  }
0x2b6: {  	[sflag:s5] =	ssyncset.done $0x0  }
0x2b7: {  	[sflag:s5] =	ssyncadd.s32 $0xFFFFC000  }
0x2b8: {  	_ =	swait.ge [sflag:s9], $0x4000  }
0x2b9: {  	[sflag:s9] =	ssyncset.done $0x0  }
0x2ba: {  	[sflag:s9] =	ssyncadd.s32 $0xFFFFC000  }
0x2bb: {  	_ =	swait.ge [sflag:s11], $0x4000  }
0x2bc: {  	[sflag:s11] =	ssyncset.done $0x0  }
0x2bd: {  	[sflag:s11] =	ssyncadd.s32 $0xFFFFC000  }
0x2be: {  	_ =	swait.ge [sflag:s14], $0x4000  }
0x2bf: {  	[sflag:s14] =	ssyncset.done $0x0  }
0x2c0: {  	[sflag:s14] =	ssyncadd.s32 $0xFFFFC000  }
0x2c1: {  	_ =	swait.ge [sflag:s15], $0x4000  }
0x2c2: {  	[sflag:s15] =	ssyncset.done $0x0  }
0x2c3: {  	[sflag:s15] =	ssyncadd.s32 $0xFFFFC000  }
0x2c4: {  	_ =	swait.ge [sflag:s16], $0x4000  }
0x2c5: {  	[sflag:s16] =	ssyncset.done $0x0  }
0x2c6: {  	[sflag:s16] =	ssyncadd.s32 $0xFFFFC000  }
0x2c7: {  	_ =	sfence.sel $0x180000  }
0x2c8: {  	[bflag:$0x0] =	sbarrier.arrive $0xFFFF  }
0x2c9: {  	_ =	strace $0x9000004A  }
0x2ca: {  	[bflag:$0x2] =	sbarrier.arrive $0xFFFF  }
0x2cb: {  	p0 =	sne.s32 s23, $0x0;
	s0 =	rddreg [dreg:$0x4]  }
0x2cc: {  	s0 =	sadd.s32 @!p0 $0x100000, s0  }
0x2cd: {  	[sflag:s0] =	ssyncadd.tile.s32 @!p0 $0x1;
	_ =	shalt  }
.LBB2_1:
.Ltmp3:
0x2ce: {  	(pc) =	sbr.rel .LBB2_6-.Ltmp3, $2  }
0x2cf: {  	_ =	sdelay $0x2  }
0x2d0: {  	s24 =	simm.s32 $0xA00;
	s28 =	simm.s32 $0xA80;
	s25 =	simm.s32 $0xB00  }
.LBB2_3:
.Ltmp4:
0x2d1: {  	(pc) =	sbr.rel .LBB2_6-.Ltmp4, $3  }
0x2d2: {  	_ =	sdelay $0x1  }
0x2d3: {  	s24 =	simm.s32 $0xA00  }
0x2d4: {  	s28 =	simm.s32 $0xA80;
	s25 =	simm.s32 $0xB00;
	s23 =	stileid.u32  }
.Lfunc_end2:
_tile_overlayer_lowered:
.L_overlay_start_2:
0x2d5: {  	(tag) =	ssettag $0x2  }
0x2d6: {  	s0 =	rddreg [dreg:$0x0];
	s2 =	stileid.u32  }
0x2d7: {  	s1 =	rddreg [dreg:$0x1];
	p0 =	sne.s32 s2, $0x0  }
0x2d8: {  	s3 =	rddreg [dreg:$0x2];
	[bflag:$0x3] =	sbarrier.arrive $0xFFFF;
	s2 =	simm.s32 @!p0 $0x1C0D  }
0x2d9: {  	[timem:s3], [sflag:s2] =	dma.local @!p0 [hbm:s0], s1  }
0x2da: {  	s0 =	simm.s32 @!p0 $0xD  }
0x2db: {  	_ =	swait.ge @!p0 [sflag:s0], s1  }
0x2dc: {  	s1 =	ssub.s32 @!p0 $0x0, s1;
	[sflag:s0] =	ssyncset.done @!p0 $0x0  }
0x2dd: {  	[sflag:s0] =	ssyncadd.s32 @!p0 s1  }
0x2de: {  	[bflag:$0x3] =	sbarrier.arrive $0xFFFF  }
0x2df: {  	_ =	shalt  }

// kernel: _gather.7.cloned.1.call-start
scs
__scs_entry_jumppad:
0x0: {  	(pc) =	sbr.rel $0x88, $3  }
0x1: {  	(tag) =	ssettag $0x0;
	lr =	simm.s32 $0x1  }
0x2: {  	[smem:$0x3F9C] =	sst lr;
	_ =	strace $0xD0000000  }
0x3: {  	_ = 	snop  }
0x4: {  	_ = 	snop  }
0x5: {  	_ = 	snop  }
0x6: {  	_ = 	snop  }
0x7: {  	_ = 	snop  }
__scs_overlays_trampoline_lowered:
0x8: {  	[smem:$0x3FAB] =	sst s0  }
0x9: {  	[smem:$0x3FAC] =	sst s1  }
0xa: {  	[smem:$0x3FAD] =	sst s2  }
0xb: {  	[smem:$0x3FAE] =	sst s3  }
0xc: {  	[smem:$0x3FAF] =	sst s4  }
0xd: {  	[smem:$0x3FB0] =	sst s5  }
0xe: {  	[smem:$0x3FB1] =	sst s6  }
0xf: {  	[smem:$0x3FB2] =	sst s7  }
0x10: {  	[smem:$0x3FB3] =	sst s8  }
0x11: {  	[smem:$0x3FB4] =	sst s9;
	s0 =	simm.s32 @!p0 $0x0  }
0x12: {  	s1 =	sld [smem:$0x3F9A];
	s0 =	simm.s32 @p0 $0x1  }
0x13: {  	[smem:$0x3FB5] =	sst s0;
	s0 =	simm.s32 @!p1 $0x0  }
0x14: {  	s2 =	sld [smem:$0x3F99];
	s0 =	simm.s32 @p1 $0x1  }
0x15: {  	[smem:$0x3FB6] =	sst s0;
	s0 =	simm.s32 @!p2 $0x0  }
0x16: {  	s3 =	sld [smem:$0x3FDB];
	s0 =	simm.s32 @p2 $0x1  }
0x17: {  	s4 =	simm.s32 $0x1BF5;
	[smem:$0x3FB8] =	sst s0  }
0x18: {  	s0 =	sld [smem:$0x3F9B];
	_ =	swait.ge [sflag:s4], $0x0  }
0x19: {  	s7 =	sld [smem:$0x3F9C]  }
0x1a: {  	s8 =	sadd.s32 $0xFFFFE003, lr  }
0x1b: {  	s9 =	sadd.s32 $0xFFFFFEF7, lr;
	s5 =	simm.s32 $0xFFFFFFFF;
	p2 =	slt.u32 s8, $0xFFFFF086  }
0x1c: {  	p1 =	slt.u32 s9, $0xF7A;
	s5 =	simm.s32 @!p2 $0x0  }
0x1d: {  	s5 =	simm.s32 @p1 $0x1;
	p0 =	seq.s32 s7, s2  }
0x1e: {  	s7 =	smul.u32 @!p0 $0xF7A, s2;
	p2 =	seq.s32 @!p0 s5, $0x0  }
0x1f: {  	s9 =	smul.u32 $0xF7A, s1;
	s8 =	simm.s32 @!p0 $0x1BF5;
	p2 =	por !p2, p0  }
0x20: {  	[sflag:s8] =	ssyncset.s32 @!p0 $0xFFFFF086;
	s6 =	sadd.s32 @!p0 s3, s7;
	s7 =	simm.s32 @!p0 $0x108  }
0x21: {  	s3 =	sadd.s32 s3, s9;
	s6 =	sadd.s32 @!p0 $0x88, s6;
	s7 =	simm.s32 @p2 $0x1082  }
0x22: {  	[simem:s7], [sflag:s8] =	dma.local @!p0 [hbm:s6], $0xF7A  }
0x23: {  	s9 =	sor.u32 $0xD0000000, s2;
	s6 =	simm.s32 $0x108;
	_ =	swait.ge @!p0 [sflag:s8], $0x0  }
0x24: {  	s3 =	sadd.s32 $0x88, s3;
	s6 =	simm.s32 @!p1 $0x1082;
	[sflag:s4] =	ssyncset.s32 $0xFFFFF086  }
0x25: {  	[simem:s6], [sflag:s4] =	dma.local [hbm:s3], $0xF7A  }
0x26: {  	[smem:$0x3F9C] =	sst s1;
	(tag) =	ssettag s2;
	_ =	strace s9  }
0x27: {  	s1 =	sld [smem:$0x3FAC]  }
0x28: {  	s2 =	sld [smem:$0x3FAD]  }
0x29: {  	s4 =	sld [smem:$0x3FAF]  }
0x2a: {  	p0 =	seq.s32 s5, $0x0;
	s5 =	sld [smem:$0x3FB0]  }
0x2b: {  	s6 =	sld [smem:$0x3FB1]  }
0x2c: {  	s7 =	sld [smem:$0x3FB2]  }
0x2d: {  	s3 =	simm.s32 $0x108;
	s8 =	sld [smem:$0x3FB3]  }
0x2e: {  	s3 =	simm.s32 @!p0 $0x1082;
	s9 =	sld [smem:$0x3FB4]  }
0x2f: {  	lr =	sadd.s32 s0, s3;
	s0 =	sld [smem:$0x3FAB]  }
0x30: {  	s3 =	sld [smem:$0x3FAE]  }
0x31: {  	[smem:$0x3FB7] =	sst s10  }
0x32: {  	s10 =	sld [smem:$0x3FB5];
	_ =	sdelay $0x3  }
0x33: {  	p0 =	seq.s32 s10, $0x1;
	s10 =	sld [smem:$0x3FB7];
	_ =	sdelay $0x3  }
0x34: {  	[smem:$0x3FB7] =	sst s10  }
0x35: {  	s10 =	sld [smem:$0x3FB6];
	_ =	sdelay $0x3  }
0x36: {  	p1 =	seq.s32 s10, $0x1;
	s10 =	sld [smem:$0x3FB7];
	_ =	sdelay $0x3  }
0x37: {  	[smem:$0x3FB7] =	sst s10  }
0x38: {  	s10 =	sld [smem:$0x3FB8]  }
0x39: {  	_ = 	snop;
	(pc) =	sbr.ind lr, $3  }
0x3a: {  	_ = 	snop  }
0x3b: {  	_ = 	snop  }
0x3c: {  	p2 =	seq.s32 s10, $0x1;
	s10 =	sld [smem:$0x3FB7]  }
0x3d: {  	_ =	shalt  }
0x3e: {  	_ =	shalt  }
0x3f: {  	_ =	shalt  }
0x40: {  	_ =	shalt  }
0x41: {  	_ =	shalt  }
0x42: {  	_ =	shalt  }
0x43: {  	_ =	shalt  }
0x44: {  	_ =	shalt  }
0x45: {  	_ =	shalt  }
0x46: {  	_ =	shalt  }
0x47: {  	_ =	shalt  }
0x48: {  	_ =	shalt  }
0x49: {  	_ =	shalt  }
0x4a: {  	_ =	shalt  }
0x4b: {  	_ =	shalt  }
0x4c: {  	_ =	shalt  }
0x4d: {  	_ =	shalt  }
0x4e: {  	_ =	shalt  }
0x4f: {  	_ =	shalt  }
0x50: {  	_ =	shalt  }
0x51: {  	_ =	shalt  }
0x52: {  	_ =	shalt  }
0x53: {  	_ =	shalt  }
0x54: {  	_ =	shalt  }
0x55: {  	_ =	shalt  }
0x56: {  	_ =	shalt  }
0x57: {  	_ =	shalt  }
0x58: {  	_ =	shalt  }
0x59: {  	_ =	shalt  }
0x5a: {  	_ =	shalt  }
0x5b: {  	_ =	shalt  }
0x5c: {  	_ =	shalt  }
0x5d: {  	_ =	shalt  }
0x5e: {  	_ =	shalt  }
0x5f: {  	_ =	shalt  }
0x60: {  	_ =	shalt  }
0x61: {  	_ =	shalt  }
0x62: {  	_ =	shalt  }
0x63: {  	_ =	shalt  }
0x64: {  	_ =	shalt  }
0x65: {  	_ =	shalt  }
0x66: {  	_ =	shalt  }
0x67: {  	_ =	shalt  }
0x68: {  	_ =	shalt  }
0x69: {  	_ =	shalt  }
0x6a: {  	_ =	shalt  }
0x6b: {  	_ =	shalt  }
0x6c: {  	_ =	shalt  }
0x6d: {  	_ =	shalt  }
0x6e: {  	_ =	shalt  }
0x6f: {  	_ =	shalt  }
0x70: {  	_ =	shalt  }
0x71: {  	_ =	shalt  }
0x72: {  	_ =	shalt  }
0x73: {  	_ =	shalt  }
0x74: {  	_ =	shalt  }
0x75: {  	_ =	shalt  }
0x76: {  	_ =	shalt  }
0x77: {  	_ =	shalt  }
0x78: {  	_ =	shalt  }
0x79: {  	_ =	shalt  }
0x7a: {  	_ =	shalt  }
0x7b: {  	_ =	shalt  }
0x7c: {  	_ =	shalt  }
0x7d: {  	_ =	shalt  }
0x7e: {  	_ =	shalt  }
0x7f: {  	_ =	shalt  }
0x80: {  	_ =	shalt  }
0x81: {  	_ =	shalt  }
0x82: {  	_ =	shalt  }
0x83: {  	_ =	shalt  }
0x84: {  	_ =	shalt  }
0x85: {  	_ =	shalt  }
0x86: {  	_ =	shalt  }
0x87: {  	_ =	shalt  }
.Lfunc_end0:
.L_simem_size_0:
called_computation.1_lowered:
.L_overlay_start_0:
0x88: {  	s2 =	sld [smem:$0x3FD9]  }
0x89: {  	s3 =	sld [smem:$0x3FFE];
	_ =	sdelay $0x1  }
0x8a: {  	s1 =	srdreg.scid  }
0x8b: {  	s0 =	sand.u32 $0x1, s1  }
0x8c: {  	s17 =	sshll.u32 s0, $0xA;
	s2 =	sadd.s32 s3, s2  }
0x8d: {  	s2 =	sadd.s32 s2, s17  }
0x8e: {  	[smem:$0x3FC3] =	sst s2  }
0x8f: {  	_ = 	snop  }
0x90: {  	s2 =	sld [smem:$0x3FC7];
	(tm) =	ssettm $0x1  }
0x91: {  	s18 =	sld [smem:$0x3FFB];
	_ =	sdelay $0x3  }
0x92: {  	_ =	strace s18  }
0x93: {  	s3 =	sld [smem:$0x3FFC];
	_ =	sdelay $0x3  }
0x94: {  	_ =	strace s3  }
0x95: {  	s3 =	sld [smem:$0x3FFD];
	_ =	sdelay $0x3  }
0x96: {  	_ =	strace s3  }
0x97: {  	_ =	strace $0x8FFFFFFF  }
0x98: {  	s19 =	sld [smem:$0x3FDB];
	_ =	sdelay $0x1  }
0x99: {  	s4 =	simm.s32 $_scs_section_size  }
0x9a: {  	s5 =	simm.s32 $_size__tile_overlayer_lowered;
	s6 =	simm.s32 $_tile_overlayer_lowered  }
0x9b: {  	s22 =	simm.s32 $0x1BFF;
	s21 =	sshll.u32 s6, $0x1;
	s3 =	sadd.s32 s4, s19  }
0x9c: {  	s7 =	simm.s32 $0x0;
	s20 =	sshll.u32 s5, $0x1;
	s5 =	sadd.s32 s21, s3  }
0x9d: {  	[timem:s7], [sflag:s22] =	dma.local [hbm:s5], s20  }
0x9e: {  	_ =	swait.ge [sflag:s22], s20  }
0x9f: {  	s4 =	ssub.s32 $0x0, s20;
	[sflag:s22] =	ssyncset.done $0x0  }
0xa0: {  	[sflag:s22] =	ssyncadd.s32 s4;
	_ =	sdelay $0x1  }
0xa1: {  	s23 =	simm.s32 $0x1B8B  }
0xa2: {  	_ =	swait.ge [sflag:s23], $0x1  }
0xa3: {  	[sflag:s23] =	ssyncset.done $0x0  }
0xa4: {  	s25 =	simm.s32 $0x1B8E;
	s24 =	sld [smem:$0x3FFE];
	[sflag:s23] =	ssyncadd.s32 $0xFFFFFFFF  }
0xa5: {  	s26 =	simm.s32 $execute0_lowered;
	[smem:$0x3FD2] =	sst s25  }
0xa6: {  	s5 =	sshll.u32 s26, $0x1;
	_ =	strace $0x80000046;
	[dreg:$0x1] =	wrdreg $0xFFFFFFFF  }
0xa7: {  	s28 =	simm.s32 $_size_execute0_lowered;
	s3 =	sadd.s32 s3, s5;
	[dreg:$0x0] =	wrdreg $0x0  }
0xa8: {  	s5 =	sshll.u32 s28, $0x1;
	[dreg:$0x2] =	wrdreg s3  }
0xa9: {  	[dreg:$0x3] =	wrdreg s5  }
0xaa: {  	[dreg:$0x4] =	wrdreg $0xC0  }
0xab: {  	_ =	task [dreg:s7], $0x5FFFF  }
0xac: {  	[dreg:$0x1] =	wrdreg $0xFFFFFFFF  }
0xad: {  	[dreg:$0x0] =	wrdreg $0x60  }
0xae: {  	[dreg:$0x2] =	wrdreg s24  }
0xaf: {  	[dreg:$0x3] =	wrdreg s2  }
0xb0: {  	[dreg:$0x4] =	wrdreg $0xA  }
0xb1: {  	_ =	task.clear_ibuf [dreg:s7], $0x5FFFF;
	_ =	strace $0x90000046  }
0xb2: {  	s29 =	simm.s32 $0xA;
	_ =	strace $0x80000048  }
0xb3: {  	_ =	swait.ge [sflag:s29], $0x1  }
0xb4: {  	[sflag:s29] =	ssyncadd.s32 $0xFFFFFFFF  }
0xb5: {  	_ =	strace $0x90000048  }
0xb6: {  	_ =	sfence  }
0xb7: {  	s30 =	sld [smem:$0x0];
	_ =	sdelay $0x2  }
0xb8: {  	s31 =	sshll.u32 s1, $0xD;
	s1 =	sshrl.u32 s1, $0x2  }
0xb9: {  	s3 =	sand.u32 $0x4000, s31;
	s1 =	sadd.s32 s1, s30  }
0xba: {  	s0 =	sor.u32 s3, s0;
	s1 =	sshll.u32 s1, $0x11  }
0xbb: {  	s0 =	sor.u32 s1, s0  }
0xbc: {  	s0 =	sadd.s32 $0x8F2B, s0  }
0xbd: {  	[sflag:s0] =	ssyncadd.remote.s32 $0x1  }
0xbe: {  	_ =	sfence.sel $0xFFFF  }
0xbf: {  	[dreg:$0x0] =	wrdreg $0xFFFFFFFF;
	(pc) =	sbr.abs _section_cstart, $3  }
0xc0: {  	[dreg:$0x1] =	wrdreg $0xFFFFFFFF  }
0xc1: {  	_ =	task.clear_ibuf [dreg:s7], $0x2FFFF;
	_ =	strace $0x9FFFFFFF  }
0xc2: {  	(tm) =	ssettm $0x7FFFFFFF  }
0xc3: {  	_ =	shalt  }
tec
execute0_lowered:
.L_overlay_start_1:
0x0: {  	(tag) =	ssettag $0x1  }
0x1: {  	s14 =	rddreg [dreg:$0x0]  }
0x2: {  	s1 =	srdreg.scid;
	s0 =	stileid.u32  }
0x3: {  	s3 =	rddreg [dreg:$0x1];
	s23 =	sand.u32 $0x1, s1;
	s4 =	sshll.u32 s0, $0x1  }
0x4: {  	s2 =	simm.s32 $0x0;
	s1 =	rddreg [dreg:$0x2];
	s15 =	sor.u32 s23, s4  }
0x5: {  	[smem:$0x7FF] =	sst s2;
	s4 =	sshll.u32 s15, $0x6  }
0x6: {  	_ =	strace $0x80000047;
	s3 =	sadd.s32 s3, s4;
	s4 =	simm.s32 $0xD  }
0x7: {  	[tilespmem:s2], [sflag:$0xD] =	stream.linear.gather [hbm4b:s3+s2], $0x200, $0x38;
	[tilespmem:$0x18C00] =	vst v63  }
0x8: {  	_ =	swait.ge [sflag:s4], $0x200  }
0x9: {  	s6 =	simm.s32 $0x80;
	[sflag:s4] =	ssyncset.done $0x0  }
0xa: {  	s7 =	simm.s32 $0xC00;
	s5 =	sadd.s32 $0xF43000, s14;
	[sflag:s4] =	ssyncadd.s32 $0xFFFFFE00  }
0xb: {  	[tilespmem:s7], [sflag:$0x1] =	stream.indirect.gather [hbm4b:s5+s6], $0x80, s2, s6, $0xb8;
	[tilespmem:$0x18C00] =	vst v63  }
0xc: {  	s8 =	simm.s32 $0x4C00  }
0xd: {  	[tilespmem:s8], [sflag:$0x2] =	stream.indirect.gather [hbm4b:s5+s6], $0x80, s6, s6, $0xb8;
	[tilespmem:$0x18C00] =	vst v63  }
0xe: {  	s9 =	simm.s32 $0x100;
	s10 =	simm.s32 $0x8C00  }
0xf: {  	[tilespmem:s10], [sflag:$0x3] =	stream.indirect.gather [hbm4b:s5+s6], $0x80, s9, s6, $0xb8;
	[tilespmem:$0x18C00] =	vst v63  }
0x10: {  	s11 =	simm.s32 $0x180;
	s12 =	simm.s32 $0xCC00;
	s13 =	simm.s32 $0x1  }
0x11: {  	[tilespmem:s12], [sflag:$0x4] =	stream.indirect.gather [hbm4b:s5+s6], $0x80, s11, s6, $0xb8;
	[tilespmem:$0x18C00] =	vst v63  }
0x12: {  	s15 =	sshll.u32 s15, $0xD;
	_ =	swait.ge [sflag:s13], $0x4000  }
0x13: {  	s20 =	sadd.s32 s15, s14;
	[sflag:s13] =	ssyncset.done $0x0  }
0x14: {  	s15 =	simm.s32 $0x2;
	s14 =	sadd.s32 $0xC00, s20;
	[sflag:s13] =	ssyncadd.s32 $0xFFFFC000  }
0x15: {  	[hbm4b:s14+s2] =	stream.linear.scatter [tilespmem:s7], [sflag:$0x7], $0x4000, $0x38;
	[tilespmem:$0x18C00] =	vst v63  }
0x16: {  	_ =	swait.ge [sflag:s15], $0x4000  }
0x17: {  	[sflag:s15] =	ssyncset.done $0x0  }
0x18: {  	s17 =	simm.s32 $0x3;
	s16 =	sadd.s32 $0x1400, s20;
	[sflag:s15] =	ssyncadd.s32 $0xFFFFC000  }
0x19: {  	[hbm4b:s16+s2] =	stream.linear.scatter [tilespmem:s8], [sflag:$0x8], $0x4000, $0x38;
	[tilespmem:$0x18C00] =	vst v63  }
0x1a: {  	_ =	swait.ge [sflag:s17], $0x4000  }
0x1b: {  	[sflag:s17] =	ssyncset.done $0x0  }
0x1c: {  	s19 =	simm.s32 $0x4;
	s18 =	sadd.s32 $0x1C00, s20;
	[sflag:s17] =	ssyncadd.s32 $0xFFFFC000  }
0x1d: {  	[hbm4b:s18+s2] =	stream.linear.scatter [tilespmem:s10], [sflag:$0x9], $0x4000, $0x38;
	[tilespmem:$0x18C00] =	vst v63  }
0x1e: {  	_ =	swait.ge [sflag:s19], $0x4000  }
0x1f: {  	[sflag:s19] =	ssyncset.done $0x0  }
0x20: {  	s21 =	simm.s32 $0x7;
	s20 =	sadd.s32 $0x2400, s20;
	[sflag:s19] =	ssyncadd.s32 $0xFFFFC000  }
0x21: {  	[hbm4b:s20+s2] =	stream.linear.scatter [tilespmem:s12], [sflag:$0xA], $0x4000, $0x38;
	[tilespmem:$0x18C00] =	vst v63  }
0x22: {  	_ =	swait.ge [sflag:s21], $0x4000  }
0x23: {  	s24 =	ssub.s32 $0x2, s23;
	[sflag:s21] =	ssyncset.done $0x0  }
0x24: {  	s22 =	simm.s32 $0x8;
	s25 =	sshrl.u32 s24, $0x1;
	[sflag:s21] =	ssyncadd.s32 $0xFFFFC000  }
0x25: {  	s24 =	ssub.s32 s24, s25;
	_ =	swait.ge [sflag:s22], $0x4000  }
0x26: {  	s25 =	smax.u32 s24, $0x1;
	[sflag:s22] =	ssyncset.done $0x0  }
0x27: {  	s23 =	simm.s32 $0x9;
	p0 =	sne.s32 s25, $0x1;
	[sflag:s22] =	ssyncadd.s32 $0xFFFFC000  }
.Ltmp0:
0x28: {  	_ =	swait.ge [sflag:s23], $0x4000;
	(pc) =	sbr.rel @!p0 .LBB2_2-.Ltmp0, $4  }
0x29: {  	[sflag:s23] =	ssyncset.done $0x0  }
0x2a: {  	s24 =	simm.s32 $0xA;
	[sflag:s23] =	ssyncadd.s32 $0xFFFFC000  }
0x2b: {  	_ =	swait.ge [sflag:s24], $0x4000  }
0x2c: {  	s25 =	sadd.s32 $0xFFFFFFFF, s25;
	[sflag:s24] =	ssyncset.done $0x0  }
.LBB2_1:
0x2d: {  	p0 =	sne.s32 s25, $0x1;
	s25 =	sadd.s32 $0xFFFFFFFF, s25;
	[sflag:s24] =	ssyncadd.s32 $0xFFFFC000  }
0x2e: {  	[tilespmem:s2], [sflag:$0xD] =	stream.linear.gather [hbm4b:s3+s2], $0x200, $0x38;
	[tilespmem:$0x18C00] =	vst v63  }
0x2f: {  	_ =	swait.ge [sflag:s4], $0x200  }
0x30: {  	[sflag:s4] =	ssyncset.done $0x0  }
0x31: {  	[sflag:s4] =	ssyncadd.s32 $0xFFFFFE00  }
0x32: {  	[tilespmem:s7], [sflag:$0x1] =	stream.indirect.gather [hbm4b:s5+s6], $0x80, s2, s6, $0xb8;
	[tilespmem:$0x18C00] =	vst v63  }
0x33: {  	_ = 	snop  }
0x34: {  	[tilespmem:s8], [sflag:$0x2] =	stream.indirect.gather [hbm4b:s5+s6], $0x80, s6, s6, $0xb8;
	[tilespmem:$0x18C00] =	vst v63  }
0x35: {  	_ = 	snop  }
0x36: {  	[tilespmem:s10], [sflag:$0x3] =	stream.indirect.gather [hbm4b:s5+s6], $0x80, s9, s6, $0xb8;
	[tilespmem:$0x18C00] =	vst v63  }
0x37: {  	_ = 	snop  }
0x38: {  	[tilespmem:s12], [sflag:$0x4] =	stream.indirect.gather [hbm4b:s5+s6], $0x80, s11, s6, $0xb8;
	[tilespmem:$0x18C00] =	vst v63  }
0x39: {  	_ =	swait.ge [sflag:s13], $0x4000  }
0x3a: {  	[sflag:s13] =	ssyncset.done $0x0  }
0x3b: {  	[sflag:s13] =	ssyncadd.s32 $0xFFFFC000  }
0x3c: {  	[hbm4b:s14+s2] =	stream.linear.scatter [tilespmem:s7], [sflag:$0x7], $0x4000, $0x38;
	[tilespmem:$0x18C00] =	vst v63  }
0x3d: {  	_ =	swait.ge [sflag:s15], $0x4000  }
0x3e: {  	[sflag:s15] =	ssyncset.done $0x0  }
0x3f: {  	[sflag:s15] =	ssyncadd.s32 $0xFFFFC000  }
0x40: {  	[hbm4b:s16+s2] =	stream.linear.scatter [tilespmem:s8], [sflag:$0x8], $0x4000, $0x38;
	[tilespmem:$0x18C00] =	vst v63  }
0x41: {  	_ =	swait.ge [sflag:s17], $0x4000  }
0x42: {  	[sflag:s17] =	ssyncset.done $0x0  }
0x43: {  	[sflag:s17] =	ssyncadd.s32 $0xFFFFC000  }
0x44: {  	[hbm4b:s18+s2] =	stream.linear.scatter [tilespmem:s10], [sflag:$0x9], $0x4000, $0x38;
	[tilespmem:$0x18C00] =	vst v63  }
0x45: {  	_ =	swait.ge [sflag:s19], $0x4000  }
0x46: {  	[sflag:s19] =	ssyncset.done $0x0  }
0x47: {  	[sflag:s19] =	ssyncadd.s32 $0xFFFFC000  }
0x48: {  	[hbm4b:s20+s2] =	stream.linear.scatter [tilespmem:s12], [sflag:$0xA], $0x4000, $0x38;
	[tilespmem:$0x18C00] =	vst v63  }
0x49: {  	_ =	swait.ge [sflag:s21], $0x4000  }
0x4a: {  	[sflag:s21] =	ssyncset.done $0x0  }
0x4b: {  	[sflag:s21] =	ssyncadd.s32 $0xFFFFC000  }
0x4c: {  	_ =	swait.ge [sflag:s22], $0x4000  }
0x4d: {  	[sflag:s22] =	ssyncset.done $0x0  }
0x4e: {  	[sflag:s22] =	ssyncadd.s32 $0xFFFFC000  }
.Ltmp1:
0x4f: {  	_ =	swait.ge [sflag:s23], $0x4000;
	(pc) =	sbr.rel @p0 .LBB2_1-.Ltmp1, $4  }
0x50: {  	[sflag:s23] =	ssyncset.done $0x0  }
0x51: {  	[sflag:s23] =	ssyncadd.s32 $0xFFFFC000  }
0x52: {  	_ =	swait.ge [sflag:s24], $0x4000  }
0x53: {  	[sflag:s24] =	ssyncset.done $0x0  }
.LBB2_2:
0x54: {  	[sflag:s24] =	ssyncadd.s32 $0xFFFFC000  }
0x55: {  	_ =	sfence.sel $0x180000  }
0x56: {  	[bflag:$0x0] =	sbarrier.arrive $0xFFFF  }
0x57: {  	p0 =	sne.s32 s0, $0x0;
	_ =	strace $0x90000047  }
0x58: {  	s0 =	sadd.s32 @!p0 $0x100000, s1;
	[bflag:$0x2] =	sbarrier.arrive $0xFFFF  }
0x59: {  	[sflag:s0] =	ssyncadd.tile.s32 @!p0 $0x1;
	_ =	shalt  }
.Lfunc_end2:
_tile_overlayer_lowered:
.L_overlay_start_2:
0x5a: {  	(tag) =	ssettag $0x2  }
0x5b: {  	s0 =	rddreg [dreg:$0x0];
	s2 =	stileid.u32  }
0x5c: {  	s1 =	rddreg [dreg:$0x1];
	p0 =	sne.s32 s2, $0x0  }
0x5d: {  	s3 =	rddreg [dreg:$0x2];
	[bflag:$0x3] =	sbarrier.arrive $0xFFFF;
	s2 =	simm.s32 @!p0 $0x1C0D  }
0x5e: {  	[timem:s3], [sflag:s2] =	dma.local @!p0 [hbm:s0], s1  }
0x5f: {  	s0 =	simm.s32 @!p0 $0xD  }
0x60: {  	_ =	swait.ge @!p0 [sflag:s0], s1  }
0x61: {  	s1 =	ssub.s32 @!p0 $0x0, s1;
	[sflag:s0] =	ssyncset.done @!p0 $0x0  }
0x62: {  	[sflag:s0] =	ssyncadd.s32 @!p0 s1  }
0x63: {  	[bflag:$0x3] =	sbarrier.arrive $0xFFFF  }
0x64: {  	_ =	shalt  }

</sc_bundles>
